<compile_context>
chip_gen: v7x
topology: tpu7x:2x2x1
jax: 0.10.2.dev20260603
libtpu: 0.0.44.dev20260713+nightly
codegen_flags: <defaults>
</compile_context>

<pallas_src>
import functools

import jax
import jax.numpy as jnp
from jax import lax
from jax.experimental import pallas as pl
from jax.experimental.pallas import tpu as pltpu
from jax.experimental.pallas import tpu_sc as plsc

B = 1024
W = 10
S = 15
D = 128
V = 100000
WS = W * S
SP = 160
NC = 2
NS = 16
NW = NC * NS
BPW = B // NW
G = SP // 16
NBUF = 2


def _sc_body(ctx_hbm, idx_hbm, emb_hbm, out_hbm, idx_v, ctx_v, rows_v, dots_v,
             t_v, *sems):
    wid = lax.axis_index("s") * NC + lax.axis_index("c")
    pltpu.sync_copy(idx_hbm.at[pl.ds(wid * BPW * SP, BPW * SP)], idx_v)
    pltpu.sync_copy(ctx_hbm.at[pl.ds(wid * BPW * D, BPW * D)], ctx_v)

    def gathers(bj, u):
        cps = []
        for t in range(G):
            iv = idx_v[pl.ds(pl.multiple_of(bj * SP + t * 16, 16), 16)]
            cps.append(pltpu.make_async_copy(
                emb_hbm.at[iv], rows_v.at[u, pl.ds(t * 16, 16)], sems[u]))
        return cps

    for u in range(NBUF):
        for cp in gathers(u, u):
            cp.start()

    lane = lax.iota(jnp.int32, 16)

    def b_macro(mb, _):
        for u in range(NBUF):
            bj = mb * NBUF + u
            for cp in gathers(bj, u):
                cp.wait()
            cbase = pl.multiple_of(bj * D, 16)
            cvecs = [ctx_v[pl.ds(cbase + 16 * k, 16)] for k in range(D // 16)]

            def g_loop(g, _):
                for jj in range(16):
                    p = [cvecs[k] * rows_v[u, g * 16 + jj, pl.ds(16 * k, 16)]
                         for k in range(D // 16)]
                    while len(p) > 1:
                        p = [p[i] + p[i + 1] for i in range(0, len(p), 2)]
                    t_v[pl.ds(jj * 16, 16)] = p[0]
                base_col = lane * 16
                qs = [plsc.load_gather(t_v, [base_col + k]) for k in range(16)]
                while len(qs) > 1:
                    qs = [qs[i] + qs[i + 1] for i in range(0, len(qs), 2)]
                doff = pl.multiple_of(bj * SP + g * 16, 16)
                dots_v[pl.ds(doff, 16)] = qs[0]
                return 0

            lax.fori_loop(0, G, g_loop, 0)

            @pl.when(bj + NBUF < BPW)
            def _():
                for cp in gathers(bj + NBUF, u):
                    cp.start()
        return 0

    lax.fori_loop(0, BPW // NBUF, b_macro, 0)
    pltpu.sync_copy(dots_v, out_hbm.at[pl.ds(wid * BPW * SP, BPW * SP)])


def _tc_body(ctx_ref, tgt_ref, neg_ref, out_ref):
    ctx = ctx_ref[...]
    tgt = tgt_ref[...]
    pos = jnp.sum(tgt * ctx[:, None, :], axis=-1)
    lp = jnp.sum(jax.nn.log_sigmoid(pos), axis=-1)
    neg = neg_ref[...]
    mask = lax.broadcasted_iota(jnp.int32, (B, SP), 1) < WS
    ln_all = jnp.where(mask, jax.nn.log_sigmoid(-neg), 0.0)
    ln = jnp.sum(ln_all, axis=-1)
    out_ref[...] = (-jnp.mean(lp + ln)).reshape(1, 1)


def kernel(context, targets, rand_idxs, emb_table):
    idx = rand_idxs.astype(jnp.int32).reshape(B, WS)
    idx = jnp.pad(idx, ((0, 0), (0, SP - WS)))
    idxf = idx.reshape(B * SP)

    sc_fn = pl.kernel(
        _sc_body,
        out_type=jax.ShapeDtypeStruct((B * SP,), jnp.float32),
        mesh=plsc.VectorSubcoreMesh(core_axis_name="c", subcore_axis_name="s"),
        scratch_types=[
            pltpu.VMEM((BPW * SP,), jnp.int32),
            pltpu.VMEM((BPW * D,), jnp.float32),
            pltpu.VMEM((NBUF, SP, D), jnp.float32),
            pltpu.VMEM((BPW * SP,), jnp.float32),
            pltpu.VMEM((256,), jnp.float32),
        ] + [pltpu.SemaphoreType.DMA] * NBUF,
        compiler_params=pltpu.CompilerParams(needs_layout_passes=False),
    )
    neg = sc_fn(context.reshape(B * D), idxf, emb_table)
    neg = neg.reshape(B, SP)

    loss = pl.pallas_call(
        _tc_body,
        out_shape=jax.ShapeDtypeStruct((1, 1), jnp.float32),
    )(context, targets, neg)
    return loss[0, 0]

# --- scband reference (transcript-rebuilt; emitter-appended) ---
"""Pipeline reference for scband-sgnsloss-37314675867737 (READ-ONLY COPY).

The authoritative reference and input builder live on the scoring server;
editing this copy changes nothing except your own understanding.
"""

import jax, jax.numpy as jnp
import numpy as np

B = 1024
W = 10  # window_size * 2
S = 15  # num negative samples
D = 128
V = 100000

def setup_inputs(seed: int = 0) -> dict:
    key = jax.random.key(seed)
    k1, k2, k3, k4 = jax.random.split(key, 4)
    context = jax.random.normal(k1, (B, D), dtype=jnp.float32)
    targets = jax.random.normal(k2, (B, W, D), dtype=jnp.float32)
    # Stand-in for AliasMultinomial unigram draws: uniform random vocab ids
    rand_idxs = jax.random.randint(k3, (B, W, S), 0, V, dtype=jnp.int64)
    emb_table = jax.random.normal(k4, (V, D), dtype=jnp.float32) * 0.02
    return {"context": context, "targets": targets, "rand_idxs": rand_idxs, "emb_table": emb_table}

def reference(context, targets, rand_idxs, emb_table):
    # dots between context and each positive target in the window: [B, W]
    dots = (context[:, None, :] * targets).sum(-1)
    log_targets = jax.nn.log_sigmoid(dots).sum(-1)  # [B]
    # negative samples: embedding gather -> [B, W, S, D]
    samples = jnp.take(emb_table, rand_idxs, axis=0)
    # negated context dotted with samples: [B, W, S]
    sample_dots = ((-context)[:, None, None, :] * samples).sum(-1)
    log_samples = jax.nn.log_sigmoid(sample_dots).sum(-1).sum(-1)  # [B]
    return -(log_targets + log_samples).mean()

if __name__ == "__main__":
    import jax
    _d = setup_inputs()
    print(jax.jit(kernel)(*tuple(_d.values())))

</pallas_src>

<mosaic_0001>
#map = affine_map<(d0, d1) -> (0)>
#map1 = affine_map<(d0, d1) -> (0, 0)>
module attributes {stable_mosaic.version = 14 : i64} {
  func.func @_sc_body(%arg0: i32, %arg1: i32, %arg2: memref<131072xf32, #tpu.memory_space<hbm>>, %arg3: memref<163840xi32, #tpu.memory_space<hbm>>, %arg4: memref<100000x128xf32, #tpu.memory_space<hbm>>, %arg5: memref<163840xf32, #tpu.memory_space<hbm>>, %arg6: memref<5120xi32, #tpu.memory_space<vmem>>, %arg7: memref<4096xf32, #tpu.memory_space<vmem>>, %arg8: memref<2x160x128xf32, #tpu.memory_space<vmem>>, %arg9: memref<5120xf32, #tpu.memory_space<vmem>>, %arg10: memref<256xf32, #tpu.memory_space<vmem>>, %arg11: memref<!tpu.dma_semaphore, #tpu.memory_space<semaphore_mem>>, %arg12: memref<!tpu.dma_semaphore, #tpu.memory_space<semaphore_mem>>) attributes {dimension_semantics = [#tpu.dimension_semantics<core_parallel>, #tpu.dimension_semantics<subcore_parallel>], iteration_bounds = array<i64: 2, 16>, scalar_prefetch = 0 : i64, scratch_operands = 7 : i64, tpu.core_type = #tpu.core_type<sc_vector_subcore>, window_params = [{transform_indices = #map}, {transform_indices = #map}, {transform_indices = #map1}, {transform_indices = #map}]} {
    %mul3A = arith.constant 2 : i32
    %mul3A_0 = arith.muli %arg1, %mul3A : i32
    %add3A = arith.addi %mul3A_0, %arg0 : i32
    %mul3A_1 = arith.constant 32 : i32
    %mul3A_2 = arith.muli %add3A, %mul3A_1 : i32
    %mul3A_3 = arith.constant 160 : i32
    %mul3A_4 = arith.muli %mul3A_2, %mul3A_3 : i32
    "tpu.region"() ({
      %run_scoped3A = tpu.sem_alloc : memref<!tpu.dma_semaphore, #tpu.memory_space<semaphore_mem>>
      %dma_start3A_256 = tpu.memref_slice %arg3[%mul3A_4] : memref<163840xi32, #tpu.memory_space<hbm>> -> memref<5120xi32, #tpu.memory_space<hbm>>
      %dma_start3A_257 = tpu.memref_slice %arg3[%mul3A_4] : memref<163840xi32, #tpu.memory_space<hbm>> -> memref<5120xi32, #tpu.memory_space<hbm>>
      tpu.enqueue_dma source(%dma_start3A_257 : memref<5120xi32, #tpu.memory_space<hbm>>) target(%arg6 : memref<5120xi32, #tpu.memory_space<vmem>>) target_semaphore(%run_scoped3A : memref<!tpu.dma_semaphore, #tpu.memory_space<semaphore_mem>>)
      %dma_wait3A = tpu.memref_slice %arg3[%mul3A_4] : memref<163840xi32, #tpu.memory_space<hbm>> -> memref<5120xi32, #tpu.memory_space<hbm>>
      %dma_wait3A_258 = tpu.memref_slice %arg3[%mul3A_4] : memref<163840xi32, #tpu.memory_space<hbm>> -> memref<5120xi32, #tpu.memory_space<hbm>>
      tpu.wait_dma2 semaphore(%run_scoped3A : memref<!tpu.dma_semaphore, #tpu.memory_space<semaphore_mem>>) src(%dma_wait3A_258 : memref<5120xi32, #tpu.memory_space<hbm>>) dst(%arg6 : memref<5120xi32, #tpu.memory_space<vmem>>)
      tpu.yield
    }) : () -> ()
    %mul3A_5 = arith.constant 32 : i32
    %mul3A_6 = arith.muli %add3A, %mul3A_5 : i32
    %mul3A_7 = arith.constant 128 : i32
    %mul3A_8 = arith.muli %mul3A_6, %mul3A_7 : i32
    "tpu.region"() ({
      %run_scoped3A = tpu.sem_alloc : memref<!tpu.dma_semaphore, #tpu.memory_space<semaphore_mem>>
      %dma_start3A_256 = tpu.memref_slice %arg2[%mul3A_8] : memref<131072xf32, #tpu.memory_space<hbm>> -> memref<4096xf32, #tpu.memory_space<hbm>>
      %dma_start3A_257 = tpu.memref_slice %arg2[%mul3A_8] : memref<131072xf32, #tpu.memory_space<hbm>> -> memref<4096xf32, #tpu.memory_space<hbm>>
      tpu.enqueue_dma source(%dma_start3A_257 : memref<4096xf32, #tpu.memory_space<hbm>>) target(%arg7 : memref<4096xf32, #tpu.memory_space<vmem>>) target_semaphore(%run_scoped3A : memref<!tpu.dma_semaphore, #tpu.memory_space<semaphore_mem>>)
      %dma_wait3A = tpu.memref_slice %arg2[%mul3A_8] : memref<131072xf32, #tpu.memory_space<hbm>> -> memref<4096xf32, #tpu.memory_space<hbm>>
      %dma_wait3A_258 = tpu.memref_slice %arg2[%mul3A_8] : memref<131072xf32, #tpu.memory_space<hbm>> -> memref<4096xf32, #tpu.memory_space<hbm>>
      tpu.wait_dma2 semaphore(%run_scoped3A : memref<!tpu.dma_semaphore, #tpu.memory_space<semaphore_mem>>) src(%dma_wait3A_258 : memref<4096xf32, #tpu.memory_space<hbm>>) dst(%arg7 : memref<4096xf32, #tpu.memory_space<vmem>>)
      tpu.yield
    }) : () -> ()
    %multiple_of3A = arith.constant 0 : i32
    %multiple_of3A_9 = tpu.assume_multiple %multiple_of3A, 16 : i32
    %get3A = arith.index_cast %multiple_of3A_9 : i32 to index
    %get3A_10 = tpu.vector_load %arg6[%get3A] {strides = array<i32>} : memref<5120xi32, #tpu.memory_space<vmem>>, vector<16xi32>,
    %multiple_of3A_11 = arith.constant 16 : i32
    %multiple_of3A_12 = tpu.assume_multiple %multiple_of3A_11, 16 : i32
    %get3A_13 = arith.index_cast %multiple_of3A_12 : i32 to index
    %get3A_14 = tpu.vector_load %arg6[%get3A_13] {strides = array<i32>} : memref<5120xi32, #tpu.memory_space<vmem>>, vector<16xi32>,
    %multiple_of3A_15 = arith.constant 32 : i32
    %multiple_of3A_16 = tpu.assume_multiple %multiple_of3A_15, 16 : i32
    %get3A_17 = arith.index_cast %multiple_of3A_16 : i32 to index
    %get3A_18 = tpu.vector_load %arg6[%get3A_17] {strides = array<i32>} : memref<5120xi32, #tpu.memory_space<vmem>>, vector<16xi32>,
    %multiple_of3A_19 = arith.constant 48 : i32
    %multiple_of3A_20 = tpu.assume_multiple %multiple_of3A_19, 16 : i32
    %get3A_21 = arith.index_cast %multiple_of3A_20 : i32 to index
    %get3A_22 = tpu.vector_load %arg6[%get3A_21] {strides = array<i32>} : memref<5120xi32, #tpu.memory_space<vmem>>, vector<16xi32>,
    %multiple_of3A_23 = arith.constant 64 : i32
    %multiple_of3A_24 = tpu.assume_multiple %multiple_of3A_23, 16 : i32
    %get3A_25 = arith.index_cast %multiple_of3A_24 : i32 to index
    %get3A_26 = tpu.vector_load %arg6[%get3A_25] {strides = array<i32>} : memref<5120xi32, #tpu.memory_space<vmem>>, vector<16xi32>,
    %multiple_of3A_27 = arith.constant 80 : i32
    %multiple_of3A_28 = tpu.assume_multiple %multiple_of3A_27, 16 : i32
    %get3A_29 = arith.index_cast %multiple_of3A_28 : i32 to index
    %get3A_30 = tpu.vector_load %arg6[%get3A_29] {strides = array<i32>} : memref<5120xi32, #tpu.memory_space<vmem>>, vector<16xi32>,
    %multiple_of3A_31 = arith.constant 96 : i32
    %multiple_of3A_32 = tpu.assume_multiple %multiple_of3A_31, 16 : i32
    %get3A_33 = arith.index_cast %multiple_of3A_32 : i32 to index
    %get3A_34 = tpu.vector_load %arg6[%get3A_33] {strides = array<i32>} : memref<5120xi32, #tpu.memory_space<vmem>>, vector<16xi32>,
    %multiple_of3A_35 = arith.constant 112 : i32
    %multiple_of3A_36 = tpu.assume_multiple %multiple_of3A_35, 16 : i32
    %get3A_37 = arith.index_cast %multiple_of3A_36 : i32 to index
    %get3A_38 = tpu.vector_load %arg6[%get3A_37] {strides = array<i32>} : memref<5120xi32, #tpu.memory_space<vmem>>, vector<16xi32>,
    %multiple_of3A_39 = arith.constant 128 : i32
    %multiple_of3A_40 = tpu.assume_multiple %multiple_of3A_39, 16 : i32
    %get3A_41 = arith.index_cast %multiple_of3A_40 : i32 to index
    %get3A_42 = tpu.vector_load %arg6[%get3A_41] {strides = array<i32>} : memref<5120xi32, #tpu.memory_space<vmem>>, vector<16xi32>,
    %multiple_of3A_43 = arith.constant 144 : i32
    %multiple_of3A_44 = tpu.assume_multiple %multiple_of3A_43, 16 : i32
    %get3A_45 = arith.index_cast %multiple_of3A_44 : i32 to index
    %get3A_46 = tpu.vector_load %arg6[%get3A_45] {strides = array<i32>} : memref<5120xi32, #tpu.memory_space<vmem>>, vector<16xi32>,
    %dma_start3A = arith.constant 0 : i32
    %dma_start3A_47 = arith.constant 0 : i32
    %dma_start3A_48 = arith.constant 0 : i32
    %dma_start3A_49 = tpu.memref_slice %arg8[%dma_start3A, %dma_start3A_47, %dma_start3A_48] : memref<2x160x128xf32, #tpu.memory_space<vmem>> -> memref<1x16x128xf32, #tpu.memory_space<vmem>>
    %dma_start3A_50 = tpu.memref_squeeze %dma_start3A_49 : memref<1x16x128xf32, #tpu.memory_space<vmem>> -> memref<16x128xf32, #tpu.memory_space<vmem>>
    %dma_start3A_51 = arith.constant 0 : i32
    %dma_start3A_52 = arith.constant 0 : i32
    %dma_start3A_53 = tpu.memref_slice %arg4[%dma_start3A_51, %dma_start3A_52] : memref<100000x128xf32, #tpu.memory_space<hbm>> -> memref<100000x128xf32, #tpu.memory_space<hbm>>
    tpu.enqueue_indirect_dma source(%dma_start3A_53 : memref<100000x128xf32, #tpu.memory_space<hbm>>) target(%dma_start3A_50 : memref<16x128xf32, #tpu.memory_space<vmem>>) offsets(%get3A_10 : vector<16xi32>) semaphore(%arg11 : memref<!tpu.dma_semaphore, #tpu.memory_space<semaphore_mem>>)
    %dma_start3A_54 = arith.constant 0 : i32
    %dma_start3A_55 = arith.constant 16 : i32
    %dma_start3A_56 = arith.constant 0 : i32
    %dma_start3A_57 = tpu.memref_slice %arg8[%dma_start3A_54, %dma_start3A_55, %dma_start3A_56] : memref<2x160x128xf32, #tpu.memory_space<vmem>> -> memref<1x16x128xf32, #tpu.memory_space<vmem>>
    %dma_start3A_58 = tpu.memref_squeeze %dma_start3A_57 : memref<1x16x128xf32, #tpu.memory_space<vmem>> -> memref<16x128xf32, #tpu.memory_space<vmem>>
    %dma_start3A_59 = arith.constant 0 : i32
    %dma_start3A_60 = arith.constant 0 : i32
    %dma_start3A_61 = tpu.memref_slice %arg4[%dma_start3A_59, %dma_start3A_60] : memref<100000x128xf32, #tpu.memory_space<hbm>> -> memref<100000x128xf32, #tpu.memory_space<hbm>>
    tpu.enqueue_indirect_dma source(%dma_start3A_61 : memref<100000x128xf32, #tpu.memory_space<hbm>>) target(%dma_start3A_58 : memref<16x128xf32, #tpu.memory_space<vmem>>) offsets(%get3A_14 : vector<16xi32>) semaphore(%arg11 : memref<!tpu.dma_semaphore, #tpu.memory_space<semaphore_mem>>)
    %dma_start3A_62 = arith.constant 0 : i32
    %dma_start3A_63 = arith.constant 32 : i32
    %dma_start3A_64 = arith.constant 0 : i32
    %dma_start3A_65 = tpu.memref_slice %arg8[%dma_start3A_62, %dma_start3A_63, %dma_start3A_64] : memref<2x160x128xf32, #tpu.memory_space<vmem>> -> memref<1x16x128xf32, #tpu.memory_space<vmem>>
    %dma_start3A_66 = tpu.memref_squeeze %dma_start3A_65 : memref<1x16x128xf32, #tpu.memory_space<vmem>> -> memref<16x128xf32, #tpu.memory_space<vmem>>
    %dma_start3A_67 = arith.constant 0 : i32
    %dma_start3A_68 = arith.constant 0 : i32
    %dma_start3A_69 = tpu.memref_slice %arg4[%dma_start3A_67, %dma_start3A_68] : memref<100000x128xf32, #tpu.memory_space<hbm>> -> memref<100000x128xf32, #tpu.memory_space<hbm>>
    tpu.enqueue_indirect_dma source(%dma_start3A_69 : memref<100000x128xf32, #tpu.memory_space<hbm>>) target(%dma_start3A_66 : memref<16x128xf32, #tpu.memory_space<vmem>>) offsets(%get3A_18 : vector<16xi32>) semaphore(%arg11 : memref<!tpu.dma_semaphore, #tpu.memory_space<semaphore_mem>>)
    %dma_start3A_70 = arith.constant 0 : i32
    %dma_start3A_71 = arith.constant 48 : i32
    %dma_start3A_72 = arith.constant 0 : i32
    %dma_start3A_73 = tpu.memref_slice %arg8[%dma_start3A_70, %dma_start3A_71, %dma_start3A_72] : memref<2x160x128xf32, #tpu.memory_space<vmem>> -> memref<1x16x128xf32, #tpu.memory_space<vmem>>
    %dma_start3A_74 = tpu.memref_squeeze %dma_start3A_73 : memref<1x16x128xf32, #tpu.memory_space<vmem>> -> memref<16x128xf32, #tpu.memory_space<vmem>>
    %dma_start3A_75 = arith.constant 0 : i32
    %dma_start3A_76 = arith.constant 0 : i32
    %dma_start3A_77 = tpu.memref_slice %arg4[%dma_start3A_75, %dma_start3A_76] : memref<100000x128xf32, #tpu.memory_space<hbm>> -> memref<100000x128xf32, #tpu.memory_space<hbm>>
    tpu.enqueue_indirect_dma source(%dma_start3A_77 : memref<100000x128xf32, #tpu.memory_space<hbm>>) target(%dma_start3A_74 : memref<16x128xf32, #tpu.memory_space<vmem>>) offsets(%get3A_22 : vector<16xi32>) semaphore(%arg11 : memref<!tpu.dma_semaphore, #tpu.memory_space<semaphore_mem>>)
    %dma_start3A_78 = arith.constant 0 : i32
    %dma_start3A_79 = arith.constant 64 : i32
    %dma_start3A_80 = arith.constant 0 : i32
    %dma_start3A_81 = tpu.memref_slice %arg8[%dma_start3A_78, %dma_start3A_79, %dma_start3A_80] : memref<2x160x128xf32, #tpu.memory_space<vmem>> -> memref<1x16x128xf32, #tpu.memory_space<vmem>>
    %dma_start3A_82 = tpu.memref_squeeze %dma_start3A_81 : memref<1x16x128xf32, #tpu.memory_space<vmem>> -> memref<16x128xf32, #tpu.memory_space<vmem>>
    %dma_start3A_83 = arith.constant 0 : i32
    %dma_start3A_84 = arith.constant 0 : i32
    %dma_start3A_85 = tpu.memref_slice %arg4[%dma_start3A_83, %dma_start3A_84] : memref<100000x128xf32, #tpu.memory_space<hbm>> -> memref<100000x128xf32, #tpu.memory_space<hbm>>
    tpu.enqueue_indirect_dma source(%dma_start3A_85 : memref<100000x128xf32, #tpu.memory_space<hbm>>) target(%dma_start3A_82 : memref<16x128xf32, #tpu.memory_space<vmem>>) offsets(%get3A_26 : vector<16xi32>) semaphore(%arg11 : memref<!tpu.dma_semaphore, #tpu.memory_space<semaphore_mem>>)
    %dma_start3A_86 = arith.constant 0 : i32
    %dma_start3A_87 = arith.constant 80 : i32
    %dma_start3A_88 = arith.constant 0 : i32
    %dma_start3A_89 = tpu.memref_slice %arg8[%dma_start3A_86, %dma_start3A_87, %dma_start3A_88] : memref<2x160x128xf32, #tpu.memory_space<vmem>> -> memref<1x16x128xf32, #tpu.memory_space<vmem>>
    %dma_start3A_90 = tpu.memref_squeeze %dma_start3A_89 : memref<1x16x128xf32, #tpu.memory_space<vmem>> -> memref<16x128xf32, #tpu.memory_space<vmem>>
    %dma_start3A_91 = arith.constant 0 : i32
    %dma_start3A_92 = arith.constant 0 : i32
    %dma_start3A_93 = tpu.memref_slice %arg4[%dma_start3A_91, %dma_start3A_92] : memref<100000x128xf32, #tpu.memory_space<hbm>> -> memref<100000x128xf32, #tpu.memory_space<hbm>>
    tpu.enqueue_indirect_dma source(%dma_start3A_93 : memref<100000x128xf32, #tpu.memory_space<hbm>>) target(%dma_start3A_90 : memref<16x128xf32, #tpu.memory_space<vmem>>) offsets(%get3A_30 : vector<16xi32>) semaphore(%arg11 : memref<!tpu.dma_semaphore, #tpu.memory_space<semaphore_mem>>)
    %dma_start3A_94 = arith.constant 0 : i32
    %dma_start3A_95 = arith.constant 96 : i32
    %dma_start3A_96 = arith.constant 0 : i32
    %dma_start3A_97 = tpu.memref_slice %arg8[%dma_start3A_94, %dma_start3A_95, %dma_start3A_96] : memref<2x160x128xf32, #tpu.memory_space<vmem>> -> memref<1x16x128xf32, #tpu.memory_space<vmem>>
    %dma_start3A_98 = tpu.memref_squeeze %dma_start3A_97 : memref<1x16x128xf32, #tpu.memory_space<vmem>> -> memref<16x128xf32, #tpu.memory_space<vmem>>
    %dma_start3A_99 = arith.constant 0 : i32
    %dma_start3A_100 = arith.constant 0 : i32
    %dma_start3A_101 = tpu.memref_slice %arg4[%dma_start3A_99, %dma_start3A_100] : memref<100000x128xf32, #tpu.memory_space<hbm>> -> memref<100000x128xf32, #tpu.memory_space<hbm>>
    tpu.enqueue_indirect_dma source(%dma_start3A_101 : memref<100000x128xf32, #tpu.memory_space<hbm>>) target(%dma_start3A_98 : memref<16x128xf32, #tpu.memory_space<vmem>>) offsets(%get3A_34 : vector<16xi32>) semaphore(%arg11 : memref<!tpu.dma_semaphore, #tpu.memory_space<semaphore_mem>>)
    %dma_start3A_102 = arith.constant 0 : i32
    %dma_start3A_103 = arith.constant 112 : i32
    %dma_start3A_104 = arith.constant 0 : i32
    %dma_start3A_105 = tpu.memref_slice %arg8[%dma_start3A_102, %dma_start3A_103, %dma_start3A_104] : memref<2x160x128xf32, #tpu.memory_space<vmem>> -> memref<1x16x128xf32, #tpu.memory_space<vmem>>
    %dma_start3A_106 = tpu.memref_squeeze %dma_start3A_105 : memref<1x16x128xf32, #tpu.memory_space<vmem>> -> memref<16x128xf32, #tpu.memory_space<vmem>>
    %dma_start3A_107 = arith.constant 0 : i32
    %dma_start3A_108 = arith.constant 0 : i32
    %dma_start3A_109 = tpu.memref_slice %arg4[%dma_start3A_107, %dma_start3A_108] : memref<100000x128xf32, #tpu.memory_space<hbm>> -> memref<100000x128xf32, #tpu.memory_space<hbm>>
    tpu.enqueue_indirect_dma source(%dma_start3A_109 : memref<100000x128xf32, #tpu.memory_space<hbm>>) target(%dma_start3A_106 : memref<16x128xf32, #tpu.memory_space<vmem>>) offsets(%get3A_38 : vector<16xi32>) semaphore(%arg11 : memref<!tpu.dma_semaphore, #tpu.memory_space<semaphore_mem>>)
    %dma_start3A_110 = arith.constant 0 : i32
    %dma_start3A_111 = arith.constant 128 : i32
    %dma_start3A_112 = arith.constant 0 : i32
    %dma_start3A_113 = tpu.memref_slice %arg8[%dma_start3A_110, %dma_start3A_111, %dma_start3A_112] : memref<2x160x128xf32, #tpu.memory_space<vmem>> -> memref<1x16x128xf32, #tpu.memory_space<vmem>>
    %dma_start3A_114 = tpu.memref_squeeze %dma_start3A_113 : memref<1x16x128xf32, #tpu.memory_space<vmem>> -> memref<16x128xf32, #tpu.memory_space<vmem>>
    %dma_start3A_115 = arith.constant 0 : i32
    %dma_start3A_116 = arith.constant 0 : i32
    %dma_start3A_117 = tpu.memref_slice %arg4[%dma_start3A_115, %dma_start3A_116] : memref<100000x128xf32, #tpu.memory_space<hbm>> -> memref<100000x128xf32, #tpu.memory_space<hbm>>
    tpu.enqueue_indirect_dma source(%dma_start3A_117 : memref<100000x128xf32, #tpu.memory_space<hbm>>) target(%dma_start3A_114 : memref<16x128xf32, #tpu.memory_space<vmem>>) offsets(%get3A_42 : vector<16xi32>) semaphore(%arg11 : memref<!tpu.dma_semaphore, #tpu.memory_space<semaphore_mem>>)
    %dma_start3A_118 = arith.constant 0 : i32
    %dma_start3A_119 = arith.constant 144 : i32
    %dma_start3A_120 = arith.constant 0 : i32
    %dma_start3A_121 = tpu.memref_slice %arg8[%dma_start3A_118, %dma_start3A_119, %dma_start3A_120] : memref<2x160x128xf32, #tpu.memory_space<vmem>> -> memref<1x16x128xf32, #tpu.memory_space<vmem>>
    %dma_start3A_122 = tpu.memref_squeeze %dma_start3A_121 : memref<1x16x128xf32, #tpu.memory_space<vmem>> -> memref<16x128xf32, #tpu.memory_space<vmem>>
    %dma_start3A_123 = arith.constant 0 : i32
    %dma_start3A_124 = arith.constant 0 : i32
    %dma_start3A_125 = tpu.memref_slice %arg4[%dma_start3A_123, %dma_start3A_124] : memref<100000x128xf32, #tpu.memory_space<hbm>> -> memref<100000x128xf32, #tpu.memory_space<hbm>>
    tpu.enqueue_indirect_dma source(%dma_start3A_125 : memref<100000x128xf32, #tpu.memory_space<hbm>>) target(%dma_start3A_122 : memref<16x128xf32, #tpu.memory_space<vmem>>) offsets(%get3A_46 : vector<16xi32>) semaphore(%arg11 : memref<!tpu.dma_semaphore, #tpu.memory_space<semaphore_mem>>)
    %multiple_of3A_126 = arith.constant 160 : i32
    %multiple_of3A_127 = tpu.assume_multiple %multiple_of3A_126, 16 : i32
    %get3A_128 = arith.index_cast %multiple_of3A_127 : i32 to index
    %get3A_129 = tpu.vector_load %arg6[%get3A_128] {strides = array<i32>} : memref<5120xi32, #tpu.memory_space<vmem>>, vector<16xi32>,
    %multiple_of3A_130 = arith.constant 176 : i32
    %multiple_of3A_131 = tpu.assume_multiple %multiple_of3A_130, 16 : i32
    %get3A_132 = arith.index_cast %multiple_of3A_131 : i32 to index
    %get3A_133 = tpu.vector_load %arg6[%get3A_132] {strides = array<i32>} : memref<5120xi32, #tpu.memory_space<vmem>>, vector<16xi32>,
    %multiple_of3A_134 = arith.constant 192 : i32
    %multiple_of3A_135 = tpu.assume_multiple %multiple_of3A_134, 16 : i32
    %get3A_136 = arith.index_cast %multiple_of3A_135 : i32 to index
    %get3A_137 = tpu.vector_load %arg6[%get3A_136] {strides = array<i32>} : memref<5120xi32, #tpu.memory_space<vmem>>, vector<16xi32>,
    %multiple_of3A_138 = arith.constant 208 : i32
    %multiple_of3A_139 = tpu.assume_multiple %multiple_of3A_138, 16 : i32
    %get3A_140 = arith.index_cast %multiple_of3A_139 : i32 to index
    %get3A_141 = tpu.vector_load %arg6[%get3A_140] {strides = array<i32>} : memref<5120xi32, #tpu.memory_space<vmem>>, vector<16xi32>,
    %multiple_of3A_142 = arith.constant 224 : i32
    %multiple_of3A_143 = tpu.assume_multiple %multiple_of3A_142, 16 : i32
    %get3A_144 = arith.index_cast %multiple_of3A_143 : i32 to index
    %get3A_145 = tpu.vector_load %arg6[%get3A_144] {strides = array<i32>} : memref<5120xi32, #tpu.memory_space<vmem>>, vector<16xi32>,
    %multiple_of3A_146 = arith.constant 240 : i32
    %multiple_of3A_147 = tpu.assume_multiple %multiple_of3A_146, 16 : i32
    %get3A_148 = arith.index_cast %multiple_of3A_147 : i32 to index
    %get3A_149 = tpu.vector_load %arg6[%get3A_148] {strides = array<i32>} : memref<5120xi32, #tpu.memory_space<vmem>>, vector<16xi32>,
    %multiple_of3A_150 = arith.constant 256 : i32
    %multiple_of3A_151 = tpu.assume_multiple %multiple_of3A_150, 16 : i32
    %get3A_152 = arith.index_cast %multiple_of3A_151 : i32 to index
    %get3A_153 = tpu.vector_load %arg6[%get3A_152] {strides = array<i32>} : memref<5120xi32, #tpu.memory_space<vmem>>, vector<16xi32>,
    %multiple_of3A_154 = arith.constant 272 : i32
    %multiple_of3A_155 = tpu.assume_multiple %multiple_of3A_154, 16 : i32
    %get3A_156 = arith.index_cast %multiple_of3A_155 : i32 to index
    %get3A_157 = tpu.vector_load %arg6[%get3A_156] {strides = array<i32>} : memref<5120xi32, #tpu.memory_space<vmem>>, vector<16xi32>,
    %multiple_of3A_158 = arith.constant 288 : i32
    %multiple_of3A_159 = tpu.assume_multiple %multiple_of3A_158, 16 : i32
    %get3A_160 = arith.index_cast %multiple_of3A_159 : i32 to index
    %get3A_161 = tpu.vector_load %arg6[%get3A_160] {strides = array<i32>} : memref<5120xi32, #tpu.memory_space<vmem>>, vector<16xi32>,
    %multiple_of3A_162 = arith.constant 304 : i32
    %multiple_of3A_163 = tpu.assume_multiple %multiple_of3A_162, 16 : i32
    %get3A_164 = arith.index_cast %multiple_of3A_163 : i32 to index
    %get3A_165 = tpu.vector_load %arg6[%get3A_164] {strides = array<i32>} : memref<5120xi32, #tpu.memory_space<vmem>>, vector<16xi32>,
    %dma_start3A_166 = arith.constant 1 : i32
    %dma_start3A_167 = arith.constant 0 : i32
    %dma_start3A_168 = arith.constant 0 : i32
    %dma_start3A_169 = tpu.memref_slice %arg8[%dma_start3A_166, %dma_start3A_167, %dma_start3A_168] : memref<2x160x128xf32, #tpu.memory_space<vmem>> -> memref<1x16x128xf32, #tpu.memory_space<vmem>>
    %dma_start3A_170 = tpu.memref_squeeze %dma_start3A_169 : memref<1x16x128xf32, #tpu.memory_space<vmem>> -> memref<16x128xf32, #tpu.memory_space<vmem>>
    %dma_start3A_171 = arith.constant 0 : i32
    %dma_start3A_172 = arith.constant 0 : i32
    %dma_start3A_173 = tpu.memref_slice %arg4[%dma_start3A_171, %dma_start3A_172] : memref<100000x128xf32, #tpu.memory_space<hbm>> -> memref<100000x128xf32, #tpu.memory_space<hbm>>
    tpu.enqueue_indirect_dma source(%dma_start3A_173 : memref<100000x128xf32, #tpu.memory_space<hbm>>) target(%dma_start3A_170 : memref<16x128xf32, #tpu.memory_space<vmem>>) offsets(%get3A_129 : vector<16xi32>) semaphore(%arg12 : memref<!tpu.dma_semaphore, #tpu.memory_space<semaphore_mem>>)
    %dma_start3A_174 = arith.constant 1 : i32
    %dma_start3A_175 = arith.constant 16 : i32
    %dma_start3A_176 = arith.constant 0 : i32
    %dma_start3A_177 = tpu.memref_slice %arg8[%dma_start3A_174, %dma_start3A_175, %dma_start3A_176] : memref<2x160x128xf32, #tpu.memory_space<vmem>> -> memref<1x16x128xf32, #tpu.memory_space<vmem>>
    %dma_start3A_178 = tpu.memref_squeeze %dma_start3A_177 : memref<1x16x128xf32, #tpu.memory_space<vmem>> -> memref<16x128xf32, #tpu.memory_space<vmem>>
    %dma_start3A_179 = arith.constant 0 : i32
    %dma_start3A_180 = arith.constant 0 : i32
    %dma_start3A_181 = tpu.memref_slice %arg4[%dma_start3A_179, %dma_start3A_180] : memref<100000x128xf32, #tpu.memory_space<hbm>> -> memref<100000x128xf32, #tpu.memory_space<hbm>>
    tpu.enqueue_indirect_dma source(%dma_start3A_181 : memref<100000x128xf32, #tpu.memory_space<hbm>>) target(%dma_start3A_178 : memref<16x128xf32, #tpu.memory_space<vmem>>) offsets(%get3A_133 : vector<16xi32>) semaphore(%arg12 : memref<!tpu.dma_semaphore, #tpu.memory_space<semaphore_mem>>)
    %dma_start3A_182 = arith.constant 1 : i32
    %dma_start3A_183 = arith.constant 32 : i32
    %dma_start3A_184 = arith.constant 0 : i32
    %dma_start3A_185 = tpu.memref_slice %arg8[%dma_start3A_182, %dma_start3A_183, %dma_start3A_184] : memref<2x160x128xf32, #tpu.memory_space<vmem>> -> memref<1x16x128xf32, #tpu.memory_space<vmem>>
    %dma_start3A_186 = tpu.memref_squeeze %dma_start3A_185 : memref<1x16x128xf32, #tpu.memory_space<vmem>> -> memref<16x128xf32, #tpu.memory_space<vmem>>
    %dma_start3A_187 = arith.constant 0 : i32
    %dma_start3A_188 = arith.constant 0 : i32
    %dma_start3A_189 = tpu.memref_slice %arg4[%dma_start3A_187, %dma_start3A_188] : memref<100000x128xf32, #tpu.memory_space<hbm>> -> memref<100000x128xf32, #tpu.memory_space<hbm>>
    tpu.enqueue_indirect_dma source(%dma_start3A_189 : memref<100000x128xf32, #tpu.memory_space<hbm>>) target(%dma_start3A_186 : memref<16x128xf32, #tpu.memory_space<vmem>>) offsets(%get3A_137 : vector<16xi32>) semaphore(%arg12 : memref<!tpu.dma_semaphore, #tpu.memory_space<semaphore_mem>>)
    %dma_start3A_190 = arith.constant 1 : i32
    %dma_start3A_191 = arith.constant 48 : i32
    %dma_start3A_192 = arith.constant 0 : i32
    %dma_start3A_193 = tpu.memref_slice %arg8[%dma_start3A_190, %dma_start3A_191, %dma_start3A_192] : memref<2x160x128xf32, #tpu.memory_space<vmem>> -> memref<1x16x128xf32, #tpu.memory_space<vmem>>
    %dma_start3A_194 = tpu.memref_squeeze %dma_start3A_193 : memref<1x16x128xf32, #tpu.memory_space<vmem>> -> memref<16x128xf32, #tpu.memory_space<vmem>>
    %dma_start3A_195 = arith.constant 0 : i32
    %dma_start3A_196 = arith.constant 0 : i32
    %dma_start3A_197 = tpu.memref_slice %arg4[%dma_start3A_195, %dma_start3A_196] : memref<100000x128xf32, #tpu.memory_space<hbm>> -> memref<100000x128xf32, #tpu.memory_space<hbm>>
    tpu.enqueue_indirect_dma source(%dma_start3A_197 : memref<100000x128xf32, #tpu.memory_space<hbm>>) target(%dma_start3A_194 : memref<16x128xf32, #tpu.memory_space<vmem>>) offsets(%get3A_141 : vector<16xi32>) semaphore(%arg12 : memref<!tpu.dma_semaphore, #tpu.memory_space<semaphore_mem>>)
    %dma_start3A_198 = arith.constant 1 : i32
    %dma_start3A_199 = arith.constant 64 : i32
    %dma_start3A_200 = arith.constant 0 : i32
    %dma_start3A_201 = tpu.memref_slice %arg8[%dma_start3A_198, %dma_start3A_199, %dma_start3A_200] : memref<2x160x128xf32, #tpu.memory_space<vmem>> -> memref<1x16x128xf32, #tpu.memory_space<vmem>>
    %dma_start3A_202 = tpu.memref_squeeze %dma_start3A_201 : memref<1x16x128xf32, #tpu.memory_space<vmem>> -> memref<16x128xf32, #tpu.memory_space<vmem>>
    %dma_start3A_203 = arith.constant 0 : i32
    %dma_start3A_204 = arith.constant 0 : i32
    %dma_start3A_205 = tpu.memref_slice %arg4[%dma_start3A_203, %dma_start3A_204] : memref<100000x128xf32, #tpu.memory_space<hbm>> -> memref<100000x128xf32, #tpu.memory_space<hbm>>
    tpu.enqueue_indirect_dma source(%dma_start3A_205 : memref<100000x128xf32, #tpu.memory_space<hbm>>) target(%dma_start3A_202 : memref<16x128xf32, #tpu.memory_space<vmem>>) offsets(%get3A_145 : vector<16xi32>) semaphore(%arg12 : memref<!tpu.dma_semaphore, #tpu.memory_space<semaphore_mem>>)
    %dma_start3A_206 = arith.constant 1 : i32
    %dma_start3A_207 = arith.constant 80 : i32
    %dma_start3A_208 = arith.constant 0 : i32
    %dma_start3A_209 = tpu.memref_slice %arg8[%dma_start3A_206, %dma_start3A_207, %dma_start3A_208] : memref<2x160x128xf32, #tpu.memory_space<vmem>> -> memref<1x16x128xf32, #tpu.memory_space<vmem>>
    %dma_start3A_210 = tpu.memref_squeeze %dma_start3A_209 : memref<1x16x128xf32, #tpu.memory_space<vmem>> -> memref<16x128xf32, #tpu.memory_space<vmem>>
    %dma_start3A_211 = arith.constant 0 : i32
    %dma_start3A_212 = arith.constant 0 : i32
    %dma_start3A_213 = tpu.memref_slice %arg4[%dma_start3A_211, %dma_start3A_212] : memref<100000x128xf32, #tpu.memory_space<hbm>> -> memref<100000x128xf32, #tpu.memory_space<hbm>>
    tpu.enqueue_indirect_dma source(%dma_start3A_213 : memref<100000x128xf32, #tpu.memory_space<hbm>>) target(%dma_start3A_210 : memref<16x128xf32, #tpu.memory_space<vmem>>) offsets(%get3A_149 : vector<16xi32>) semaphore(%arg12 : memref<!tpu.dma_semaphore, #tpu.memory_space<semaphore_mem>>)
    %dma_start3A_214 = arith.constant 1 : i32
    %dma_start3A_215 = arith.constant 96 : i32
    %dma_start3A_216 = arith.constant 0 : i32
    %dma_start3A_217 = tpu.memref_slice %arg8[%dma_start3A_214, %dma_start3A_215, %dma_start3A_216] : memref<2x160x128xf32, #tpu.memory_space<vmem>> -> memref<1x16x128xf32, #tpu.memory_space<vmem>>
    %dma_start3A_218 = tpu.memref_squeeze %dma_start3A_217 : memref<1x16x128xf32, #tpu.memory_space<vmem>> -> memref<16x128xf32, #tpu.memory_space<vmem>>
    %dma_start3A_219 = arith.constant 0 : i32
    %dma_start3A_220 = arith.constant 0 : i32
    %dma_start3A_221 = tpu.memref_slice %arg4[%dma_start3A_219, %dma_start3A_220] : memref<100000x128xf32, #tpu.memory_space<hbm>> -> memref<100000x128xf32, #tpu.memory_space<hbm>>
    tpu.enqueue_indirect_dma source(%dma_start3A_221 : memref<100000x128xf32, #tpu.memory_space<hbm>>) target(%dma_start3A_218 : memref<16x128xf32, #tpu.memory_space<vmem>>) offsets(%get3A_153 : vector<16xi32>) semaphore(%arg12 : memref<!tpu.dma_semaphore, #tpu.memory_space<semaphore_mem>>)
    %dma_start3A_222 = arith.constant 1 : i32
    %dma_start3A_223 = arith.constant 112 : i32
    %dma_start3A_224 = arith.constant 0 : i32
    %dma_start3A_225 = tpu.memref_slice %arg8[%dma_start3A_222, %dma_start3A_223, %dma_start3A_224] : memref<2x160x128xf32, #tpu.memory_space<vmem>> -> memref<1x16x128xf32, #tpu.memory_space<vmem>>
    %dma_start3A_226 = tpu.memref_squeeze %dma_start3A_225 : memref<1x16x128xf32, #tpu.memory_space<vmem>> -> memref<16x128xf32, #tpu.memory_space<vmem>>
    %dma_start3A_227 = arith.constant 0 : i32
    %dma_start3A_228 = arith.constant 0 : i32
    %dma_start3A_229 = tpu.memref_slice %arg4[%dma_start3A_227, %dma_start3A_228] : memref<100000x128xf32, #tpu.memory_space<hbm>> -> memref<100000x128xf32, #tpu.memory_space<hbm>>
    tpu.enqueue_indirect_dma source(%dma_start3A_229 : memref<100000x128xf32, #tpu.memory_space<hbm>>) target(%dma_start3A_226 : memref<16x128xf32, #tpu.memory_space<vmem>>) offsets(%get3A_157 : vector<16xi32>) semaphore(%arg12 : memref<!tpu.dma_semaphore, #tpu.memory_space<semaphore_mem>>)
    %dma_start3A_230 = arith.constant 1 : i32
    %dma_start3A_231 = arith.constant 128 : i32
    %dma_start3A_232 = arith.constant 0 : i32
    %dma_start3A_233 = tpu.memref_slice %arg8[%dma_start3A_230, %dma_start3A_231, %dma_start3A_232] : memref<2x160x128xf32, #tpu.memory_space<vmem>> -> memref<1x16x128xf32, #tpu.memory_space<vmem>>
    %dma_start3A_234 = tpu.memref_squeeze %dma_start3A_233 : memref<1x16x128xf32, #tpu.memory_space<vmem>> -> memref<16x128xf32, #tpu.memory_space<vmem>>
    %dma_start3A_235 = arith.constant 0 : i32
    %dma_start3A_236 = arith.constant 0 : i32
    %dma_start3A_237 = tpu.memref_slice %arg4[%dma_start3A_235, %dma_start3A_236] : memref<100000x128xf32, #tpu.memory_space<hbm>> -> memref<100000x128xf32, #tpu.memory_space<hbm>>
    tpu.enqueue_indirect_dma source(%dma_start3A_237 : memref<100000x128xf32, #tpu.memory_space<hbm>>) target(%dma_start3A_234 : memref<16x128xf32, #tpu.memory_space<vmem>>) offsets(%get3A_161 : vector<16xi32>) semaphore(%arg12 : memref<!tpu.dma_semaphore, #tpu.memory_space<semaphore_mem>>)
    %dma_start3A_238 = arith.constant 1 : i32
    %dma_start3A_239 = arith.constant 144 : i32
    %dma_start3A_240 = arith.constant 0 : i32
    %dma_start3A_241 = tpu.memref_slice %arg8[%dma_start3A_238, %dma_start3A_239, %dma_start3A_240] : memref<2x160x128xf32, #tpu.memory_space<vmem>> -> memref<1x16x128xf32, #tpu.memory_space<vmem>>
    %dma_start3A_242 = tpu.memref_squeeze %dma_start3A_241 : memref<1x16x128xf32, #tpu.memory_space<vmem>> -> memref<16x128xf32, #tpu.memory_space<vmem>>
    %dma_start3A_243 = arith.constant 0 : i32
    %dma_start3A_244 = arith.constant 0 : i32
    %dma_start3A_245 = tpu.memref_slice %arg4[%dma_start3A_243, %dma_start3A_244] : memref<100000x128xf32, #tpu.memory_space<hbm>> -> memref<100000x128xf32, #tpu.memory_space<hbm>>
    tpu.enqueue_indirect_dma source(%dma_start3A_245 : memref<100000x128xf32, #tpu.memory_space<hbm>>) target(%dma_start3A_242 : memref<16x128xf32, #tpu.memory_space<vmem>>) offsets(%get3A_165 : vector<16xi32>) semaphore(%arg12 : memref<!tpu.dma_semaphore, #tpu.memory_space<semaphore_mem>>)
    %iota3A = tpu.iota {dimensions = array<i32: 0>} : vector<16xi32>
    %scan3A = arith.constant 0 : i32
    %scan3A_246 = arith.constant 0 : i32
    %scan3A_247 = arith.constant 16 : i32
    %scan3A_248 = arith.addi %scan3A_246, %scan3A_247 : i32
    %scan3A_249 = arith.constant 1 : i32
    %scan3A_250 = scf.for %scan3A_256 = %scan3A_246 to %scan3A_248 step %scan3A_249 iter_args(%scan3A_257 = %scan3A) -> (i32)  : i32 {
      %mul3A_258 = arith.constant 2 : i32
      %mul3A_259 = arith.muli %scan3A_256, %mul3A_258 : i32
      %add3A_260 = arith.constant 0 : i32
      %add3A_261 = arith.addi %mul3A_259, %add3A_260 : i32
      %mul3A_262 = arith.constant 160 : i32
      %mul3A_263 = arith.muli %add3A_261, %mul3A_262 : i32
      %add3A_264 = arith.constant 0 : i32
      %add3A_265 = arith.addi %mul3A_263, %add3A_264 : i32
      %multiple_of3A_266 = tpu.assume_multiple %add3A_265, 16 : i32
      %get3A_267 = arith.index_cast %multiple_of3A_266 : i32 to index
      %get3A_268 = tpu.vector_load %arg6[%get3A_267] {strides = array<i32>} : memref<5120xi32, #tpu.memory_space<vmem>>, vector<16xi32>,
      %mul3A_269 = arith.constant 160 : i32
      %mul3A_270 = arith.muli %add3A_261, %mul3A_269 : i32
      %add3A_271 = arith.constant 16 : i32
      %add3A_272 = arith.addi %mul3A_270, %add3A_271 : i32
      %multiple_of3A_273 = tpu.assume_multiple %add3A_272, 16 : i32
      %get3A_274 = arith.index_cast %multiple_of3A_273 : i32 to index
      %get3A_275 = tpu.vector_load %arg6[%get3A_274] {strides = array<i32>} : memref<5120xi32, #tpu.memory_space<vmem>>, vector<16xi32>,
      %mul3A_276 = arith.constant 160 : i32
      %mul3A_277 = arith.muli %add3A_261, %mul3A_276 : i32
      %add3A_278 = arith.constant 32 : i32
      %add3A_279 = arith.addi %mul3A_277, %add3A_278 : i32
      %multiple_of3A_280 = tpu.assume_multiple %add3A_279, 16 : i32
      %get3A_281 = arith.index_cast %multiple_of3A_280 : i32 to index
      %get3A_282 = tpu.vector_load %arg6[%get3A_281] {strides = array<i32>} : memref<5120xi32, #tpu.memory_space<vmem>>, vector<16xi32>,
      %mul3A_283 = arith.constant 160 : i32
      %mul3A_284 = arith.muli %add3A_261, %mul3A_283 : i32
      %add3A_285 = arith.constant 48 : i32
      %add3A_286 = arith.addi %mul3A_284, %add3A_285 : i32
      %multiple_of3A_287 = tpu.assume_multiple %add3A_286, 16 : i32
      %get3A_288 = arith.index_cast %multiple_of3A_287 : i32 to index
      %get3A_289 = tpu.vector_load %arg6[%get3A_288] {strides = array<i32>} : memref<5120xi32, #tpu.memory_space<vmem>>, vector<16xi32>,
      %mul3A_290 = arith.constant 160 : i32
      %mul3A_291 = arith.muli %add3A_261, %mul3A_290 : i32
      %add3A_292 = arith.constant 64 : i32
      %add3A_293 = arith.addi %mul3A_291, %add3A_292 : i32
      %multiple_of3A_294 = tpu.assume_multiple %add3A_293, 16 : i32
      %get3A_295 = arith.index_cast %multiple_of3A_294 : i32 to index
      %get3A_296 = tpu.vector_load %arg6[%get3A_295] {strides = array<i32>} : memref<5120xi32, #tpu.memory_space<vmem>>, vector<16xi32>,
      %mul3A_297 = arith.constant 160 : i32
      %mul3A_298 = arith.muli %add3A_261, %mul3A_297 : i32
      %add3A_299 = arith.constant 80 : i32
      %add3A_300 = arith.addi %mul3A_298, %add3A_299 : i32
      %multiple_of3A_301 = tpu.assume_multiple %add3A_300, 16 : i32
      %get3A_302 = arith.index_cast %multiple_of3A_301 : i32 to index
      %get3A_303 = tpu.vector_load %arg6[%get3A_302] {strides = array<i32>} : memref<5120xi32, #tpu.memory_space<vmem>>, vector<16xi32>,
      %mul3A_304 = arith.constant 160 : i32
      %mul3A_305 = arith.muli %add3A_261, %mul3A_304 : i32
      %add3A_306 = arith.constant 96 : i32
      %add3A_307 = arith.addi %mul3A_305, %add3A_306 : i32
      %multiple_of3A_308 = tpu.assume_multiple %add3A_307, 16 : i32
      %get3A_309 = arith.index_cast %multiple_of3A_308 : i32 to index
      %get3A_310 = tpu.vector_load %arg6[%get3A_309] {strides = array<i32>} : memref<5120xi32, #tpu.memory_space<vmem>>, vector<16xi32>,
      %mul3A_311 = arith.constant 160 : i32
      %mul3A_312 = arith.muli %add3A_261, %mul3A_311 : i32
      %add3A_313 = arith.constant 112 : i32
      %add3A_314 = arith.addi %mul3A_312, %add3A_313 : i32
      %multiple_of3A_315 = tpu.assume_multiple %add3A_314, 16 : i32
      %get3A_316 = arith.index_cast %multiple_of3A_315 : i32 to index
      %get3A_317 = tpu.vector_load %arg6[%get3A_316] {strides = array<i32>} : memref<5120xi32, #tpu.memory_space<vmem>>, vector<16xi32>,
      %mul3A_318 = arith.constant 160 : i32
      %mul3A_319 = arith.muli %add3A_261, %mul3A_318 : i32
      %add3A_320 = arith.constant 128 : i32
      %add3A_321 = arith.addi %mul3A_319, %add3A_320 : i32
      %multiple_of3A_322 = tpu.assume_multiple %add3A_321, 16 : i32
      %get3A_323 = arith.index_cast %multiple_of3A_322 : i32 to index
      %get3A_324 = tpu.vector_load %arg6[%get3A_323] {strides = array<i32>} : memref<5120xi32, #tpu.memory_space<vmem>>, vector<16xi32>,
      %mul3A_325 = arith.constant 160 : i32
      %mul3A_326 = arith.muli %add3A_261, %mul3A_325 : i32
      %add3A_327 = arith.constant 144 : i32
      %add3A_328 = arith.addi %mul3A_326, %add3A_327 : i32
      %multiple_of3A_329 = tpu.assume_multiple %add3A_328, 16 : i32
      %get3A_330 = arith.index_cast %multiple_of3A_329 : i32 to index
      %get3A_331 = tpu.vector_load %arg6[%get3A_330] {strides = array<i32>} : memref<5120xi32, #tpu.memory_space<vmem>>, vector<16xi32>,
      %dma_wait3A = arith.constant 0 : i32
      %dma_wait3A_332 = arith.constant 0 : i32
      %dma_wait3A_333 = arith.constant 0 : i32
      %dma_wait3A_334 = tpu.memref_slice %arg8[%dma_wait3A, %dma_wait3A_332, %dma_wait3A_333] : memref<2x160x128xf32, #tpu.memory_space<vmem>> -> memref<1x16x128xf32, #tpu.memory_space<vmem>>
      %dma_wait3A_335 = tpu.memref_squeeze %dma_wait3A_334 : memref<1x16x128xf32, #tpu.memory_space<vmem>> -> memref<16x128xf32, #tpu.memory_space<vmem>>
      %dma_wait3A_336 = arith.constant 0 : i32
      %dma_wait3A_337 = arith.constant 0 : i32
      %dma_wait3A_338 = tpu.memref_slice %arg4[%dma_wait3A_336, %dma_wait3A_337] : memref<100000x128xf32, #tpu.memory_space<hbm>> -> memref<100000x128xf32, #tpu.memory_space<hbm>>
      tpu.wait_indirect_dma semaphore(%arg11 : memref<!tpu.dma_semaphore, #tpu.memory_space<semaphore_mem>>) src(%dma_wait3A_338 : memref<100000x128xf32, #tpu.memory_space<hbm>>) dst(%dma_wait3A_335 : memref<16x128xf32, #tpu.memory_space<vmem>>)
      %dma_wait3A_339 = arith.constant 0 : i32
      %dma_wait3A_340 = arith.constant 16 : i32
      %dma_wait3A_341 = arith.constant 0 : i32
      %dma_wait3A_342 = tpu.memref_slice %arg8[%dma_wait3A_339, %dma_wait3A_340, %dma_wait3A_341] : memref<2x160x128xf32, #tpu.memory_space<vmem>> -> memref<1x16x128xf32, #tpu.memory_space<vmem>>
      %dma_wait3A_343 = tpu.memref_squeeze %dma_wait3A_342 : memref<1x16x128xf32, #tpu.memory_space<vmem>> -> memref<16x128xf32, #tpu.memory_space<vmem>>
      %dma_wait3A_344 = arith.constant 0 : i32
      %dma_wait3A_345 = arith.constant 0 : i32
      %dma_wait3A_346 = tpu.memref_slice %arg4[%dma_wait3A_344, %dma_wait3A_345] : memref<100000x128xf32, #tpu.memory_space<hbm>> -> memref<100000x128xf32, #tpu.memory_space<hbm>>
      tpu.wait_indirect_dma semaphore(%arg11 : memref<!tpu.dma_semaphore, #tpu.memory_space<semaphore_mem>>) src(%dma_wait3A_346 : memref<100000x128xf32, #tpu.memory_space<hbm>>) dst(%dma_wait3A_343 : memref<16x128xf32, #tpu.memory_space<vmem>>)
      %dma_wait3A_347 = arith.constant 0 : i32
      %dma_wait3A_348 = arith.constant 32 : i32
      %dma_wait3A_349 = arith.constant 0 : i32
      %dma_wait3A_350 = tpu.memref_slice %arg8[%dma_wait3A_347, %dma_wait3A_348, %dma_wait3A_349] : memref<2x160x128xf32, #tpu.memory_space<vmem>> -> memref<1x16x128xf32, #tpu.memory_space<vmem>>
      %dma_wait3A_351 = tpu.memref_squeeze %dma_wait3A_350 : memref<1x16x128xf32, #tpu.memory_space<vmem>> -> memref<16x128xf32, #tpu.memory_space<vmem>>
      %dma_wait3A_352 = arith.constant 0 : i32
      %dma_wait3A_353 = arith.constant 0 : i32
      %dma_wait3A_354 = tpu.memref_slice %arg4[%dma_wait3A_352, %dma_wait3A_353] : memref<100000x128xf32, #tpu.memory_space<hbm>> -> memref<100000x128xf32, #tpu.memory_space<hbm>>
      tpu.wait_indirect_dma semaphore(%arg11 : memref<!tpu.dma_semaphore, #tpu.memory_space<semaphore_mem>>) src(%dma_wait3A_354 : memref<100000x128xf32, #tpu.memory_space<hbm>>) dst(%dma_wait3A_351 : memref<16x128xf32, #tpu.memory_space<vmem>>)
      %dma_wait3A_355 = arith.constant 0 : i32
      %dma_wait3A_356 = arith.constant 48 : i32
      %dma_wait3A_357 = arith.constant 0 : i32
      %dma_wait3A_358 = tpu.memref_slice %arg8[%dma_wait3A_355, %dma_wait3A_356, %dma_wait3A_357] : memref<2x160x128xf32, #tpu.memory_space<vmem>> -> memref<1x16x128xf32, #tpu.memory_space<vmem>>
      %dma_wait3A_359 = tpu.memref_squeeze %dma_wait3A_358 : memref<1x16x128xf32, #tpu.memory_space<vmem>> -> memref<16x128xf32, #tpu.memory_space<vmem>>
      %dma_wait3A_360 = arith.constant 0 : i32
      %dma_wait3A_361 = arith.constant 0 : i32
      %dma_wait3A_362 = tpu.memref_slice %arg4[%dma_wait3A_360, %dma_wait3A_361] : memref<100000x128xf32, #tpu.memory_space<hbm>> -> memref<100000x128xf32, #tpu.memory_space<hbm>>
      tpu.wait_indirect_dma semaphore(%arg11 : memref<!tpu.dma_semaphore, #tpu.memory_space<semaphore_mem>>) src(%dma_wait3A_362 : memref<100000x128xf32, #tpu.memory_space<hbm>>) dst(%dma_wait3A_359 : memref<16x128xf32, #tpu.memory_space<vmem>>)
      %dma_wait3A_363 = arith.constant 0 : i32
      %dma_wait3A_364 = arith.constant 64 : i32
      %dma_wait3A_365 = arith.constant 0 : i32
      %dma_wait3A_366 = tpu.memref_slice %arg8[%dma_wait3A_363, %dma_wait3A_364, %dma_wait3A_365] : memref<2x160x128xf32, #tpu.memory_space<vmem>> -> memref<1x16x128xf32, #tpu.memory_space<vmem>>
      %dma_wait3A_367 = tpu.memref_squeeze %dma_wait3A_366 : memref<1x16x128xf32, #tpu.memory_space<vmem>> -> memref<16x128xf32, #tpu.memory_space<vmem>>
      %dma_wait3A_368 = arith.constant 0 : i32
      %dma_wait3A_369 = arith.constant 0 : i32
      %dma_wait3A_370 = tpu.memref_slice %arg4[%dma_wait3A_368, %dma_wait3A_369] : memref<100000x128xf32, #tpu.memory_space<hbm>> -> memref<100000x128xf32, #tpu.memory_space<hbm>>
      tpu.wait_indirect_dma semaphore(%arg11 : memref<!tpu.dma_semaphore, #tpu.memory_space<semaphore_mem>>) src(%dma_wait3A_370 : memref<100000x128xf32, #tpu.memory_space<hbm>>) dst(%dma_wait3A_367 : memref<16x128xf32, #tpu.memory_space<vmem>>)
      %dma_wait3A_371 = arith.constant 0 : i32
      %dma_wait3A_372 = arith.constant 80 : i32
      %dma_wait3A_373 = arith.constant 0 : i32
      %dma_wait3A_374 = tpu.memref_slice %arg8[%dma_wait3A_371, %dma_wait3A_372, %dma_wait3A_373] : memref<2x160x128xf32, #tpu.memory_space<vmem>> -> memref<1x16x128xf32, #tpu.memory_space<vmem>>
      %dma_wait3A_375 = tpu.memref_squeeze %dma_wait3A_374 : memref<1x16x128xf32, #tpu.memory_space<vmem>> -> memref<16x128xf32, #tpu.memory_space<vmem>>
      %dma_wait3A_376 = arith.constant 0 : i32
      %dma_wait3A_377 = arith.constant 0 : i32
      %dma_wait3A_378 = tpu.memref_slice %arg4[%dma_wait3A_376, %dma_wait3A_377] : memref<100000x128xf32, #tpu.memory_space<hbm>> -> memref<100000x128xf32, #tpu.memory_space<hbm>>
      tpu.wait_indirect_dma semaphore(%arg11 : memref<!tpu.dma_semaphore, #tpu.memory_space<semaphore_mem>>) src(%dma_wait3A_378 : memref<100000x128xf32, #tpu.memory_space<hbm>>) dst(%dma_wait3A_375 : memref<16x128xf32, #tpu.memory_space<vmem>>)
      %dma_wait3A_379 = arith.constant 0 : i32
      %dma_wait3A_380 = arith.constant 96 : i32
      %dma_wait3A_381 = arith.constant 0 : i32
      %dma_wait3A_382 = tpu.memref_slice %arg8[%dma_wait3A_379, %dma_wait3A_380, %dma_wait3A_381] : memref<2x160x128xf32, #tpu.memory_space<vmem>> -> memref<1x16x128xf32, #tpu.memory_space<vmem>>
      %dma_wait3A_383 = tpu.memref_squeeze %dma_wait3A_382 : memref<1x16x128xf32, #tpu.memory_space<vmem>> -> memref<16x128xf32, #tpu.memory_space<vmem>>
      %dma_wait3A_384 = arith.constant 0 : i32
      %dma_wait3A_385 = arith.constant 0 : i32
      %dma_wait3A_386 = tpu.memref_slice %arg4[%dma_wait3A_384, %dma_wait3A_385] : memref<100000x128xf32, #tpu.memory_space<hbm>> -> memref<100000x128xf32, #tpu.memory_space<hbm>>
      tpu.wait_indirect_dma semaphore(%arg11 : memref<!tpu.dma_semaphore, #tpu.memory_space<semaphore_mem>>) src(%dma_wait3A_386 : memref<100000x128xf32, #tpu.memory_space<hbm>>) dst(%dma_wait3A_383 : memref<16x128xf32, #tpu.memory_space<vmem>>)
      %dma_wait3A_387 = arith.constant 0 : i32
      %dma_wait3A_388 = arith.constant 112 : i32
      %dma_wait3A_389 = arith.constant 0 : i32
      %dma_wait3A_390 = tpu.memref_slice %arg8[%dma_wait3A_387, %dma_wait3A_388, %dma_wait3A_389] : memref<2x160x128xf32, #tpu.memory_space<vmem>> -> memref<1x16x128xf32, #tpu.memory_space<vmem>>
      %dma_wait3A_391 = tpu.memref_squeeze %dma_wait3A_390 : memref<1x16x128xf32, #tpu.memory_space<vmem>> -> memref<16x128xf32, #tpu.memory_space<vmem>>
      %dma_wait3A_392 = arith.constant 0 : i32
      %dma_wait3A_393 = arith.constant 0 : i32
      %dma_wait3A_394 = tpu.memref_slice %arg4[%dma_wait3A_392, %dma_wait3A_393] : memref<100000x128xf32, #tpu.memory_space<hbm>> -> memref<100000x128xf32, #tpu.memory_space<hbm>>
      tpu.wait_indirect_dma semaphore(%arg11 : memref<!tpu.dma_semaphore, #tpu.memory_space<semaphore_mem>>) src(%dma_wait3A_394 : memref<100000x128xf32, #tpu.memory_space<hbm>>) dst(%dma_wait3A_391 : memref<16x128xf32, #tpu.memory_space<vmem>>)
      %dma_wait3A_395 = arith.constant 0 : i32
      %dma_wait3A_396 = arith.constant 128 : i32
      %dma_wait3A_397 = arith.constant 0 : i32
      %dma_wait3A_398 = tpu.memref_slice %arg8[%dma_wait3A_395, %dma_wait3A_396, %dma_wait3A_397] : memref<2x160x128xf32, #tpu.memory_space<vmem>> -> memref<1x16x128xf32, #tpu.memory_space<vmem>>
      %dma_wait3A_399 = tpu.memref_squeeze %dma_wait3A_398 : memref<1x16x128xf32, #tpu.memory_space<vmem>> -> memref<16x128xf32, #tpu.memory_space<vmem>>
      %dma_wait3A_400 = arith.constant 0 : i32
      %dma_wait3A_401 = arith.constant 0 : i32
      %dma_wait3A_402 = tpu.memref_slice %arg4[%dma_wait3A_400, %dma_wait3A_401] : memref<100000x128xf32, #tpu.memory_space<hbm>> -> memref<100000x128xf32, #tpu.memory_space<hbm>>
      tpu.wait_indirect_dma semaphore(%arg11 : memref<!tpu.dma_semaphore, #tpu.memory_space<semaphore_mem>>) src(%dma_wait3A_402 : memref<100000x128xf32, #tpu.memory_space<hbm>>) dst(%dma_wait3A_399 : memref<16x128xf32, #tpu.memory_space<vmem>>)
      %dma_wait3A_403 = arith.constant 0 : i32
      %dma_wait3A_404 = arith.constant 144 : i32
      %dma_wait3A_405 = arith.constant 0 : i32
      %dma_wait3A_406 = tpu.memref_slice %arg8[%dma_wait3A_403, %dma_wait3A_404, %dma_wait3A_405] : memref<2x160x128xf32, #tpu.memory_space<vmem>> -> memref<1x16x128xf32, #tpu.memory_space<vmem>>
      %dma_wait3A_407 = tpu.memref_squeeze %dma_wait3A_406 : memref<1x16x128xf32, #tpu.memory_space<vmem>> -> memref<16x128xf32, #tpu.memory_space<vmem>>
      %dma_wait3A_408 = arith.constant 0 : i32
      %dma_wait3A_409 = arith.constant 0 : i32
      %dma_wait3A_410 = tpu.memref_slice %arg4[%dma_wait3A_408, %dma_wait3A_409] : memref<100000x128xf32, #tpu.memory_space<hbm>> -> memref<100000x128xf32, #tpu.memory_space<hbm>>
      tpu.wait_indirect_dma semaphore(%arg11 : memref<!tpu.dma_semaphore, #tpu.memory_space<semaphore_mem>>) src(%dma_wait3A_410 : memref<100000x128xf32, #tpu.memory_space<hbm>>) dst(%dma_wait3A_407 : memref<16x128xf32, #tpu.memory_space<vmem>>)
      %mul3A_411 = arith.constant 128 : i32
      %mul3A_412 = arith.muli %add3A_261, %mul3A_411 : i32
      %multiple_of3A_413 = tpu.assume_multiple %mul3A_412, 16 : i32
      %add3A_414 = arith.constant 0 : i32
      %add3A_415 = arith.addi %multiple_of3A_413, %add3A_414 : i32
      %get3A_416 = arith.index_cast %add3A_415 : i32 to index
      %get3A_417 = tpu.vector_load %arg7[%get3A_416] {strides = array<i32>} : memref<4096xf32, #tpu.memory_space<vmem>>, vector<16xf32>,
      %add3A_418 = arith.constant 16 : i32
      %add3A_419 = arith.addi %multiple_of3A_413, %add3A_418 : i32
      %get3A_420 = arith.index_cast %add3A_419 : i32 to index
      %get3A_421 = tpu.vector_load %arg7[%get3A_420] {strides = array<i32>} : memref<4096xf32, #tpu.memory_space<vmem>>, vector<16xf32>,
      %add3A_422 = arith.constant 32 : i32
      %add3A_423 = arith.addi %multiple_of3A_413, %add3A_422 : i32
      %get3A_424 = arith.index_cast %add3A_423 : i32 to index
      %get3A_425 = tpu.vector_load %arg7[%get3A_424] {strides = array<i32>} : memref<4096xf32, #tpu.memory_space<vmem>>, vector<16xf32>,
      %add3A_426 = arith.constant 48 : i32
      %add3A_427 = arith.addi %multiple_of3A_413, %add3A_426 : i32
      %get3A_428 = arith.index_cast %add3A_427 : i32 to index
      %get3A_429 = tpu.vector_load %arg7[%get3A_428] {strides = array<i32>} : memref<4096xf32, #tpu.memory_space<vmem>>, vector<16xf32>,
      %add3A_430 = arith.constant 64 : i32
      %add3A_431 = arith.addi %multiple_of3A_413, %add3A_430 : i32
      %get3A_432 = arith.index_cast %add3A_431 : i32 to index
      %get3A_433 = tpu.vector_load %arg7[%get3A_432] {strides = array<i32>} : memref<4096xf32, #tpu.memory_space<vmem>>, vector<16xf32>,
      %add3A_434 = arith.constant 80 : i32
      %add3A_435 = arith.addi %multiple_of3A_413, %add3A_434 : i32
      %get3A_436 = arith.index_cast %add3A_435 : i32 to index
      %get3A_437 = tpu.vector_load %arg7[%get3A_436] {strides = array<i32>} : memref<4096xf32, #tpu.memory_space<vmem>>, vector<16xf32>,
      %add3A_438 = arith.constant 96 : i32
      %add3A_439 = arith.addi %multiple_of3A_413, %add3A_438 : i32
      %get3A_440 = arith.index_cast %add3A_439 : i32 to index
      %get3A_441 = tpu.vector_load %arg7[%get3A_440] {strides = array<i32>} : memref<4096xf32, #tpu.memory_space<vmem>>, vector<16xf32>,
      %add3A_442 = arith.constant 112 : i32
      %add3A_443 = arith.addi %multiple_of3A_413, %add3A_442 : i32
      %get3A_444 = arith.index_cast %add3A_443 : i32 to index
      %get3A_445 = tpu.vector_load %arg7[%get3A_444] {strides = array<i32>} : memref<4096xf32, #tpu.memory_space<vmem>>, vector<16xf32>,
      %scan3A_446 = arith.constant 0 : i32
      %scan3A_447 = arith.constant 0 : i32
      %scan3A_448 = arith.constant 10 : i32
      %scan3A_449 = arith.addi %scan3A_447, %scan3A_448 : i32
      %scan3A_450 = arith.constant 1 : i32
      %scan3A_451 = scf.for %scan3A_661 = %scan3A_447 to %scan3A_449 step %scan3A_450 iter_args(%scan3A_662 = %scan3A_446) -> (i32)  : i32 {
        %mul3A_663 = arith.constant 16 : i32
        %mul3A_664 = arith.muli %scan3A_661, %mul3A_663 : i32
        %add3A_665 = arith.constant 0 : i32
        %add3A_666 = arith.addi %mul3A_664, %add3A_665 : i32
        %get3A_667 = arith.constant 0 : i32
        %get3A_668 = arith.index_cast %get3A_667 : i32 to index
        %get3A_669 = arith.index_cast %add3A_666 : i32 to index
        %get3A_670 = arith.constant 0 : index
        %get3A_671 = tpu.vector_load %arg8[%get3A_668, %get3A_669, %get3A_670] {strides = array<i32>} : memref<2x160x128xf32, #tpu.memory_space<vmem>>, vector<16xf32>,
        %mul3A_672 = arith.mulf %get3A_417, %get3A_671 : vector<16xf32>
        %mul3A_673 = arith.constant 16 : i32
        %mul3A_674 = arith.muli %scan3A_661, %mul3A_673 : i32
        %add3A_675 = arith.constant 0 : i32
        %add3A_676 = arith.addi %mul3A_674, %add3A_675 : i32
        %get3A_677 = arith.constant 0 : i32
        %get3A_678 = arith.index_cast %get3A_677 : i32 to index
        %get3A_679 = arith.index_cast %add3A_676 : i32 to index
        %get3A_680 = arith.constant 16 : index
        %get3A_681 = tpu.vector_load %arg8[%get3A_678, %get3A_679, %get3A_680] {strides = array<i32>} : memref<2x160x128xf32, #tpu.memory_space<vmem>>, vector<16xf32>,
        %mul3A_682 = arith.mulf %get3A_421, %get3A_681 : vector<16xf32>
        %mul3A_683 = arith.constant 16 : i32
        %mul3A_684 = arith.muli %scan3A_661, %mul3A_683 : i32
        %add3A_685 = arith.constant 0 : i32
        %add3A_686 = arith.addi %mul3A_684, %add3A_685 : i32
        %get3A_687 = arith.constant 0 : i32
        %get3A_688 = arith.index_cast %get3A_687 : i32 to index
        %get3A_689 = arith.index_cast %add3A_686 : i32 to index
        %get3A_690 = arith.constant 32 : index
        %get3A_691 = tpu.vector_load %arg8[%get3A_688, %get3A_689, %get3A_690] {strides = array<i32>} : memref<2x160x128xf32, #tpu.memory_space<vmem>>, vector<16xf32>,
        %mul3A_692 = arith.mulf %get3A_425, %get3A_691 : vector<16xf32>
        %mul3A_693 = arith.constant 16 : i32
        %mul3A_694 = arith.muli %scan3A_661, %mul3A_693 : i32
        %add3A_695 = arith.constant 0 : i32
        %add3A_696 = arith.addi %mul3A_694, %add3A_695 : i32
        %get3A_697 = arith.constant 0 : i32
        %get3A_698 = arith.index_cast %get3A_697 : i32 to index
        %get3A_699 = arith.index_cast %add3A_696 : i32 to index
        %get3A_700 = arith.constant 48 : index
        %get3A_701 = tpu.vector_load %arg8[%get3A_698, %get3A_699, %get3A_700] {strides = array<i32>} : memref<2x160x128xf32, #tpu.memory_space<vmem>>, vector<16xf32>,
        %mul3A_702 = arith.mulf %get3A_429, %get3A_701 : vector<16xf32>
        %mul3A_703 = arith.constant 16 : i32
        %mul3A_704 = arith.muli %scan3A_661, %mul3A_703 : i32
        %add3A_705 = arith.constant 0 : i32
        %add3A_706 = arith.addi %mul3A_704, %add3A_705 : i32
        %get3A_707 = arith.constant 0 : i32
        %get3A_708 = arith.index_cast %get3A_707 : i32 to index
        %get3A_709 = arith.index_cast %add3A_706 : i32 to index
        %get3A_710 = arith.constant 64 : index
        %get3A_711 = tpu.vector_load %arg8[%get3A_708, %get3A_709, %get3A_710] {strides = array<i32>} : memref<2x160x128xf32, #tpu.memory_space<vmem>>, vector<16xf32>,
        %mul3A_712 = arith.mulf %get3A_433, %get3A_711 : vector<16xf32>
        %mul3A_713 = arith.constant 16 : i32
        %mul3A_714 = arith.muli %scan3A_661, %mul3A_713 : i32
        %add3A_715 = arith.constant 0 : i32
        %add3A_716 = arith.addi %mul3A_714, %add3A_715 : i32
        %get3A_717 = arith.constant 0 : i32
        %get3A_718 = arith.index_cast %get3A_717 : i32 to index
        %get3A_719 = arith.index_cast %add3A_716 : i32 to index
        %get3A_720 = arith.constant 80 : index
        %get3A_721 = tpu.vector_load %arg8[%get3A_718, %get3A_719, %get3A_720] {strides = array<i32>} : memref<2x160x128xf32, #tpu.memory_space<vmem>>, vector<16xf32>,
        %mul3A_722 = arith.mulf %get3A_437, %get3A_721 : vector<16xf32>
        %mul3A_723 = arith.constant 16 : i32
        %mul3A_724 = arith.muli %scan3A_661, %mul3A_723 : i32
        %add3A_725 = arith.constant 0 : i32
        %add3A_726 = arith.addi %mul3A_724, %add3A_725 : i32
        %get3A_727 = arith.constant 0 : i32
        %get3A_728 = arith.index_cast %get3A_727 : i32 to index
        %get3A_729 = arith.index_cast %add3A_726 : i32 to index
        %get3A_730 = arith.constant 96 : index
        %get3A_731 = tpu.vector_load %arg8[%get3A_728, %get3A_729, %get3A_730] {strides = array<i32>} : memref<2x160x128xf32, #tpu.memory_space<vmem>>, vector<16xf32>,
        %mul3A_732 = arith.mulf %get3A_441, %get3A_731 : vector<16xf32>
        %mul3A_733 = arith.constant 16 : i32
        %mul3A_734 = arith.muli %scan3A_661, %mul3A_733 : i32
        %add3A_735 = arith.constant 0 : i32
        %add3A_736 = arith.addi %mul3A_734, %add3A_735 : i32
        %get3A_737 = arith.constant 0 : i32
        %get3A_738 = arith.index_cast %get3A_737 : i32 to index
        %get3A_739 = arith.index_cast %add3A_736 : i32 to index
        %get3A_740 = arith.constant 112 : index
        %get3A_741 = tpu.vector_load %arg8[%get3A_738, %get3A_739, %get3A_740] {strides = array<i32>} : memref<2x160x128xf32, #tpu.memory_space<vmem>>, vector<16xf32>,
        %mul3A_742 = arith.mulf %get3A_445, %get3A_741 : vector<16xf32>
        %add3A_743 = arith.addf %mul3A_672, %mul3A_682 : vector<16xf32>
        %add3A_744 = arith.addf %mul3A_692, %mul3A_702 : vector<16xf32>
        %add3A_745 = arith.addf %mul3A_712, %mul3A_722 : vector<16xf32>
        %add3A_746 = arith.addf %mul3A_732, %mul3A_742 : vector<16xf32>
        %add3A_747 = arith.addf %add3A_743, %add3A_744 : vector<16xf32>
        %add3A_748 = arith.addf %add3A_745, %add3A_746 : vector<16xf32>
        %add3A_749 = arith.addf %add3A_747, %add3A_748 : vector<16xf32>
        %swap3A = arith.constant 0 : index
        %swap3A_750 = tpu.vector_load %arg10[%swap3A] {strides = array<i32>} : memref<256xf32, #tpu.memory_space<vmem>>, vector<16xf32>,
        tpu.vector_store %arg10[%swap3A], %add3A_749 {strides = array<i32>} : memref<256xf32, #tpu.memory_space<vmem>>, vector<16xf32>,
        %mul3A_751 = arith.constant 16 : i32
        %mul3A_752 = arith.muli %scan3A_661, %mul3A_751 : i32
        %add3A_753 = arith.constant 1 : i32
        %add3A_754 = arith.addi %mul3A_752, %add3A_753 : i32
        %get3A_755 = arith.constant 0 : i32
        %get3A_756 = arith.index_cast %get3A_755 : i32 to index
        %get3A_757 = arith.index_cast %add3A_754 : i32 to index
        %get3A_758 = arith.constant 0 : index
        %get3A_759 = tpu.vector_load %arg8[%get3A_756, %get3A_757, %get3A_758] {strides = array<i32>} : memref<2x160x128xf32, #tpu.memory_space<vmem>>, vector<16xf32>,
        %mul3A_760 = arith.mulf %get3A_417, %get3A_759 : vector<16xf32>
        %mul3A_761 = arith.constant 16 : i32
        %mul3A_762 = arith.muli %scan3A_661, %mul3A_761 : i32
        %add3A_763 = arith.constant 1 : i32
        %add3A_764 = arith.addi %mul3A_762, %add3A_763 : i32
        %get3A_765 = arith.constant 0 : i32
        %get3A_766 = arith.index_cast %get3A_765 : i32 to index
        %get3A_767 = arith.index_cast %add3A_764 : i32 to index
        %get3A_768 = arith.constant 16 : index
        %get3A_769 = tpu.vector_load %arg8[%get3A_766, %get3A_767, %get3A_768] {strides = array<i32>} : memref<2x160x128xf32, #tpu.memory_space<vmem>>, vector<16xf32>,
        %mul3A_770 = arith.mulf %get3A_421, %get3A_769 : vector<16xf32>
        %mul3A_771 = arith.constant 16 : i32
        %mul3A_772 = arith.muli %scan3A_661, %mul3A_771 : i32
        %add3A_773 = arith.constant 1 : i32
        %add3A_774 = arith.addi %mul3A_772, %add3A_773 : i32
        %get3A_775 = arith.constant 0 : i32
        %get3A_776 = arith.index_cast %get3A_775 : i32 to index
        %get3A_777 = arith.index_cast %add3A_774 : i32 to index
        %get3A_778 = arith.constant 32 : index
        %get3A_779 = tpu.vector_load %arg8[%get3A_776, %get3A_777, %get3A_778] {strides = array<i32>} : memref<2x160x128xf32, #tpu.memory_space<vmem>>, vector<16xf32>,
        %mul3A_780 = arith.mulf %get3A_425, %get3A_779 : vector<16xf32>
        %mul3A_781 = arith.constant 16 : i32
        %mul3A_782 = arith.muli %scan3A_661, %mul3A_781 : i32
        %add3A_783 = arith.constant 1 : i32
        %add3A_784 = arith.addi %mul3A_782, %add3A_783 : i32
        %get3A_785 = arith.constant 0 : i32
        %get3A_786 = arith.index_cast %get3A_785 : i32 to index
        %get3A_787 = arith.index_cast %add3A_784 : i32 to index
        %get3A_788 = arith.constant 48 : index
        %get3A_789 = tpu.vector_load %arg8[%get3A_786, %get3A_787, %get3A_788] {strides = array<i32>} : memref<2x160x128xf32, #tpu.memory_space<vmem>>, vector<16xf32>,
        %mul3A_790 = arith.mulf %get3A_429, %get3A_789 : vector<16xf32>
        %mul3A_791 = arith.constant 16 : i32
        %mul3A_792 = arith.muli %scan3A_661, %mul3A_791 : i32
        %add3A_793 = arith.constant 1 : i32
        %add3A_794 = arith.addi %mul3A_792, %add3A_793 : i32
        %get3A_795 = arith.constant 0 : i32
        %get3A_796 = arith.index_cast %get3A_795 : i32 to index
        %get3A_797 = arith.index_cast %add3A_794 : i32 to index
        %get3A_798 = arith.constant 64 : index
        %get3A_799 = tpu.vector_load %arg8[%get3A_796, %get3A_797, %get3A_798] {strides = array<i32>} : memref<2x160x128xf32, #tpu.memory_space<vmem>>, vector<16xf32>,
        %mul3A_800 = arith.mulf %get3A_433, %get3A_799 : vector<16xf32>
        %mul3A_801 = arith.constant 16 : i32
        %mul3A_802 = arith.muli %scan3A_661, %mul3A_801 : i32
        %add3A_803 = arith.constant 1 : i32
        %add3A_804 = arith.addi %mul3A_802, %add3A_803 : i32
        %get3A_805 = arith.constant 0 : i32
        %get3A_806 = arith.index_cast %get3A_805 : i32 to index
        %get3A_807 = arith.index_cast %add3A_804 : i32 to index
        %get3A_808 = arith.constant 80 : index
        %get3A_809 = tpu.vector_load %arg8[%get3A_806, %get3A_807, %get3A_808] {strides = array<i32>} : memref<2x160x128xf32, #tpu.memory_space<vmem>>, vector<16xf32>,
        %mul3A_810 = arith.mulf %get3A_437, %get3A_809 : vector<16xf32>
        %mul3A_811 = arith.constant 16 : i32
        %mul3A_812 = arith.muli %scan3A_661, %mul3A_811 : i32
        %add3A_813 = arith.constant 1 : i32
        %add3A_814 = arith.addi %mul3A_812, %add3A_813 : i32
        %get3A_815 = arith.constant 0 : i32
        %get3A_816 = arith.index_cast %get3A_815 : i32 to index
        %get3A_817 = arith.index_cast %add3A_814 : i32 to index
        %get3A_818 = arith.constant 96 : index
        %get3A_819 = tpu.vector_load %arg8[%get3A_816, %get3A_817, %get3A_818] {strides = array<i32>} : memref<2x160x128xf32, #tpu.memory_space<vmem>>, vector<16xf32>,
        %mul3A_820 = arith.mulf %get3A_441, %get3A_819 : vector<16xf32>
        %mul3A_821 = arith.constant 16 : i32
        %mul3A_822 = arith.muli %scan3A_661, %mul3A_821 : i32
        %add3A_823 = arith.constant 1 : i32
        %add3A_824 = arith.addi %mul3A_822, %add3A_823 : i32
        %get3A_825 = arith.constant 0 : i32
        %get3A_826 = arith.index_cast %get3A_825 : i32 to index
        %get3A_827 = arith.index_cast %add3A_824 : i32 to index
        %get3A_828 = arith.constant 112 : index
        %get3A_829 = tpu.vector_load %arg8[%get3A_826, %get3A_827, %get3A_828] {strides = array<i32>} : memref<2x160x128xf32, #tpu.memory_space<vmem>>, vector<16xf32>,
        %mul3A_830 = arith.mulf %get3A_445, %get3A_829 : vector<16xf32>
        %add3A_831 = arith.addf %mul3A_760, %mul3A_770 : vector<16xf32>
        %add3A_832 = arith.addf %mul3A_780, %mul3A_790 : vector<16xf32>
        %add3A_833 = arith.addf %mul3A_800, %mul3A_810 : vector<16xf32>
        %add3A_834 = arith.addf %mul3A_820, %mul3A_830 : vector<16xf32>
        %add3A_835 = arith.addf %add3A_831, %add3A_832 : vector<16xf32>
        %add3A_836 = arith.addf %add3A_833, %add3A_834 : vector<16xf32>
        %add3A_837 = arith.addf %add3A_835, %add3A_836 : vector<16xf32>
        %swap3A_838 = arith.constant 16 : index
        %swap3A_839 = tpu.vector_load %arg10[%swap3A_838] {strides = array<i32>} : memref<256xf32, #tpu.memory_space<vmem>>, vector<16xf32>,
        tpu.vector_store %arg10[%swap3A_838], %add3A_837 {strides = array<i32>} : memref<256xf32, #tpu.memory_space<vmem>>, vector<16xf32>,
        %mul3A_840 = arith.constant 16 : i32
        %mul3A_841 = arith.muli %scan3A_661, %mul3A_840 : i32
        %add3A_842 = arith.constant 2 : i32
        %add3A_843 = arith.addi %mul3A_841, %add3A_842 : i32
        %get3A_844 = arith.constant 0 : i32
        %get3A_845 = arith.index_cast %get3A_844 : i32 to index
        %get3A_846 = arith.index_cast %add3A_843 : i32 to index
        %get3A_847 = arith.constant 0 : index
        %get3A_848 = tpu.vector_load %arg8[%get3A_845, %get3A_846, %get3A_847] {strides = array<i32>} : memref<2x160x128xf32, #tpu.memory_space<vmem>>, vector<16xf32>,
        %mul3A_849 = arith.mulf %get3A_417, %get3A_848 : vector<16xf32>
        %mul3A_850 = arith.constant 16 : i32
        %mul3A_851 = arith.muli %scan3A_661, %mul3A_850 : i32
        %add3A_852 = arith.constant 2 : i32
        %add3A_853 = arith.addi %mul3A_851, %add3A_852 : i32
        %get3A_854 = arith.constant 0 : i32
        %get3A_855 = arith.index_cast %get3A_854 : i32 to index
        %get3A_856 = arith.index_cast %add3A_853 : i32 to index
        %get3A_857 = arith.constant 16 : index
        %get3A_858 = tpu.vector_load %arg8[%get3A_855, %get3A_856, %get3A_857] {strides = array<i32>} : memref<2x160x128xf32, #tpu.memory_space<vmem>>, vector<16xf32>,
        %mul3A_859 = arith.mulf %get3A_421, %get3A_858 : vector<16xf32>
        %mul3A_860 = arith.constant 16 : i32
        %mul3A_861 = arith.muli %scan3A_661, %mul3A_860 : i32
        %add3A_862 = arith.constant 2 : i32
        %add3A_863 = arith.addi %mul3A_861, %add3A_862 : i32
        %get3A_864 = arith.constant 0 : i32
        %get3A_865 = arith.index_cast %get3A_864 : i32 to index
        %get3A_866 = arith.index_cast %add3A_863 : i32 to index
        %get3A_867 = arith.constant 32 : index
        %get3A_868 = tpu.vector_load %arg8[%get3A_865, %get3A_866, %get3A_867] {strides = array<i32>} : memref<2x160x128xf32, #tpu.memory_space<vmem>>, vector<16xf32>,
        %mul3A_869 = arith.mulf %get3A_425, %get3A_868 : vector<16xf32>
        %mul3A_870 = arith.constant 16 : i32
        %mul3A_871 = arith.muli %scan3A_661, %mul3A_870 : i32
        %add3A_872 = arith.constant 2 : i32
        %add3A_873 = arith.addi %mul3A_871, %add3A_872 : i32
        %get3A_874 = arith.constant 0 : i32
        %get3A_875 = arith.index_cast %get3A_874 : i32 to index
        %get3A_876 = arith.index_cast %add3A_873 : i32 to index
        %get3A_877 = arith.constant 48 : index
        %get3A_878 = tpu.vector_load %arg8[%get3A_875, %get3A_876, %get3A_877] {strides = array<i32>} : memref<2x160x128xf32, #tpu.memory_space<vmem>>, vector<16xf32>,
        %mul3A_879 = arith.mulf %get3A_429, %get3A_878 : vector<16xf32>
        %mul3A_880 = arith.constant 16 : i32
        %mul3A_881 = arith.muli %scan3A_661, %mul3A_880 : i32
        %add3A_882 = arith.constant 2 : i32
        %add3A_883 = arith.addi %mul3A_881, %add3A_882 : i32
        %get3A_884 = arith.constant 0 : i32
        %get3A_885 = arith.index_cast %get3A_884 : i32 to index
        %get3A_886 = arith.index_cast %add3A_883 : i32 to index
        %get3A_887 = arith.constant 64 : index
        %get3A_888 = tpu.vector_load %arg8[%get3A_885, %get3A_886, %get3A_887] {strides = array<i32>} : memref<2x160x128xf32, #tpu.memory_space<vmem>>, vector<16xf32>,
        %mul3A_889 = arith.mulf %get3A_433, %get3A_888 : vector<16xf32>
        %mul3A_890 = arith.constant 16 : i32
        %mul3A_891 = arith.muli %scan3A_661, %mul3A_890 : i32
        %add3A_892 = arith.constant 2 : i32
        %add3A_893 = arith.addi %mul3A_891, %add3A_892 : i32
        %get3A_894 = arith.constant 0 : i32
        %get3A_895 = arith.index_cast %get3A_894 : i32 to index
        %get3A_896 = arith.index_cast %add3A_893 : i32 to index
        %get3A_897 = arith.constant 80 : index
        %get3A_898 = tpu.vector_load %arg8[%get3A_895, %get3A_896, %get3A_897] {strides = array<i32>} : memref<2x160x128xf32, #tpu.memory_space<vmem>>, vector<16xf32>,
        %mul3A_899 = arith.mulf %get3A_437, %get3A_898 : vector<16xf32>
        %mul3A_900 = arith.constant 16 : i32
        %mul3A_901 = arith.muli %scan3A_661, %mul3A_900 : i32
        %add3A_902 = arith.constant 2 : i32
        %add3A_903 = arith.addi %mul3A_901, %add3A_902 : i32
        %get3A_904 = arith.constant 0 : i32
        %get3A_905 = arith.index_cast %get3A_904 : i32 to index
        %get3A_906 = arith.index_cast %add3A_903 : i32 to index
        %get3A_907 = arith.constant 96 : index
        %get3A_908 = tpu.vector_load %arg8[%get3A_905, %get3A_906, %get3A_907] {strides = array<i32>} : memref<2x160x128xf32, #tpu.memory_space<vmem>>, vector<16xf32>,
        %mul3A_909 = arith.mulf %get3A_441, %get3A_908 : vector<16xf32>
        %mul3A_910 = arith.constant 16 : i32
        %mul3A_911 = arith.muli %scan3A_661, %mul3A_910 : i32
        %add3A_912 = arith.constant 2 : i32
        %add3A_913 = arith.addi %mul3A_911, %add3A_912 : i32
        %get3A_914 = arith.constant 0 : i32
        %get3A_915 = arith.index_cast %get3A_914 : i32 to index
        %get3A_916 = arith.index_cast %add3A_913 : i32 to index
        %get3A_917 = arith.constant 112 : index
        %get3A_918 = tpu.vector_load %arg8[%get3A_915, %get3A_916, %get3A_917] {strides = array<i32>} : memref<2x160x128xf32, #tpu.memory_space<vmem>>, vector<16xf32>,
        %mul3A_919 = arith.mulf %get3A_445, %get3A_918 : vector<16xf32>
        %add3A_920 = arith.addf %mul3A_849, %mul3A_859 : vector<16xf32>
        %add3A_921 = arith.addf %mul3A_869, %mul3A_879 : vector<16xf32>
        %add3A_922 = arith.addf %mul3A_889, %mul3A_899 : vector<16xf32>
        %add3A_923 = arith.addf %mul3A_909, %mul3A_919 : vector<16xf32>
        %add3A_924 = arith.addf %add3A_920, %add3A_921 : vector<16xf32>
        %add3A_925 = arith.addf %add3A_922, %add3A_923 : vector<16xf32>
        %add3A_926 = arith.addf %add3A_924, %add3A_925 : vector<16xf32>
        %swap3A_927 = arith.constant 32 : index
        %swap3A_928 = tpu.vector_load %arg10[%swap3A_927] {strides = array<i32>} : memref<256xf32, #tpu.memory_space<vmem>>, vector<16xf32>,
        tpu.vector_store %arg10[%swap3A_927], %add3A_926 {strides = array<i32>} : memref<256xf32, #tpu.memory_space<vmem>>, vector<16xf32>,
        %mul3A_929 = arith.constant 16 : i32
        %mul3A_930 = arith.muli %scan3A_661, %mul3A_929 : i32
        %add3A_931 = arith.constant 3 : i32
        %add3A_932 = arith.addi %mul3A_930, %add3A_931 : i32
        %get3A_933 = arith.constant 0 : i32
        %get3A_934 = arith.index_cast %get3A_933 : i32 to index
        %get3A_935 = arith.index_cast %add3A_932 : i32 to index
        %get3A_936 = arith.constant 0 : index
        %get3A_937 = tpu.vector_load %arg8[%get3A_934, %get3A_935, %get3A_936] {strides = array<i32>} : memref<2x160x128xf32, #tpu.memory_space<vmem>>, vector<16xf32>,
        %mul3A_938 = arith.mulf %get3A_417, %get3A_937 : vector<16xf32>
        %mul3A_939 = arith.constant 16 : i32
        %mul3A_940 = arith.muli %scan3A_661, %mul3A_939 : i32
        %add3A_941 = arith.constant 3 : i32
        %add3A_942 = arith.addi %mul3A_940, %add3A_941 : i32
        %get3A_943 = arith.constant 0 : i32
        %get3A_944 = arith.index_cast %get3A_943 : i32 to index
        %get3A_945 = arith.index_cast %add3A_942 : i32 to index
        %get3A_946 = arith.constant 16 : index
        %get3A_947 = tpu.vector_load %arg8[%get3A_944, %get3A_945, %get3A_946] {strides = array<i32>} : memref<2x160x128xf32, #tpu.memory_space<vmem>>, vector<16xf32>,
        %mul3A_948 = arith.mulf %get3A_421, %get3A_947 : vector<16xf32>
        %mul3A_949 = arith.constant 16 : i32
        %mul3A_950 = arith.muli %scan3A_661, %mul3A_949 : i32
        %add3A_951 = arith.constant 3 : i32
        %add3A_952 = arith.addi %mul3A_950, %add3A_951 : i32
        %get3A_953 = arith.constant 0 : i32
        %get3A_954 = arith.index_cast %get3A_953 : i32 to index
        %get3A_955 = arith.index_cast %add3A_952 : i32 to index
        %get3A_956 = arith.constant 32 : index
        %get3A_957 = tpu.vector_load %arg8[%get3A_954, %get3A_955, %get3A_956] {strides = array<i32>} : memref<2x160x128xf32, #tpu.memory_space<vmem>>, vector<16xf32>,
        %mul3A_958 = arith.mulf %get3A_425, %get3A_957 : vector<16xf32>
        %mul3A_959 = arith.constant 16 : i32
        %mul3A_960 = arith.muli %scan3A_661, %mul3A_959 : i32
        %add3A_961 = arith.constant 3 : i32
        %add3A_962 = arith.addi %mul3A_960, %add3A_961 : i32
        %get3A_963 = arith.constant 0 : i32
        %get3A_964 = arith.index_cast %get3A_963 : i32 to index
        %get3A_965 = arith.index_cast %add3A_962 : i32 to index
        %get3A_966 = arith.constant 48 : index
        %get3A_967 = tpu.vector_load %arg8[%get3A_964, %get3A_965, %get3A_966] {strides = array<i32>} : memref<2x160x128xf32, #tpu.memory_space<vmem>>, vector<16xf32>,
        %mul3A_968 = arith.mulf %get3A_429, %get3A_967 : vector<16xf32>
        %mul3A_969 = arith.constant 16 : i32
        %mul3A_970 = arith.muli %scan3A_661, %mul3A_969 : i32
        %add3A_971 = arith.constant 3 : i32
        %add3A_972 = arith.addi %mul3A_970, %add3A_971 : i32
        %get3A_973 = arith.constant 0 : i32
        %get3A_974 = arith.index_cast %get3A_973 : i32 to index
        %get3A_975 = arith.index_cast %add3A_972 : i32 to index
        %get3A_976 = arith.constant 64 : index
        %get3A_977 = tpu.vector_load %arg8[%get3A_974, %get3A_975, %get3A_976] {strides = array<i32>} : memref<2x160x128xf32, #tpu.memory_space<vmem>>, vector<16xf32>,
        %mul3A_978 = arith.mulf %get3A_433, %get3A_977 : vector<16xf32>
        %mul3A_979 = arith.constant 16 : i32
        %mul3A_980 = arith.muli %scan3A_661, %mul3A_979 : i32
        %add3A_981 = arith.constant 3 : i32
        %add3A_982 = arith.addi %mul3A_980, %add3A_981 : i32
        %get3A_983 = arith.constant 0 : i32
        %get3A_984 = arith.index_cast %get3A_983 : i32 to index
        %get3A_985 = arith.index_cast %add3A_982 : i32 to index
        %get3A_986 = arith.constant 80 : index
        %get3A_987 = tpu.vector_load %arg8[%get3A_984, %get3A_985, %get3A_986] {strides = array<i32>} : memref<2x160x128xf32, #tpu.memory_space<vmem>>, vector<16xf32>,
        %mul3A_988 = arith.mulf %get3A_437, %get3A_987 : vector<16xf32>
        %mul3A_989 = arith.constant 16 : i32
        %mul3A_990 = arith.muli %scan3A_661, %mul3A_989 : i32
        %add3A_991 = arith.constant 3 : i32
        %add3A_992 = arith.addi %mul3A_990, %add3A_991 : i32
        %get3A_993 = arith.constant 0 : i32
        %get3A_994 = arith.index_cast %get3A_993 : i32 to index
        %get3A_995 = arith.index_cast %add3A_992 : i32 to index
        %get3A_996 = arith.constant 96 : index
        %get3A_997 = tpu.vector_load %arg8[%get3A_994, %get3A_995, %get3A_996] {strides = array<i32>} : memref<2x160x128xf32, #tpu.memory_space<vmem>>, vector<16xf32>,
        %mul3A_998 = arith.mulf %get3A_441, %get3A_997 : vector<16xf32>
        %mul3A_999 = arith.constant 16 : i32
        %mul3A_1000 = arith.muli %scan3A_661, %mul3A_999 : i32
        %add3A_1001 = arith.constant 3 : i32
        %add3A_1002 = arith.addi %mul3A_1000, %add3A_1001 : i32
        %get3A_1003 = arith.constant 0 : i32
        %get3A_1004 = arith.index_cast %get3A_1003 : i32 to index
        %get3A_1005 = arith.index_cast %add3A_1002 : i32 to index
        %get3A_1006 = arith.constant 112 : index
        %get3A_1007 = tpu.vector_load %arg8[%get3A_1004, %get3A_1005, %get3A_1006] {strides = array<i32>} : memref<2x160x128xf32, #tpu.memory_space<vmem>>, vector<16xf32>,
        %mul3A_1008 = arith.mulf %get3A_445, %get3A_1007 : vector<16xf32>
        %add3A_1009 = arith.addf %mul3A_938, %mul3A_948 : vector<16xf32>
        %add3A_1010 = arith.addf %mul3A_958, %mul3A_968 : vector<16xf32>
        %add3A_1011 = arith.addf %mul3A_978, %mul3A_988 : vector<16xf32>
        %add3A_1012 = arith.addf %mul3A_998, %mul3A_1008 : vector<16xf32>
        %add3A_1013 = arith.addf %add3A_1009, %add3A_1010 : vector<16xf32>
        %add3A_1014 = arith.addf %add3A_1011, %add3A_1012 : vector<16xf32>
        %add3A_1015 = arith.addf %add3A_1013, %add3A_1014 : vector<16xf32>
        %swap3A_1016 = arith.constant 48 : index
        %swap3A_1017 = tpu.vector_load %arg10[%swap3A_1016] {strides = array<i32>} : memref<256xf32, #tpu.memory_space<vmem>>, vector<16xf32>,
        tpu.vector_store %arg10[%swap3A_1016], %add3A_1015 {strides = array<i32>} : memref<256xf32, #tpu.memory_space<vmem>>, vector<16xf32>,
        %mul3A_1018 = arith.constant 16 : i32
        %mul3A_1019 = arith.muli %scan3A_661, %mul3A_1018 : i32
        %add3A_1020 = arith.constant 4 : i32
        %add3A_1021 = arith.addi %mul3A_1019, %add3A_1020 : i32
        %get3A_1022 = arith.constant 0 : i32
        %get3A_1023 = arith.index_cast %get3A_1022 : i32 to index
        %get3A_1024 = arith.index_cast %add3A_1021 : i32 to index
        %get3A_1025 = arith.constant 0 : index
        %get3A_1026 = tpu.vector_load %arg8[%get3A_1023, %get3A_1024, %get3A_1025] {strides = array<i32>} : memref<2x160x128xf32, #tpu.memory_space<vmem>>, vector<16xf32>,
        %mul3A_1027 = arith.mulf %get3A_417, %get3A_1026 : vector<16xf32>
        %mul3A_1028 = arith.constant 16 : i32
        %mul3A_1029 = arith.muli %scan3A_661, %mul3A_1028 : i32
        %add3A_1030 = arith.constant 4 : i32
        %add3A_1031 = arith.addi %mul3A_1029, %add3A_1030 : i32
        %get3A_1032 = arith.constant 0 : i32
        %get3A_1033 = arith.index_cast %get3A_1032 : i32 to index
        %get3A_1034 = arith.index_cast %add3A_1031 : i32 to index
        %get3A_1035 = arith.constant 16 : index
        %get3A_1036 = tpu.vector_load %arg8[%get3A_1033, %get3A_1034, %get3A_1035] {strides = array<i32>} : memref<2x160x128xf32, #tpu.memory_space<vmem>>, vector<16xf32>,
        %mul3A_1037 = arith.mulf %get3A_421, %get3A_1036 : vector<16xf32>
        %mul3A_1038 = arith.constant 16 : i32
        %mul3A_1039 = arith.muli %scan3A_661, %mul3A_1038 : i32
        %add3A_1040 = arith.constant 4 : i32
        %add3A_1041 = arith.addi %mul3A_1039, %add3A_1040 : i32
        %get3A_1042 = arith.constant 0 : i32
        %get3A_1043 = arith.index_cast %get3A_1042 : i32 to index
        %get3A_1044 = arith.index_cast %add3A_1041 : i32 to index
        %get3A_1045 = arith.constant 32 : index
        %get3A_1046 = tpu.vector_load %arg8[%get3A_1043, %get3A_1044, %get3A_1045] {strides = array<i32>} : memref<2x160x128xf32, #tpu.memory_space<vmem>>, vector<16xf32>,
        %mul3A_1047 = arith.mulf %get3A_425, %get3A_1046 : vector<16xf32>
        %mul3A_1048 = arith.constant 16 : i32
        %mul3A_1049 = arith.muli %scan3A_661, %mul3A_1048 : i32
        %add3A_1050 = arith.constant 4 : i32
        %add3A_1051 = arith.addi %mul3A_1049, %add3A_1050 : i32
        %get3A_1052 = arith.constant 0 : i32
        %get3A_1053 = arith.index_cast %get3A_1052 : i32 to index
        %get3A_1054 = arith.index_cast %add3A_1051 : i32 to index
        %get3A_1055 = arith.constant 48 : index
        %get3A_1056 = tpu.vector_load %arg8[%get3A_1053, %get3A_1054, %get3A_1055] {strides = array<i32>} : memref<2x160x128xf32, #tpu.memory_space<vmem>>, vector<16xf32>,
        %mul3A_1057 = arith.mulf %get3A_429, %get3A_1056 : vector<16xf32>
        %mul3A_1058 = arith.constant 16 : i32
        %mul3A_1059 = arith.muli %scan3A_661, %mul3A_1058 : i32
        %add3A_1060 = arith.constant 4 : i32
        %add3A_1061 = arith.addi %mul3A_1059, %add3A_1060 : i32
        %get3A_1062 = arith.constant 0 : i32
        %get3A_1063 = arith.index_cast %get3A_1062 : i32 to index
        %get3A_1064 = arith.index_cast %add3A_1061 : i32 to index
        %get3A_1065 = arith.constant 64 : index
        %get3A_1066 = tpu.vector_load %arg8[%get3A_1063, %get3A_1064, %get3A_1065] {strides = array<i32>} : memref<2x160x128xf32, #tpu.memory_space<vmem>>, vector<16xf32>,
        %mul3A_1067 = arith.mulf %get3A_433, %get3A_1066 : vector<16xf32>
        %mul3A_1068 = arith.constant 16 : i32
        %mul3A_1069 = arith.muli %scan3A_661, %mul3A_1068 : i32
        %add3A_1070 = arith.constant 4 : i32
        %add3A_1071 = arith.addi %mul3A_1069, %add3A_1070 : i32
        %get3A_1072 = arith.constant 0 : i32
        %get3A_1073 = arith.index_cast %get3A_1072 : i32 to index
        %get3A_1074 = arith.index_cast %add3A_1071 : i32 to index
        %get3A_1075 = arith.constant 80 : index
        %get3A_1076 = tpu.vector_load %arg8[%get3A_1073, %get3A_1074, %get3A_1075] {strides = array<i32>} : memref<2x160x128xf32, #tpu.memory_space<vmem>>, vector<16xf32>,
        %mul3A_1077 = arith.mulf %get3A_437, %get3A_1076 : vector<16xf32>
        %mul3A_1078 = arith.constant 16 : i32
        %mul3A_1079 = arith.muli %scan3A_661, %mul3A_1078 : i32
        %add3A_1080 = arith.constant 4 : i32
        %add3A_1081 = arith.addi %mul3A_1079, %add3A_1080 : i32
        %get3A_1082 = arith.constant 0 : i32
        %get3A_1083 = arith.index_cast %get3A_1082 : i32 to index
        %get3A_1084 = arith.index_cast %add3A_1081 : i32 to index
        %get3A_1085 = arith.constant 96 : index
        %get3A_1086 = tpu.vector_load %arg8[%get3A_1083, %get3A_1084, %get3A_1085] {strides = array<i32>} : memref<2x160x128xf32, #tpu.memory_space<vmem>>, vector<16xf32>,
        %mul3A_1087 = arith.mulf %get3A_441, %get3A_1086 : vector<16xf32>
        %mul3A_1088 = arith.constant 16 : i32
        %mul3A_1089 = arith.muli %scan3A_661, %mul3A_1088 : i32
        %add3A_1090 = arith.constant 4 : i32
        %add3A_1091 = arith.addi %mul3A_1089, %add3A_1090 : i32
        %get3A_1092 = arith.constant 0 : i32
        %get3A_1093 = arith.index_cast %get3A_1092 : i32 to index
        %get3A_1094 = arith.index_cast %add3A_1091 : i32 to index
        %get3A_1095 = arith.constant 112 : index
        %get3A_1096 = tpu.vector_load %arg8[%get3A_1093, %get3A_1094, %get3A_1095] {strides = array<i32>} : memref<2x160x128xf32, #tpu.memory_space<vmem>>, vector<16xf32>,
        %mul3A_1097 = arith.mulf %get3A_445, %get3A_1096 : vector<16xf32>
        %add3A_1098 = arith.addf %mul3A_1027, %mul3A_1037 : vector<16xf32>
        %add3A_1099 = arith.addf %mul3A_1047, %mul3A_1057 : vector<16xf32>
        %add3A_1100 = arith.addf %mul3A_1067, %mul3A_1077 : vector<16xf32>
        %add3A_1101 = arith.addf %mul3A_1087, %mul3A_1097 : vector<16xf32>
        %add3A_1102 = arith.addf %add3A_1098, %add3A_1099 : vector<16xf32>
        %add3A_1103 = arith.addf %add3A_1100, %add3A_1101 : vector<16xf32>
        %add3A_1104 = arith.addf %add3A_1102, %add3A_1103 : vector<16xf32>
        %swap3A_1105 = arith.constant 64 : index
        %swap3A_1106 = tpu.vector_load %arg10[%swap3A_1105] {strides = array<i32>} : memref<256xf32, #tpu.memory_space<vmem>>, vector<16xf32>,
        tpu.vector_store %arg10[%swap3A_1105], %add3A_1104 {strides = array<i32>} : memref<256xf32, #tpu.memory_space<vmem>>, vector<16xf32>,
        %mul3A_1107 = arith.constant 16 : i32
        %mul3A_1108 = arith.muli %scan3A_661, %mul3A_1107 : i32
        %add3A_1109 = arith.constant 5 : i32
        %add3A_1110 = arith.addi %mul3A_1108, %add3A_1109 : i32
        %get3A_1111 = arith.constant 0 : i32
        %get3A_1112 = arith.index_cast %get3A_1111 : i32 to index
        %get3A_1113 = arith.index_cast %add3A_1110 : i32 to index
        %get3A_1114 = arith.constant 0 : index
        %get3A_1115 = tpu.vector_load %arg8[%get3A_1112, %get3A_1113, %get3A_1114] {strides = array<i32>} : memref<2x160x128xf32, #tpu.memory_space<vmem>>, vector<16xf32>,
        %mul3A_1116 = arith.mulf %get3A_417, %get3A_1115 : vector<16xf32>
        %mul3A_1117 = arith.constant 16 : i32
        %mul3A_1118 = arith.muli %scan3A_661, %mul3A_1117 : i32
        %add3A_1119 = arith.constant 5 : i32
        %add3A_1120 = arith.addi %mul3A_1118, %add3A_1119 : i32
        %get3A_1121 = arith.constant 0 : i32
        %get3A_1122 = arith.index_cast %get3A_1121 : i32 to index
        %get3A_1123 = arith.index_cast %add3A_1120 : i32 to index
        %get3A_1124 = arith.constant 16 : index
        %get3A_1125 = tpu.vector_load %arg8[%get3A_1122, %get3A_1123, %get3A_1124] {strides = array<i32>} : memref<2x160x128xf32, #tpu.memory_space<vmem>>, vector<16xf32>,
        %mul3A_1126 = arith.mulf %get3A_421, %get3A_1125 : vector<16xf32>
        %mul3A_1127 = arith.constant 16 : i32
        %mul3A_1128 = arith.muli %scan3A_661, %mul3A_1127 : i32
        %add3A_1129 = arith.constant 5 : i32
        %add3A_1130 = arith.addi %mul3A_1128, %add3A_1129 : i32
        %get3A_1131 = arith.constant 0 : i32
        %get3A_1132 = arith.index_cast %get3A_1131 : i32 to index
        %get3A_1133 = arith.index_cast %add3A_1130 : i32 to index
        %get3A_1134 = arith.constant 32 : index
        %get3A_1135 = tpu.vector_load %arg8[%get3A_1132, %get3A_1133, %get3A_1134] {strides = array<i32>} : memref<2x160x128xf32, #tpu.memory_space<vmem>>, vector<16xf32>,
        %mul3A_1136 = arith.mulf %get3A_425, %get3A_1135 : vector<16xf32>
        %mul3A_1137 = arith.constant 16 : i32
        %mul3A_1138 = arith.muli %scan3A_661, %mul3A_1137 : i32
        %add3A_1139 = arith.constant 5 : i32
        %add3A_1140 = arith.addi %mul3A_1138, %add3A_1139 : i32
        %get3A_1141 = arith.constant 0 : i32
        %get3A_1142 = arith.index_cast %get3A_1141 : i32 to index
        %get3A_1143 = arith.index_cast %add3A_1140 : i32 to index
        %get3A_1144 = arith.constant 48 : index
        %get3A_1145 = tpu.vector_load %arg8[%get3A_1142, %get3A_1143, %get3A_1144] {strides = array<i32>} : memref<2x160x128xf32, #tpu.memory_space<vmem>>, vector<16xf32>,
        %mul3A_1146 = arith.mulf %get3A_429, %get3A_1145 : vector<16xf32>
        %mul3A_1147 = arith.constant 16 : i32
        %mul3A_1148 = arith.muli %scan3A_661, %mul3A_1147 : i32
        %add3A_1149 = arith.constant 5 : i32
        %add3A_1150 = arith.addi %mul3A_1148, %add3A_1149 : i32
        %get3A_1151 = arith.constant 0 : i32
        %get3A_1152 = arith.index_cast %get3A_1151 : i32 to index
        %get3A_1153 = arith.index_cast %add3A_1150 : i32 to index
        %get3A_1154 = arith.constant 64 : index
        %get3A_1155 = tpu.vector_load %arg8[%get3A_1152, %get3A_1153, %get3A_1154] {strides = array<i32>} : memref<2x160x128xf32, #tpu.memory_space<vmem>>, vector<16xf32>,
        %mul3A_1156 = arith.mulf %get3A_433, %get3A_1155 : vector<16xf32>
        %mul3A_1157 = arith.constant 16 : i32
        %mul3A_1158 = arith.muli %scan3A_661, %mul3A_1157 : i32
        %add3A_1159 = arith.constant 5 : i32
        %add3A_1160 = arith.addi %mul3A_1158, %add3A_1159 : i32
        %get3A_1161 = arith.constant 0 : i32
        %get3A_1162 = arith.index_cast %get3A_1161 : i32 to index
        %get3A_1163 = arith.index_cast %add3A_1160 : i32 to index
        %get3A_1164 = arith.constant 80 : index
        %get3A_1165 = tpu.vector_load %arg8[%get3A_1162, %get3A_1163, %get3A_1164] {strides = array<i32>} : memref<2x160x128xf32, #tpu.memory_space<vmem>>, vector<16xf32>,
        %mul3A_1166 = arith.mulf %get3A_437, %get3A_1165 : vector<16xf32>
        %mul3A_1167 = arith.constant 16 : i32
        %mul3A_1168 = arith.muli %scan3A_661, %mul3A_1167 : i32
        %add3A_1169 = arith.constant 5 : i32
        %add3A_1170 = arith.addi %mul3A_1168, %add3A_1169 : i32
        %get3A_1171 = arith.constant 0 : i32
        %get3A_1172 = arith.index_cast %get3A_1171 : i32 to index
        %get3A_1173 = arith.index_cast %add3A_1170 : i32 to index
        %get3A_1174 = arith.constant 96 : index
        %get3A_1175 = tpu.vector_load %arg8[%get3A_1172, %get3A_1173, %get3A_1174] {strides = array<i32>} : memref<2x160x128xf32, #tpu.memory_space<vmem>>, vector<16xf32>,
        %mul3A_1176 = arith.mulf %get3A_441, %get3A_1175 : vector<16xf32>
        %mul3A_1177 = arith.constant 16 : i32
        %mul3A_1178 = arith.muli %scan3A_661, %mul3A_1177 : i32
        %add3A_1179 = arith.constant 5 : i32
        %add3A_1180 = arith.addi %mul3A_1178, %add3A_1179 : i32
        %get3A_1181 = arith.constant 0 : i32
        %get3A_1182 = arith.index_cast %get3A_1181 : i32 to index
        %get3A_1183 = arith.index_cast %add3A_1180 : i32 to index
        %get3A_1184 = arith.constant 112 : index
        %get3A_1185 = tpu.vector_load %arg8[%get3A_1182, %get3A_1183, %get3A_1184] {strides = array<i32>} : memref<2x160x128xf32, #tpu.memory_space<vmem>>, vector<16xf32>,
        %mul3A_1186 = arith.mulf %get3A_445, %get3A_1185 : vector<16xf32>
        %add3A_1187 = arith.addf %mul3A_1116, %mul3A_1126 : vector<16xf32>
        %add3A_1188 = arith.addf %mul3A_1136, %mul3A_1146 : vector<16xf32>
        %add3A_1189 = arith.addf %mul3A_1156, %mul3A_1166 : vector<16xf32>
        %add3A_1190 = arith.addf %mul3A_1176, %mul3A_1186 : vector<16xf32>
        %add3A_1191 = arith.addf %add3A_1187, %add3A_1188 : vector<16xf32>
        %add3A_1192 = arith.addf %add3A_1189, %add3A_1190 : vector<16xf32>
        %add3A_1193 = arith.addf %add3A_1191, %add3A_1192 : vector<16xf32>
        %swap3A_1194 = arith.constant 80 : index
        %swap3A_1195 = tpu.vector_load %arg10[%swap3A_1194] {strides = array<i32>} : memref<256xf32, #tpu.memory_space<vmem>>, vector<16xf32>,
        tpu.vector_store %arg10[%swap3A_1194], %add3A_1193 {strides = array<i32>} : memref<256xf32, #tpu.memory_space<vmem>>, vector<16xf32>,
        %mul3A_1196 = arith.constant 16 : i32
        %mul3A_1197 = arith.muli %scan3A_661, %mul3A_1196 : i32
        %add3A_1198 = arith.constant 6 : i32
        %add3A_1199 = arith.addi %mul3A_1197, %add3A_1198 : i32
        %get3A_1200 = arith.constant 0 : i32
        %get3A_1201 = arith.index_cast %get3A_1200 : i32 to index
        %get3A_1202 = arith.index_cast %add3A_1199 : i32 to index
        %get3A_1203 = arith.constant 0 : index
        %get3A_1204 = tpu.vector_load %arg8[%get3A_1201, %get3A_1202, %get3A_1203] {strides = array<i32>} : memref<2x160x128xf32, #tpu.memory_space<vmem>>, vector<16xf32>,
        %mul3A_1205 = arith.mulf %get3A_417, %get3A_1204 : vector<16xf32>
        %mul3A_1206 = arith.constant 16 : i32
        %mul3A_1207 = arith.muli %scan3A_661, %mul3A_1206 : i32
        %add3A_1208 = arith.constant 6 : i32
        %add3A_1209 = arith.addi %mul3A_1207, %add3A_1208 : i32
        %get3A_1210 = arith.constant 0 : i32
        %get3A_1211 = arith.index_cast %get3A_1210 : i32 to index
        %get3A_1212 = arith.index_cast %add3A_1209 : i32 to index
        %get3A_1213 = arith.constant 16 : index
        %get3A_1214 = tpu.vector_load %arg8[%get3A_1211, %get3A_1212, %get3A_1213] {strides = array<i32>} : memref<2x160x128xf32, #tpu.memory_space<vmem>>, vector<16xf32>,
        %mul3A_1215 = arith.mulf %get3A_421, %get3A_1214 : vector<16xf32>
        %mul3A_1216 = arith.constant 16 : i32
        %mul3A_1217 = arith.muli %scan3A_661, %mul3A_1216 : i32
        %add3A_1218 = arith.constant 6 : i32
        %add3A_1219 = arith.addi %mul3A_1217, %add3A_1218 : i32
        %get3A_1220 = arith.constant 0 : i32
        %get3A_1221 = arith.index_cast %get3A_1220 : i32 to index
        %get3A_1222 = arith.index_cast %add3A_1219 : i32 to index
        %get3A_1223 = arith.constant 32 : index
        %get3A_1224 = tpu.vector_load %arg8[%get3A_1221, %get3A_1222, %get3A_1223] {strides = array<i32>} : memref<2x160x128xf32, #tpu.memory_space<vmem>>, vector<16xf32>,
        %mul3A_1225 = arith.mulf %get3A_425, %get3A_1224 : vector<16xf32>
        %mul3A_1226 = arith.constant 16 : i32
        %mul3A_1227 = arith.muli %scan3A_661, %mul3A_1226 : i32
        %add3A_1228 = arith.constant 6 : i32
        %add3A_1229 = arith.addi %mul3A_1227, %add3A_1228 : i32
        %get3A_1230 = arith.constant 0 : i32
        %get3A_1231 = arith.index_cast %get3A_1230 : i32 to index
        %get3A_1232 = arith.index_cast %add3A_1229 : i32 to index
        %get3A_1233 = arith.constant 48 : index
        %get3A_1234 = tpu.vector_load %arg8[%get3A_1231, %get3A_1232, %get3A_1233] {strides = array<i32>} : memref<2x160x128xf32, #tpu.memory_space<vmem>>, vector<16xf32>,
        %mul3A_1235 = arith.mulf %get3A_429, %get3A_1234 : vector<16xf32>
        %mul3A_1236 = arith.constant 16 : i32
        %mul3A_1237 = arith.muli %scan3A_661, %mul3A_1236 : i32
        %add3A_1238 = arith.constant 6 : i32
        %add3A_1239 = arith.addi %mul3A_1237, %add3A_1238 : i32
        %get3A_1240 = arith.constant 0 : i32
        %get3A_1241 = arith.index_cast %get3A_1240 : i32 to index
        %get3A_1242 = arith.index_cast %add3A_1239 : i32 to index
        %get3A_1243 = arith.constant 64 : index
        %get3A_1244 = tpu.vector_load %arg8[%get3A_1241, %get3A_1242, %get3A_1243] {strides = array<i32>} : memref<2x160x128xf32, #tpu.memory_space<vmem>>, vector<16xf32>,
        %mul3A_1245 = arith.mulf %get3A_433, %get3A_1244 : vector<16xf32>
        %mul3A_1246 = arith.constant 16 : i32
        %mul3A_1247 = arith.muli %scan3A_661, %mul3A_1246 : i32
        %add3A_1248 = arith.constant 6 : i32
        %add3A_1249 = arith.addi %mul3A_1247, %add3A_1248 : i32
        %get3A_1250 = arith.constant 0 : i32
        %get3A_1251 = arith.index_cast %get3A_1250 : i32 to index
        %get3A_1252 = arith.index_cast %add3A_1249 : i32 to index
        %get3A_1253 = arith.constant 80 : index
        %get3A_1254 = tpu.vector_load %arg8[%get3A_1251, %get3A_1252, %get3A_1253] {strides = array<i32>} : memref<2x160x128xf32, #tpu.memory_space<vmem>>, vector<16xf32>,
        %mul3A_1255 = arith.mulf %get3A_437, %get3A_1254 : vector<16xf32>
        %mul3A_1256 = arith.constant 16 : i32
        %mul3A_1257 = arith.muli %scan3A_661, %mul3A_1256 : i32
        %add3A_1258 = arith.constant 6 : i32
        %add3A_1259 = arith.addi %mul3A_1257, %add3A_1258 : i32
        %get3A_1260 = arith.constant 0 : i32
        %get3A_1261 = arith.index_cast %get3A_1260 : i32 to index
        %get3A_1262 = arith.index_cast %add3A_1259 : i32 to index
        %get3A_1263 = arith.constant 96 : index
        %get3A_1264 = tpu.vector_load %arg8[%get3A_1261, %get3A_1262, %get3A_1263] {strides = array<i32>} : memref<2x160x128xf32, #tpu.memory_space<vmem>>, vector<16xf32>,
        %mul3A_1265 = arith.mulf %get3A_441, %get3A_1264 : vector<16xf32>
        %mul3A_1266 = arith.constant 16 : i32
        %mul3A_1267 = arith.muli %scan3A_661, %mul3A_1266 : i32
        %add3A_1268 = arith.constant 6 : i32
        %add3A_1269 = arith.addi %mul3A_1267, %add3A_1268 : i32
        %get3A_1270 = arith.constant 0 : i32
        %get3A_1271 = arith.index_cast %get3A_1270 : i32 to index
        %get3A_1272 = arith.index_cast %add3A_1269 : i32 to index
        %get3A_1273 = arith.constant 112 : index
        %get3A_1274 = tpu.vector_load %arg8[%get3A_1271, %get3A_1272, %get3A_1273] {strides = array<i32>} : memref<2x160x128xf32, #tpu.memory_space<vmem>>, vector<16xf32>,
        %mul3A_1275 = arith.mulf %get3A_445, %get3A_1274 : vector<16xf32>
        %add3A_1276 = arith.addf %mul3A_1205, %mul3A_1215 : vector<16xf32>
        %add3A_1277 = arith.addf %mul3A_1225, %mul3A_1235 : vector<16xf32>
        %add3A_1278 = arith.addf %mul3A_1245, %mul3A_1255 : vector<16xf32>
        %add3A_1279 = arith.addf %mul3A_1265, %mul3A_1275 : vector<16xf32>
        %add3A_1280 = arith.addf %add3A_1276, %add3A_1277 : vector<16xf32>
        %add3A_1281 = arith.addf %add3A_1278, %add3A_1279 : vector<16xf32>
        %add3A_1282 = arith.addf %add3A_1280, %add3A_1281 : vector<16xf32>
        %swap3A_1283 = arith.constant 96 : index
        %swap3A_1284 = tpu.vector_load %arg10[%swap3A_1283] {strides = array<i32>} : memref<256xf32, #tpu.memory_space<vmem>>, vector<16xf32>,
        tpu.vector_store %arg10[%swap3A_1283], %add3A_1282 {strides = array<i32>} : memref<256xf32, #tpu.memory_space<vmem>>, vector<16xf32>,
        %mul3A_1285 = arith.constant 16 : i32
        %mul3A_1286 = arith.muli %scan3A_661, %mul3A_1285 : i32
        %add3A_1287 = arith.constant 7 : i32
        %add3A_1288 = arith.addi %mul3A_1286, %add3A_1287 : i32
        %get3A_1289 = arith.constant 0 : i32
        %get3A_1290 = arith.index_cast %get3A_1289 : i32 to index
        %get3A_1291 = arith.index_cast %add3A_1288 : i32 to index
        %get3A_1292 = arith.constant 0 : index
        %get3A_1293 = tpu.vector_load %arg8[%get3A_1290, %get3A_1291, %get3A_1292] {strides = array<i32>} : memref<2x160x128xf32, #tpu.memory_space<vmem>>, vector<16xf32>,
        %mul3A_1294 = arith.mulf %get3A_417, %get3A_1293 : vector<16xf32>
        %mul3A_1295 = arith.constant 16 : i32
        %mul3A_1296 = arith.muli %scan3A_661, %mul3A_1295 : i32
        %add3A_1297 = arith.constant 7 : i32
        %add3A_1298 = arith.addi %mul3A_1296, %add3A_1297 : i32
        %get3A_1299 = arith.constant 0 : i32
        %get3A_1300 = arith.index_cast %get3A_1299 : i32 to index
        %get3A_1301 = arith.index_cast %add3A_1298 : i32 to index
        %get3A_1302 = arith.constant 16 : index
        %get3A_1303 = tpu.vector_load %arg8[%get3A_1300, %get3A_1301, %get3A_1302] {strides = array<i32>} : memref<2x160x128xf32, #tpu.memory_space<vmem>>, vector<16xf32>,
        %mul3A_1304 = arith.mulf %get3A_421, %get3A_1303 : vector<16xf32>
        %mul3A_1305 = arith.constant 16 : i32
        %mul3A_1306 = arith.muli %scan3A_661, %mul3A_1305 : i32
        %add3A_1307 = arith.constant 7 : i32
        %add3A_1308 = arith.addi %mul3A_1306, %add3A_1307 : i32
        %get3A_1309 = arith.constant 0 : i32
        %get3A_1310 = arith.index_cast %get3A_1309 : i32 to index
        %get3A_1311 = arith.index_cast %add3A_1308 : i32 to index
        %get3A_1312 = arith.constant 32 : index
        %get3A_1313 = tpu.vector_load %arg8[%get3A_1310, %get3A_1311, %get3A_1312] {strides = array<i32>} : memref<2x160x128xf32, #tpu.memory_space<vmem>>, vector<16xf32>,
        %mul3A_1314 = arith.mulf %get3A_425, %get3A_1313 : vector<16xf32>
        %mul3A_1315 = arith.constant 16 : i32
        %mul3A_1316 = arith.muli %scan3A_661, %mul3A_1315 : i32
        %add3A_1317 = arith.constant 7 : i32
        %add3A_1318 = arith.addi %mul3A_1316, %add3A_1317 : i32
        %get3A_1319 = arith.constant 0 : i32
        %get3A_1320 = arith.index_cast %get3A_1319 : i32 to index
        %get3A_1321 = arith.index_cast %add3A_1318 : i32 to index
        %get3A_1322 = arith.constant 48 : index
        %get3A_1323 = tpu.vector_load %arg8[%get3A_1320, %get3A_1321, %get3A_1322] {strides = array<i32>} : memref<2x160x128xf32, #tpu.memory_space<vmem>>, vector<16xf32>,
        %mul3A_1324 = arith.mulf %get3A_429, %get3A_1323 : vector<16xf32>
        %mul3A_1325 = arith.constant 16 : i32
        %mul3A_1326 = arith.muli %scan3A_661, %mul3A_1325 : i32
        %add3A_1327 = arith.constant 7 : i32
        %add3A_1328 = arith.addi %mul3A_1326, %add3A_1327 : i32
        %get3A_1329 = arith.constant 0 : i32
        %get3A_1330 = arith.index_cast %get3A_1329 : i32 to index
        %get3A_1331 = arith.index_cast %add3A_1328 : i32 to index
        %get3A_1332 = arith.constant 64 : index
        %get3A_1333 = tpu.vector_load %arg8[%get3A_1330, %get3A_1331, %get3A_1332] {strides = array<i32>} : memref<2x160x128xf32, #tpu.memory_space<vmem>>, vector<16xf32>,
        %mul3A_1334 = arith.mulf %get3A_433, %get3A_1333 : vector<16xf32>
        %mul3A_1335 = arith.constant 16 : i32
        %mul3A_1336 = arith.muli %scan3A_661, %mul3A_1335 : i32
        %add3A_1337 = arith.constant 7 : i32
        %add3A_1338 = arith.addi %mul3A_1336, %add3A_1337 : i32
        %get3A_1339 = arith.constant 0 : i32
        %get3A_1340 = arith.index_cast %get3A_1339 : i32 to index
        %get3A_1341 = arith.index_cast %add3A_1338 : i32 to index
        %get3A_1342 = arith.constant 80 : index
        %get3A_1343 = tpu.vector_load %arg8[%get3A_1340, %get3A_1341, %get3A_1342] {strides = array<i32>} : memref<2x160x128xf32, #tpu.memory_space<vmem>>, vector<16xf32>,
        %mul3A_1344 = arith.mulf %get3A_437, %get3A_1343 : vector<16xf32>
        %mul3A_1345 = arith.constant 16 : i32
        %mul3A_1346 = arith.muli %scan3A_661, %mul3A_1345 : i32
        %add3A_1347 = arith.constant 7 : i32
        %add3A_1348 = arith.addi %mul3A_1346, %add3A_1347 : i32
        %get3A_1349 = arith.constant 0 : i32
        %get3A_1350 = arith.index_cast %get3A_1349 : i32 to index
        %get3A_1351 = arith.index_cast %add3A_1348 : i32 to index
        %get3A_1352 = arith.constant 96 : index
        %get3A_1353 = tpu.vector_load %arg8[%get3A_1350, %get3A_1351, %get3A_1352] {strides = array<i32>} : memref<2x160x128xf32, #tpu.memory_space<vmem>>, vector<16xf32>,
        %mul3A_1354 = arith.mulf %get3A_441, %get3A_1353 : vector<16xf32>
        %mul3A_1355 = arith.constant 16 : i32
        %mul3A_1356 = arith.muli %scan3A_661, %mul3A_1355 : i32
        %add3A_1357 = arith.constant 7 : i32
        %add3A_1358 = arith.addi %mul3A_1356, %add3A_1357 : i32
        %get3A_1359 = arith.constant 0 : i32
        %get3A_1360 = arith.index_cast %get3A_1359 : i32 to index
        %get3A_1361 = arith.index_cast %add3A_1358 : i32 to index
        %get3A_1362 = arith.constant 112 : index
        %get3A_1363 = tpu.vector_load %arg8[%get3A_1360, %get3A_1361, %get3A_1362] {strides = array<i32>} : memref<2x160x128xf32, #tpu.memory_space<vmem>>, vector<16xf32>,
        %mul3A_1364 = arith.mulf %get3A_445, %get3A_1363 : vector<16xf32>
        %add3A_1365 = arith.addf %mul3A_1294, %mul3A_1304 : vector<16xf32>
        %add3A_1366 = arith.addf %mul3A_1314, %mul3A_1324 : vector<16xf32>
        %add3A_1367 = arith.addf %mul3A_1334, %mul3A_1344 : vector<16xf32>
        %add3A_1368 = arith.addf %mul3A_1354, %mul3A_1364 : vector<16xf32>
        %add3A_1369 = arith.addf %add3A_1365, %add3A_1366 : vector<16xf32>
        %add3A_1370 = arith.addf %add3A_1367, %add3A_1368 : vector<16xf32>
        %add3A_1371 = arith.addf %add3A_1369, %add3A_1370 : vector<16xf32>
        %swap3A_1372 = arith.constant 112 : index
        %swap3A_1373 = tpu.vector_load %arg10[%swap3A_1372] {strides = array<i32>} : memref<256xf32, #tpu.memory_space<vmem>>, vector<16xf32>,
        tpu.vector_store %arg10[%swap3A_1372], %add3A_1371 {strides = array<i32>} : memref<256xf32, #tpu.memory_space<vmem>>, vector<16xf32>,
        %mul3A_1374 = arith.constant 16 : i32
        %mul3A_1375 = arith.muli %scan3A_661, %mul3A_1374 : i32
        %add3A_1376 = arith.constant 8 : i32
        %add3A_1377 = arith.addi %mul3A_1375, %add3A_1376 : i32
        %get3A_1378 = arith.constant 0 : i32
        %get3A_1379 = arith.index_cast %get3A_1378 : i32 to index
        %get3A_1380 = arith.index_cast %add3A_1377 : i32 to index
        %get3A_1381 = arith.constant 0 : index
        %get3A_1382 = tpu.vector_load %arg8[%get3A_1379, %get3A_1380, %get3A_1381] {strides = array<i32>} : memref<2x160x128xf32, #tpu.memory_space<vmem>>, vector<16xf32>,
        %mul3A_1383 = arith.mulf %get3A_417, %get3A_1382 : vector<16xf32>
        %mul3A_1384 = arith.constant 16 : i32
        %mul3A_1385 = arith.muli %scan3A_661, %mul3A_1384 : i32
        %add3A_1386 = arith.constant 8 : i32
        %add3A_1387 = arith.addi %mul3A_1385, %add3A_1386 : i32
        %get3A_1388 = arith.constant 0 : i32
        %get3A_1389 = arith.index_cast %get3A_1388 : i32 to index
        %get3A_1390 = arith.index_cast %add3A_1387 : i32 to index
        %get3A_1391 = arith.constant 16 : index
        %get3A_1392 = tpu.vector_load %arg8[%get3A_1389, %get3A_1390, %get3A_1391] {strides = array<i32>} : memref<2x160x128xf32, #tpu.memory_space<vmem>>, vector<16xf32>,
        %mul3A_1393 = arith.mulf %get3A_421, %get3A_1392 : vector<16xf32>
        %mul3A_1394 = arith.constant 16 : i32
        %mul3A_1395 = arith.muli %scan3A_661, %mul3A_1394 : i32
        %add3A_1396 = arith.constant 8 : i32
        %add3A_1397 = arith.addi %mul3A_1395, %add3A_1396 : i32
        %get3A_1398 = arith.constant 0 : i32
        %get3A_1399 = arith.index_cast %get3A_1398 : i32 to index
        %get3A_1400 = arith.index_cast %add3A_1397 : i32 to index
        %get3A_1401 = arith.constant 32 : index
        %get3A_1402 = tpu.vector_load %arg8[%get3A_1399, %get3A_1400, %get3A_1401] {strides = array<i32>} : memref<2x160x128xf32, #tpu.memory_space<vmem>>, vector<16xf32>,
        %mul3A_1403 = arith.mulf %get3A_425, %get3A_1402 : vector<16xf32>
        %mul3A_1404 = arith.constant 16 : i32
        %mul3A_1405 = arith.muli %scan3A_661, %mul3A_1404 : i32
        %add3A_1406 = arith.constant 8 : i32
        %add3A_1407 = arith.addi %mul3A_1405, %add3A_1406 : i32
        %get3A_1408 = arith.constant 0 : i32
        %get3A_1409 = arith.index_cast %get3A_1408 : i32 to index
        %get3A_1410 = arith.index_cast %add3A_1407 : i32 to index
        %get3A_1411 = arith.constant 48 : index
        %get3A_1412 = tpu.vector_load %arg8[%get3A_1409, %get3A_1410, %get3A_1411] {strides = array<i32>} : memref<2x160x128xf32, #tpu.memory_space<vmem>>, vector<16xf32>,
        %mul3A_1413 = arith.mulf %get3A_429, %get3A_1412 : vector<16xf32>
        %mul3A_1414 = arith.constant 16 : i32
        %mul3A_1415 = arith.muli %scan3A_661, %mul3A_1414 : i32
        %add3A_1416 = arith.constant 8 : i32
        %add3A_1417 = arith.addi %mul3A_1415, %add3A_1416 : i32
        %get3A_1418 = arith.constant 0 : i32
        %get3A_1419 = arith.index_cast %get3A_1418 : i32 to index
        %get3A_1420 = arith.index_cast %add3A_1417 : i32 to index
        %get3A_1421 = arith.constant 64 : index
        %get3A_1422 = tpu.vector_load %arg8[%get3A_1419, %get3A_1420, %get3A_1421] {strides = array<i32>} : memref<2x160x128xf32, #tpu.memory_space<vmem>>, vector<16xf32>,
        %mul3A_1423 = arith.mulf %get3A_433, %get3A_1422 : vector<16xf32>
        %mul3A_1424 = arith.constant 16 : i32
        %mul3A_1425 = arith.muli %scan3A_661, %mul3A_1424 : i32
        %add3A_1426 = arith.constant 8 : i32
        %add3A_1427 = arith.addi %mul3A_1425, %add3A_1426 : i32
        %get3A_1428 = arith.constant 0 : i32
        %get3A_1429 = arith.index_cast %get3A_1428 : i32 to index
        %get3A_1430 = arith.index_cast %add3A_1427 : i32 to index
        %get3A_1431 = arith.constant 80 : index
        %get3A_1432 = tpu.vector_load %arg8[%get3A_1429, %get3A_1430, %get3A_1431] {strides = array<i32>} : memref<2x160x128xf32, #tpu.memory_space<vmem>>, vector<16xf32>,
        %mul3A_1433 = arith.mulf %get3A_437, %get3A_1432 : vector<16xf32>
        %mul3A_1434 = arith.constant 16 : i32
        %mul3A_1435 = arith.muli %scan3A_661, %mul3A_1434 : i32
        %add3A_1436 = arith.constant 8 : i32
        %add3A_1437 = arith.addi %mul3A_1435, %add3A_1436 : i32
        %get3A_1438 = arith.constant 0 : i32
        %get3A_1439 = arith.index_cast %get3A_1438 : i32 to index
        %get3A_1440 = arith.index_cast %add3A_1437 : i32 to index
        %get3A_1441 = arith.constant 96 : index
        %get3A_1442 = tpu.vector_load %arg8[%get3A_1439, %get3A_1440, %get3A_1441] {strides = array<i32>} : memref<2x160x128xf32, #tpu.memory_space<vmem>>, vector<16xf32>,
        %mul3A_1443 = arith.mulf %get3A_441, %get3A_1442 : vector<16xf32>
        %mul3A_1444 = arith.constant 16 : i32
        %mul3A_1445 = arith.muli %scan3A_661, %mul3A_1444 : i32
        %add3A_1446 = arith.constant 8 : i32
        %add3A_1447 = arith.addi %mul3A_1445, %add3A_1446 : i32
        %get3A_1448 = arith.constant 0 : i32
        %get3A_1449 = arith.index_cast %get3A_1448 : i32 to index
        %get3A_1450 = arith.index_cast %add3A_1447 : i32 to index
        %get3A_1451 = arith.constant 112 : index
        %get3A_1452 = tpu.vector_load %arg8[%get3A_1449, %get3A_1450, %get3A_1451] {strides = array<i32>} : memref<2x160x128xf32, #tpu.memory_space<vmem>>, vector<16xf32>,
        %mul3A_1453 = arith.mulf %get3A_445, %get3A_1452 : vector<16xf32>
        %add3A_1454 = arith.addf %mul3A_1383, %mul3A_1393 : vector<16xf32>
        %add3A_1455 = arith.addf %mul3A_1403, %mul3A_1413 : vector<16xf32>
        %add3A_1456 = arith.addf %mul3A_1423, %mul3A_1433 : vector<16xf32>
        %add3A_1457 = arith.addf %mul3A_1443, %mul3A_1453 : vector<16xf32>
        %add3A_1458 = arith.addf %add3A_1454, %add3A_1455 : vector<16xf32>
        %add3A_1459 = arith.addf %add3A_1456, %add3A_1457 : vector<16xf32>
        %add3A_1460 = arith.addf %add3A_1458, %add3A_1459 : vector<16xf32>
        %swap3A_1461 = arith.constant 128 : index
        %swap3A_1462 = tpu.vector_load %arg10[%swap3A_1461] {strides = array<i32>} : memref<256xf32, #tpu.memory_space<vmem>>, vector<16xf32>,
        tpu.vector_store %arg10[%swap3A_1461], %add3A_1460 {strides = array<i32>} : memref<256xf32, #tpu.memory_space<vmem>>, vector<16xf32>,
        %mul3A_1463 = arith.constant 16 : i32
        %mul3A_1464 = arith.muli %scan3A_661, %mul3A_1463 : i32
        %add3A_1465 = arith.constant 9 : i32
        %add3A_1466 = arith.addi %mul3A_1464, %add3A_1465 : i32
        %get3A_1467 = arith.constant 0 : i32
        %get3A_1468 = arith.index_cast %get3A_1467 : i32 to index
        %get3A_1469 = arith.index_cast %add3A_1466 : i32 to index
        %get3A_1470 = arith.constant 0 : index
        %get3A_1471 = tpu.vector_load %arg8[%get3A_1468, %get3A_1469, %get3A_1470] {strides = array<i32>} : memref<2x160x128xf32, #tpu.memory_space<vmem>>, vector<16xf32>,
        %mul3A_1472 = arith.mulf %get3A_417, %get3A_1471 : vector<16xf32>
        %mul3A_1473 = arith.constant 16 : i32
        %mul3A_1474 = arith.muli %scan3A_661, %mul3A_1473 : i32
        %add3A_1475 = arith.constant 9 : i32
        %add3A_1476 = arith.addi %mul3A_1474, %add3A_1475 : i32
        %get3A_1477 = arith.constant 0 : i32
        %get3A_1478 = arith.index_cast %get3A_1477 : i32 to index
        %get3A_1479 = arith.index_cast %add3A_1476 : i32 to index
        %get3A_1480 = arith.constant 16 : index
        %get3A_1481 = tpu.vector_load %arg8[%get3A_1478, %get3A_1479, %get3A_1480] {strides = array<i32>} : memref<2x160x128xf32, #tpu.memory_space<vmem>>, vector<16xf32>,
        %mul3A_1482 = arith.mulf %get3A_421, %get3A_1481 : vector<16xf32>
        %mul3A_1483 = arith.constant 16 : i32
        %mul3A_1484 = arith.muli %scan3A_661, %mul3A_1483 : i32
        %add3A_1485 = arith.constant 9 : i32
        %add3A_1486 = arith.addi %mul3A_1484, %add3A_1485 : i32
        %get3A_1487 = arith.constant 0 : i32
        %get3A_1488 = arith.index_cast %get3A_1487 : i32 to index
        %get3A_1489 = arith.index_cast %add3A_1486 : i32 to index
        %get3A_1490 = arith.constant 32 : index
        %get3A_1491 = tpu.vector_load %arg8[%get3A_1488, %get3A_1489, %get3A_1490] {strides = array<i32>} : memref<2x160x128xf32, #tpu.memory_space<vmem>>, vector<16xf32>,
        %mul3A_1492 = arith.mulf %get3A_425, %get3A_1491 : vector<16xf32>
        %mul3A_1493 = arith.constant 16 : i32
        %mul3A_1494 = arith.muli %scan3A_661, %mul3A_1493 : i32
        %add3A_1495 = arith.constant 9 : i32
        %add3A_1496 = arith.addi %mul3A_1494, %add3A_1495 : i32
        %get3A_1497 = arith.constant 0 : i32
        %get3A_1498 = arith.index_cast %get3A_1497 : i32 to index
        %get3A_1499 = arith.index_cast %add3A_1496 : i32 to index
        %get3A_1500 = arith.constant 48 : index
        %get3A_1501 = tpu.vector_load %arg8[%get3A_1498, %get3A_1499, %get3A_1500] {strides = array<i32>} : memref<2x160x128xf32, #tpu.memory_space<vmem>>, vector<16xf32>,
        %mul3A_1502 = arith.mulf %get3A_429, %get3A_1501 : vector<16xf32>
        %mul3A_1503 = arith.constant 16 : i32
        %mul3A_1504 = arith.muli %scan3A_661, %mul3A_1503 : i32
        %add3A_1505 = arith.constant 9 : i32
        %add3A_1506 = arith.addi %mul3A_1504, %add3A_1505 : i32
        %get3A_1507 = arith.constant 0 : i32
        %get3A_1508 = arith.index_cast %get3A_1507 : i32 to index
        %get3A_1509 = arith.index_cast %add3A_1506 : i32 to index
        %get3A_1510 = arith.constant 64 : index
        %get3A_1511 = tpu.vector_load %arg8[%get3A_1508, %get3A_1509, %get3A_1510] {strides = array<i32>} : memref<2x160x128xf32, #tpu.memory_space<vmem>>, vector<16xf32>,
        %mul3A_1512 = arith.mulf %get3A_433, %get3A_1511 : vector<16xf32>
        %mul3A_1513 = arith.constant 16 : i32
        %mul3A_1514 = arith.muli %scan3A_661, %mul3A_1513 : i32
        %add3A_1515 = arith.constant 9 : i32
        %add3A_1516 = arith.addi %mul3A_1514, %add3A_1515 : i32
        %get3A_1517 = arith.constant 0 : i32
        %get3A_1518 = arith.index_cast %get3A_1517 : i32 to index
        %get3A_1519 = arith.index_cast %add3A_1516 : i32 to index
        %get3A_1520 = arith.constant 80 : index
        %get3A_1521 = tpu.vector_load %arg8[%get3A_1518, %get3A_1519, %get3A_1520] {strides = array<i32>} : memref<2x160x128xf32, #tpu.memory_space<vmem>>, vector<16xf32>,
        %mul3A_1522 = arith.mulf %get3A_437, %get3A_1521 : vector<16xf32>
        %mul3A_1523 = arith.constant 16 : i32
        %mul3A_1524 = arith.muli %scan3A_661, %mul3A_1523 : i32
        %add3A_1525 = arith.constant 9 : i32
        %add3A_1526 = arith.addi %mul3A_1524, %add3A_1525 : i32
        %get3A_1527 = arith.constant 0 : i32
        %get3A_1528 = arith.index_cast %get3A_1527 : i32 to index
        %get3A_1529 = arith.index_cast %add3A_1526 : i32 to index
        %get3A_1530 = arith.constant 96 : index
        %get3A_1531 = tpu.vector_load %arg8[%get3A_1528, %get3A_1529, %get3A_1530] {strides = array<i32>} : memref<2x160x128xf32, #tpu.memory_space<vmem>>, vector<16xf32>,
        %mul3A_1532 = arith.mulf %get3A_441, %get3A_1531 : vector<16xf32>
        %mul3A_1533 = arith.constant 16 : i32
        %mul3A_1534 = arith.muli %scan3A_661, %mul3A_1533 : i32
        %add3A_1535 = arith.constant 9 : i32
        %add3A_1536 = arith.addi %mul3A_1534, %add3A_1535 : i32
        %get3A_1537 = arith.constant 0 : i32
        %get3A_1538 = arith.index_cast %get3A_1537 : i32 to index
        %get3A_1539 = arith.index_cast %add3A_1536 : i32 to index
        %get3A_1540 = arith.constant 112 : index
        %get3A_1541 = tpu.vector_load %arg8[%get3A_1538, %get3A_1539, %get3A_1540] {strides = array<i32>} : memref<2x160x128xf32, #tpu.memory_space<vmem>>, vector<16xf32>,
        %mul3A_1542 = arith.mulf %get3A_445, %get3A_1541 : vector<16xf32>
        %add3A_1543 = arith.addf %mul3A_1472, %mul3A_1482 : vector<16xf32>
        %add3A_1544 = arith.addf %mul3A_1492, %mul3A_1502 : vector<16xf32>
        %add3A_1545 = arith.addf %mul3A_1512, %mul3A_1522 : vector<16xf32>
        %add3A_1546 = arith.addf %mul3A_1532, %mul3A_1542 : vector<16xf32>
        %add3A_1547 = arith.addf %add3A_1543, %add3A_1544 : vector<16xf32>
        %add3A_1548 = arith.addf %add3A_1545, %add3A_1546 : vector<16xf32>
        %add3A_1549 = arith.addf %add3A_1547, %add3A_1548 : vector<16xf32>
        %swap3A_1550 = arith.constant 144 : index
        %swap3A_1551 = tpu.vector_load %arg10[%swap3A_1550] {strides = array<i32>} : memref<256xf32, #tpu.memory_space<vmem>>, vector<16xf32>,
        tpu.vector_store %arg10[%swap3A_1550], %add3A_1549 {strides = array<i32>} : memref<256xf32, #tpu.memory_space<vmem>>, vector<16xf32>,
        %mul3A_1552 = arith.constant 16 : i32
        %mul3A_1553 = arith.muli %scan3A_661, %mul3A_1552 : i32
        %add3A_1554 = arith.constant 10 : i32
        %add3A_1555 = arith.addi %mul3A_1553, %add3A_1554 : i32
        %get3A_1556 = arith.constant 0 : i32
        %get3A_1557 = arith.index_cast %get3A_1556 : i32 to index
        %get3A_1558 = arith.index_cast %add3A_1555 : i32 to index
        %get3A_1559 = arith.constant 0 : index
        %get3A_1560 = tpu.vector_load %arg8[%get3A_1557, %get3A_1558, %get3A_1559] {strides = array<i32>} : memref<2x160x128xf32, #tpu.memory_space<vmem>>, vector<16xf32>,
        %mul3A_1561 = arith.mulf %get3A_417, %get3A_1560 : vector<16xf32>
        %mul3A_1562 = arith.constant 16 : i32
        %mul3A_1563 = arith.muli %scan3A_661, %mul3A_1562 : i32
        %add3A_1564 = arith.constant 10 : i32
        %add3A_1565 = arith.addi %mul3A_1563, %add3A_1564 : i32
        %get3A_1566 = arith.constant 0 : i32
        %get3A_1567 = arith.index_cast %get3A_1566 : i32 to index
        %get3A_1568 = arith.index_cast %add3A_1565 : i32 to index
        %get3A_1569 = arith.constant 16 : index
        %get3A_1570 = tpu.vector_load %arg8[%get3A_1567, %get3A_1568, %get3A_1569] {strides = array<i32>} : memref<2x160x128xf32, #tpu.memory_space<vmem>>, vector<16xf32>,
        %mul3A_1571 = arith.mulf %get3A_421, %get3A_1570 : vector<16xf32>
        %mul3A_1572 = arith.constant 16 : i32
        %mul3A_1573 = arith.muli %scan3A_661, %mul3A_1572 : i32
        %add3A_1574 = arith.constant 10 : i32
        %add3A_1575 = arith.addi %mul3A_1573, %add3A_1574 : i32
        %get3A_1576 = arith.constant 0 : i32
        %get3A_1577 = arith.index_cast %get3A_1576 : i32 to index
        %get3A_1578 = arith.index_cast %add3A_1575 : i32 to index
        %get3A_1579 = arith.constant 32 : index
        %get3A_1580 = tpu.vector_load %arg8[%get3A_1577, %get3A_1578, %get3A_1579] {strides = array<i32>} : memref<2x160x128xf32, #tpu.memory_space<vmem>>, vector<16xf32>,
        %mul3A_1581 = arith.mulf %get3A_425, %get3A_1580 : vector<16xf32>
        %mul3A_1582 = arith.constant 16 : i32
        %mul3A_1583 = arith.muli %scan3A_661, %mul3A_1582 : i32
        %add3A_1584 = arith.constant 10 : i32
        %add3A_1585 = arith.addi %mul3A_1583, %add3A_1584 : i32
        %get3A_1586 = arith.constant 0 : i32
        %get3A_1587 = arith.index_cast %get3A_1586 : i32 to index
        %get3A_1588 = arith.index_cast %add3A_1585 : i32 to index
        %get3A_1589 = arith.constant 48 : index
        %get3A_1590 = tpu.vector_load %arg8[%get3A_1587, %get3A_1588, %get3A_1589] {strides = array<i32>} : memref<2x160x128xf32, #tpu.memory_space<vmem>>, vector<16xf32>,
        %mul3A_1591 = arith.mulf %get3A_429, %get3A_1590 : vector<16xf32>
        %mul3A_1592 = arith.constant 16 : i32
        %mul3A_1593 = arith.muli %scan3A_661, %mul3A_1592 : i32
        %add3A_1594 = arith.constant 10 : i32
        %add3A_1595 = arith.addi %mul3A_1593, %add3A_1594 : i32
        %get3A_1596 = arith.constant 0 : i32
        %get3A_1597 = arith.index_cast %get3A_1596 : i32 to index
        %get3A_1598 = arith.index_cast %add3A_1595 : i32 to index
        %get3A_1599 = arith.constant 64 : index
        %get3A_1600 = tpu.vector_load %arg8[%get3A_1597, %get3A_1598, %get3A_1599] {strides = array<i32>} : memref<2x160x128xf32, #tpu.memory_space<vmem>>, vector<16xf32>,
        %mul3A_1601 = arith.mulf %get3A_433, %get3A_1600 : vector<16xf32>
        %mul3A_1602 = arith.constant 16 : i32
        %mul3A_1603 = arith.muli %scan3A_661, %mul3A_1602 : i32
        %add3A_1604 = arith.constant 10 : i32
        %add3A_1605 = arith.addi %mul3A_1603, %add3A_1604 : i32
        %get3A_1606 = arith.constant 0 : i32
        %get3A_1607 = arith.index_cast %get3A_1606 : i32 to index
        %get3A_1608 = arith.index_cast %add3A_1605 : i32 to index
        %get3A_1609 = arith.constant 80 : index
        %get3A_1610 = tpu.vector_load %arg8[%get3A_1607, %get3A_1608, %get3A_1609] {strides = array<i32>} : memref<2x160x128xf32, #tpu.memory_space<vmem>>, vector<16xf32>,
        %mul3A_1611 = arith.mulf %get3A_437, %get3A_1610 : vector<16xf32>
        %mul3A_1612 = arith.constant 16 : i32
        %mul3A_1613 = arith.muli %scan3A_661, %mul3A_1612 : i32
        %add3A_1614 = arith.constant 10 : i32
        %add3A_1615 = arith.addi %mul3A_1613, %add3A_1614 : i32
        %get3A_1616 = arith.constant 0 : i32
        %get3A_1617 = arith.index_cast %get3A_1616 : i32 to index
        %get3A_1618 = arith.index_cast %add3A_1615 : i32 to index
        %get3A_1619 = arith.constant 96 : index
        %get3A_1620 = tpu.vector_load %arg8[%get3A_1617, %get3A_1618, %get3A_1619] {strides = array<i32>} : memref<2x160x128xf32, #tpu.memory_space<vmem>>, vector<16xf32>,
        %mul3A_1621 = arith.mulf %get3A_441, %get3A_1620 : vector<16xf32>
        %mul3A_1622 = arith.constant 16 : i32
        %mul3A_1623 = arith.muli %scan3A_661, %mul3A_1622 : i32
        %add3A_1624 = arith.constant 10 : i32
        %add3A_1625 = arith.addi %mul3A_1623, %add3A_1624 : i32
        %get3A_1626 = arith.constant 0 : i32
        %get3A_1627 = arith.index_cast %get3A_1626 : i32 to index
        %get3A_1628 = arith.index_cast %add3A_1625 : i32 to index
        %get3A_1629 = arith.constant 112 : index
        %get3A_1630 = tpu.vector_load %arg8[%get3A_1627, %get3A_1628, %get3A_1629] {strides = array<i32>} : memref<2x160x128xf32, #tpu.memory_space<vmem>>, vector<16xf32>,
        %mul3A_1631 = arith.mulf %get3A_445, %get3A_1630 : vector<16xf32>
        %add3A_1632 = arith.addf %mul3A_1561, %mul3A_1571 : vector<16xf32>
        %add3A_1633 = arith.addf %mul3A_1581, %mul3A_1591 : vector<16xf32>
        %add3A_1634 = arith.addf %mul3A_1601, %mul3A_1611 : vector<16xf32>
        %add3A_1635 = arith.addf %mul3A_1621, %mul3A_1631 : vector<16xf32>
        %add3A_1636 = arith.addf %add3A_1632, %add3A_1633 : vector<16xf32>
        %add3A_1637 = arith.addf %add3A_1634, %add3A_1635 : vector<16xf32>
        %add3A_1638 = arith.addf %add3A_1636, %add3A_1637 : vector<16xf32>
        %swap3A_1639 = arith.constant 160 : index
        %swap3A_1640 = tpu.vector_load %arg10[%swap3A_1639] {strides = array<i32>} : memref<256xf32, #tpu.memory_space<vmem>>, vector<16xf32>,
        tpu.vector_store %arg10[%swap3A_1639], %add3A_1638 {strides = array<i32>} : memref<256xf32, #tpu.memory_space<vmem>>, vector<16xf32>,
        %mul3A_1641 = arith.constant 16 : i32
        %mul3A_1642 = arith.muli %scan3A_661, %mul3A_1641 : i32
        %add3A_1643 = arith.constant 11 : i32
        %add3A_1644 = arith.addi %mul3A_1642, %add3A_1643 : i32
        %get3A_1645 = arith.constant 0 : i32
        %get3A_1646 = arith.index_cast %get3A_1645 : i32 to index
        %get3A_1647 = arith.index_cast %add3A_1644 : i32 to index
        %get3A_1648 = arith.constant 0 : index
        %get3A_1649 = tpu.vector_load %arg8[%get3A_1646, %get3A_1647, %get3A_1648] {strides = array<i32>} : memref<2x160x128xf32, #tpu.memory_space<vmem>>, vector<16xf32>,
        %mul3A_1650 = arith.mulf %get3A_417, %get3A_1649 : vector<16xf32>
        %mul3A_1651 = arith.constant 16 : i32
        %mul3A_1652 = arith.muli %scan3A_661, %mul3A_1651 : i32
        %add3A_1653 = arith.constant 11 : i32
        %add3A_1654 = arith.addi %mul3A_1652, %add3A_1653 : i32
        %get3A_1655 = arith.constant 0 : i32
        %get3A_1656 = arith.index_cast %get3A_1655 : i32 to index
        %get3A_1657 = arith.index_cast %add3A_1654 : i32 to index
        %get3A_1658 = arith.constant 16 : index
        %get3A_1659 = tpu.vector_load %arg8[%get3A_1656, %get3A_1657, %get3A_1658] {strides = array<i32>} : memref<2x160x128xf32, #tpu.memory_space<vmem>>, vector<16xf32>,
        %mul3A_1660 = arith.mulf %get3A_421, %get3A_1659 : vector<16xf32>
        %mul3A_1661 = arith.constant 16 : i32
        %mul3A_1662 = arith.muli %scan3A_661, %mul3A_1661 : i32
        %add3A_1663 = arith.constant 11 : i32
        %add3A_1664 = arith.addi %mul3A_1662, %add3A_1663 : i32
        %get3A_1665 = arith.constant 0 : i32
        %get3A_1666 = arith.index_cast %get3A_1665 : i32 to index
        %get3A_1667 = arith.index_cast %add3A_1664 : i32 to index
        %get3A_1668 = arith.constant 32 : index
        %get3A_1669 = tpu.vector_load %arg8[%get3A_1666, %get3A_1667, %get3A_1668] {strides = array<i32>} : memref<2x160x128xf32, #tpu.memory_space<vmem>>, vector<16xf32>,
        %mul3A_1670 = arith.mulf %get3A_425, %get3A_1669 : vector<16xf32>
        %mul3A_1671 = arith.constant 16 : i32
        %mul3A_1672 = arith.muli %scan3A_661, %mul3A_1671 : i32
        %add3A_1673 = arith.constant 11 : i32
        %add3A_1674 = arith.addi %mul3A_1672, %add3A_1673 : i32
        %get3A_1675 = arith.constant 0 : i32
        %get3A_1676 = arith.index_cast %get3A_1675 : i32 to index
        %get3A_1677 = arith.index_cast %add3A_1674 : i32 to index
        %get3A_1678 = arith.constant 48 : index
        %get3A_1679 = tpu.vector_load %arg8[%get3A_1676, %get3A_1677, %get3A_1678] {strides = array<i32>} : memref<2x160x128xf32, #tpu.memory_space<vmem>>, vector<16xf32>,
        %mul3A_1680 = arith.mulf %get3A_429, %get3A_1679 : vector<16xf32>
        %mul3A_1681 = arith.constant 16 : i32
        %mul3A_1682 = arith.muli %scan3A_661, %mul3A_1681 : i32
        %add3A_1683 = arith.constant 11 : i32
        %add3A_1684 = arith.addi %mul3A_1682, %add3A_1683 : i32
        %get3A_1685 = arith.constant 0 : i32
        %get3A_1686 = arith.index_cast %get3A_1685 : i32 to index
        %get3A_1687 = arith.index_cast %add3A_1684 : i32 to index
        %get3A_1688 = arith.constant 64 : index
        %get3A_1689 = tpu.vector_load %arg8[%get3A_1686, %get3A_1687, %get3A_1688] {strides = array<i32>} : memref<2x160x128xf32, #tpu.memory_space<vmem>>, vector<16xf32>,
        %mul3A_1690 = arith.mulf %get3A_433, %get3A_1689 : vector<16xf32>
        %mul3A_1691 = arith.constant 16 : i32
        %mul3A_1692 = arith.muli %scan3A_661, %mul3A_1691 : i32
        %add3A_1693 = arith.constant 11 : i32
        %add3A_1694 = arith.addi %mul3A_1692, %add3A_1693 : i32
        %get3A_1695 = arith.constant 0 : i32
        %get3A_1696 = arith.index_cast %get3A_1695 : i32 to index
        %get3A_1697 = arith.index_cast %add3A_1694 : i32 to index
        %get3A_1698 = arith.constant 80 : index
        %get3A_1699 = tpu.vector_load %arg8[%get3A_1696, %get3A_1697, %get3A_1698] {strides = array<i32>} : memref<2x160x128xf32, #tpu.memory_space<vmem>>, vector<16xf32>,
        %mul3A_1700 = arith.mulf %get3A_437, %get3A_1699 : vector<16xf32>
        %mul3A_1701 = arith.constant 16 : i32
        %mul3A_1702 = arith.muli %scan3A_661, %mul3A_1701 : i32
        %add3A_1703 = arith.constant 11 : i32
        %add3A_1704 = arith.addi %mul3A_1702, %add3A_1703 : i32
        %get3A_1705 = arith.constant 0 : i32
        %get3A_1706 = arith.index_cast %get3A_1705 : i32 to index
        %get3A_1707 = arith.index_cast %add3A_1704 : i32 to index
        %get3A_1708 = arith.constant 96 : index
        %get3A_1709 = tpu.vector_load %arg8[%get3A_1706, %get3A_1707, %get3A_1708] {strides = array<i32>} : memref<2x160x128xf32, #tpu.memory_space<vmem>>, vector<16xf32>,
        %mul3A_1710 = arith.mulf %get3A_441, %get3A_1709 : vector<16xf32>
        %mul3A_1711 = arith.constant 16 : i32
        %mul3A_1712 = arith.muli %scan3A_661, %mul3A_1711 : i32
        %add3A_1713 = arith.constant 11 : i32
        %add3A_1714 = arith.addi %mul3A_1712, %add3A_1713 : i32
        %get3A_1715 = arith.constant 0 : i32
        %get3A_1716 = arith.index_cast %get3A_1715 : i32 to index
        %get3A_1717 = arith.index_cast %add3A_1714 : i32 to index
        %get3A_1718 = arith.constant 112 : index
        %get3A_1719 = tpu.vector_load %arg8[%get3A_1716, %get3A_1717, %get3A_1718] {strides = array<i32>} : memref<2x160x128xf32, #tpu.memory_space<vmem>>, vector<16xf32>,
        %mul3A_1720 = arith.mulf %get3A_445, %get3A_1719 : vector<16xf32>
        %add3A_1721 = arith.addf %mul3A_1650, %mul3A_1660 : vector<16xf32>
        %add3A_1722 = arith.addf %mul3A_1670, %mul3A_1680 : vector<16xf32>
        %add3A_1723 = arith.addf %mul3A_1690, %mul3A_1700 : vector<16xf32>
        %add3A_1724 = arith.addf %mul3A_1710, %mul3A_1720 : vector<16xf32>
        %add3A_1725 = arith.addf %add3A_1721, %add3A_1722 : vector<16xf32>
        %add3A_1726 = arith.addf %add3A_1723, %add3A_1724 : vector<16xf32>
        %add3A_1727 = arith.addf %add3A_1725, %add3A_1726 : vector<16xf32>
        %swap3A_1728 = arith.constant 176 : index
        %swap3A_1729 = tpu.vector_load %arg10[%swap3A_1728] {strides = array<i32>} : memref<256xf32, #tpu.memory_space<vmem>>, vector<16xf32>,
        tpu.vector_store %arg10[%swap3A_1728], %add3A_1727 {strides = array<i32>} : memref<256xf32, #tpu.memory_space<vmem>>, vector<16xf32>,
        %mul3A_1730 = arith.constant 16 : i32
        %mul3A_1731 = arith.muli %scan3A_661, %mul3A_1730 : i32
        %add3A_1732 = arith.constant 12 : i32
        %add3A_1733 = arith.addi %mul3A_1731, %add3A_1732 : i32
        %get3A_1734 = arith.constant 0 : i32
        %get3A_1735 = arith.index_cast %get3A_1734 : i32 to index
        %get3A_1736 = arith.index_cast %add3A_1733 : i32 to index
        %get3A_1737 = arith.constant 0 : index
        %get3A_1738 = tpu.vector_load %arg8[%get3A_1735, %get3A_1736, %get3A_1737] {strides = array<i32>} : memref<2x160x128xf32, #tpu.memory_space<vmem>>, vector<16xf32>,
        %mul3A_1739 = arith.mulf %get3A_417, %get3A_1738 : vector<16xf32>
        %mul3A_1740 = arith.constant 16 : i32
        %mul3A_1741 = arith.muli %scan3A_661, %mul3A_1740 : i32
        %add3A_1742 = arith.constant 12 : i32
        %add3A_1743 = arith.addi %mul3A_1741, %add3A_1742 : i32
        %get3A_1744 = arith.constant 0 : i32
        %get3A_1745 = arith.index_cast %get3A_1744 : i32 to index
        %get3A_1746 = arith.index_cast %add3A_1743 : i32 to index
        %get3A_1747 = arith.constant 16 : index
        %get3A_1748 = tpu.vector_load %arg8[%get3A_1745, %get3A_1746, %get3A_1747] {strides = array<i32>} : memref<2x160x128xf32, #tpu.memory_space<vmem>>, vector<16xf32>,
        %mul3A_1749 = arith.mulf %get3A_421, %get3A_1748 : vector<16xf32>
        %mul3A_1750 = arith.constant 16 : i32
        %mul3A_1751 = arith.muli %scan3A_661, %mul3A_1750 : i32
        %add3A_1752 = arith.constant 12 : i32
        %add3A_1753 = arith.addi %mul3A_1751, %add3A_1752 : i32
        %get3A_1754 = arith.constant 0 : i32
        %get3A_1755 = arith.index_cast %get3A_1754 : i32 to index
        %get3A_1756 = arith.index_cast %add3A_1753 : i32 to index
        %get3A_1757 = arith.constant 32 : index
        %get3A_1758 = tpu.vector_load %arg8[%get3A_1755, %get3A_1756, %get3A_1757] {strides = array<i32>} : memref<2x160x128xf32, #tpu.memory_space<vmem>>, vector<16xf32>,
        %mul3A_1759 = arith.mulf %get3A_425, %get3A_1758 : vector<16xf32>
        %mul3A_1760 = arith.constant 16 : i32
        %mul3A_1761 = arith.muli %scan3A_661, %mul3A_1760 : i32
        %add3A_1762 = arith.constant 12 : i32
        %add3A_1763 = arith.addi %mul3A_1761, %add3A_1762 : i32
        %get3A_1764 = arith.constant 0 : i32
        %get3A_1765 = arith.index_cast %get3A_1764 : i32 to index
        %get3A_1766 = arith.index_cast %add3A_1763 : i32 to index
        %get3A_1767 = arith.constant 48 : index
        %get3A_1768 = tpu.vector_load %arg8[%get3A_1765, %get3A_1766, %get3A_1767] {strides = array<i32>} : memref<2x160x128xf32, #tpu.memory_space<vmem>>, vector<16xf32>,
        %mul3A_1769 = arith.mulf %get3A_429, %get3A_1768 : vector<16xf32>
        %mul3A_1770 = arith.constant 16 : i32
        %mul3A_1771 = arith.muli %scan3A_661, %mul3A_1770 : i32
        %add3A_1772 = arith.constant 12 : i32
        %add3A_1773 = arith.addi %mul3A_1771, %add3A_1772 : i32
        %get3A_1774 = arith.constant 0 : i32
        %get3A_1775 = arith.index_cast %get3A_1774 : i32 to index
        %get3A_1776 = arith.index_cast %add3A_1773 : i32 to index
        %get3A_1777 = arith.constant 64 : index
        %get3A_1778 = tpu.vector_load %arg8[%get3A_1775, %get3A_1776, %get3A_1777] {strides = array<i32>} : memref<2x160x128xf32, #tpu.memory_space<vmem>>, vector<16xf32>,
        %mul3A_1779 = arith.mulf %get3A_433, %get3A_1778 : vector<16xf32>
        %mul3A_1780 = arith.constant 16 : i32
        %mul3A_1781 = arith.muli %scan3A_661, %mul3A_1780 : i32
        %add3A_1782 = arith.constant 12 : i32
        %add3A_1783 = arith.addi %mul3A_1781, %add3A_1782 : i32
        %get3A_1784 = arith.constant 0 : i32
        %get3A_1785 = arith.index_cast %get3A_1784 : i32 to index
        %get3A_1786 = arith.index_cast %add3A_1783 : i32 to index
        %get3A_1787 = arith.constant 80 : index
        %get3A_1788 = tpu.vector_load %arg8[%get3A_1785, %get3A_1786, %get3A_1787] {strides = array<i32>} : memref<2x160x128xf32, #tpu.memory_space<vmem>>, vector<16xf32>,
        %mul3A_1789 = arith.mulf %get3A_437, %get3A_1788 : vector<16xf32>
        %mul3A_1790 = arith.constant 16 : i32
        %mul3A_1791 = arith.muli %scan3A_661, %mul3A_1790 : i32
        %add3A_1792 = arith.constant 12 : i32
        %add3A_1793 = arith.addi %mul3A_1791, %add3A_1792 : i32
        %get3A_1794 = arith.constant 0 : i32
        %get3A_1795 = arith.index_cast %get3A_1794 : i32 to index
        %get3A_1796 = arith.index_cast %add3A_1793 : i32 to index
        %get3A_1797 = arith.constant 96 : index
        %get3A_1798 = tpu.vector_load %arg8[%get3A_1795, %get3A_1796, %get3A_1797] {strides = array<i32>} : memref<2x160x128xf32, #tpu.memory_space<vmem>>, vector<16xf32>,
        %mul3A_1799 = arith.mulf %get3A_441, %get3A_1798 : vector<16xf32>
        %mul3A_1800 = arith.constant 16 : i32
        %mul3A_1801 = arith.muli %scan3A_661, %mul3A_1800 : i32
        %add3A_1802 = arith.constant 12 : i32
        %add3A_1803 = arith.addi %mul3A_1801, %add3A_1802 : i32
        %get3A_1804 = arith.constant 0 : i32
        %get3A_1805 = arith.index_cast %get3A_1804 : i32 to index
        %get3A_1806 = arith.index_cast %add3A_1803 : i32 to index
        %get3A_1807 = arith.constant 112 : index
        %get3A_1808 = tpu.vector_load %arg8[%get3A_1805, %get3A_1806, %get3A_1807] {strides = array<i32>} : memref<2x160x128xf32, #tpu.memory_space<vmem>>, vector<16xf32>,
        %mul3A_1809 = arith.mulf %get3A_445, %get3A_1808 : vector<16xf32>
        %add3A_1810 = arith.addf %mul3A_1739, %mul3A_1749 : vector<16xf32>
        %add3A_1811 = arith.addf %mul3A_1759, %mul3A_1769 : vector<16xf32>
        %add3A_1812 = arith.addf %mul3A_1779, %mul3A_1789 : vector<16xf32>
        %add3A_1813 = arith.addf %mul3A_1799, %mul3A_1809 : vector<16xf32>
        %add3A_1814 = arith.addf %add3A_1810, %add3A_1811 : vector<16xf32>
        %add3A_1815 = arith.addf %add3A_1812, %add3A_1813 : vector<16xf32>
        %add3A_1816 = arith.addf %add3A_1814, %add3A_1815 : vector<16xf32>
        %swap3A_1817 = arith.constant 192 : index
        %swap3A_1818 = tpu.vector_load %arg10[%swap3A_1817] {strides = array<i32>} : memref<256xf32, #tpu.memory_space<vmem>>, vector<16xf32>,
        tpu.vector_store %arg10[%swap3A_1817], %add3A_1816 {strides = array<i32>} : memref<256xf32, #tpu.memory_space<vmem>>, vector<16xf32>,
        %mul3A_1819 = arith.constant 16 : i32
        %mul3A_1820 = arith.muli %scan3A_661, %mul3A_1819 : i32
        %add3A_1821 = arith.constant 13 : i32
        %add3A_1822 = arith.addi %mul3A_1820, %add3A_1821 : i32
        %get3A_1823 = arith.constant 0 : i32
        %get3A_1824 = arith.index_cast %get3A_1823 : i32 to index
        %get3A_1825 = arith.index_cast %add3A_1822 : i32 to index
        %get3A_1826 = arith.constant 0 : index
        %get3A_1827 = tpu.vector_load %arg8[%get3A_1824, %get3A_1825, %get3A_1826] {strides = array<i32>} : memref<2x160x128xf32, #tpu.memory_space<vmem>>, vector<16xf32>,
        %mul3A_1828 = arith.mulf %get3A_417, %get3A_1827 : vector<16xf32>
        %mul3A_1829 = arith.constant 16 : i32
        %mul3A_1830 = arith.muli %scan3A_661, %mul3A_1829 : i32
        %add3A_1831 = arith.constant 13 : i32
        %add3A_1832 = arith.addi %mul3A_1830, %add3A_1831 : i32
        %get3A_1833 = arith.constant 0 : i32
        %get3A_1834 = arith.index_cast %get3A_1833 : i32 to index
        %get3A_1835 = arith.index_cast %add3A_1832 : i32 to index
        %get3A_1836 = arith.constant 16 : index
        %get3A_1837 = tpu.vector_load %arg8[%get3A_1834, %get3A_1835, %get3A_1836] {strides = array<i32>} : memref<2x160x128xf32, #tpu.memory_space<vmem>>, vector<16xf32>,
        %mul3A_1838 = arith.mulf %get3A_421, %get3A_1837 : vector<16xf32>
        %mul3A_1839 = arith.constant 16 : i32
        %mul3A_1840 = arith.muli %scan3A_661, %mul3A_1839 : i32
        %add3A_1841 = arith.constant 13 : i32
        %add3A_1842 = arith.addi %mul3A_1840, %add3A_1841 : i32
        %get3A_1843 = arith.constant 0 : i32
        %get3A_1844 = arith.index_cast %get3A_1843 : i32 to index
        %get3A_1845 = arith.index_cast %add3A_1842 : i32 to index
        %get3A_1846 = arith.constant 32 : index
        %get3A_1847 = tpu.vector_load %arg8[%get3A_1844, %get3A_1845, %get3A_1846] {strides = array<i32>} : memref<2x160x128xf32, #tpu.memory_space<vmem>>, vector<16xf32>,
        %mul3A_1848 = arith.mulf %get3A_425, %get3A_1847 : vector<16xf32>
        %mul3A_1849 = arith.constant 16 : i32
        %mul3A_1850 = arith.muli %scan3A_661, %mul3A_1849 : i32
        %add3A_1851 = arith.constant 13 : i32
        %add3A_1852 = arith.addi %mul3A_1850, %add3A_1851 : i32
        %get3A_1853 = arith.constant 0 : i32
        %get3A_1854 = arith.index_cast %get3A_1853 : i32 to index
        %get3A_1855 = arith.index_cast %add3A_1852 : i32 to index
        %get3A_1856 = arith.constant 48 : index
        %get3A_1857 = tpu.vector_load %arg8[%get3A_1854, %get3A_1855, %get3A_1856] {strides = array<i32>} : memref<2x160x128xf32, #tpu.memory_space<vmem>>, vector<16xf32>,
        %mul3A_1858 = arith.mulf %get3A_429, %get3A_1857 : vector<16xf32>
        %mul3A_1859 = arith.constant 16 : i32
        %mul3A_1860 = arith.muli %scan3A_661, %mul3A_1859 : i32
        %add3A_1861 = arith.constant 13 : i32
        %add3A_1862 = arith.addi %mul3A_1860, %add3A_1861 : i32
        %get3A_1863 = arith.constant 0 : i32
        %get3A_1864 = arith.index_cast %get3A_1863 : i32 to index
        %get3A_1865 = arith.index_cast %add3A_1862 : i32 to index
        %get3A_1866 = arith.constant 64 : index
        %get3A_1867 = tpu.vector_load %arg8[%get3A_1864, %get3A_1865, %get3A_1866] {strides = array<i32>} : memref<2x160x128xf32, #tpu.memory_space<vmem>>, vector<16xf32>,
        %mul3A_1868 = arith.mulf %get3A_433, %get3A_1867 : vector<16xf32>
        %mul3A_1869 = arith.constant 16 : i32
        %mul3A_1870 = arith.muli %scan3A_661, %mul3A_1869 : i32
        %add3A_1871 = arith.constant 13 : i32
        %add3A_1872 = arith.addi %mul3A_1870, %add3A_1871 : i32
        %get3A_1873 = arith.constant 0 : i32
        %get3A_1874 = arith.index_cast %get3A_1873 : i32 to index
        %get3A_1875 = arith.index_cast %add3A_1872 : i32 to index
        %get3A_1876 = arith.constant 80 : index
        %get3A_1877 = tpu.vector_load %arg8[%get3A_1874, %get3A_1875, %get3A_1876] {strides = array<i32>} : memref<2x160x128xf32, #tpu.memory_space<vmem>>, vector<16xf32>,
        %mul3A_1878 = arith.mulf %get3A_437, %get3A_1877 : vector<16xf32>
        %mul3A_1879 = arith.constant 16 : i32
        %mul3A_1880 = arith.muli %scan3A_661, %mul3A_1879 : i32
        %add3A_1881 = arith.constant 13 : i32
        %add3A_1882 = arith.addi %mul3A_1880, %add3A_1881 : i32
        %get3A_1883 = arith.constant 0 : i32
        %get3A_1884 = arith.index_cast %get3A_1883 : i32 to index
        %get3A_1885 = arith.index_cast %add3A_1882 : i32 to index
        %get3A_1886 = arith.constant 96 : index
        %get3A_1887 = tpu.vector_load %arg8[%get3A_1884, %get3A_1885, %get3A_1886] {strides = array<i32>} : memref<2x160x128xf32, #tpu.memory_space<vmem>>, vector<16xf32>,
        %mul3A_1888 = arith.mulf %get3A_441, %get3A_1887 : vector<16xf32>
        %mul3A_1889 = arith.constant 16 : i32
        %mul3A_1890 = arith.muli %scan3A_661, %mul3A_1889 : i32
        %add3A_1891 = arith.constant 13 : i32
        %add3A_1892 = arith.addi %mul3A_1890, %add3A_1891 : i32
        %get3A_1893 = arith.constant 0 : i32
        %get3A_1894 = arith.index_cast %get3A_1893 : i32 to index
        %get3A_1895 = arith.index_cast %add3A_1892 : i32 to index
        %get3A_1896 = arith.constant 112 : index
        %get3A_1897 = tpu.vector_load %arg8[%get3A_1894, %get3A_1895, %get3A_1896] {strides = array<i32>} : memref<2x160x128xf32, #tpu.memory_space<vmem>>, vector<16xf32>,
        %mul3A_1898 = arith.mulf %get3A_445, %get3A_1897 : vector<16xf32>
        %add3A_1899 = arith.addf %mul3A_1828, %mul3A_1838 : vector<16xf32>
        %add3A_1900 = arith.addf %mul3A_1848, %mul3A_1858 : vector<16xf32>
        %add3A_1901 = arith.addf %mul3A_1868, %mul3A_1878 : vector<16xf32>
        %add3A_1902 = arith.addf %mul3A_1888, %mul3A_1898 : vector<16xf32>
        %add3A_1903 = arith.addf %add3A_1899, %add3A_1900 : vector<16xf32>
        %add3A_1904 = arith.addf %add3A_1901, %add3A_1902 : vector<16xf32>
        %add3A_1905 = arith.addf %add3A_1903, %add3A_1904 : vector<16xf32>
        %swap3A_1906 = arith.constant 208 : index
        %swap3A_1907 = tpu.vector_load %arg10[%swap3A_1906] {strides = array<i32>} : memref<256xf32, #tpu.memory_space<vmem>>, vector<16xf32>,
        tpu.vector_store %arg10[%swap3A_1906], %add3A_1905 {strides = array<i32>} : memref<256xf32, #tpu.memory_space<vmem>>, vector<16xf32>,
        %mul3A_1908 = arith.constant 16 : i32
        %mul3A_1909 = arith.muli %scan3A_661, %mul3A_1908 : i32
        %add3A_1910 = arith.constant 14 : i32
        %add3A_1911 = arith.addi %mul3A_1909, %add3A_1910 : i32
        %get3A_1912 = arith.constant 0 : i32
        %get3A_1913 = arith.index_cast %get3A_1912 : i32 to index
        %get3A_1914 = arith.index_cast %add3A_1911 : i32 to index
        %get3A_1915 = arith.constant 0 : index
        %get3A_1916 = tpu.vector_load %arg8[%get3A_1913, %get3A_1914, %get3A_1915] {strides = array<i32>} : memref<2x160x128xf32, #tpu.memory_space<vmem>>, vector<16xf32>,
        %mul3A_1917 = arith.mulf %get3A_417, %get3A_1916 : vector<16xf32>
        %mul3A_1918 = arith.constant 16 : i32
        %mul3A_1919 = arith.muli %scan3A_661, %mul3A_1918 : i32
        %add3A_1920 = arith.constant 14 : i32
        %add3A_1921 = arith.addi %mul3A_1919, %add3A_1920 : i32
        %get3A_1922 = arith.constant 0 : i32
        %get3A_1923 = arith.index_cast %get3A_1922 : i32 to index
        %get3A_1924 = arith.index_cast %add3A_1921 : i32 to index
        %get3A_1925 = arith.constant 16 : index
        %get3A_1926 = tpu.vector_load %arg8[%get3A_1923, %get3A_1924, %get3A_1925] {strides = array<i32>} : memref<2x160x128xf32, #tpu.memory_space<vmem>>, vector<16xf32>,
        %mul3A_1927 = arith.mulf %get3A_421, %get3A_1926 : vector<16xf32>
        %mul3A_1928 = arith.constant 16 : i32
        %mul3A_1929 = arith.muli %scan3A_661, %mul3A_1928 : i32
        %add3A_1930 = arith.constant 14 : i32
        %add3A_1931 = arith.addi %mul3A_1929, %add3A_1930 : i32
        %get3A_1932 = arith.constant 0 : i32
        %get3A_1933 = arith.index_cast %get3A_1932 : i32 to index
        %get3A_1934 = arith.index_cast %add3A_1931 : i32 to index
        %get3A_1935 = arith.constant 32 : index
        %get3A_1936 = tpu.vector_load %arg8[%get3A_1933, %get3A_1934, %get3A_1935] {strides = array<i32>} : memref<2x160x128xf32, #tpu.memory_space<vmem>>, vector<16xf32>,
        %mul3A_1937 = arith.mulf %get3A_425, %get3A_1936 : vector<16xf32>
        %mul3A_1938 = arith.constant 16 : i32
        %mul3A_1939 = arith.muli %scan3A_661, %mul3A_1938 : i32
        %add3A_1940 = arith.constant 14 : i32
        %add3A_1941 = arith.addi %mul3A_1939, %add3A_1940 : i32
        %get3A_1942 = arith.constant 0 : i32
        %get3A_1943 = arith.index_cast %get3A_1942 : i32 to index
        %get3A_1944 = arith.index_cast %add3A_1941 : i32 to index
        %get3A_1945 = arith.constant 48 : index
        %get3A_1946 = tpu.vector_load %arg8[%get3A_1943, %get3A_1944, %get3A_1945] {strides = array<i32>} : memref<2x160x128xf32, #tpu.memory_space<vmem>>, vector<16xf32>,
        %mul3A_1947 = arith.mulf %get3A_429, %get3A_1946 : vector<16xf32>
        %mul3A_1948 = arith.constant 16 : i32
        %mul3A_1949 = arith.muli %scan3A_661, %mul3A_1948 : i32
        %add3A_1950 = arith.constant 14 : i32
        %add3A_1951 = arith.addi %mul3A_1949, %add3A_1950 : i32
        %get3A_1952 = arith.constant 0 : i32
        %get3A_1953 = arith.index_cast %get3A_1952 : i32 to index
        %get3A_1954 = arith.index_cast %add3A_1951 : i32 to index
        %get3A_1955 = arith.constant 64 : index
        %get3A_1956 = tpu.vector_load %arg8[%get3A_1953, %get3A_1954, %get3A_1955] {strides = array<i32>} : memref<2x160x128xf32, #tpu.memory_space<vmem>>, vector<16xf32>,
        %mul3A_1957 = arith.mulf %get3A_433, %get3A_1956 : vector<16xf32>
        %mul3A_1958 = arith.constant 16 : i32
        %mul3A_1959 = arith.muli %scan3A_661, %mul3A_1958 : i32
        %add3A_1960 = arith.constant 14 : i32
        %add3A_1961 = arith.addi %mul3A_1959, %add3A_1960 : i32
        %get3A_1962 = arith.constant 0 : i32
        %get3A_1963 = arith.index_cast %get3A_1962 : i32 to index
        %get3A_1964 = arith.index_cast %add3A_1961 : i32 to index
        %get3A_1965 = arith.constant 80 : index
        %get3A_1966 = tpu.vector_load %arg8[%get3A_1963, %get3A_1964, %get3A_1965] {strides = array<i32>} : memref<2x160x128xf32, #tpu.memory_space<vmem>>, vector<16xf32>,
        %mul3A_1967 = arith.mulf %get3A_437, %get3A_1966 : vector<16xf32>
        %mul3A_1968 = arith.constant 16 : i32
        %mul3A_1969 = arith.muli %scan3A_661, %mul3A_1968 : i32
        %add3A_1970 = arith.constant 14 : i32
        %add3A_1971 = arith.addi %mul3A_1969, %add3A_1970 : i32
        %get3A_1972 = arith.constant 0 : i32
        %get3A_1973 = arith.index_cast %get3A_1972 : i32 to index
        %get3A_1974 = arith.index_cast %add3A_1971 : i32 to index
        %get3A_1975 = arith.constant 96 : index
        %get3A_1976 = tpu.vector_load %arg8[%get3A_1973, %get3A_1974, %get3A_1975] {strides = array<i32>} : memref<2x160x128xf32, #tpu.memory_space<vmem>>, vector<16xf32>,
        %mul3A_1977 = arith.mulf %get3A_441, %get3A_1976 : vector<16xf32>
        %mul3A_1978 = arith.constant 16 : i32
        %mul3A_1979 = arith.muli %scan3A_661, %mul3A_1978 : i32
        %add3A_1980 = arith.constant 14 : i32
        %add3A_1981 = arith.addi %mul3A_1979, %add3A_1980 : i32
        %get3A_1982 = arith.constant 0 : i32
        %get3A_1983 = arith.index_cast %get3A_1982 : i32 to index
        %get3A_1984 = arith.index_cast %add3A_1981 : i32 to index
        %get3A_1985 = arith.constant 112 : index
        %get3A_1986 = tpu.vector_load %arg8[%get3A_1983, %get3A_1984, %get3A_1985] {strides = array<i32>} : memref<2x160x128xf32, #tpu.memory_space<vmem>>, vector<16xf32>,
        %mul3A_1987 = arith.mulf %get3A_445, %get3A_1986 : vector<16xf32>
        %add3A_1988 = arith.addf %mul3A_1917, %mul3A_1927 : vector<16xf32>
        %add3A_1989 = arith.addf %mul3A_1937, %mul3A_1947 : vector<16xf32>
        %add3A_1990 = arith.addf %mul3A_1957, %mul3A_1967 : vector<16xf32>
        %add3A_1991 = arith.addf %mul3A_1977, %mul3A_1987 : vector<16xf32>
        %add3A_1992 = arith.addf %add3A_1988, %add3A_1989 : vector<16xf32>
        %add3A_1993 = arith.addf %add3A_1990, %add3A_1991 : vector<16xf32>
        %add3A_1994 = arith.addf %add3A_1992, %add3A_1993 : vector<16xf32>
        %swap3A_1995 = arith.constant 224 : index
        %swap3A_1996 = tpu.vector_load %arg10[%swap3A_1995] {strides = array<i32>} : memref<256xf32, #tpu.memory_space<vmem>>, vector<16xf32>,
        tpu.vector_store %arg10[%swap3A_1995], %add3A_1994 {strides = array<i32>} : memref<256xf32, #tpu.memory_space<vmem>>, vector<16xf32>,
        %mul3A_1997 = arith.constant 16 : i32
        %mul3A_1998 = arith.muli %scan3A_661, %mul3A_1997 : i32
        %add3A_1999 = arith.constant 15 : i32
        %add3A_2000 = arith.addi %mul3A_1998, %add3A_1999 : i32
        %get3A_2001 = arith.constant 0 : i32
        %get3A_2002 = arith.index_cast %get3A_2001 : i32 to index
        %get3A_2003 = arith.index_cast %add3A_2000 : i32 to index
        %get3A_2004 = arith.constant 0 : index
        %get3A_2005 = tpu.vector_load %arg8[%get3A_2002, %get3A_2003, %get3A_2004] {strides = array<i32>} : memref<2x160x128xf32, #tpu.memory_space<vmem>>, vector<16xf32>,
        %mul3A_2006 = arith.mulf %get3A_417, %get3A_2005 : vector<16xf32>
        %mul3A_2007 = arith.constant 16 : i32
        %mul3A_2008 = arith.muli %scan3A_661, %mul3A_2007 : i32
        %add3A_2009 = arith.constant 15 : i32
        %add3A_2010 = arith.addi %mul3A_2008, %add3A_2009 : i32
        %get3A_2011 = arith.constant 0 : i32
        %get3A_2012 = arith.index_cast %get3A_2011 : i32 to index
        %get3A_2013 = arith.index_cast %add3A_2010 : i32 to index
        %get3A_2014 = arith.constant 16 : index
        %get3A_2015 = tpu.vector_load %arg8[%get3A_2012, %get3A_2013, %get3A_2014] {strides = array<i32>} : memref<2x160x128xf32, #tpu.memory_space<vmem>>, vector<16xf32>,
        %mul3A_2016 = arith.mulf %get3A_421, %get3A_2015 : vector<16xf32>
        %mul3A_2017 = arith.constant 16 : i32
        %mul3A_2018 = arith.muli %scan3A_661, %mul3A_2017 : i32
        %add3A_2019 = arith.constant 15 : i32
        %add3A_2020 = arith.addi %mul3A_2018, %add3A_2019 : i32
        %get3A_2021 = arith.constant 0 : i32
        %get3A_2022 = arith.index_cast %get3A_2021 : i32 to index
        %get3A_2023 = arith.index_cast %add3A_2020 : i32 to index
        %get3A_2024 = arith.constant 32 : index
        %get3A_2025 = tpu.vector_load %arg8[%get3A_2022, %get3A_2023, %get3A_2024] {strides = array<i32>} : memref<2x160x128xf32, #tpu.memory_space<vmem>>, vector<16xf32>,
        %mul3A_2026 = arith.mulf %get3A_425, %get3A_2025 : vector<16xf32>
        %mul3A_2027 = arith.constant 16 : i32
        %mul3A_2028 = arith.muli %scan3A_661, %mul3A_2027 : i32
        %add3A_2029 = arith.constant 15 : i32
        %add3A_2030 = arith.addi %mul3A_2028, %add3A_2029 : i32
        %get3A_2031 = arith.constant 0 : i32
        %get3A_2032 = arith.index_cast %get3A_2031 : i32 to index
        %get3A_2033 = arith.index_cast %add3A_2030 : i32 to index
        %get3A_2034 = arith.constant 48 : index
        %get3A_2035 = tpu.vector_load %arg8[%get3A_2032, %get3A_2033, %get3A_2034] {strides = array<i32>} : memref<2x160x128xf32, #tpu.memory_space<vmem>>, vector<16xf32>,
        %mul3A_2036 = arith.mulf %get3A_429, %get3A_2035 : vector<16xf32>
        %mul3A_2037 = arith.constant 16 : i32
        %mul3A_2038 = arith.muli %scan3A_661, %mul3A_2037 : i32
        %add3A_2039 = arith.constant 15 : i32
        %add3A_2040 = arith.addi %mul3A_2038, %add3A_2039 : i32
        %get3A_2041 = arith.constant 0 : i32
        %get3A_2042 = arith.index_cast %get3A_2041 : i32 to index
        %get3A_2043 = arith.index_cast %add3A_2040 : i32 to index
        %get3A_2044 = arith.constant 64 : index
        %get3A_2045 = tpu.vector_load %arg8[%get3A_2042, %get3A_2043, %get3A_2044] {strides = array<i32>} : memref<2x160x128xf32, #tpu.memory_space<vmem>>, vector<16xf32>,
        %mul3A_2046 = arith.mulf %get3A_433, %get3A_2045 : vector<16xf32>
        %mul3A_2047 = arith.constant 16 : i32
        %mul3A_2048 = arith.muli %scan3A_661, %mul3A_2047 : i32
        %add3A_2049 = arith.constant 15 : i32
        %add3A_2050 = arith.addi %mul3A_2048, %add3A_2049 : i32
        %get3A_2051 = arith.constant 0 : i32
        %get3A_2052 = arith.index_cast %get3A_2051 : i32 to index
        %get3A_2053 = arith.index_cast %add3A_2050 : i32 to index
        %get3A_2054 = arith.constant 80 : index
        %get3A_2055 = tpu.vector_load %arg8[%get3A_2052, %get3A_2053, %get3A_2054] {strides = array<i32>} : memref<2x160x128xf32, #tpu.memory_space<vmem>>, vector<16xf32>,
        %mul3A_2056 = arith.mulf %get3A_437, %get3A_2055 : vector<16xf32>
        %mul3A_2057 = arith.constant 16 : i32
        %mul3A_2058 = arith.muli %scan3A_661, %mul3A_2057 : i32
        %add3A_2059 = arith.constant 15 : i32
        %add3A_2060 = arith.addi %mul3A_2058, %add3A_2059 : i32
        %get3A_2061 = arith.constant 0 : i32
        %get3A_2062 = arith.index_cast %get3A_2061 : i32 to index
        %get3A_2063 = arith.index_cast %add3A_2060 : i32 to index
        %get3A_2064 = arith.constant 96 : index
        %get3A_2065 = tpu.vector_load %arg8[%get3A_2062, %get3A_2063, %get3A_2064] {strides = array<i32>} : memref<2x160x128xf32, #tpu.memory_space<vmem>>, vector<16xf32>,
        %mul3A_2066 = arith.mulf %get3A_441, %get3A_2065 : vector<16xf32>
        %mul3A_2067 = arith.constant 16 : i32
        %mul3A_2068 = arith.muli %scan3A_661, %mul3A_2067 : i32
        %add3A_2069 = arith.constant 15 : i32
        %add3A_2070 = arith.addi %mul3A_2068, %add3A_2069 : i32
        %get3A_2071 = arith.constant 0 : i32
        %get3A_2072 = arith.index_cast %get3A_2071 : i32 to index
        %get3A_2073 = arith.index_cast %add3A_2070 : i32 to index
        %get3A_2074 = arith.constant 112 : index
        %get3A_2075 = tpu.vector_load %arg8[%get3A_2072, %get3A_2073, %get3A_2074] {strides = array<i32>} : memref<2x160x128xf32, #tpu.memory_space<vmem>>, vector<16xf32>,
        %mul3A_2076 = arith.mulf %get3A_445, %get3A_2075 : vector<16xf32>
        %add3A_2077 = arith.addf %mul3A_2006, %mul3A_2016 : vector<16xf32>
        %add3A_2078 = arith.addf %mul3A_2026, %mul3A_2036 : vector<16xf32>
        %add3A_2079 = arith.addf %mul3A_2046, %mul3A_2056 : vector<16xf32>
        %add3A_2080 = arith.addf %mul3A_2066, %mul3A_2076 : vector<16xf32>
        %add3A_2081 = arith.addf %add3A_2077, %add3A_2078 : vector<16xf32>
        %add3A_2082 = arith.addf %add3A_2079, %add3A_2080 : vector<16xf32>
        %add3A_2083 = arith.addf %add3A_2081, %add3A_2082 : vector<16xf32>
        %swap3A_2084 = arith.constant 240 : index
        %swap3A_2085 = tpu.vector_load %arg10[%swap3A_2084] {strides = array<i32>} : memref<256xf32, #tpu.memory_space<vmem>>, vector<16xf32>,
        tpu.vector_store %arg10[%swap3A_2084], %add3A_2083 {strides = array<i32>} : memref<256xf32, #tpu.memory_space<vmem>>, vector<16xf32>,
        %mul3A_2086 = arith.constant 16 : i32
        %mul3A_2087 = vector.broadcast %mul3A_2086 : i32 to vector<16xi32>
        %mul3A_2088 = arith.muli %iota3A, %mul3A_2087 : vector<16xi32>
        %add3A_2089 = arith.constant 0 : i32
        %add3A_2090 = vector.broadcast %add3A_2089 : i32 to vector<16xi32>
        %add3A_2091 = arith.addi %mul3A_2088, %add3A_2090 : vector<16xi32>
        %gather3A = tpu.vector_load_idx %arg10[%add3A_2091] : memref<256xf32, #tpu.memory_space<vmem>>[vector<16xi32>], vector<16xf32>,
        %add3A_2092 = arith.constant 1 : i32
        %add3A_2093 = vector.broadcast %add3A_2092 : i32 to vector<16xi32>
        %add3A_2094 = arith.addi %mul3A_2088, %add3A_2093 : vector<16xi32>
        %gather3A_2095 = tpu.vector_load_idx %arg10[%add3A_2094] : memref<256xf32, #tpu.memory_space<vmem>>[vector<16xi32>], vector<16xf32>,
        %add3A_2096 = arith.constant 2 : i32
        %add3A_2097 = vector.broadcast %add3A_2096 : i32 to vector<16xi32>
        %add3A_2098 = arith.addi %mul3A_2088, %add3A_2097 : vector<16xi32>
        %gather3A_2099 = tpu.vector_load_idx %arg10[%add3A_2098] : memref<256xf32, #tpu.memory_space<vmem>>[vector<16xi32>], vector<16xf32>,
        %add3A_2100 = arith.constant 3 : i32
        %add3A_2101 = vector.broadcast %add3A_2100 : i32 to vector<16xi32>
        %add3A_2102 = arith.addi %mul3A_2088, %add3A_2101 : vector<16xi32>
        %gather3A_2103 = tpu.vector_load_idx %arg10[%add3A_2102] : memref<256xf32, #tpu.memory_space<vmem>>[vector<16xi32>], vector<16xf32>,
        %add3A_2104 = arith.constant 4 : i32
        %add3A_2105 = vector.broadcast %add3A_2104 : i32 to vector<16xi32>
        %add3A_2106 = arith.addi %mul3A_2088, %add3A_2105 : vector<16xi32>
        %gather3A_2107 = tpu.vector_load_idx %arg10[%add3A_2106] : memref<256xf32, #tpu.memory_space<vmem>>[vector<16xi32>], vector<16xf32>,
        %add3A_2108 = arith.constant 5 : i32
        %add3A_2109 = vector.broadcast %add3A_2108 : i32 to vector<16xi32>
        %add3A_2110 = arith.addi %mul3A_2088, %add3A_2109 : vector<16xi32>
        %gather3A_2111 = tpu.vector_load_idx %arg10[%add3A_2110] : memref<256xf32, #tpu.memory_space<vmem>>[vector<16xi32>], vector<16xf32>,
        %add3A_2112 = arith.constant 6 : i32
        %add3A_2113 = vector.broadcast %add3A_2112 : i32 to vector<16xi32>
        %add3A_2114 = arith.addi %mul3A_2088, %add3A_2113 : vector<16xi32>
        %gather3A_2115 = tpu.vector_load_idx %arg10[%add3A_2114] : memref<256xf32, #tpu.memory_space<vmem>>[vector<16xi32>], vector<16xf32>,
        %add3A_2116 = arith.constant 7 : i32
        %add3A_2117 = vector.broadcast %add3A_2116 : i32 to vector<16xi32>
        %add3A_2118 = arith.addi %mul3A_2088, %add3A_2117 : vector<16xi32>
        %gather3A_2119 = tpu.vector_load_idx %arg10[%add3A_2118] : memref<256xf32, #tpu.memory_space<vmem>>[vector<16xi32>], vector<16xf32>,
        %add3A_2120 = arith.constant 8 : i32
        %add3A_2121 = vector.broadcast %add3A_2120 : i32 to vector<16xi32>
        %add3A_2122 = arith.addi %mul3A_2088, %add3A_2121 : vector<16xi32>
        %gather3A_2123 = tpu.vector_load_idx %arg10[%add3A_2122] : memref<256xf32, #tpu.memory_space<vmem>>[vector<16xi32>], vector<16xf32>,
        %add3A_2124 = arith.constant 9 : i32
        %add3A_2125 = vector.broadcast %add3A_2124 : i32 to vector<16xi32>
        %add3A_2126 = arith.addi %mul3A_2088, %add3A_2125 : vector<16xi32>
        %gather3A_2127 = tpu.vector_load_idx %arg10[%add3A_2126] : memref<256xf32, #tpu.memory_space<vmem>>[vector<16xi32>], vector<16xf32>,
        %add3A_2128 = arith.constant 10 : i32
        %add3A_2129 = vector.broadcast %add3A_2128 : i32 to vector<16xi32>
        %add3A_2130 = arith.addi %mul3A_2088, %add3A_2129 : vector<16xi32>
        %gather3A_2131 = tpu.vector_load_idx %arg10[%add3A_2130] : memref<256xf32, #tpu.memory_space<vmem>>[vector<16xi32>], vector<16xf32>,
        %add3A_2132 = arith.constant 11 : i32
        %add3A_2133 = vector.broadcast %add3A_2132 : i32 to vector<16xi32>
        %add3A_2134 = arith.addi %mul3A_2088, %add3A_2133 : vector<16xi32>
        %gather3A_2135 = tpu.vector_load_idx %arg10[%add3A_2134] : memref<256xf32, #tpu.memory_space<vmem>>[vector<16xi32>], vector<16xf32>,
        %add3A_2136 = arith.constant 12 : i32
        %add3A_2137 = vector.broadcast %add3A_2136 : i32 to vector<16xi32>
        %add3A_2138 = arith.addi %mul3A_2088, %add3A_2137 : vector<16xi32>
        %gather3A_2139 = tpu.vector_load_idx %arg10[%add3A_2138] : memref<256xf32, #tpu.memory_space<vmem>>[vector<16xi32>], vector<16xf32>,
        %add3A_2140 = arith.constant 13 : i32
        %add3A_2141 = vector.broadcast %add3A_2140 : i32 to vector<16xi32>
        %add3A_2142 = arith.addi %mul3A_2088, %add3A_2141 : vector<16xi32>
        %gather3A_2143 = tpu.vector_load_idx %arg10[%add3A_2142] : memref<256xf32, #tpu.memory_space<vmem>>[vector<16xi32>], vector<16xf32>,
        %add3A_2144 = arith.constant 14 : i32
        %add3A_2145 = vector.broadcast %add3A_2144 : i32 to vector<16xi32>
        %add3A_2146 = arith.addi %mul3A_2088, %add3A_2145 : vector<16xi32>
        %gather3A_2147 = tpu.vector_load_idx %arg10[%add3A_2146] : memref<256xf32, #tpu.memory_space<vmem>>[vector<16xi32>], vector<16xf32>,
        %add3A_2148 = arith.constant 15 : i32
        %add3A_2149 = vector.broadcast %add3A_2148 : i32 to vector<16xi32>
        %add3A_2150 = arith.addi %mul3A_2088, %add3A_2149 : vector<16xi32>
        %gather3A_2151 = tpu.vector_load_idx %arg10[%add3A_2150] : memref<256xf32, #tpu.memory_space<vmem>>[vector<16xi32>], vector<16xf32>,
        %add3A_2152 = arith.addf %gather3A, %gather3A_2095 : vector<16xf32>
        %add3A_2153 = arith.addf %gather3A_2099, %gather3A_2103 : vector<16xf32>
        %add3A_2154 = arith.addf %gather3A_2107, %gather3A_2111 : vector<16xf32>
        %add3A_2155 = arith.addf %gather3A_2115, %gather3A_2119 : vector<16xf32>
        %add3A_2156 = arith.addf %gather3A_2123, %gather3A_2127 : vector<16xf32>
        %add3A_2157 = arith.addf %gather3A_2131, %gather3A_2135 : vector<16xf32>
        %add3A_2158 = arith.addf %gather3A_2139, %gather3A_2143 : vector<16xf32>
        %add3A_2159 = arith.addf %gather3A_2147, %gather3A_2151 : vector<16xf32>
        %add3A_2160 = arith.addf %add3A_2152, %add3A_2153 : vector<16xf32>
        %add3A_2161 = arith.addf %add3A_2154, %add3A_2155 : vector<16xf32>
        %add3A_2162 = arith.addf %add3A_2156, %add3A_2157 : vector<16xf32>
        %add3A_2163 = arith.addf %add3A_2158, %add3A_2159 : vector<16xf32>
        %add3A_2164 = arith.addf %add3A_2160, %add3A_2161 : vector<16xf32>
        %add3A_2165 = arith.addf %add3A_2162, %add3A_2163 : vector<16xf32>
        %add3A_2166 = arith.addf %add3A_2164, %add3A_2165 : vector<16xf32>
        %mul3A_2167 = arith.constant 160 : i32
        %mul3A_2168 = arith.muli %add3A_261, %mul3A_2167 : i32
        %mul3A_2169 = arith.constant 16 : i32
        %mul3A_2170 = arith.muli %scan3A_661, %mul3A_2169 : i32
        %add3A_2171 = arith.addi %mul3A_2168, %mul3A_2170 : i32
        %multiple_of3A_2172 = tpu.assume_multiple %add3A_2171, 16 : i32
        %swap3A_2173 = arith.index_cast %multiple_of3A_2172 : i32 to index
        %swap3A_2174 = tpu.vector_load %arg9[%swap3A_2173] {strides = array<i32>} : memref<5120xf32, #tpu.memory_space<vmem>>, vector<16xf32>,
        tpu.vector_store %arg9[%swap3A_2173], %add3A_2166 {strides = array<i32>} : memref<5120xf32, #tpu.memory_space<vmem>>, vector<16xf32>,
        %scan3A_2175 = arith.constant 0 : i32
        scf.yield %scan3A_2175 : i32
      }
      %scan3A_452 = arith.constant 10 : i32
      %add3A_453 = arith.constant 2 : i32
      %add3A_454 = arith.addi %add3A_261, %add3A_453 : i32
      %lt3A = arith.constant 32 : i32
      %lt3A_455 = arith.cmpi slt, %add3A_454, %lt3A : i32
      %convert_element_type3A = arith.extui %lt3A_455 : i1 to i32
      %cond3A = arith.constant 0 : i32
      %cond3A_456 = arith.cmpi ne, %convert_element_type3A, %cond3A : i32
      scf.if %cond3A_456 {
        %add3A_661 = arith.constant 2 : i32
        %add3A_662 = arith.addi %add3A_261, %add3A_661 : i32
        %mul3A_663 = arith.constant 160 : i32
        %mul3A_664 = arith.muli %add3A_662, %mul3A_663 : i32
        %add3A_665 = arith.constant 0 : i32
        %add3A_666 = arith.addi %mul3A_664, %add3A_665 : i32
        %multiple_of3A_667 = tpu.assume_multiple %add3A_666, 16 : i32
        %get3A_668 = arith.index_cast %multiple_of3A_667 : i32 to index
        %get3A_669 = tpu.vector_load %arg6[%get3A_668] {strides = array<i32>} : memref<5120xi32, #tpu.memory_space<vmem>>, vector<16xi32>,
        %mul3A_670 = arith.constant 160 : i32
        %mul3A_671 = arith.muli %add3A_662, %mul3A_670 : i32
        %add3A_672 = arith.constant 16 : i32
        %add3A_673 = arith.addi %mul3A_671, %add3A_672 : i32
        %multiple_of3A_674 = tpu.assume_multiple %add3A_673, 16 : i32
        %get3A_675 = arith.index_cast %multiple_of3A_674 : i32 to index
        %get3A_676 = tpu.vector_load %arg6[%get3A_675] {strides = array<i32>} : memref<5120xi32, #tpu.memory_space<vmem>>, vector<16xi32>,
        %mul3A_677 = arith.constant 160 : i32
        %mul3A_678 = arith.muli %add3A_662, %mul3A_677 : i32
        %add3A_679 = arith.constant 32 : i32
        %add3A_680 = arith.addi %mul3A_678, %add3A_679 : i32
        %multiple_of3A_681 = tpu.assume_multiple %add3A_680, 16 : i32
        %get3A_682 = arith.index_cast %multiple_of3A_681 : i32 to index
        %get3A_683 = tpu.vector_load %arg6[%get3A_682] {strides = array<i32>} : memref<5120xi32, #tpu.memory_space<vmem>>, vector<16xi32>,
        %mul3A_684 = arith.constant 160 : i32
        %mul3A_685 = arith.muli %add3A_662, %mul3A_684 : i32
        %add3A_686 = arith.constant 48 : i32
        %add3A_687 = arith.addi %mul3A_685, %add3A_686 : i32
        %multiple_of3A_688 = tpu.assume_multiple %add3A_687, 16 : i32
        %get3A_689 = arith.index_cast %multiple_of3A_688 : i32 to index
        %get3A_690 = tpu.vector_load %arg6[%get3A_689] {strides = array<i32>} : memref<5120xi32, #tpu.memory_space<vmem>>, vector<16xi32>,
        %mul3A_691 = arith.constant 160 : i32
        %mul3A_692 = arith.muli %add3A_662, %mul3A_691 : i32
        %add3A_693 = arith.constant 64 : i32
        %add3A_694 = arith.addi %mul3A_692, %add3A_693 : i32
        %multiple_of3A_695 = tpu.assume_multiple %add3A_694, 16 : i32
        %get3A_696 = arith.index_cast %multiple_of3A_695 : i32 to index
        %get3A_697 = tpu.vector_load %arg6[%get3A_696] {strides = array<i32>} : memref<5120xi32, #tpu.memory_space<vmem>>, vector<16xi32>,
        %mul3A_698 = arith.constant 160 : i32
        %mul3A_699 = arith.muli %add3A_662, %mul3A_698 : i32
        %add3A_700 = arith.constant 80 : i32
        %add3A_701 = arith.addi %mul3A_699, %add3A_700 : i32
        %multiple_of3A_702 = tpu.assume_multiple %add3A_701, 16 : i32
        %get3A_703 = arith.index_cast %multiple_of3A_702 : i32 to index
        %get3A_704 = tpu.vector_load %arg6[%get3A_703] {strides = array<i32>} : memref<5120xi32, #tpu.memory_space<vmem>>, vector<16xi32>,
        %mul3A_705 = arith.constant 160 : i32
        %mul3A_706 = arith.muli %add3A_662, %mul3A_705 : i32
        %add3A_707 = arith.constant 96 : i32
        %add3A_708 = arith.addi %mul3A_706, %add3A_707 : i32
        %multiple_of3A_709 = tpu.assume_multiple %add3A_708, 16 : i32
        %get3A_710 = arith.index_cast %multiple_of3A_709 : i32 to index
        %get3A_711 = tpu.vector_load %arg6[%get3A_710] {strides = array<i32>} : memref<5120xi32, #tpu.memory_space<vmem>>, vector<16xi32>,
        %mul3A_712 = arith.constant 160 : i32
        %mul3A_713 = arith.muli %add3A_662, %mul3A_712 : i32
        %add3A_714 = arith.constant 112 : i32
        %add3A_715 = arith.addi %mul3A_713, %add3A_714 : i32
        %multiple_of3A_716 = tpu.assume_multiple %add3A_715, 16 : i32
        %get3A_717 = arith.index_cast %multiple_of3A_716 : i32 to index
        %get3A_718 = tpu.vector_load %arg6[%get3A_717] {strides = array<i32>} : memref<5120xi32, #tpu.memory_space<vmem>>, vector<16xi32>,
        %mul3A_719 = arith.constant 160 : i32
        %mul3A_720 = arith.muli %add3A_662, %mul3A_719 : i32
        %add3A_721 = arith.constant 128 : i32
        %add3A_722 = arith.addi %mul3A_720, %add3A_721 : i32
        %multiple_of3A_723 = tpu.assume_multiple %add3A_722, 16 : i32
        %get3A_724 = arith.index_cast %multiple_of3A_723 : i32 to index
        %get3A_725 = tpu.vector_load %arg6[%get3A_724] {strides = array<i32>} : memref<5120xi32, #tpu.memory_space<vmem>>, vector<16xi32>,
        %mul3A_726 = arith.constant 160 : i32
        %mul3A_727 = arith.muli %add3A_662, %mul3A_726 : i32
        %add3A_728 = arith.constant 144 : i32
        %add3A_729 = arith.addi %mul3A_727, %add3A_728 : i32
        %multiple_of3A_730 = tpu.assume_multiple %add3A_729, 16 : i32
        %get3A_731 = arith.index_cast %multiple_of3A_730 : i32 to index
        %get3A_732 = tpu.vector_load %arg6[%get3A_731] {strides = array<i32>} : memref<5120xi32, #tpu.memory_space<vmem>>, vector<16xi32>,
        %dma_start3A_733 = arith.constant 0 : i32
        %dma_start3A_734 = arith.constant 0 : i32
        %dma_start3A_735 = arith.constant 0 : i32
        %dma_start3A_736 = tpu.memref_slice %arg8[%dma_start3A_733, %dma_start3A_734, %dma_start3A_735] : memref<2x160x128xf32, #tpu.memory_space<vmem>> -> memref<1x16x128xf32, #tpu.memory_space<vmem>>
        %dma_start3A_737 = tpu.memref_squeeze %dma_start3A_736 : memref<1x16x128xf32, #tpu.memory_space<vmem>> -> memref<16x128xf32, #tpu.memory_space<vmem>>
        %dma_start3A_738 = arith.constant 0 : i32
        %dma_start3A_739 = arith.constant 0 : i32
        %dma_start3A_740 = tpu.memref_slice %arg4[%dma_start3A_738, %dma_start3A_739] : memref<100000x128xf32, #tpu.memory_space<hbm>> -> memref<100000x128xf32, #tpu.memory_space<hbm>>
        tpu.enqueue_indirect_dma source(%dma_start3A_740 : memref<100000x128xf32, #tpu.memory_space<hbm>>) target(%dma_start3A_737 : memref<16x128xf32, #tpu.memory_space<vmem>>) offsets(%get3A_669 : vector<16xi32>) semaphore(%arg11 : memref<!tpu.dma_semaphore, #tpu.memory_space<semaphore_mem>>)
        %dma_start3A_741 = arith.constant 0 : i32
        %dma_start3A_742 = arith.constant 16 : i32
        %dma_start3A_743 = arith.constant 0 : i32
        %dma_start3A_744 = tpu.memref_slice %arg8[%dma_start3A_741, %dma_start3A_742, %dma_start3A_743] : memref<2x160x128xf32, #tpu.memory_space<vmem>> -> memref<1x16x128xf32, #tpu.memory_space<vmem>>
        %dma_start3A_745 = tpu.memref_squeeze %dma_start3A_744 : memref<1x16x128xf32, #tpu.memory_space<vmem>> -> memref<16x128xf32, #tpu.memory_space<vmem>>
        %dma_start3A_746 = arith.constant 0 : i32
        %dma_start3A_747 = arith.constant 0 : i32
        %dma_start3A_748 = tpu.memref_slice %arg4[%dma_start3A_746, %dma_start3A_747] : memref<100000x128xf32, #tpu.memory_space<hbm>> -> memref<100000x128xf32, #tpu.memory_space<hbm>>
        tpu.enqueue_indirect_dma source(%dma_start3A_748 : memref<100000x128xf32, #tpu.memory_space<hbm>>) target(%dma_start3A_745 : memref<16x128xf32, #tpu.memory_space<vmem>>) offsets(%get3A_676 : vector<16xi32>) semaphore(%arg11 : memref<!tpu.dma_semaphore, #tpu.memory_space<semaphore_mem>>)
        %dma_start3A_749 = arith.constant 0 : i32
        %dma_start3A_750 = arith.constant 32 : i32
        %dma_start3A_751 = arith.constant 0 : i32
        %dma_start3A_752 = tpu.memref_slice %arg8[%dma_start3A_749, %dma_start3A_750, %dma_start3A_751] : memref<2x160x128xf32, #tpu.memory_space<vmem>> -> memref<1x16x128xf32, #tpu.memory_space<vmem>>
        %dma_start3A_753 = tpu.memref_squeeze %dma_start3A_752 : memref<1x16x128xf32, #tpu.memory_space<vmem>> -> memref<16x128xf32, #tpu.memory_space<vmem>>
        %dma_start3A_754 = arith.constant 0 : i32
        %dma_start3A_755 = arith.constant 0 : i32
        %dma_start3A_756 = tpu.memref_slice %arg4[%dma_start3A_754, %dma_start3A_755] : memref<100000x128xf32, #tpu.memory_space<hbm>> -> memref<100000x128xf32, #tpu.memory_space<hbm>>
        tpu.enqueue_indirect_dma source(%dma_start3A_756 : memref<100000x128xf32, #tpu.memory_space<hbm>>) target(%dma_start3A_753 : memref<16x128xf32, #tpu.memory_space<vmem>>) offsets(%get3A_683 : vector<16xi32>) semaphore(%arg11 : memref<!tpu.dma_semaphore, #tpu.memory_space<semaphore_mem>>)
        %dma_start3A_757 = arith.constant 0 : i32
        %dma_start3A_758 = arith.constant 48 : i32
        %dma_start3A_759 = arith.constant 0 : i32
        %dma_start3A_760 = tpu.memref_slice %arg8[%dma_start3A_757, %dma_start3A_758, %dma_start3A_759] : memref<2x160x128xf32, #tpu.memory_space<vmem>> -> memref<1x16x128xf32, #tpu.memory_space<vmem>>
        %dma_start3A_761 = tpu.memref_squeeze %dma_start3A_760 : memref<1x16x128xf32, #tpu.memory_space<vmem>> -> memref<16x128xf32, #tpu.memory_space<vmem>>
        %dma_start3A_762 = arith.constant 0 : i32
        %dma_start3A_763 = arith.constant 0 : i32
        %dma_start3A_764 = tpu.memref_slice %arg4[%dma_start3A_762, %dma_start3A_763] : memref<100000x128xf32, #tpu.memory_space<hbm>> -> memref<100000x128xf32, #tpu.memory_space<hbm>>
        tpu.enqueue_indirect_dma source(%dma_start3A_764 : memref<100000x128xf32, #tpu.memory_space<hbm>>) target(%dma_start3A_761 : memref<16x128xf32, #tpu.memory_space<vmem>>) offsets(%get3A_690 : vector<16xi32>) semaphore(%arg11 : memref<!tpu.dma_semaphore, #tpu.memory_space<semaphore_mem>>)
        %dma_start3A_765 = arith.constant 0 : i32
        %dma_start3A_766 = arith.constant 64 : i32
        %dma_start3A_767 = arith.constant 0 : i32
        %dma_start3A_768 = tpu.memref_slice %arg8[%dma_start3A_765, %dma_start3A_766, %dma_start3A_767] : memref<2x160x128xf32, #tpu.memory_space<vmem>> -> memref<1x16x128xf32, #tpu.memory_space<vmem>>
        %dma_start3A_769 = tpu.memref_squeeze %dma_start3A_768 : memref<1x16x128xf32, #tpu.memory_space<vmem>> -> memref<16x128xf32, #tpu.memory_space<vmem>>
        %dma_start3A_770 = arith.constant 0 : i32
        %dma_start3A_771 = arith.constant 0 : i32
        %dma_start3A_772 = tpu.memref_slice %arg4[%dma_start3A_770, %dma_start3A_771] : memref<100000x128xf32, #tpu.memory_space<hbm>> -> memref<100000x128xf32, #tpu.memory_space<hbm>>
        tpu.enqueue_indirect_dma source(%dma_start3A_772 : memref<100000x128xf32, #tpu.memory_space<hbm>>) target(%dma_start3A_769 : memref<16x128xf32, #tpu.memory_space<vmem>>) offsets(%get3A_697 : vector<16xi32>) semaphore(%arg11 : memref<!tpu.dma_semaphore, #tpu.memory_space<semaphore_mem>>)
        %dma_start3A_773 = arith.constant 0 : i32
        %dma_start3A_774 = arith.constant 80 : i32
        %dma_start3A_775 = arith.constant 0 : i32
        %dma_start3A_776 = tpu.memref_slice %arg8[%dma_start3A_773, %dma_start3A_774, %dma_start3A_775] : memref<2x160x128xf32, #tpu.memory_space<vmem>> -> memref<1x16x128xf32, #tpu.memory_space<vmem>>
        %dma_start3A_777 = tpu.memref_squeeze %dma_start3A_776 : memref<1x16x128xf32, #tpu.memory_space<vmem>> -> memref<16x128xf32, #tpu.memory_space<vmem>>
        %dma_start3A_778 = arith.constant 0 : i32
        %dma_start3A_779 = arith.constant 0 : i32
        %dma_start3A_780 = tpu.memref_slice %arg4[%dma_start3A_778, %dma_start3A_779] : memref<100000x128xf32, #tpu.memory_space<hbm>> -> memref<100000x128xf32, #tpu.memory_space<hbm>>
        tpu.enqueue_indirect_dma source(%dma_start3A_780 : memref<100000x128xf32, #tpu.memory_space<hbm>>) target(%dma_start3A_777 : memref<16x128xf32, #tpu.memory_space<vmem>>) offsets(%get3A_704 : vector<16xi32>) semaphore(%arg11 : memref<!tpu.dma_semaphore, #tpu.memory_space<semaphore_mem>>)
        %dma_start3A_781 = arith.constant 0 : i32
        %dma_start3A_782 = arith.constant 96 : i32
        %dma_start3A_783 = arith.constant 0 : i32
        %dma_start3A_784 = tpu.memref_slice %arg8[%dma_start3A_781, %dma_start3A_782, %dma_start3A_783] : memref<2x160x128xf32, #tpu.memory_space<vmem>> -> memref<1x16x128xf32, #tpu.memory_space<vmem>>
        %dma_start3A_785 = tpu.memref_squeeze %dma_start3A_784 : memref<1x16x128xf32, #tpu.memory_space<vmem>> -> memref<16x128xf32, #tpu.memory_space<vmem>>
        %dma_start3A_786 = arith.constant 0 : i32
        %dma_start3A_787 = arith.constant 0 : i32
        %dma_start3A_788 = tpu.memref_slice %arg4[%dma_start3A_786, %dma_start3A_787] : memref<100000x128xf32, #tpu.memory_space<hbm>> -> memref<100000x128xf32, #tpu.memory_space<hbm>>
        tpu.enqueue_indirect_dma source(%dma_start3A_788 : memref<100000x128xf32, #tpu.memory_space<hbm>>) target(%dma_start3A_785 : memref<16x128xf32, #tpu.memory_space<vmem>>) offsets(%get3A_711 : vector<16xi32>) semaphore(%arg11 : memref<!tpu.dma_semaphore, #tpu.memory_space<semaphore_mem>>)
        %dma_start3A_789 = arith.constant 0 : i32
        %dma_start3A_790 = arith.constant 112 : i32
        %dma_start3A_791 = arith.constant 0 : i32
        %dma_start3A_792 = tpu.memref_slice %arg8[%dma_start3A_789, %dma_start3A_790, %dma_start3A_791] : memref<2x160x128xf32, #tpu.memory_space<vmem>> -> memref<1x16x128xf32, #tpu.memory_space<vmem>>
        %dma_start3A_793 = tpu.memref_squeeze %dma_start3A_792 : memref<1x16x128xf32, #tpu.memory_space<vmem>> -> memref<16x128xf32, #tpu.memory_space<vmem>>
        %dma_start3A_794 = arith.constant 0 : i32
        %dma_start3A_795 = arith.constant 0 : i32
        %dma_start3A_796 = tpu.memref_slice %arg4[%dma_start3A_794, %dma_start3A_795] : memref<100000x128xf32, #tpu.memory_space<hbm>> -> memref<100000x128xf32, #tpu.memory_space<hbm>>
        tpu.enqueue_indirect_dma source(%dma_start3A_796 : memref<100000x128xf32, #tpu.memory_space<hbm>>) target(%dma_start3A_793 : memref<16x128xf32, #tpu.memory_space<vmem>>) offsets(%get3A_718 : vector<16xi32>) semaphore(%arg11 : memref<!tpu.dma_semaphore, #tpu.memory_space<semaphore_mem>>)
        %dma_start3A_797 = arith.constant 0 : i32
        %dma_start3A_798 = arith.constant 128 : i32
        %dma_start3A_799 = arith.constant 0 : i32
        %dma_start3A_800 = tpu.memref_slice %arg8[%dma_start3A_797, %dma_start3A_798, %dma_start3A_799] : memref<2x160x128xf32, #tpu.memory_space<vmem>> -> memref<1x16x128xf32, #tpu.memory_space<vmem>>
        %dma_start3A_801 = tpu.memref_squeeze %dma_start3A_800 : memref<1x16x128xf32, #tpu.memory_space<vmem>> -> memref<16x128xf32, #tpu.memory_space<vmem>>
        %dma_start3A_802 = arith.constant 0 : i32
        %dma_start3A_803 = arith.constant 0 : i32
        %dma_start3A_804 = tpu.memref_slice %arg4[%dma_start3A_802, %dma_start3A_803] : memref<100000x128xf32, #tpu.memory_space<hbm>> -> memref<100000x128xf32, #tpu.memory_space<hbm>>
        tpu.enqueue_indirect_dma source(%dma_start3A_804 : memref<100000x128xf32, #tpu.memory_space<hbm>>) target(%dma_start3A_801 : memref<16x128xf32, #tpu.memory_space<vmem>>) offsets(%get3A_725 : vector<16xi32>) semaphore(%arg11 : memref<!tpu.dma_semaphore, #tpu.memory_space<semaphore_mem>>)
        %dma_start3A_805 = arith.constant 0 : i32
        %dma_start3A_806 = arith.constant 144 : i32
        %dma_start3A_807 = arith.constant 0 : i32
        %dma_start3A_808 = tpu.memref_slice %arg8[%dma_start3A_805, %dma_start3A_806, %dma_start3A_807] : memref<2x160x128xf32, #tpu.memory_space<vmem>> -> memref<1x16x128xf32, #tpu.memory_space<vmem>>
        %dma_start3A_809 = tpu.memref_squeeze %dma_start3A_808 : memref<1x16x128xf32, #tpu.memory_space<vmem>> -> memref<16x128xf32, #tpu.memory_space<vmem>>
        %dma_start3A_810 = arith.constant 0 : i32
        %dma_start3A_811 = arith.constant 0 : i32
        %dma_start3A_812 = tpu.memref_slice %arg4[%dma_start3A_810, %dma_start3A_811] : memref<100000x128xf32, #tpu.memory_space<hbm>> -> memref<100000x128xf32, #tpu.memory_space<hbm>>
        tpu.enqueue_indirect_dma source(%dma_start3A_812 : memref<100000x128xf32, #tpu.memory_space<hbm>>) target(%dma_start3A_809 : memref<16x128xf32, #tpu.memory_space<vmem>>) offsets(%get3A_732 : vector<16xi32>) semaphore(%arg11 : memref<!tpu.dma_semaphore, #tpu.memory_space<semaphore_mem>>)
      } else {
      }
      %mul3A_457 = arith.constant 2 : i32
      %mul3A_458 = arith.muli %scan3A_256, %mul3A_457 : i32
      %add3A_459 = arith.constant 1 : i32
      %add3A_460 = arith.addi %mul3A_458, %add3A_459 : i32
      %mul3A_461 = arith.constant 160 : i32
      %mul3A_462 = arith.muli %add3A_460, %mul3A_461 : i32
      %add3A_463 = arith.constant 0 : i32
      %add3A_464 = arith.addi %mul3A_462, %add3A_463 : i32
      %multiple_of3A_465 = tpu.assume_multiple %add3A_464, 16 : i32
      %get3A_466 = arith.index_cast %multiple_of3A_465 : i32 to index
      %get3A_467 = tpu.vector_load %arg6[%get3A_466] {strides = array<i32>} : memref<5120xi32, #tpu.memory_space<vmem>>, vector<16xi32>,
      %mul3A_468 = arith.constant 160 : i32
      %mul3A_469 = arith.muli %add3A_460, %mul3A_468 : i32
      %add3A_470 = arith.constant 16 : i32
      %add3A_471 = arith.addi %mul3A_469, %add3A_470 : i32
      %multiple_of3A_472 = tpu.assume_multiple %add3A_471, 16 : i32
      %get3A_473 = arith.index_cast %multiple_of3A_472 : i32 to index
      %get3A_474 = tpu.vector_load %arg6[%get3A_473] {strides = array<i32>} : memref<5120xi32, #tpu.memory_space<vmem>>, vector<16xi32>,
      %mul3A_475 = arith.constant 160 : i32
      %mul3A_476 = arith.muli %add3A_460, %mul3A_475 : i32
      %add3A_477 = arith.constant 32 : i32
      %add3A_478 = arith.addi %mul3A_476, %add3A_477 : i32
      %multiple_of3A_479 = tpu.assume_multiple %add3A_478, 16 : i32
      %get3A_480 = arith.index_cast %multiple_of3A_479 : i32 to index
      %get3A_481 = tpu.vector_load %arg6[%get3A_480] {strides = array<i32>} : memref<5120xi32, #tpu.memory_space<vmem>>, vector<16xi32>,
      %mul3A_482 = arith.constant 160 : i32
      %mul3A_483 = arith.muli %add3A_460, %mul3A_482 : i32
      %add3A_484 = arith.constant 48 : i32
      %add3A_485 = arith.addi %mul3A_483, %add3A_484 : i32
      %multiple_of3A_486 = tpu.assume_multiple %add3A_485, 16 : i32
      %get3A_487 = arith.index_cast %multiple_of3A_486 : i32 to index
      %get3A_488 = tpu.vector_load %arg6[%get3A_487] {strides = array<i32>} : memref<5120xi32, #tpu.memory_space<vmem>>, vector<16xi32>,
      %mul3A_489 = arith.constant 160 : i32
      %mul3A_490 = arith.muli %add3A_460, %mul3A_489 : i32
      %add3A_491 = arith.constant 64 : i32
      %add3A_492 = arith.addi %mul3A_490, %add3A_491 : i32
      %multiple_of3A_493 = tpu.assume_multiple %add3A_492, 16 : i32
      %get3A_494 = arith.index_cast %multiple_of3A_493 : i32 to index
      %get3A_495 = tpu.vector_load %arg6[%get3A_494] {strides = array<i32>} : memref<5120xi32, #tpu.memory_space<vmem>>, vector<16xi32>,
      %mul3A_496 = arith.constant 160 : i32
      %mul3A_497 = arith.muli %add3A_460, %mul3A_496 : i32
      %add3A_498 = arith.constant 80 : i32
      %add3A_499 = arith.addi %mul3A_497, %add3A_498 : i32
      %multiple_of3A_500 = tpu.assume_multiple %add3A_499, 16 : i32
      %get3A_501 = arith.index_cast %multiple_of3A_500 : i32 to index
      %get3A_502 = tpu.vector_load %arg6[%get3A_501] {strides = array<i32>} : memref<5120xi32, #tpu.memory_space<vmem>>, vector<16xi32>,
      %mul3A_503 = arith.constant 160 : i32
      %mul3A_504 = arith.muli %add3A_460, %mul3A_503 : i32
      %add3A_505 = arith.constant 96 : i32
      %add3A_506 = arith.addi %mul3A_504, %add3A_505 : i32
      %multiple_of3A_507 = tpu.assume_multiple %add3A_506, 16 : i32
      %get3A_508 = arith.index_cast %multiple_of3A_507 : i32 to index
      %get3A_509 = tpu.vector_load %arg6[%get3A_508] {strides = array<i32>} : memref<5120xi32, #tpu.memory_space<vmem>>, vector<16xi32>,
      %mul3A_510 = arith.constant 160 : i32
      %mul3A_511 = arith.muli %add3A_460, %mul3A_510 : i32
      %add3A_512 = arith.constant 112 : i32
      %add3A_513 = arith.addi %mul3A_511, %add3A_512 : i32
      %multiple_of3A_514 = tpu.assume_multiple %add3A_513, 16 : i32
      %get3A_515 = arith.index_cast %multiple_of3A_514 : i32 to index
      %get3A_516 = tpu.vector_load %arg6[%get3A_515] {strides = array<i32>} : memref<5120xi32, #tpu.memory_space<vmem>>, vector<16xi32>,
      %mul3A_517 = arith.constant 160 : i32
      %mul3A_518 = arith.muli %add3A_460, %mul3A_517 : i32
      %add3A_519 = arith.constant 128 : i32
      %add3A_520 = arith.addi %mul3A_518, %add3A_519 : i32
      %multiple_of3A_521 = tpu.assume_multiple %add3A_520, 16 : i32
      %get3A_522 = arith.index_cast %multiple_of3A_521 : i32 to index
      %get3A_523 = tpu.vector_load %arg6[%get3A_522] {strides = array<i32>} : memref<5120xi32, #tpu.memory_space<vmem>>, vector<16xi32>,
      %mul3A_524 = arith.constant 160 : i32
      %mul3A_525 = arith.muli %add3A_460, %mul3A_524 : i32
      %add3A_526 = arith.constant 144 : i32
      %add3A_527 = arith.addi %mul3A_525, %add3A_526 : i32
      %multiple_of3A_528 = tpu.assume_multiple %add3A_527, 16 : i32
      %get3A_529 = arith.index_cast %multiple_of3A_528 : i32 to index
      %get3A_530 = tpu.vector_load %arg6[%get3A_529] {strides = array<i32>} : memref<5120xi32, #tpu.memory_space<vmem>>, vector<16xi32>,
      %dma_wait3A_531 = arith.constant 1 : i32
      %dma_wait3A_532 = arith.constant 0 : i32
      %dma_wait3A_533 = arith.constant 0 : i32
      %dma_wait3A_534 = tpu.memref_slice %arg8[%dma_wait3A_531, %dma_wait3A_532, %dma_wait3A_533] : memref<2x160x128xf32, #tpu.memory_space<vmem>> -> memref<1x16x128xf32, #tpu.memory_space<vmem>>
      %dma_wait3A_535 = tpu.memref_squeeze %dma_wait3A_534 : memref<1x16x128xf32, #tpu.memory_space<vmem>> -> memref<16x128xf32, #tpu.memory_space<vmem>>
      %dma_wait3A_536 = arith.constant 0 : i32
      %dma_wait3A_537 = arith.constant 0 : i32
      %dma_wait3A_538 = tpu.memref_slice %arg4[%dma_wait3A_536, %dma_wait3A_537] : memref<100000x128xf32, #tpu.memory_space<hbm>> -> memref<100000x128xf32, #tpu.memory_space<hbm>>
      tpu.wait_indirect_dma semaphore(%arg12 : memref<!tpu.dma_semaphore, #tpu.memory_space<semaphore_mem>>) src(%dma_wait3A_538 : memref<100000x128xf32, #tpu.memory_space<hbm>>) dst(%dma_wait3A_535 : memref<16x128xf32, #tpu.memory_space<vmem>>)
      %dma_wait3A_539 = arith.constant 1 : i32
      %dma_wait3A_540 = arith.constant 16 : i32
      %dma_wait3A_541 = arith.constant 0 : i32
      %dma_wait3A_542 = tpu.memref_slice %arg8[%dma_wait3A_539, %dma_wait3A_540, %dma_wait3A_541] : memref<2x160x128xf32, #tpu.memory_space<vmem>> -> memref<1x16x128xf32, #tpu.memory_space<vmem>>
      %dma_wait3A_543 = tpu.memref_squeeze %dma_wait3A_542 : memref<1x16x128xf32, #tpu.memory_space<vmem>> -> memref<16x128xf32, #tpu.memory_space<vmem>>
      %dma_wait3A_544 = arith.constant 0 : i32
      %dma_wait3A_545 = arith.constant 0 : i32
      %dma_wait3A_546 = tpu.memref_slice %arg4[%dma_wait3A_544, %dma_wait3A_545] : memref<100000x128xf32, #tpu.memory_space<hbm>> -> memref<100000x128xf32, #tpu.memory_space<hbm>>
      tpu.wait_indirect_dma semaphore(%arg12 : memref<!tpu.dma_semaphore, #tpu.memory_space<semaphore_mem>>) src(%dma_wait3A_546 : memref<100000x128xf32, #tpu.memory_space<hbm>>) dst(%dma_wait3A_543 : memref<16x128xf32, #tpu.memory_space<vmem>>)
      %dma_wait3A_547 = arith.constant 1 : i32
      %dma_wait3A_548 = arith.constant 32 : i32
      %dma_wait3A_549 = arith.constant 0 : i32
      %dma_wait3A_550 = tpu.memref_slice %arg8[%dma_wait3A_547, %dma_wait3A_548, %dma_wait3A_549] : memref<2x160x128xf32, #tpu.memory_space<vmem>> -> memref<1x16x128xf32, #tpu.memory_space<vmem>>
      %dma_wait3A_551 = tpu.memref_squeeze %dma_wait3A_550 : memref<1x16x128xf32, #tpu.memory_space<vmem>> -> memref<16x128xf32, #tpu.memory_space<vmem>>
      %dma_wait3A_552 = arith.constant 0 : i32
      %dma_wait3A_553 = arith.constant 0 : i32
      %dma_wait3A_554 = tpu.memref_slice %arg4[%dma_wait3A_552, %dma_wait3A_553] : memref<100000x128xf32, #tpu.memory_space<hbm>> -> memref<100000x128xf32, #tpu.memory_space<hbm>>
      tpu.wait_indirect_dma semaphore(%arg12 : memref<!tpu.dma_semaphore, #tpu.memory_space<semaphore_mem>>) src(%dma_wait3A_554 : memref<100000x128xf32, #tpu.memory_space<hbm>>) dst(%dma_wait3A_551 : memref<16x128xf32, #tpu.memory_space<vmem>>)
      %dma_wait3A_555 = arith.constant 1 : i32
      %dma_wait3A_556 = arith.constant 48 : i32
      %dma_wait3A_557 = arith.constant 0 : i32
      %dma_wait3A_558 = tpu.memref_slice %arg8[%dma_wait3A_555, %dma_wait3A_556, %dma_wait3A_557] : memref<2x160x128xf32, #tpu.memory_space<vmem>> -> memref<1x16x128xf32, #tpu.memory_space<vmem>>
      %dma_wait3A_559 = tpu.memref_squeeze %dma_wait3A_558 : memref<1x16x128xf32, #tpu.memory_space<vmem>> -> memref<16x128xf32, #tpu.memory_space<vmem>>
      %dma_wait3A_560 = arith.constant 0 : i32
      %dma_wait3A_561 = arith.constant 0 : i32
      %dma_wait3A_562 = tpu.memref_slice %arg4[%dma_wait3A_560, %dma_wait3A_561] : memref<100000x128xf32, #tpu.memory_space<hbm>> -> memref<100000x128xf32, #tpu.memory_space<hbm>>
      tpu.wait_indirect_dma semaphore(%arg12 : memref<!tpu.dma_semaphore, #tpu.memory_space<semaphore_mem>>) src(%dma_wait3A_562 : memref<100000x128xf32, #tpu.memory_space<hbm>>) dst(%dma_wait3A_559 : memref<16x128xf32, #tpu.memory_space<vmem>>)
      %dma_wait3A_563 = arith.constant 1 : i32
      %dma_wait3A_564 = arith.constant 64 : i32
      %dma_wait3A_565 = arith.constant 0 : i32
      %dma_wait3A_566 = tpu.memref_slice %arg8[%dma_wait3A_563, %dma_wait3A_564, %dma_wait3A_565] : memref<2x160x128xf32, #tpu.memory_space<vmem>> -> memref<1x16x128xf32, #tpu.memory_space<vmem>>
      %dma_wait3A_567 = tpu.memref_squeeze %dma_wait3A_566 : memref<1x16x128xf32, #tpu.memory_space<vmem>> -> memref<16x128xf32, #tpu.memory_space<vmem>>
      %dma_wait3A_568 = arith.constant 0 : i32
      %dma_wait3A_569 = arith.constant 0 : i32
      %dma_wait3A_570 = tpu.memref_slice %arg4[%dma_wait3A_568, %dma_wait3A_569] : memref<100000x128xf32, #tpu.memory_space<hbm>> -> memref<100000x128xf32, #tpu.memory_space<hbm>>
      tpu.wait_indirect_dma semaphore(%arg12 : memref<!tpu.dma_semaphore, #tpu.memory_space<semaphore_mem>>) src(%dma_wait3A_570 : memref<100000x128xf32, #tpu.memory_space<hbm>>) dst(%dma_wait3A_567 : memref<16x128xf32, #tpu.memory_space<vmem>>)
      %dma_wait3A_571 = arith.constant 1 : i32
      %dma_wait3A_572 = arith.constant 80 : i32
      %dma_wait3A_573 = arith.constant 0 : i32
      %dma_wait3A_574 = tpu.memref_slice %arg8[%dma_wait3A_571, %dma_wait3A_572, %dma_wait3A_573] : memref<2x160x128xf32, #tpu.memory_space<vmem>> -> memref<1x16x128xf32, #tpu.memory_space<vmem>>
      %dma_wait3A_575 = tpu.memref_squeeze %dma_wait3A_574 : memref<1x16x128xf32, #tpu.memory_space<vmem>> -> memref<16x128xf32, #tpu.memory_space<vmem>>
      %dma_wait3A_576 = arith.constant 0 : i32
      %dma_wait3A_577 = arith.constant 0 : i32
      %dma_wait3A_578 = tpu.memref_slice %arg4[%dma_wait3A_576, %dma_wait3A_577] : memref<100000x128xf32, #tpu.memory_space<hbm>> -> memref<100000x128xf32, #tpu.memory_space<hbm>>
      tpu.wait_indirect_dma semaphore(%arg12 : memref<!tpu.dma_semaphore, #tpu.memory_space<semaphore_mem>>) src(%dma_wait3A_578 : memref<100000x128xf32, #tpu.memory_space<hbm>>) dst(%dma_wait3A_575 : memref<16x128xf32, #tpu.memory_space<vmem>>)
      %dma_wait3A_579 = arith.constant 1 : i32
      %dma_wait3A_580 = arith.constant 96 : i32
      %dma_wait3A_581 = arith.constant 0 : i32
      %dma_wait3A_582 = tpu.memref_slice %arg8[%dma_wait3A_579, %dma_wait3A_580, %dma_wait3A_581] : memref<2x160x128xf32, #tpu.memory_space<vmem>> -> memref<1x16x128xf32, #tpu.memory_space<vmem>>
      %dma_wait3A_583 = tpu.memref_squeeze %dma_wait3A_582 : memref<1x16x128xf32, #tpu.memory_space<vmem>> -> memref<16x128xf32, #tpu.memory_space<vmem>>
      %dma_wait3A_584 = arith.constant 0 : i32
      %dma_wait3A_585 = arith.constant 0 : i32
      %dma_wait3A_586 = tpu.memref_slice %arg4[%dma_wait3A_584, %dma_wait3A_585] : memref<100000x128xf32, #tpu.memory_space<hbm>> -> memref<100000x128xf32, #tpu.memory_space<hbm>>
      tpu.wait_indirect_dma semaphore(%arg12 : memref<!tpu.dma_semaphore, #tpu.memory_space<semaphore_mem>>) src(%dma_wait3A_586 : memref<100000x128xf32, #tpu.memory_space<hbm>>) dst(%dma_wait3A_583 : memref<16x128xf32, #tpu.memory_space<vmem>>)
      %dma_wait3A_587 = arith.constant 1 : i32
      %dma_wait3A_588 = arith.constant 112 : i32
      %dma_wait3A_589 = arith.constant 0 : i32
      %dma_wait3A_590 = tpu.memref_slice %arg8[%dma_wait3A_587, %dma_wait3A_588, %dma_wait3A_589] : memref<2x160x128xf32, #tpu.memory_space<vmem>> -> memref<1x16x128xf32, #tpu.memory_space<vmem>>
      %dma_wait3A_591 = tpu.memref_squeeze %dma_wait3A_590 : memref<1x16x128xf32, #tpu.memory_space<vmem>> -> memref<16x128xf32, #tpu.memory_space<vmem>>
      %dma_wait3A_592 = arith.constant 0 : i32
      %dma_wait3A_593 = arith.constant 0 : i32
      %dma_wait3A_594 = tpu.memref_slice %arg4[%dma_wait3A_592, %dma_wait3A_593] : memref<100000x128xf32, #tpu.memory_space<hbm>> -> memref<100000x128xf32, #tpu.memory_space<hbm>>
      tpu.wait_indirect_dma semaphore(%arg12 : memref<!tpu.dma_semaphore, #tpu.memory_space<semaphore_mem>>) src(%dma_wait3A_594 : memref<100000x128xf32, #tpu.memory_space<hbm>>) dst(%dma_wait3A_591 : memref<16x128xf32, #tpu.memory_space<vmem>>)
      %dma_wait3A_595 = arith.constant 1 : i32
      %dma_wait3A_596 = arith.constant 128 : i32
      %dma_wait3A_597 = arith.constant 0 : i32
      %dma_wait3A_598 = tpu.memref_slice %arg8[%dma_wait3A_595, %dma_wait3A_596, %dma_wait3A_597] : memref<2x160x128xf32, #tpu.memory_space<vmem>> -> memref<1x16x128xf32, #tpu.memory_space<vmem>>
      %dma_wait3A_599 = tpu.memref_squeeze %dma_wait3A_598 : memref<1x16x128xf32, #tpu.memory_space<vmem>> -> memref<16x128xf32, #tpu.memory_space<vmem>>
      %dma_wait3A_600 = arith.constant 0 : i32
      %dma_wait3A_601 = arith.constant 0 : i32
      %dma_wait3A_602 = tpu.memref_slice %arg4[%dma_wait3A_600, %dma_wait3A_601] : memref<100000x128xf32, #tpu.memory_space<hbm>> -> memref<100000x128xf32, #tpu.memory_space<hbm>>
      tpu.wait_indirect_dma semaphore(%arg12 : memref<!tpu.dma_semaphore, #tpu.memory_space<semaphore_mem>>) src(%dma_wait3A_602 : memref<100000x128xf32, #tpu.memory_space<hbm>>) dst(%dma_wait3A_599 : memref<16x128xf32, #tpu.memory_space<vmem>>)
      %dma_wait3A_603 = arith.constant 1 : i32
      %dma_wait3A_604 = arith.constant 144 : i32
      %dma_wait3A_605 = arith.constant 0 : i32
      %dma_wait3A_606 = tpu.memref_slice %arg8[%dma_wait3A_603, %dma_wait3A_604, %dma_wait3A_605] : memref<2x160x128xf32, #tpu.memory_space<vmem>> -> memref<1x16x128xf32, #tpu.memory_space<vmem>>
      %dma_wait3A_607 = tpu.memref_squeeze %dma_wait3A_606 : memref<1x16x128xf32, #tpu.memory_space<vmem>> -> memref<16x128xf32, #tpu.memory_space<vmem>>
      %dma_wait3A_608 = arith.constant 0 : i32
      %dma_wait3A_609 = arith.constant 0 : i32
      %dma_wait3A_610 = tpu.memref_slice %arg4[%dma_wait3A_608, %dma_wait3A_609] : memref<100000x128xf32, #tpu.memory_space<hbm>> -> memref<100000x128xf32, #tpu.memory_space<hbm>>
      tpu.wait_indirect_dma semaphore(%arg12 : memref<!tpu.dma_semaphore, #tpu.memory_space<semaphore_mem>>) src(%dma_wait3A_610 : memref<100000x128xf32, #tpu.memory_space<hbm>>) dst(%dma_wait3A_607 : memref<16x128xf32, #tpu.memory_space<vmem>>)
      %mul3A_611 = arith.constant 128 : i32
      %mul3A_612 = arith.muli %add3A_460, %mul3A_611 : i32
      %multiple_of3A_613 = tpu.assume_multiple %mul3A_612, 16 : i32
      %add3A_614 = arith.constant 0 : i32
      %add3A_615 = arith.addi %multiple_of3A_613, %add3A_614 : i32
      %get3A_616 = arith.index_cast %add3A_615 : i32 to index
      %get3A_617 = tpu.vector_load %arg7[%get3A_616] {strides = array<i32>} : memref<4096xf32, #tpu.memory_space<vmem>>, vector<16xf32>,
      %add3A_618 = arith.constant 16 : i32
      %add3A_619 = arith.addi %multiple_of3A_613, %add3A_618 : i32
      %get3A_620 = arith.index_cast %add3A_619 : i32 to index
      %get3A_621 = tpu.vector_load %arg7[%get3A_620] {strides = array<i32>} : memref<4096xf32, #tpu.memory_space<vmem>>, vector<16xf32>,
      %add3A_622 = arith.constant 32 : i32
      %add3A_623 = arith.addi %multiple_of3A_613, %add3A_622 : i32
      %get3A_624 = arith.index_cast %add3A_623 : i32 to index
      %get3A_625 = tpu.vector_load %arg7[%get3A_624] {strides = array<i32>} : memref<4096xf32, #tpu.memory_space<vmem>>, vector<16xf32>,
      %add3A_626 = arith.constant 48 : i32
      %add3A_627 = arith.addi %multiple_of3A_613, %add3A_626 : i32
      %get3A_628 = arith.index_cast %add3A_627 : i32 to index
      %get3A_629 = tpu.vector_load %arg7[%get3A_628] {strides = array<i32>} : memref<4096xf32, #tpu.memory_space<vmem>>, vector<16xf32>,
      %add3A_630 = arith.constant 64 : i32
      %add3A_631 = arith.addi %multiple_of3A_613, %add3A_630 : i32
      %get3A_632 = arith.index_cast %add3A_631 : i32 to index
      %get3A_633 = tpu.vector_load %arg7[%get3A_632] {strides = array<i32>} : memref<4096xf32, #tpu.memory_space<vmem>>, vector<16xf32>,
      %add3A_634 = arith.constant 80 : i32
      %add3A_635 = arith.addi %multiple_of3A_613, %add3A_634 : i32
      %get3A_636 = arith.index_cast %add3A_635 : i32 to index
      %get3A_637 = tpu.vector_load %arg7[%get3A_636] {strides = array<i32>} : memref<4096xf32, #tpu.memory_space<vmem>>, vector<16xf32>,
      %add3A_638 = arith.constant 96 : i32
      %add3A_639 = arith.addi %multiple_of3A_613, %add3A_638 : i32
      %get3A_640 = arith.index_cast %add3A_639 : i32 to index
      %get3A_641 = tpu.vector_load %arg7[%get3A_640] {strides = array<i32>} : memref<4096xf32, #tpu.memory_space<vmem>>, vector<16xf32>,
      %add3A_642 = arith.constant 112 : i32
      %add3A_643 = arith.addi %multiple_of3A_613, %add3A_642 : i32
      %get3A_644 = arith.index_cast %add3A_643 : i32 to index
      %get3A_645 = tpu.vector_load %arg7[%get3A_644] {strides = array<i32>} : memref<4096xf32, #tpu.memory_space<vmem>>, vector<16xf32>,
      %scan3A_646 = arith.constant 0 : i32
      %scan3A_647 = arith.constant 0 : i32
      %scan3A_648 = arith.constant 10 : i32
      %scan3A_649 = arith.addi %scan3A_647, %scan3A_648 : i32
      %scan3A_650 = arith.constant 1 : i32
      %scan3A_651 = scf.for %scan3A_661 = %scan3A_647 to %scan3A_649 step %scan3A_650 iter_args(%scan3A_662 = %scan3A_646) -> (i32)  : i32 {
        %mul3A_663 = arith.constant 16 : i32
        %mul3A_664 = arith.muli %scan3A_661, %mul3A_663 : i32
        %add3A_665 = arith.constant 0 : i32
        %add3A_666 = arith.addi %mul3A_664, %add3A_665 : i32
        %get3A_667 = arith.constant 1 : i32
        %get3A_668 = arith.index_cast %get3A_667 : i32 to index
        %get3A_669 = arith.index_cast %add3A_666 : i32 to index
        %get3A_670 = arith.constant 0 : index
        %get3A_671 = tpu.vector_load %arg8[%get3A_668, %get3A_669, %get3A_670] {strides = array<i32>} : memref<2x160x128xf32, #tpu.memory_space<vmem>>, vector<16xf32>,
        %mul3A_672 = arith.mulf %get3A_617, %get3A_671 : vector<16xf32>
        %mul3A_673 = arith.constant 16 : i32
        %mul3A_674 = arith.muli %scan3A_661, %mul3A_673 : i32
        %add3A_675 = arith.constant 0 : i32
        %add3A_676 = arith.addi %mul3A_674, %add3A_675 : i32
        %get3A_677 = arith.constant 1 : i32
        %get3A_678 = arith.index_cast %get3A_677 : i32 to index
        %get3A_679 = arith.index_cast %add3A_676 : i32 to index
        %get3A_680 = arith.constant 16 : index
        %get3A_681 = tpu.vector_load %arg8[%get3A_678, %get3A_679, %get3A_680] {strides = array<i32>} : memref<2x160x128xf32, #tpu.memory_space<vmem>>, vector<16xf32>,
        %mul3A_682 = arith.mulf %get3A_621, %get3A_681 : vector<16xf32>
        %mul3A_683 = arith.constant 16 : i32
        %mul3A_684 = arith.muli %scan3A_661, %mul3A_683 : i32
        %add3A_685 = arith.constant 0 : i32
        %add3A_686 = arith.addi %mul3A_684, %add3A_685 : i32
        %get3A_687 = arith.constant 1 : i32
        %get3A_688 = arith.index_cast %get3A_687 : i32 to index
        %get3A_689 = arith.index_cast %add3A_686 : i32 to index
        %get3A_690 = arith.constant 32 : index
        %get3A_691 = tpu.vector_load %arg8[%get3A_688, %get3A_689, %get3A_690] {strides = array<i32>} : memref<2x160x128xf32, #tpu.memory_space<vmem>>, vector<16xf32>,
        %mul3A_692 = arith.mulf %get3A_625, %get3A_691 : vector<16xf32>
        %mul3A_693 = arith.constant 16 : i32
        %mul3A_694 = arith.muli %scan3A_661, %mul3A_693 : i32
        %add3A_695 = arith.constant 0 : i32
        %add3A_696 = arith.addi %mul3A_694, %add3A_695 : i32
        %get3A_697 = arith.constant 1 : i32
        %get3A_698 = arith.index_cast %get3A_697 : i32 to index
        %get3A_699 = arith.index_cast %add3A_696 : i32 to index
        %get3A_700 = arith.constant 48 : index
        %get3A_701 = tpu.vector_load %arg8[%get3A_698, %get3A_699, %get3A_700] {strides = array<i32>} : memref<2x160x128xf32, #tpu.memory_space<vmem>>, vector<16xf32>,
        %mul3A_702 = arith.mulf %get3A_629, %get3A_701 : vector<16xf32>
        %mul3A_703 = arith.constant 16 : i32
        %mul3A_704 = arith.muli %scan3A_661, %mul3A_703 : i32
        %add3A_705 = arith.constant 0 : i32
        %add3A_706 = arith.addi %mul3A_704, %add3A_705 : i32
        %get3A_707 = arith.constant 1 : i32
        %get3A_708 = arith.index_cast %get3A_707 : i32 to index
        %get3A_709 = arith.index_cast %add3A_706 : i32 to index
        %get3A_710 = arith.constant 64 : index
        %get3A_711 = tpu.vector_load %arg8[%get3A_708, %get3A_709, %get3A_710] {strides = array<i32>} : memref<2x160x128xf32, #tpu.memory_space<vmem>>, vector<16xf32>,
        %mul3A_712 = arith.mulf %get3A_633, %get3A_711 : vector<16xf32>
        %mul3A_713 = arith.constant 16 : i32
        %mul3A_714 = arith.muli %scan3A_661, %mul3A_713 : i32
        %add3A_715 = arith.constant 0 : i32
        %add3A_716 = arith.addi %mul3A_714, %add3A_715 : i32
        %get3A_717 = arith.constant 1 : i32
        %get3A_718 = arith.index_cast %get3A_717 : i32 to index
        %get3A_719 = arith.index_cast %add3A_716 : i32 to index
        %get3A_720 = arith.constant 80 : index
        %get3A_721 = tpu.vector_load %arg8[%get3A_718, %get3A_719, %get3A_720] {strides = array<i32>} : memref<2x160x128xf32, #tpu.memory_space<vmem>>, vector<16xf32>,
        %mul3A_722 = arith.mulf %get3A_637, %get3A_721 : vector<16xf32>
        %mul3A_723 = arith.constant 16 : i32
        %mul3A_724 = arith.muli %scan3A_661, %mul3A_723 : i32
        %add3A_725 = arith.constant 0 : i32
        %add3A_726 = arith.addi %mul3A_724, %add3A_725 : i32
        %get3A_727 = arith.constant 1 : i32
        %get3A_728 = arith.index_cast %get3A_727 : i32 to index
        %get3A_729 = arith.index_cast %add3A_726 : i32 to index
        %get3A_730 = arith.constant 96 : index
        %get3A_731 = tpu.vector_load %arg8[%get3A_728, %get3A_729, %get3A_730] {strides = array<i32>} : memref<2x160x128xf32, #tpu.memory_space<vmem>>, vector<16xf32>,
        %mul3A_732 = arith.mulf %get3A_641, %get3A_731 : vector<16xf32>
        %mul3A_733 = arith.constant 16 : i32
        %mul3A_734 = arith.muli %scan3A_661, %mul3A_733 : i32
        %add3A_735 = arith.constant 0 : i32
        %add3A_736 = arith.addi %mul3A_734, %add3A_735 : i32
        %get3A_737 = arith.constant 1 : i32
        %get3A_738 = arith.index_cast %get3A_737 : i32 to index
        %get3A_739 = arith.index_cast %add3A_736 : i32 to index
        %get3A_740 = arith.constant 112 : index
        %get3A_741 = tpu.vector_load %arg8[%get3A_738, %get3A_739, %get3A_740] {strides = array<i32>} : memref<2x160x128xf32, #tpu.memory_space<vmem>>, vector<16xf32>,
        %mul3A_742 = arith.mulf %get3A_645, %get3A_741 : vector<16xf32>
        %add3A_743 = arith.addf %mul3A_672, %mul3A_682 : vector<16xf32>
        %add3A_744 = arith.addf %mul3A_692, %mul3A_702 : vector<16xf32>
        %add3A_745 = arith.addf %mul3A_712, %mul3A_722 : vector<16xf32>
        %add3A_746 = arith.addf %mul3A_732, %mul3A_742 : vector<16xf32>
        %add3A_747 = arith.addf %add3A_743, %add3A_744 : vector<16xf32>
        %add3A_748 = arith.addf %add3A_745, %add3A_746 : vector<16xf32>
        %add3A_749 = arith.addf %add3A_747, %add3A_748 : vector<16xf32>
        %swap3A = arith.constant 0 : index
        %swap3A_750 = tpu.vector_load %arg10[%swap3A] {strides = array<i32>} : memref<256xf32, #tpu.memory_space<vmem>>, vector<16xf32>,
        tpu.vector_store %arg10[%swap3A], %add3A_749 {strides = array<i32>} : memref<256xf32, #tpu.memory_space<vmem>>, vector<16xf32>,
        %mul3A_751 = arith.constant 16 : i32
        %mul3A_752 = arith.muli %scan3A_661, %mul3A_751 : i32
        %add3A_753 = arith.constant 1 : i32
        %add3A_754 = arith.addi %mul3A_752, %add3A_753 : i32
        %get3A_755 = arith.constant 1 : i32
        %get3A_756 = arith.index_cast %get3A_755 : i32 to index
        %get3A_757 = arith.index_cast %add3A_754 : i32 to index
        %get3A_758 = arith.constant 0 : index
        %get3A_759 = tpu.vector_load %arg8[%get3A_756, %get3A_757, %get3A_758] {strides = array<i32>} : memref<2x160x128xf32, #tpu.memory_space<vmem>>, vector<16xf32>,
        %mul3A_760 = arith.mulf %get3A_617, %get3A_759 : vector<16xf32>
        %mul3A_761 = arith.constant 16 : i32
        %mul3A_762 = arith.muli %scan3A_661, %mul3A_761 : i32
        %add3A_763 = arith.constant 1 : i32
        %add3A_764 = arith.addi %mul3A_762, %add3A_763 : i32
        %get3A_765 = arith.constant 1 : i32
        %get3A_766 = arith.index_cast %get3A_765 : i32 to index
        %get3A_767 = arith.index_cast %add3A_764 : i32 to index
        %get3A_768 = arith.constant 16 : index
        %get3A_769 = tpu.vector_load %arg8[%get3A_766, %get3A_767, %get3A_768] {strides = array<i32>} : memref<2x160x128xf32, #tpu.memory_space<vmem>>, vector<16xf32>,
        %mul3A_770 = arith.mulf %get3A_621, %get3A_769 : vector<16xf32>
        %mul3A_771 = arith.constant 16 : i32
        %mul3A_772 = arith.muli %scan3A_661, %mul3A_771 : i32
        %add3A_773 = arith.constant 1 : i32
        %add3A_774 = arith.addi %mul3A_772, %add3A_773 : i32
        %get3A_775 = arith.constant 1 : i32
        %get3A_776 = arith.index_cast %get3A_775 : i32 to index
        %get3A_777 = arith.index_cast %add3A_774 : i32 to index
        %get3A_778 = arith.constant 32 : index
        %get3A_779 = tpu.vector_load %arg8[%get3A_776, %get3A_777, %get3A_778] {strides = array<i32>} : memref<2x160x128xf32, #tpu.memory_space<vmem>>, vector<16xf32>,
        %mul3A_780 = arith.mulf %get3A_625, %get3A_779 : vector<16xf32>
        %mul3A_781 = arith.constant 16 : i32
        %mul3A_782 = arith.muli %scan3A_661, %mul3A_781 : i32
        %add3A_783 = arith.constant 1 : i32
        %add3A_784 = arith.addi %mul3A_782, %add3A_783 : i32
        %get3A_785 = arith.constant 1 : i32
        %get3A_786 = arith.index_cast %get3A_785 : i32 to index
        %get3A_787 = arith.index_cast %add3A_784 : i32 to index
        %get3A_788 = arith.constant 48 : index
        %get3A_789 = tpu.vector_load %arg8[%get3A_786, %get3A_787, %get3A_788] {strides = array<i32>} : memref<2x160x128xf32, #tpu.memory_space<vmem>>, vector<16xf32>,
        %mul3A_790 = arith.mulf %get3A_629, %get3A_789 : vector<16xf32>
        %mul3A_791 = arith.constant 16 : i32
        %mul3A_792 = arith.muli %scan3A_661, %mul3A_791 : i32
        %add3A_793 = arith.constant 1 : i32
        %add3A_794 = arith.addi %mul3A_792, %add3A_793 : i32
        %get3A_795 = arith.constant 1 : i32
        %get3A_796 = arith.index_cast %get3A_795 : i32 to index
        %get3A_797 = arith.index_cast %add3A_794 : i32 to index
        %get3A_798 = arith.constant 64 : index
        %get3A_799 = tpu.vector_load %arg8[%get3A_796, %get3A_797, %get3A_798] {strides = array<i32>} : memref<2x160x128xf32, #tpu.memory_space<vmem>>, vector<16xf32>,
        %mul3A_800 = arith.mulf %get3A_633, %get3A_799 : vector<16xf32>
        %mul3A_801 = arith.constant 16 : i32
        %mul3A_802 = arith.muli %scan3A_661, %mul3A_801 : i32
        %add3A_803 = arith.constant 1 : i32
        %add3A_804 = arith.addi %mul3A_802, %add3A_803 : i32
        %get3A_805 = arith.constant 1 : i32
        %get3A_806 = arith.index_cast %get3A_805 : i32 to index
        %get3A_807 = arith.index_cast %add3A_804 : i32 to index
        %get3A_808 = arith.constant 80 : index
        %get3A_809 = tpu.vector_load %arg8[%get3A_806, %get3A_807, %get3A_808] {strides = array<i32>} : memref<2x160x128xf32, #tpu.memory_space<vmem>>, vector<16xf32>,
        %mul3A_810 = arith.mulf %get3A_637, %get3A_809 : vector<16xf32>
        %mul3A_811 = arith.constant 16 : i32
        %mul3A_812 = arith.muli %scan3A_661, %mul3A_811 : i32
        %add3A_813 = arith.constant 1 : i32
        %add3A_814 = arith.addi %mul3A_812, %add3A_813 : i32
        %get3A_815 = arith.constant 1 : i32
        %get3A_816 = arith.index_cast %get3A_815 : i32 to index
        %get3A_817 = arith.index_cast %add3A_814 : i32 to index
        %get3A_818 = arith.constant 96 : index
        %get3A_819 = tpu.vector_load %arg8[%get3A_816, %get3A_817, %get3A_818] {strides = array<i32>} : memref<2x160x128xf32, #tpu.memory_space<vmem>>, vector<16xf32>,
        %mul3A_820 = arith.mulf %get3A_641, %get3A_819 : vector<16xf32>
        %mul3A_821 = arith.constant 16 : i32
        %mul3A_822 = arith.muli %scan3A_661, %mul3A_821 : i32
        %add3A_823 = arith.constant 1 : i32
        %add3A_824 = arith.addi %mul3A_822, %add3A_823 : i32
        %get3A_825 = arith.constant 1 : i32
        %get3A_826 = arith.index_cast %get3A_825 : i32 to index
        %get3A_827 = arith.index_cast %add3A_824 : i32 to index
        %get3A_828 = arith.constant 112 : index
        %get3A_829 = tpu.vector_load %arg8[%get3A_826, %get3A_827, %get3A_828] {strides = array<i32>} : memref<2x160x128xf32, #tpu.memory_space<vmem>>, vector<16xf32>,
        %mul3A_830 = arith.mulf %get3A_645, %get3A_829 : vector<16xf32>
        %add3A_831 = arith.addf %mul3A_760, %mul3A_770 : vector<16xf32>
        %add3A_832 = arith.addf %mul3A_780, %mul3A_790 : vector<16xf32>
        %add3A_833 = arith.addf %mul3A_800, %mul3A_810 : vector<16xf32>
        %add3A_834 = arith.addf %mul3A_820, %mul3A_830 : vector<16xf32>
        %add3A_835 = arith.addf %add3A_831, %add3A_832 : vector<16xf32>
        %add3A_836 = arith.addf %add3A_833, %add3A_834 : vector<16xf32>
        %add3A_837 = arith.addf %add3A_835, %add3A_836 : vector<16xf32>
        %swap3A_838 = arith.constant 16 : index
        %swap3A_839 = tpu.vector_load %arg10[%swap3A_838] {strides = array<i32>} : memref<256xf32, #tpu.memory_space<vmem>>, vector<16xf32>,
        tpu.vector_store %arg10[%swap3A_838], %add3A_837 {strides = array<i32>} : memref<256xf32, #tpu.memory_space<vmem>>, vector<16xf32>,
        %mul3A_840 = arith.constant 16 : i32
        %mul3A_841 = arith.muli %scan3A_661, %mul3A_840 : i32
        %add3A_842 = arith.constant 2 : i32
        %add3A_843 = arith.addi %mul3A_841, %add3A_842 : i32
        %get3A_844 = arith.constant 1 : i32
        %get3A_845 = arith.index_cast %get3A_844 : i32 to index
        %get3A_846 = arith.index_cast %add3A_843 : i32 to index
        %get3A_847 = arith.constant 0 : index
        %get3A_848 = tpu.vector_load %arg8[%get3A_845, %get3A_846, %get3A_847] {strides = array<i32>} : memref<2x160x128xf32, #tpu.memory_space<vmem>>, vector<16xf32>,
        %mul3A_849 = arith.mulf %get3A_617, %get3A_848 : vector<16xf32>
        %mul3A_850 = arith.constant 16 : i32
        %mul3A_851 = arith.muli %scan3A_661, %mul3A_850 : i32
        %add3A_852 = arith.constant 2 : i32
        %add3A_853 = arith.addi %mul3A_851, %add3A_852 : i32
        %get3A_854 = arith.constant 1 : i32
        %get3A_855 = arith.index_cast %get3A_854 : i32 to index
        %get3A_856 = arith.index_cast %add3A_853 : i32 to index
        %get3A_857 = arith.constant 16 : index
        %get3A_858 = tpu.vector_load %arg8[%get3A_855, %get3A_856, %get3A_857] {strides = array<i32>} : memref<2x160x128xf32, #tpu.memory_space<vmem>>, vector<16xf32>,
        %mul3A_859 = arith.mulf %get3A_621, %get3A_858 : vector<16xf32>
        %mul3A_860 = arith.constant 16 : i32
        %mul3A_861 = arith.muli %scan3A_661, %mul3A_860 : i32
        %add3A_862 = arith.constant 2 : i32
        %add3A_863 = arith.addi %mul3A_861, %add3A_862 : i32
        %get3A_864 = arith.constant 1 : i32
        %get3A_865 = arith.index_cast %get3A_864 : i32 to index
        %get3A_866 = arith.index_cast %add3A_863 : i32 to index
        %get3A_867 = arith.constant 32 : index
        %get3A_868 = tpu.vector_load %arg8[%get3A_865, %get3A_866, %get3A_867] {strides = array<i32>} : memref<2x160x128xf32, #tpu.memory_space<vmem>>, vector<16xf32>,
        %mul3A_869 = arith.mulf %get3A_625, %get3A_868 : vector<16xf32>
        %mul3A_870 = arith.constant 16 : i32
        %mul3A_871 = arith.muli %scan3A_661, %mul3A_870 : i32
        %add3A_872 = arith.constant 2 : i32
        %add3A_873 = arith.addi %mul3A_871, %add3A_872 : i32
        %get3A_874 = arith.constant 1 : i32
        %get3A_875 = arith.index_cast %get3A_874 : i32 to index
        %get3A_876 = arith.index_cast %add3A_873 : i32 to index
        %get3A_877 = arith.constant 48 : index
        %get3A_878 = tpu.vector_load %arg8[%get3A_875, %get3A_876, %get3A_877] {strides = array<i32>} : memref<2x160x128xf32, #tpu.memory_space<vmem>>, vector<16xf32>,
        %mul3A_879 = arith.mulf %get3A_629, %get3A_878 : vector<16xf32>
        %mul3A_880 = arith.constant 16 : i32
        %mul3A_881 = arith.muli %scan3A_661, %mul3A_880 : i32
        %add3A_882 = arith.constant 2 : i32
        %add3A_883 = arith.addi %mul3A_881, %add3A_882 : i32
        %get3A_884 = arith.constant 1 : i32
        %get3A_885 = arith.index_cast %get3A_884 : i32 to index
        %get3A_886 = arith.index_cast %add3A_883 : i32 to index
        %get3A_887 = arith.constant 64 : index
        %get3A_888 = tpu.vector_load %arg8[%get3A_885, %get3A_886, %get3A_887] {strides = array<i32>} : memref<2x160x128xf32, #tpu.memory_space<vmem>>, vector<16xf32>,
        %mul3A_889 = arith.mulf %get3A_633, %get3A_888 : vector<16xf32>
        %mul3A_890 = arith.constant 16 : i32
        %mul3A_891 = arith.muli %scan3A_661, %mul3A_890 : i32
        %add3A_892 = arith.constant 2 : i32
        %add3A_893 = arith.addi %mul3A_891, %add3A_892 : i32
        %get3A_894 = arith.constant 1 : i32
        %get3A_895 = arith.index_cast %get3A_894 : i32 to index
        %get3A_896 = arith.index_cast %add3A_893 : i32 to index
        %get3A_897 = arith.constant 80 : index
        %get3A_898 = tpu.vector_load %arg8[%get3A_895, %get3A_896, %get3A_897] {strides = array<i32>} : memref<2x160x128xf32, #tpu.memory_space<vmem>>, vector<16xf32>,
        %mul3A_899 = arith.mulf %get3A_637, %get3A_898 : vector<16xf32>
        %mul3A_900 = arith.constant 16 : i32
        %mul3A_901 = arith.muli %scan3A_661, %mul3A_900 : i32
        %add3A_902 = arith.constant 2 : i32
        %add3A_903 = arith.addi %mul3A_901, %add3A_902 : i32
        %get3A_904 = arith.constant 1 : i32
        %get3A_905 = arith.index_cast %get3A_904 : i32 to index
        %get3A_906 = arith.index_cast %add3A_903 : i32 to index
        %get3A_907 = arith.constant 96 : index
        %get3A_908 = tpu.vector_load %arg8[%get3A_905, %get3A_906, %get3A_907] {strides = array<i32>} : memref<2x160x128xf32, #tpu.memory_space<vmem>>, vector<16xf32>,
        %mul3A_909 = arith.mulf %get3A_641, %get3A_908 : vector<16xf32>
        %mul3A_910 = arith.constant 16 : i32
        %mul3A_911 = arith.muli %scan3A_661, %mul3A_910 : i32
        %add3A_912 = arith.constant 2 : i32
        %add3A_913 = arith.addi %mul3A_911, %add3A_912 : i32
        %get3A_914 = arith.constant 1 : i32
        %get3A_915 = arith.index_cast %get3A_914 : i32 to index
        %get3A_916 = arith.index_cast %add3A_913 : i32 to index
        %get3A_917 = arith.constant 112 : index
        %get3A_918 = tpu.vector_load %arg8[%get3A_915, %get3A_916, %get3A_917] {strides = array<i32>} : memref<2x160x128xf32, #tpu.memory_space<vmem>>, vector<16xf32>,
        %mul3A_919 = arith.mulf %get3A_645, %get3A_918 : vector<16xf32>
        %add3A_920 = arith.addf %mul3A_849, %mul3A_859 : vector<16xf32>
        %add3A_921 = arith.addf %mul3A_869, %mul3A_879 : vector<16xf32>
        %add3A_922 = arith.addf %mul3A_889, %mul3A_899 : vector<16xf32>
        %add3A_923 = arith.addf %mul3A_909, %mul3A_919 : vector<16xf32>
        %add3A_924 = arith.addf %add3A_920, %add3A_921 : vector<16xf32>
        %add3A_925 = arith.addf %add3A_922, %add3A_923 : vector<16xf32>
        %add3A_926 = arith.addf %add3A_924, %add3A_925 : vector<16xf32>
        %swap3A_927 = arith.constant 32 : index
        %swap3A_928 = tpu.vector_load %arg10[%swap3A_927] {strides = array<i32>} : memref<256xf32, #tpu.memory_space<vmem>>, vector<16xf32>,
        tpu.vector_store %arg10[%swap3A_927], %add3A_926 {strides = array<i32>} : memref<256xf32, #tpu.memory_space<vmem>>, vector<16xf32>,
        %mul3A_929 = arith.constant 16 : i32
        %mul3A_930 = arith.muli %scan3A_661, %mul3A_929 : i32
        %add3A_931 = arith.constant 3 : i32
        %add3A_932 = arith.addi %mul3A_930, %add3A_931 : i32
        %get3A_933 = arith.constant 1 : i32
        %get3A_934 = arith.index_cast %get3A_933 : i32 to index
        %get3A_935 = arith.index_cast %add3A_932 : i32 to index
        %get3A_936 = arith.constant 0 : index
        %get3A_937 = tpu.vector_load %arg8[%get3A_934, %get3A_935, %get3A_936] {strides = array<i32>} : memref<2x160x128xf32, #tpu.memory_space<vmem>>, vector<16xf32>,
        %mul3A_938 = arith.mulf %get3A_617, %get3A_937 : vector<16xf32>
        %mul3A_939 = arith.constant 16 : i32
        %mul3A_940 = arith.muli %scan3A_661, %mul3A_939 : i32
        %add3A_941 = arith.constant 3 : i32
        %add3A_942 = arith.addi %mul3A_940, %add3A_941 : i32
        %get3A_943 = arith.constant 1 : i32
        %get3A_944 = arith.index_cast %get3A_943 : i32 to index
        %get3A_945 = arith.index_cast %add3A_942 : i32 to index
        %get3A_946 = arith.constant 16 : index
        %get3A_947 = tpu.vector_load %arg8[%get3A_944, %get3A_945, %get3A_946] {strides = array<i32>} : memref<2x160x128xf32, #tpu.memory_space<vmem>>, vector<16xf32>,
        %mul3A_948 = arith.mulf %get3A_621, %get3A_947 : vector<16xf32>
        %mul3A_949 = arith.constant 16 : i32
        %mul3A_950 = arith.muli %scan3A_661, %mul3A_949 : i32
        %add3A_951 = arith.constant 3 : i32
        %add3A_952 = arith.addi %mul3A_950, %add3A_951 : i32
        %get3A_953 = arith.constant 1 : i32
        %get3A_954 = arith.index_cast %get3A_953 : i32 to index
        %get3A_955 = arith.index_cast %add3A_952 : i32 to index
        %get3A_956 = arith.constant 32 : index
        %get3A_957 = tpu.vector_load %arg8[%get3A_954, %get3A_955, %get3A_956] {strides = array<i32>} : memref<2x160x128xf32, #tpu.memory_space<vmem>>, vector<16xf32>,
        %mul3A_958 = arith.mulf %get3A_625, %get3A_957 : vector<16xf32>
        %mul3A_959 = arith.constant 16 : i32
        %mul3A_960 = arith.muli %scan3A_661, %mul3A_959 : i32
        %add3A_961 = arith.constant 3 : i32
        %add3A_962 = arith.addi %mul3A_960, %add3A_961 : i32
        %get3A_963 = arith.constant 1 : i32
        %get3A_964 = arith.index_cast %get3A_963 : i32 to index
        %get3A_965 = arith.index_cast %add3A_962 : i32 to index
        %get3A_966 = arith.constant 48 : index
        %get3A_967 = tpu.vector_load %arg8[%get3A_964, %get3A_965, %get3A_966] {strides = array<i32>} : memref<2x160x128xf32, #tpu.memory_space<vmem>>, vector<16xf32>,
        %mul3A_968 = arith.mulf %get3A_629, %get3A_967 : vector<16xf32>
        %mul3A_969 = arith.constant 16 : i32
        %mul3A_970 = arith.muli %scan3A_661, %mul3A_969 : i32
        %add3A_971 = arith.constant 3 : i32
        %add3A_972 = arith.addi %mul3A_970, %add3A_971 : i32
        %get3A_973 = arith.constant 1 : i32
        %get3A_974 = arith.index_cast %get3A_973 : i32 to index
        %get3A_975 = arith.index_cast %add3A_972 : i32 to index
        %get3A_976 = arith.constant 64 : index
        %get3A_977 = tpu.vector_load %arg8[%get3A_974, %get3A_975, %get3A_976] {strides = array<i32>} : memref<2x160x128xf32, #tpu.memory_space<vmem>>, vector<16xf32>,
        %mul3A_978 = arith.mulf %get3A_633, %get3A_977 : vector<16xf32>
        %mul3A_979 = arith.constant 16 : i32
        %mul3A_980 = arith.muli %scan3A_661, %mul3A_979 : i32
        %add3A_981 = arith.constant 3 : i32
        %add3A_982 = arith.addi %mul3A_980, %add3A_981 : i32
        %get3A_983 = arith.constant 1 : i32
        %get3A_984 = arith.index_cast %get3A_983 : i32 to index
        %get3A_985 = arith.index_cast %add3A_982 : i32 to index
        %get3A_986 = arith.constant 80 : index
        %get3A_987 = tpu.vector_load %arg8[%get3A_984, %get3A_985, %get3A_986] {strides = array<i32>} : memref<2x160x128xf32, #tpu.memory_space<vmem>>, vector<16xf32>,
        %mul3A_988 = arith.mulf %get3A_637, %get3A_987 : vector<16xf32>
        %mul3A_989 = arith.constant 16 : i32
        %mul3A_990 = arith.muli %scan3A_661, %mul3A_989 : i32
        %add3A_991 = arith.constant 3 : i32
        %add3A_992 = arith.addi %mul3A_990, %add3A_991 : i32
        %get3A_993 = arith.constant 1 : i32
        %get3A_994 = arith.index_cast %get3A_993 : i32 to index
        %get3A_995 = arith.index_cast %add3A_992 : i32 to index
        %get3A_996 = arith.constant 96 : index
        %get3A_997 = tpu.vector_load %arg8[%get3A_994, %get3A_995, %get3A_996] {strides = array<i32>} : memref<2x160x128xf32, #tpu.memory_space<vmem>>, vector<16xf32>,
        %mul3A_998 = arith.mulf %get3A_641, %get3A_997 : vector<16xf32>
        %mul3A_999 = arith.constant 16 : i32
        %mul3A_1000 = arith.muli %scan3A_661, %mul3A_999 : i32
        %add3A_1001 = arith.constant 3 : i32
        %add3A_1002 = arith.addi %mul3A_1000, %add3A_1001 : i32
        %get3A_1003 = arith.constant 1 : i32
        %get3A_1004 = arith.index_cast %get3A_1003 : i32 to index
        %get3A_1005 = arith.index_cast %add3A_1002 : i32 to index
        %get3A_1006 = arith.constant 112 : index
        %get3A_1007 = tpu.vector_load %arg8[%get3A_1004, %get3A_1005, %get3A_1006] {strides = array<i32>} : memref<2x160x128xf32, #tpu.memory_space<vmem>>, vector<16xf32>,
        %mul3A_1008 = arith.mulf %get3A_645, %get3A_1007 : vector<16xf32>
        %add3A_1009 = arith.addf %mul3A_938, %mul3A_948 : vector<16xf32>
        %add3A_1010 = arith.addf %mul3A_958, %mul3A_968 : vector<16xf32>
        %add3A_1011 = arith.addf %mul3A_978, %mul3A_988 : vector<16xf32>
        %add3A_1012 = arith.addf %mul3A_998, %mul3A_1008 : vector<16xf32>
        %add3A_1013 = arith.addf %add3A_1009, %add3A_1010 : vector<16xf32>
        %add3A_1014 = arith.addf %add3A_1011, %add3A_1012 : vector<16xf32>
        %add3A_1015 = arith.addf %add3A_1013, %add3A_1014 : vector<16xf32>
        %swap3A_1016 = arith.constant 48 : index
        %swap3A_1017 = tpu.vector_load %arg10[%swap3A_1016] {strides = array<i32>} : memref<256xf32, #tpu.memory_space<vmem>>, vector<16xf32>,
        tpu.vector_store %arg10[%swap3A_1016], %add3A_1015 {strides = array<i32>} : memref<256xf32, #tpu.memory_space<vmem>>, vector<16xf32>,
        %mul3A_1018 = arith.constant 16 : i32
        %mul3A_1019 = arith.muli %scan3A_661, %mul3A_1018 : i32
        %add3A_1020 = arith.constant 4 : i32
        %add3A_1021 = arith.addi %mul3A_1019, %add3A_1020 : i32
        %get3A_1022 = arith.constant 1 : i32
        %get3A_1023 = arith.index_cast %get3A_1022 : i32 to index
        %get3A_1024 = arith.index_cast %add3A_1021 : i32 to index
        %get3A_1025 = arith.constant 0 : index
        %get3A_1026 = tpu.vector_load %arg8[%get3A_1023, %get3A_1024, %get3A_1025] {strides = array<i32>} : memref<2x160x128xf32, #tpu.memory_space<vmem>>, vector<16xf32>,
        %mul3A_1027 = arith.mulf %get3A_617, %get3A_1026 : vector<16xf32>
        %mul3A_1028 = arith.constant 16 : i32
        %mul3A_1029 = arith.muli %scan3A_661, %mul3A_1028 : i32
        %add3A_1030 = arith.constant 4 : i32
        %add3A_1031 = arith.addi %mul3A_1029, %add3A_1030 : i32
        %get3A_1032 = arith.constant 1 : i32
        %get3A_1033 = arith.index_cast %get3A_1032 : i32 to index
        %get3A_1034 = arith.index_cast %add3A_1031 : i32 to index
        %get3A_1035 = arith.constant 16 : index
        %get3A_1036 = tpu.vector_load %arg8[%get3A_1033, %get3A_1034, %get3A_1035] {strides = array<i32>} : memref<2x160x128xf32, #tpu.memory_space<vmem>>, vector<16xf32>,
        %mul3A_1037 = arith.mulf %get3A_621, %get3A_1036 : vector<16xf32>
        %mul3A_1038 = arith.constant 16 : i32
        %mul3A_1039 = arith.muli %scan3A_661, %mul3A_1038 : i32
        %add3A_1040 = arith.constant 4 : i32
        %add3A_1041 = arith.addi %mul3A_1039, %add3A_1040 : i32
        %get3A_1042 = arith.constant 1 : i32
        %get3A_1043 = arith.index_cast %get3A_1042 : i32 to index
        %get3A_1044 = arith.index_cast %add3A_1041 : i32 to index
        %get3A_1045 = arith.constant 32 : index
        %get3A_1046 = tpu.vector_load %arg8[%get3A_1043, %get3A_1044, %get3A_1045] {strides = array<i32>} : memref<2x160x128xf32, #tpu.memory_space<vmem>>, vector<16xf32>,
        %mul3A_1047 = arith.mulf %get3A_625, %get3A_1046 : vector<16xf32>
        %mul3A_1048 = arith.constant 16 : i32
        %mul3A_1049 = arith.muli %scan3A_661, %mul3A_1048 : i32
        %add3A_1050 = arith.constant 4 : i32
        %add3A_1051 = arith.addi %mul3A_1049, %add3A_1050 : i32
        %get3A_1052 = arith.constant 1 : i32
        %get3A_1053 = arith.index_cast %get3A_1052 : i32 to index
        %get3A_1054 = arith.index_cast %add3A_1051 : i32 to index
        %get3A_1055 = arith.constant 48 : index
        %get3A_1056 = tpu.vector_load %arg8[%get3A_1053, %get3A_1054, %get3A_1055] {strides = array<i32>} : memref<2x160x128xf32, #tpu.memory_space<vmem>>, vector<16xf32>,
        %mul3A_1057 = arith.mulf %get3A_629, %get3A_1056 : vector<16xf32>
        %mul3A_1058 = arith.constant 16 : i32
        %mul3A_1059 = arith.muli %scan3A_661, %mul3A_1058 : i32
        %add3A_1060 = arith.constant 4 : i32
        %add3A_1061 = arith.addi %mul3A_1059, %add3A_1060 : i32
        %get3A_1062 = arith.constant 1 : i32
        %get3A_1063 = arith.index_cast %get3A_1062 : i32 to index
        %get3A_1064 = arith.index_cast %add3A_1061 : i32 to index
        %get3A_1065 = arith.constant 64 : index
        %get3A_1066 = tpu.vector_load %arg8[%get3A_1063, %get3A_1064, %get3A_1065] {strides = array<i32>} : memref<2x160x128xf32, #tpu.memory_space<vmem>>, vector<16xf32>,
        %mul3A_1067 = arith.mulf %get3A_633, %get3A_1066 : vector<16xf32>
        %mul3A_1068 = arith.constant 16 : i32
        %mul3A_1069 = arith.muli %scan3A_661, %mul3A_1068 : i32
        %add3A_1070 = arith.constant 4 : i32
        %add3A_1071 = arith.addi %mul3A_1069, %add3A_1070 : i32
        %get3A_1072 = arith.constant 1 : i32
        %get3A_1073 = arith.index_cast %get3A_1072 : i32 to index
        %get3A_1074 = arith.index_cast %add3A_1071 : i32 to index
        %get3A_1075 = arith.constant 80 : index
        %get3A_1076 = tpu.vector_load %arg8[%get3A_1073, %get3A_1074, %get3A_1075] {strides = array<i32>} : memref<2x160x128xf32, #tpu.memory_space<vmem>>, vector<16xf32>,
        %mul3A_1077 = arith.mulf %get3A_637, %get3A_1076 : vector<16xf32>
        %mul3A_1078 = arith.constant 16 : i32
        %mul3A_1079 = arith.muli %scan3A_661, %mul3A_1078 : i32
        %add3A_1080 = arith.constant 4 : i32
        %add3A_1081 = arith.addi %mul3A_1079, %add3A_1080 : i32
        %get3A_1082 = arith.constant 1 : i32
        %get3A_1083 = arith.index_cast %get3A_1082 : i32 to index
        %get3A_1084 = arith.index_cast %add3A_1081 : i32 to index
        %get3A_1085 = arith.constant 96 : index
        %get3A_1086 = tpu.vector_load %arg8[%get3A_1083, %get3A_1084, %get3A_1085] {strides = array<i32>} : memref<2x160x128xf32, #tpu.memory_space<vmem>>, vector<16xf32>,
        %mul3A_1087 = arith.mulf %get3A_641, %get3A_1086 : vector<16xf32>
        %mul3A_1088 = arith.constant 16 : i32
        %mul3A_1089 = arith.muli %scan3A_661, %mul3A_1088 : i32
        %add3A_1090 = arith.constant 4 : i32
        %add3A_1091 = arith.addi %mul3A_1089, %add3A_1090 : i32
        %get3A_1092 = arith.constant 1 : i32
        %get3A_1093 = arith.index_cast %get3A_1092 : i32 to index
        %get3A_1094 = arith.index_cast %add3A_1091 : i32 to index
        %get3A_1095 = arith.constant 112 : index
        %get3A_1096 = tpu.vector_load %arg8[%get3A_1093, %get3A_1094, %get3A_1095] {strides = array<i32>} : memref<2x160x128xf32, #tpu.memory_space<vmem>>, vector<16xf32>,
        %mul3A_1097 = arith.mulf %get3A_645, %get3A_1096 : vector<16xf32>
        %add3A_1098 = arith.addf %mul3A_1027, %mul3A_1037 : vector<16xf32>
        %add3A_1099 = arith.addf %mul3A_1047, %mul3A_1057 : vector<16xf32>
        %add3A_1100 = arith.addf %mul3A_1067, %mul3A_1077 : vector<16xf32>
        %add3A_1101 = arith.addf %mul3A_1087, %mul3A_1097 : vector<16xf32>
        %add3A_1102 = arith.addf %add3A_1098, %add3A_1099 : vector<16xf32>
        %add3A_1103 = arith.addf %add3A_1100, %add3A_1101 : vector<16xf32>
        %add3A_1104 = arith.addf %add3A_1102, %add3A_1103 : vector<16xf32>
        %swap3A_1105 = arith.constant 64 : index
        %swap3A_1106 = tpu.vector_load %arg10[%swap3A_1105] {strides = array<i32>} : memref<256xf32, #tpu.memory_space<vmem>>, vector<16xf32>,
        tpu.vector_store %arg10[%swap3A_1105], %add3A_1104 {strides = array<i32>} : memref<256xf32, #tpu.memory_space<vmem>>, vector<16xf32>,
        %mul3A_1107 = arith.constant 16 : i32
        %mul3A_1108 = arith.muli %scan3A_661, %mul3A_1107 : i32
        %add3A_1109 = arith.constant 5 : i32
        %add3A_1110 = arith.addi %mul3A_1108, %add3A_1109 : i32
        %get3A_1111 = arith.constant 1 : i32
        %get3A_1112 = arith.index_cast %get3A_1111 : i32 to index
        %get3A_1113 = arith.index_cast %add3A_1110 : i32 to index
        %get3A_1114 = arith.constant 0 : index
        %get3A_1115 = tpu.vector_load %arg8[%get3A_1112, %get3A_1113, %get3A_1114] {strides = array<i32>} : memref<2x160x128xf32, #tpu.memory_space<vmem>>, vector<16xf32>,
        %mul3A_1116 = arith.mulf %get3A_617, %get3A_1115 : vector<16xf32>
        %mul3A_1117 = arith.constant 16 : i32
        %mul3A_1118 = arith.muli %scan3A_661, %mul3A_1117 : i32
        %add3A_1119 = arith.constant 5 : i32
        %add3A_1120 = arith.addi %mul3A_1118, %add3A_1119 : i32
        %get3A_1121 = arith.constant 1 : i32
        %get3A_1122 = arith.index_cast %get3A_1121 : i32 to index
        %get3A_1123 = arith.index_cast %add3A_1120 : i32 to index
        %get3A_1124 = arith.constant 16 : index
        %get3A_1125 = tpu.vector_load %arg8[%get3A_1122, %get3A_1123, %get3A_1124] {strides = array<i32>} : memref<2x160x128xf32, #tpu.memory_space<vmem>>, vector<16xf32>,
        %mul3A_1126 = arith.mulf %get3A_621, %get3A_1125 : vector<16xf32>
        %mul3A_1127 = arith.constant 16 : i32
        %mul3A_1128 = arith.muli %scan3A_661, %mul3A_1127 : i32
        %add3A_1129 = arith.constant 5 : i32
        %add3A_1130 = arith.addi %mul3A_1128, %add3A_1129 : i32
        %get3A_1131 = arith.constant 1 : i32
        %get3A_1132 = arith.index_cast %get3A_1131 : i32 to index
        %get3A_1133 = arith.index_cast %add3A_1130 : i32 to index
        %get3A_1134 = arith.constant 32 : index
        %get3A_1135 = tpu.vector_load %arg8[%get3A_1132, %get3A_1133, %get3A_1134] {strides = array<i32>} : memref<2x160x128xf32, #tpu.memory_space<vmem>>, vector<16xf32>,
        %mul3A_1136 = arith.mulf %get3A_625, %get3A_1135 : vector<16xf32>
        %mul3A_1137 = arith.constant 16 : i32
        %mul3A_1138 = arith.muli %scan3A_661, %mul3A_1137 : i32
        %add3A_1139 = arith.constant 5 : i32
        %add3A_1140 = arith.addi %mul3A_1138, %add3A_1139 : i32
        %get3A_1141 = arith.constant 1 : i32
        %get3A_1142 = arith.index_cast %get3A_1141 : i32 to index
        %get3A_1143 = arith.index_cast %add3A_1140 : i32 to index
        %get3A_1144 = arith.constant 48 : index
        %get3A_1145 = tpu.vector_load %arg8[%get3A_1142, %get3A_1143, %get3A_1144] {strides = array<i32>} : memref<2x160x128xf32, #tpu.memory_space<vmem>>, vector<16xf32>,
        %mul3A_1146 = arith.mulf %get3A_629, %get3A_1145 : vector<16xf32>
        %mul3A_1147 = arith.constant 16 : i32
        %mul3A_1148 = arith.muli %scan3A_661, %mul3A_1147 : i32
        %add3A_1149 = arith.constant 5 : i32
        %add3A_1150 = arith.addi %mul3A_1148, %add3A_1149 : i32
        %get3A_1151 = arith.constant 1 : i32
        %get3A_1152 = arith.index_cast %get3A_1151 : i32 to index
        %get3A_1153 = arith.index_cast %add3A_1150 : i32 to index
        %get3A_1154 = arith.constant 64 : index
        %get3A_1155 = tpu.vector_load %arg8[%get3A_1152, %get3A_1153, %get3A_1154] {strides = array<i32>} : memref<2x160x128xf32, #tpu.memory_space<vmem>>, vector<16xf32>,
        %mul3A_1156 = arith.mulf %get3A_633, %get3A_1155 : vector<16xf32>
        %mul3A_1157 = arith.constant 16 : i32
        %mul3A_1158 = arith.muli %scan3A_661, %mul3A_1157 : i32
        %add3A_1159 = arith.constant 5 : i32
        %add3A_1160 = arith.addi %mul3A_1158, %add3A_1159 : i32
        %get3A_1161 = arith.constant 1 : i32
        %get3A_1162 = arith.index_cast %get3A_1161 : i32 to index
        %get3A_1163 = arith.index_cast %add3A_1160 : i32 to index
        %get3A_1164 = arith.constant 80 : index
        %get3A_1165 = tpu.vector_load %arg8[%get3A_1162, %get3A_1163, %get3A_1164] {strides = array<i32>} : memref<2x160x128xf32, #tpu.memory_space<vmem>>, vector<16xf32>,
        %mul3A_1166 = arith.mulf %get3A_637, %get3A_1165 : vector<16xf32>
        %mul3A_1167 = arith.constant 16 : i32
        %mul3A_1168 = arith.muli %scan3A_661, %mul3A_1167 : i32
        %add3A_1169 = arith.constant 5 : i32
        %add3A_1170 = arith.addi %mul3A_1168, %add3A_1169 : i32
        %get3A_1171 = arith.constant 1 : i32
        %get3A_1172 = arith.index_cast %get3A_1171 : i32 to index
        %get3A_1173 = arith.index_cast %add3A_1170 : i32 to index
        %get3A_1174 = arith.constant 96 : index
        %get3A_1175 = tpu.vector_load %arg8[%get3A_1172, %get3A_1173, %get3A_1174] {strides = array<i32>} : memref<2x160x128xf32, #tpu.memory_space<vmem>>, vector<16xf32>,
        %mul3A_1176 = arith.mulf %get3A_641, %get3A_1175 : vector<16xf32>
        %mul3A_1177 = arith.constant 16 : i32
        %mul3A_1178 = arith.muli %scan3A_661, %mul3A_1177 : i32
        %add3A_1179 = arith.constant 5 : i32
        %add3A_1180 = arith.addi %mul3A_1178, %add3A_1179 : i32
        %get3A_1181 = arith.constant 1 : i32
        %get3A_1182 = arith.index_cast %get3A_1181 : i32 to index
        %get3A_1183 = arith.index_cast %add3A_1180 : i32 to index
        %get3A_1184 = arith.constant 112 : index
        %get3A_1185 = tpu.vector_load %arg8[%get3A_1182, %get3A_1183, %get3A_1184] {strides = array<i32>} : memref<2x160x128xf32, #tpu.memory_space<vmem>>, vector<16xf32>,
        %mul3A_1186 = arith.mulf %get3A_645, %get3A_1185 : vector<16xf32>
        %add3A_1187 = arith.addf %mul3A_1116, %mul3A_1126 : vector<16xf32>
        %add3A_1188 = arith.addf %mul3A_1136, %mul3A_1146 : vector<16xf32>
        %add3A_1189 = arith.addf %mul3A_1156, %mul3A_1166 : vector<16xf32>
        %add3A_1190 = arith.addf %mul3A_1176, %mul3A_1186 : vector<16xf32>
        %add3A_1191 = arith.addf %add3A_1187, %add3A_1188 : vector<16xf32>
        %add3A_1192 = arith.addf %add3A_1189, %add3A_1190 : vector<16xf32>
        %add3A_1193 = arith.addf %add3A_1191, %add3A_1192 : vector<16xf32>
        %swap3A_1194 = arith.constant 80 : index
        %swap3A_1195 = tpu.vector_load %arg10[%swap3A_1194] {strides = array<i32>} : memref<256xf32, #tpu.memory_space<vmem>>, vector<16xf32>,
        tpu.vector_store %arg10[%swap3A_1194], %add3A_1193 {strides = array<i32>} : memref<256xf32, #tpu.memory_space<vmem>>, vector<16xf32>,
        %mul3A_1196 = arith.constant 16 : i32
        %mul3A_1197 = arith.muli %scan3A_661, %mul3A_1196 : i32
        %add3A_1198 = arith.constant 6 : i32
        %add3A_1199 = arith.addi %mul3A_1197, %add3A_1198 : i32
        %get3A_1200 = arith.constant 1 : i32
        %get3A_1201 = arith.index_cast %get3A_1200 : i32 to index
        %get3A_1202 = arith.index_cast %add3A_1199 : i32 to index
        %get3A_1203 = arith.constant 0 : index
        %get3A_1204 = tpu.vector_load %arg8[%get3A_1201, %get3A_1202, %get3A_1203] {strides = array<i32>} : memref<2x160x128xf32, #tpu.memory_space<vmem>>, vector<16xf32>,
        %mul3A_1205 = arith.mulf %get3A_617, %get3A_1204 : vector<16xf32>
        %mul3A_1206 = arith.constant 16 : i32
        %mul3A_1207 = arith.muli %scan3A_661, %mul3A_1206 : i32
        %add3A_1208 = arith.constant 6 : i32
        %add3A_1209 = arith.addi %mul3A_1207, %add3A_1208 : i32
        %get3A_1210 = arith.constant 1 : i32
        %get3A_1211 = arith.index_cast %get3A_1210 : i32 to index
        %get3A_1212 = arith.index_cast %add3A_1209 : i32 to index
        %get3A_1213 = arith.constant 16 : index
        %get3A_1214 = tpu.vector_load %arg8[%get3A_1211, %get3A_1212, %get3A_1213] {strides = array<i32>} : memref<2x160x128xf32, #tpu.memory_space<vmem>>, vector<16xf32>,
        %mul3A_1215 = arith.mulf %get3A_621, %get3A_1214 : vector<16xf32>
        %mul3A_1216 = arith.constant 16 : i32
        %mul3A_1217 = arith.muli %scan3A_661, %mul3A_1216 : i32
        %add3A_1218 = arith.constant 6 : i32
        %add3A_1219 = arith.addi %mul3A_1217, %add3A_1218 : i32
        %get3A_1220 = arith.constant 1 : i32
        %get3A_1221 = arith.index_cast %get3A_1220 : i32 to index
        %get3A_1222 = arith.index_cast %add3A_1219 : i32 to index
        %get3A_1223 = arith.constant 32 : index
        %get3A_1224 = tpu.vector_load %arg8[%get3A_1221, %get3A_1222, %get3A_1223] {strides = array<i32>} : memref<2x160x128xf32, #tpu.memory_space<vmem>>, vector<16xf32>,
        %mul3A_1225 = arith.mulf %get3A_625, %get3A_1224 : vector<16xf32>
        %mul3A_1226 = arith.constant 16 : i32
        %mul3A_1227 = arith.muli %scan3A_661, %mul3A_1226 : i32
        %add3A_1228 = arith.constant 6 : i32
        %add3A_1229 = arith.addi %mul3A_1227, %add3A_1228 : i32
        %get3A_1230 = arith.constant 1 : i32
        %get3A_1231 = arith.index_cast %get3A_1230 : i32 to index
        %get3A_1232 = arith.index_cast %add3A_1229 : i32 to index
        %get3A_1233 = arith.constant 48 : index
        %get3A_1234 = tpu.vector_load %arg8[%get3A_1231, %get3A_1232, %get3A_1233] {strides = array<i32>} : memref<2x160x128xf32, #tpu.memory_space<vmem>>, vector<16xf32>,
        %mul3A_1235 = arith.mulf %get3A_629, %get3A_1234 : vector<16xf32>
        %mul3A_1236 = arith.constant 16 : i32
        %mul3A_1237 = arith.muli %scan3A_661, %mul3A_1236 : i32
        %add3A_1238 = arith.constant 6 : i32
        %add3A_1239 = arith.addi %mul3A_1237, %add3A_1238 : i32
        %get3A_1240 = arith.constant 1 : i32
        %get3A_1241 = arith.index_cast %get3A_1240 : i32 to index
        %get3A_1242 = arith.index_cast %add3A_1239 : i32 to index
        %get3A_1243 = arith.constant 64 : index
        %get3A_1244 = tpu.vector_load %arg8[%get3A_1241, %get3A_1242, %get3A_1243] {strides = array<i32>} : memref<2x160x128xf32, #tpu.memory_space<vmem>>, vector<16xf32>,
        %mul3A_1245 = arith.mulf %get3A_633, %get3A_1244 : vector<16xf32>
        %mul3A_1246 = arith.constant 16 : i32
        %mul3A_1247 = arith.muli %scan3A_661, %mul3A_1246 : i32
        %add3A_1248 = arith.constant 6 : i32
        %add3A_1249 = arith.addi %mul3A_1247, %add3A_1248 : i32
        %get3A_1250 = arith.constant 1 : i32
        %get3A_1251 = arith.index_cast %get3A_1250 : i32 to index
        %get3A_1252 = arith.index_cast %add3A_1249 : i32 to index
        %get3A_1253 = arith.constant 80 : index
        %get3A_1254 = tpu.vector_load %arg8[%get3A_1251, %get3A_1252, %get3A_1253] {strides = array<i32>} : memref<2x160x128xf32, #tpu.memory_space<vmem>>, vector<16xf32>,
        %mul3A_1255 = arith.mulf %get3A_637, %get3A_1254 : vector<16xf32>
        %mul3A_1256 = arith.constant 16 : i32
        %mul3A_1257 = arith.muli %scan3A_661, %mul3A_1256 : i32
        %add3A_1258 = arith.constant 6 : i32
        %add3A_1259 = arith.addi %mul3A_1257, %add3A_1258 : i32
        %get3A_1260 = arith.constant 1 : i32
        %get3A_1261 = arith.index_cast %get3A_1260 : i32 to index
        %get3A_1262 = arith.index_cast %add3A_1259 : i32 to index
        %get3A_1263 = arith.constant 96 : index
        %get3A_1264 = tpu.vector_load %arg8[%get3A_1261, %get3A_1262, %get3A_1263] {strides = array<i32>} : memref<2x160x128xf32, #tpu.memory_space<vmem>>, vector<16xf32>,
        %mul3A_1265 = arith.mulf %get3A_641, %get3A_1264 : vector<16xf32>
        %mul3A_1266 = arith.constant 16 : i32
        %mul3A_1267 = arith.muli %scan3A_661, %mul3A_1266 : i32
        %add3A_1268 = arith.constant 6 : i32
        %add3A_1269 = arith.addi %mul3A_1267, %add3A_1268 : i32
        %get3A_1270 = arith.constant 1 : i32
        %get3A_1271 = arith.index_cast %get3A_1270 : i32 to index
        %get3A_1272 = arith.index_cast %add3A_1269 : i32 to index
        %get3A_1273 = arith.constant 112 : index
        %get3A_1274 = tpu.vector_load %arg8[%get3A_1271, %get3A_1272, %get3A_1273] {strides = array<i32>} : memref<2x160x128xf32, #tpu.memory_space<vmem>>, vector<16xf32>,
        %mul3A_1275 = arith.mulf %get3A_645, %get3A_1274 : vector<16xf32>
        %add3A_1276 = arith.addf %mul3A_1205, %mul3A_1215 : vector<16xf32>
        %add3A_1277 = arith.addf %mul3A_1225, %mul3A_1235 : vector<16xf32>
        %add3A_1278 = arith.addf %mul3A_1245, %mul3A_1255 : vector<16xf32>
        %add3A_1279 = arith.addf %mul3A_1265, %mul3A_1275 : vector<16xf32>
        %add3A_1280 = arith.addf %add3A_1276, %add3A_1277 : vector<16xf32>
        %add3A_1281 = arith.addf %add3A_1278, %add3A_1279 : vector<16xf32>
        %add3A_1282 = arith.addf %add3A_1280, %add3A_1281 : vector<16xf32>
        %swap3A_1283 = arith.constant 96 : index
        %swap3A_1284 = tpu.vector_load %arg10[%swap3A_1283] {strides = array<i32>} : memref<256xf32, #tpu.memory_space<vmem>>, vector<16xf32>,
        tpu.vector_store %arg10[%swap3A_1283], %add3A_1282 {strides = array<i32>} : memref<256xf32, #tpu.memory_space<vmem>>, vector<16xf32>,
        %mul3A_1285 = arith.constant 16 : i32
        %mul3A_1286 = arith.muli %scan3A_661, %mul3A_1285 : i32
        %add3A_1287 = arith.constant 7 : i32
        %add3A_1288 = arith.addi %mul3A_1286, %add3A_1287 : i32
        %get3A_1289 = arith.constant 1 : i32
        %get3A_1290 = arith.index_cast %get3A_1289 : i32 to index
        %get3A_1291 = arith.index_cast %add3A_1288 : i32 to index
        %get3A_1292 = arith.constant 0 : index
        %get3A_1293 = tpu.vector_load %arg8[%get3A_1290, %get3A_1291, %get3A_1292] {strides = array<i32>} : memref<2x160x128xf32, #tpu.memory_space<vmem>>, vector<16xf32>,
        %mul3A_1294 = arith.mulf %get3A_617, %get3A_1293 : vector<16xf32>
        %mul3A_1295 = arith.constant 16 : i32
        %mul3A_1296 = arith.muli %scan3A_661, %mul3A_1295 : i32
        %add3A_1297 = arith.constant 7 : i32
        %add3A_1298 = arith.addi %mul3A_1296, %add3A_1297 : i32
        %get3A_1299 = arith.constant 1 : i32
        %get3A_1300 = arith.index_cast %get3A_1299 : i32 to index
        %get3A_1301 = arith.index_cast %add3A_1298 : i32 to index
        %get3A_1302 = arith.constant 16 : index
        %get3A_1303 = tpu.vector_load %arg8[%get3A_1300, %get3A_1301, %get3A_1302] {strides = array<i32>} : memref<2x160x128xf32, #tpu.memory_space<vmem>>, vector<16xf32>,
        %mul3A_1304 = arith.mulf %get3A_621, %get3A_1303 : vector<16xf32>
        %mul3A_1305 = arith.constant 16 : i32
        %mul3A_1306 = arith.muli %scan3A_661, %mul3A_1305 : i32
        %add3A_1307 = arith.constant 7 : i32
        %add3A_1308 = arith.addi %mul3A_1306, %add3A_1307 : i32
        %get3A_1309 = arith.constant 1 : i32
        %get3A_1310 = arith.index_cast %get3A_1309 : i32 to index
        %get3A_1311 = arith.index_cast %add3A_1308 : i32 to index
        %get3A_1312 = arith.constant 32 : index
        %get3A_1313 = tpu.vector_load %arg8[%get3A_1310, %get3A_1311, %get3A_1312] {strides = array<i32>} : memref<2x160x128xf32, #tpu.memory_space<vmem>>, vector<16xf32>,
        %mul3A_1314 = arith.mulf %get3A_625, %get3A_1313 : vector<16xf32>
        %mul3A_1315 = arith.constant 16 : i32
        %mul3A_1316 = arith.muli %scan3A_661, %mul3A_1315 : i32
        %add3A_1317 = arith.constant 7 : i32
        %add3A_1318 = arith.addi %mul3A_1316, %add3A_1317 : i32
        %get3A_1319 = arith.constant 1 : i32
        %get3A_1320 = arith.index_cast %get3A_1319 : i32 to index
        %get3A_1321 = arith.index_cast %add3A_1318 : i32 to index
        %get3A_1322 = arith.constant 48 : index
        %get3A_1323 = tpu.vector_load %arg8[%get3A_1320, %get3A_1321, %get3A_1322] {strides = array<i32>} : memref<2x160x128xf32, #tpu.memory_space<vmem>>, vector<16xf32>,
        %mul3A_1324 = arith.mulf %get3A_629, %get3A_1323 : vector<16xf32>
        %mul3A_1325 = arith.constant 16 : i32
        %mul3A_1326 = arith.muli %scan3A_661, %mul3A_1325 : i32
        %add3A_1327 = arith.constant 7 : i32
        %add3A_1328 = arith.addi %mul3A_1326, %add3A_1327 : i32
        %get3A_1329 = arith.constant 1 : i32
        %get3A_1330 = arith.index_cast %get3A_1329 : i32 to index
        %get3A_1331 = arith.index_cast %add3A_1328 : i32 to index
        %get3A_1332 = arith.constant 64 : index
        %get3A_1333 = tpu.vector_load %arg8[%get3A_1330, %get3A_1331, %get3A_1332] {strides = array<i32>} : memref<2x160x128xf32, #tpu.memory_space<vmem>>, vector<16xf32>,
        %mul3A_1334 = arith.mulf %get3A_633, %get3A_1333 : vector<16xf32>
        %mul3A_1335 = arith.constant 16 : i32
        %mul3A_1336 = arith.muli %scan3A_661, %mul3A_1335 : i32
        %add3A_1337 = arith.constant 7 : i32
        %add3A_1338 = arith.addi %mul3A_1336, %add3A_1337 : i32
        %get3A_1339 = arith.constant 1 : i32
        %get3A_1340 = arith.index_cast %get3A_1339 : i32 to index
        %get3A_1341 = arith.index_cast %add3A_1338 : i32 to index
        %get3A_1342 = arith.constant 80 : index
        %get3A_1343 = tpu.vector_load %arg8[%get3A_1340, %get3A_1341, %get3A_1342] {strides = array<i32>} : memref<2x160x128xf32, #tpu.memory_space<vmem>>, vector<16xf32>,
        %mul3A_1344 = arith.mulf %get3A_637, %get3A_1343 : vector<16xf32>
        %mul3A_1345 = arith.constant 16 : i32
        %mul3A_1346 = arith.muli %scan3A_661, %mul3A_1345 : i32
        %add3A_1347 = arith.constant 7 : i32
        %add3A_1348 = arith.addi %mul3A_1346, %add3A_1347 : i32
        %get3A_1349 = arith.constant 1 : i32
        %get3A_1350 = arith.index_cast %get3A_1349 : i32 to index
        %get3A_1351 = arith.index_cast %add3A_1348 : i32 to index
        %get3A_1352 = arith.constant 96 : index
        %get3A_1353 = tpu.vector_load %arg8[%get3A_1350, %get3A_1351, %get3A_1352] {strides = array<i32>} : memref<2x160x128xf32, #tpu.memory_space<vmem>>, vector<16xf32>,
        %mul3A_1354 = arith.mulf %get3A_641, %get3A_1353 : vector<16xf32>
        %mul3A_1355 = arith.constant 16 : i32
        %mul3A_1356 = arith.muli %scan3A_661, %mul3A_1355 : i32
        %add3A_1357 = arith.constant 7 : i32
        %add3A_1358 = arith.addi %mul3A_1356, %add3A_1357 : i32
        %get3A_1359 = arith.constant 1 : i32
        %get3A_1360 = arith.index_cast %get3A_1359 : i32 to index
        %get3A_1361 = arith.index_cast %add3A_1358 : i32 to index
        %get3A_1362 = arith.constant 112 : index
        %get3A_1363 = tpu.vector_load %arg8[%get3A_1360, %get3A_1361, %get3A_1362] {strides = array<i32>} : memref<2x160x128xf32, #tpu.memory_space<vmem>>, vector<16xf32>,
        %mul3A_1364 = arith.mulf %get3A_645, %get3A_1363 : vector<16xf32>
        %add3A_1365 = arith.addf %mul3A_1294, %mul3A_1304 : vector<16xf32>
        %add3A_1366 = arith.addf %mul3A_1314, %mul3A_1324 : vector<16xf32>
        %add3A_1367 = arith.addf %mul3A_1334, %mul3A_1344 : vector<16xf32>
        %add3A_1368 = arith.addf %mul3A_1354, %mul3A_1364 : vector<16xf32>
        %add3A_1369 = arith.addf %add3A_1365, %add3A_1366 : vector<16xf32>
        %add3A_1370 = arith.addf %add3A_1367, %add3A_1368 : vector<16xf32>
        %add3A_1371 = arith.addf %add3A_1369, %add3A_1370 : vector<16xf32>
        %swap3A_1372 = arith.constant 112 : index
        %swap3A_1373 = tpu.vector_load %arg10[%swap3A_1372] {strides = array<i32>} : memref<256xf32, #tpu.memory_space<vmem>>, vector<16xf32>,
        tpu.vector_store %arg10[%swap3A_1372], %add3A_1371 {strides = array<i32>} : memref<256xf32, #tpu.memory_space<vmem>>, vector<16xf32>,
        %mul3A_1374 = arith.constant 16 : i32
        %mul3A_1375 = arith.muli %scan3A_661, %mul3A_1374 : i32
        %add3A_1376 = arith.constant 8 : i32
        %add3A_1377 = arith.addi %mul3A_1375, %add3A_1376 : i32
        %get3A_1378 = arith.constant 1 : i32
        %get3A_1379 = arith.index_cast %get3A_1378 : i32 to index
        %get3A_1380 = arith.index_cast %add3A_1377 : i32 to index
        %get3A_1381 = arith.constant 0 : index
        %get3A_1382 = tpu.vector_load %arg8[%get3A_1379, %get3A_1380, %get3A_1381] {strides = array<i32>} : memref<2x160x128xf32, #tpu.memory_space<vmem>>, vector<16xf32>,
        %mul3A_1383 = arith.mulf %get3A_617, %get3A_1382 : vector<16xf32>
        %mul3A_1384 = arith.constant 16 : i32
        %mul3A_1385 = arith.muli %scan3A_661, %mul3A_1384 : i32
        %add3A_1386 = arith.constant 8 : i32
        %add3A_1387 = arith.addi %mul3A_1385, %add3A_1386 : i32
        %get3A_1388 = arith.constant 1 : i32
        %get3A_1389 = arith.index_cast %get3A_1388 : i32 to index
        %get3A_1390 = arith.index_cast %add3A_1387 : i32 to index
        %get3A_1391 = arith.constant 16 : index
        %get3A_1392 = tpu.vector_load %arg8[%get3A_1389, %get3A_1390, %get3A_1391] {strides = array<i32>} : memref<2x160x128xf32, #tpu.memory_space<vmem>>, vector<16xf32>,
        %mul3A_1393 = arith.mulf %get3A_621, %get3A_1392 : vector<16xf32>
        %mul3A_1394 = arith.constant 16 : i32
        %mul3A_1395 = arith.muli %scan3A_661, %mul3A_1394 : i32
        %add3A_1396 = arith.constant 8 : i32
        %add3A_1397 = arith.addi %mul3A_1395, %add3A_1396 : i32
        %get3A_1398 = arith.constant 1 : i32
        %get3A_1399 = arith.index_cast %get3A_1398 : i32 to index
        %get3A_1400 = arith.index_cast %add3A_1397 : i32 to index
        %get3A_1401 = arith.constant 32 : index
        %get3A_1402 = tpu.vector_load %arg8[%get3A_1399, %get3A_1400, %get3A_1401] {strides = array<i32>} : memref<2x160x128xf32, #tpu.memory_space<vmem>>, vector<16xf32>,
        %mul3A_1403 = arith.mulf %get3A_625, %get3A_1402 : vector<16xf32>
        %mul3A_1404 = arith.constant 16 : i32
        %mul3A_1405 = arith.muli %scan3A_661, %mul3A_1404 : i32
        %add3A_1406 = arith.constant 8 : i32
        %add3A_1407 = arith.addi %mul3A_1405, %add3A_1406 : i32
        %get3A_1408 = arith.constant 1 : i32
        %get3A_1409 = arith.index_cast %get3A_1408 : i32 to index
        %get3A_1410 = arith.index_cast %add3A_1407 : i32 to index
        %get3A_1411 = arith.constant 48 : index
        %get3A_1412 = tpu.vector_load %arg8[%get3A_1409, %get3A_1410, %get3A_1411] {strides = array<i32>} : memref<2x160x128xf32, #tpu.memory_space<vmem>>, vector<16xf32>,
        %mul3A_1413 = arith.mulf %get3A_629, %get3A_1412 : vector<16xf32>
        %mul3A_1414 = arith.constant 16 : i32
        %mul3A_1415 = arith.muli %scan3A_661, %mul3A_1414 : i32
        %add3A_1416 = arith.constant 8 : i32
        %add3A_1417 = arith.addi %mul3A_1415, %add3A_1416 : i32
        %get3A_1418 = arith.constant 1 : i32
        %get3A_1419 = arith.index_cast %get3A_1418 : i32 to index
        %get3A_1420 = arith.index_cast %add3A_1417 : i32 to index
        %get3A_1421 = arith.constant 64 : index
        %get3A_1422 = tpu.vector_load %arg8[%get3A_1419, %get3A_1420, %get3A_1421] {strides = array<i32>} : memref<2x160x128xf32, #tpu.memory_space<vmem>>, vector<16xf32>,
        %mul3A_1423 = arith.mulf %get3A_633, %get3A_1422 : vector<16xf32>
        %mul3A_1424 = arith.constant 16 : i32
        %mul3A_1425 = arith.muli %scan3A_661, %mul3A_1424 : i32
        %add3A_1426 = arith.constant 8 : i32
        %add3A_1427 = arith.addi %mul3A_1425, %add3A_1426 : i32
        %get3A_1428 = arith.constant 1 : i32
        %get3A_1429 = arith.index_cast %get3A_1428 : i32 to index
        %get3A_1430 = arith.index_cast %add3A_1427 : i32 to index
        %get3A_1431 = arith.constant 80 : index
        %get3A_1432 = tpu.vector_load %arg8[%get3A_1429, %get3A_1430, %get3A_1431] {strides = array<i32>} : memref<2x160x128xf32, #tpu.memory_space<vmem>>, vector<16xf32>,
        %mul3A_1433 = arith.mulf %get3A_637, %get3A_1432 : vector<16xf32>
        %mul3A_1434 = arith.constant 16 : i32
        %mul3A_1435 = arith.muli %scan3A_661, %mul3A_1434 : i32
        %add3A_1436 = arith.constant 8 : i32
        %add3A_1437 = arith.addi %mul3A_1435, %add3A_1436 : i32
        %get3A_1438 = arith.constant 1 : i32
        %get3A_1439 = arith.index_cast %get3A_1438 : i32 to index
        %get3A_1440 = arith.index_cast %add3A_1437 : i32 to index
        %get3A_1441 = arith.constant 96 : index
        %get3A_1442 = tpu.vector_load %arg8[%get3A_1439, %get3A_1440, %get3A_1441] {strides = array<i32>} : memref<2x160x128xf32, #tpu.memory_space<vmem>>, vector<16xf32>,
        %mul3A_1443 = arith.mulf %get3A_641, %get3A_1442 : vector<16xf32>
        %mul3A_1444 = arith.constant 16 : i32
        %mul3A_1445 = arith.muli %scan3A_661, %mul3A_1444 : i32
        %add3A_1446 = arith.constant 8 : i32
        %add3A_1447 = arith.addi %mul3A_1445, %add3A_1446 : i32
        %get3A_1448 = arith.constant 1 : i32
        %get3A_1449 = arith.index_cast %get3A_1448 : i32 to index
        %get3A_1450 = arith.index_cast %add3A_1447 : i32 to index
        %get3A_1451 = arith.constant 112 : index
        %get3A_1452 = tpu.vector_load %arg8[%get3A_1449, %get3A_1450, %get3A_1451] {strides = array<i32>} : memref<2x160x128xf32, #tpu.memory_space<vmem>>, vector<16xf32>,
        %mul3A_1453 = arith.mulf %get3A_645, %get3A_1452 : vector<16xf32>
        %add3A_1454 = arith.addf %mul3A_1383, %mul3A_1393 : vector<16xf32>
        %add3A_1455 = arith.addf %mul3A_1403, %mul3A_1413 : vector<16xf32>
        %add3A_1456 = arith.addf %mul3A_1423, %mul3A_1433 : vector<16xf32>
        %add3A_1457 = arith.addf %mul3A_1443, %mul3A_1453 : vector<16xf32>
        %add3A_1458 = arith.addf %add3A_1454, %add3A_1455 : vector<16xf32>
        %add3A_1459 = arith.addf %add3A_1456, %add3A_1457 : vector<16xf32>
        %add3A_1460 = arith.addf %add3A_1458, %add3A_1459 : vector<16xf32>
        %swap3A_1461 = arith.constant 128 : index
        %swap3A_1462 = tpu.vector_load %arg10[%swap3A_1461] {strides = array<i32>} : memref<256xf32, #tpu.memory_space<vmem>>, vector<16xf32>,
        tpu.vector_store %arg10[%swap3A_1461], %add3A_1460 {strides = array<i32>} : memref<256xf32, #tpu.memory_space<vmem>>, vector<16xf32>,
        %mul3A_1463 = arith.constant 16 : i32
        %mul3A_1464 = arith.muli %scan3A_661, %mul3A_1463 : i32
        %add3A_1465 = arith.constant 9 : i32
        %add3A_1466 = arith.addi %mul3A_1464, %add3A_1465 : i32
        %get3A_1467 = arith.constant 1 : i32
        %get3A_1468 = arith.index_cast %get3A_1467 : i32 to index
        %get3A_1469 = arith.index_cast %add3A_1466 : i32 to index
        %get3A_1470 = arith.constant 0 : index
        %get3A_1471 = tpu.vector_load %arg8[%get3A_1468, %get3A_1469, %get3A_1470] {strides = array<i32>} : memref<2x160x128xf32, #tpu.memory_space<vmem>>, vector<16xf32>,
        %mul3A_1472 = arith.mulf %get3A_617, %get3A_1471 : vector<16xf32>
        %mul3A_1473 = arith.constant 16 : i32
        %mul3A_1474 = arith.muli %scan3A_661, %mul3A_1473 : i32
        %add3A_1475 = arith.constant 9 : i32
        %add3A_1476 = arith.addi %mul3A_1474, %add3A_1475 : i32
        %get3A_1477 = arith.constant 1 : i32
        %get3A_1478 = arith.index_cast %get3A_1477 : i32 to index
        %get3A_1479 = arith.index_cast %add3A_1476 : i32 to index
        %get3A_1480 = arith.constant 16 : index
        %get3A_1481 = tpu.vector_load %arg8[%get3A_1478, %get3A_1479, %get3A_1480] {strides = array<i32>} : memref<2x160x128xf32, #tpu.memory_space<vmem>>, vector<16xf32>,
        %mul3A_1482 = arith.mulf %get3A_621, %get3A_1481 : vector<16xf32>
        %mul3A_1483 = arith.constant 16 : i32
        %mul3A_1484 = arith.muli %scan3A_661, %mul3A_1483 : i32
        %add3A_1485 = arith.constant 9 : i32
        %add3A_1486 = arith.addi %mul3A_1484, %add3A_1485 : i32
        %get3A_1487 = arith.constant 1 : i32
        %get3A_1488 = arith.index_cast %get3A_1487 : i32 to index
        %get3A_1489 = arith.index_cast %add3A_1486 : i32 to index
        %get3A_1490 = arith.constant 32 : index
        %get3A_1491 = tpu.vector_load %arg8[%get3A_1488, %get3A_1489, %get3A_1490] {strides = array<i32>} : memref<2x160x128xf32, #tpu.memory_space<vmem>>, vector<16xf32>,
        %mul3A_1492 = arith.mulf %get3A_625, %get3A_1491 : vector<16xf32>
        %mul3A_1493 = arith.constant 16 : i32
        %mul3A_1494 = arith.muli %scan3A_661, %mul3A_1493 : i32
        %add3A_1495 = arith.constant 9 : i32
        %add3A_1496 = arith.addi %mul3A_1494, %add3A_1495 : i32
        %get3A_1497 = arith.constant 1 : i32
        %get3A_1498 = arith.index_cast %get3A_1497 : i32 to index
        %get3A_1499 = arith.index_cast %add3A_1496 : i32 to index
        %get3A_1500 = arith.constant 48 : index
        %get3A_1501 = tpu.vector_load %arg8[%get3A_1498, %get3A_1499, %get3A_1500] {strides = array<i32>} : memref<2x160x128xf32, #tpu.memory_space<vmem>>, vector<16xf32>,
        %mul3A_1502 = arith.mulf %get3A_629, %get3A_1501 : vector<16xf32>
        %mul3A_1503 = arith.constant 16 : i32
        %mul3A_1504 = arith.muli %scan3A_661, %mul3A_1503 : i32
        %add3A_1505 = arith.constant 9 : i32
        %add3A_1506 = arith.addi %mul3A_1504, %add3A_1505 : i32
        %get3A_1507 = arith.constant 1 : i32
        %get3A_1508 = arith.index_cast %get3A_1507 : i32 to index
        %get3A_1509 = arith.index_cast %add3A_1506 : i32 to index
        %get3A_1510 = arith.constant 64 : index
        %get3A_1511 = tpu.vector_load %arg8[%get3A_1508, %get3A_1509, %get3A_1510] {strides = array<i32>} : memref<2x160x128xf32, #tpu.memory_space<vmem>>, vector<16xf32>,
        %mul3A_1512 = arith.mulf %get3A_633, %get3A_1511 : vector<16xf32>
        %mul3A_1513 = arith.constant 16 : i32
        %mul3A_1514 = arith.muli %scan3A_661, %mul3A_1513 : i32
        %add3A_1515 = arith.constant 9 : i32
        %add3A_1516 = arith.addi %mul3A_1514, %add3A_1515 : i32
        %get3A_1517 = arith.constant 1 : i32
        %get3A_1518 = arith.index_cast %get3A_1517 : i32 to index
        %get3A_1519 = arith.index_cast %add3A_1516 : i32 to index
        %get3A_1520 = arith.constant 80 : index
        %get3A_1521 = tpu.vector_load %arg8[%get3A_1518, %get3A_1519, %get3A_1520] {strides = array<i32>} : memref<2x160x128xf32, #tpu.memory_space<vmem>>, vector<16xf32>,
        %mul3A_1522 = arith.mulf %get3A_637, %get3A_1521 : vector<16xf32>
        %mul3A_1523 = arith.constant 16 : i32
        %mul3A_1524 = arith.muli %scan3A_661, %mul3A_1523 : i32
        %add3A_1525 = arith.constant 9 : i32
        %add3A_1526 = arith.addi %mul3A_1524, %add3A_1525 : i32
        %get3A_1527 = arith.constant 1 : i32
        %get3A_1528 = arith.index_cast %get3A_1527 : i32 to index
        %get3A_1529 = arith.index_cast %add3A_1526 : i32 to index
        %get3A_1530 = arith.constant 96 : index
        %get3A_1531 = tpu.vector_load %arg8[%get3A_1528, %get3A_1529, %get3A_1530] {strides = array<i32>} : memref<2x160x128xf32, #tpu.memory_space<vmem>>, vector<16xf32>,
        %mul3A_1532 = arith.mulf %get3A_641, %get3A_1531 : vector<16xf32>
        %mul3A_1533 = arith.constant 16 : i32
        %mul3A_1534 = arith.muli %scan3A_661, %mul3A_1533 : i32
        %add3A_1535 = arith.constant 9 : i32
        %add3A_1536 = arith.addi %mul3A_1534, %add3A_1535 : i32
        %get3A_1537 = arith.constant 1 : i32
        %get3A_1538 = arith.index_cast %get3A_1537 : i32 to index
        %get3A_1539 = arith.index_cast %add3A_1536 : i32 to index
        %get3A_1540 = arith.constant 112 : index
        %get3A_1541 = tpu.vector_load %arg8[%get3A_1538, %get3A_1539, %get3A_1540] {strides = array<i32>} : memref<2x160x128xf32, #tpu.memory_space<vmem>>, vector<16xf32>,
        %mul3A_1542 = arith.mulf %get3A_645, %get3A_1541 : vector<16xf32>
        %add3A_1543 = arith.addf %mul3A_1472, %mul3A_1482 : vector<16xf32>
        %add3A_1544 = arith.addf %mul3A_1492, %mul3A_1502 : vector<16xf32>
        %add3A_1545 = arith.addf %mul3A_1512, %mul3A_1522 : vector<16xf32>
        %add3A_1546 = arith.addf %mul3A_1532, %mul3A_1542 : vector<16xf32>
        %add3A_1547 = arith.addf %add3A_1543, %add3A_1544 : vector<16xf32>
        %add3A_1548 = arith.addf %add3A_1545, %add3A_1546 : vector<16xf32>
        %add3A_1549 = arith.addf %add3A_1547, %add3A_1548 : vector<16xf32>
        %swap3A_1550 = arith.constant 144 : index
        %swap3A_1551 = tpu.vector_load %arg10[%swap3A_1550] {strides = array<i32>} : memref<256xf32, #tpu.memory_space<vmem>>, vector<16xf32>,
        tpu.vector_store %arg10[%swap3A_1550], %add3A_1549 {strides = array<i32>} : memref<256xf32, #tpu.memory_space<vmem>>, vector<16xf32>,
        %mul3A_1552 = arith.constant 16 : i32
        %mul3A_1553 = arith.muli %scan3A_661, %mul3A_1552 : i32
        %add3A_1554 = arith.constant 10 : i32
        %add3A_1555 = arith.addi %mul3A_1553, %add3A_1554 : i32
        %get3A_1556 = arith.constant 1 : i32
        %get3A_1557 = arith.index_cast %get3A_1556 : i32 to index
        %get3A_1558 = arith.index_cast %add3A_1555 : i32 to index
        %get3A_1559 = arith.constant 0 : index
        %get3A_1560 = tpu.vector_load %arg8[%get3A_1557, %get3A_1558, %get3A_1559] {strides = array<i32>} : memref<2x160x128xf32, #tpu.memory_space<vmem>>, vector<16xf32>,
        %mul3A_1561 = arith.mulf %get3A_617, %get3A_1560 : vector<16xf32>
        %mul3A_1562 = arith.constant 16 : i32
        %mul3A_1563 = arith.muli %scan3A_661, %mul3A_1562 : i32
        %add3A_1564 = arith.constant 10 : i32
        %add3A_1565 = arith.addi %mul3A_1563, %add3A_1564 : i32
        %get3A_1566 = arith.constant 1 : i32
        %get3A_1567 = arith.index_cast %get3A_1566 : i32 to index
        %get3A_1568 = arith.index_cast %add3A_1565 : i32 to index
        %get3A_1569 = arith.constant 16 : index
        %get3A_1570 = tpu.vector_load %arg8[%get3A_1567, %get3A_1568, %get3A_1569] {strides = array<i32>} : memref<2x160x128xf32, #tpu.memory_space<vmem>>, vector<16xf32>,
        %mul3A_1571 = arith.mulf %get3A_621, %get3A_1570 : vector<16xf32>
        %mul3A_1572 = arith.constant 16 : i32
        %mul3A_1573 = arith.muli %scan3A_661, %mul3A_1572 : i32
        %add3A_1574 = arith.constant 10 : i32
        %add3A_1575 = arith.addi %mul3A_1573, %add3A_1574 : i32
        %get3A_1576 = arith.constant 1 : i32
        %get3A_1577 = arith.index_cast %get3A_1576 : i32 to index
        %get3A_1578 = arith.index_cast %add3A_1575 : i32 to index
        %get3A_1579 = arith.constant 32 : index
        %get3A_1580 = tpu.vector_load %arg8[%get3A_1577, %get3A_1578, %get3A_1579] {strides = array<i32>} : memref<2x160x128xf32, #tpu.memory_space<vmem>>, vector<16xf32>,
        %mul3A_1581 = arith.mulf %get3A_625, %get3A_1580 : vector<16xf32>
        %mul3A_1582 = arith.constant 16 : i32
        %mul3A_1583 = arith.muli %scan3A_661, %mul3A_1582 : i32
        %add3A_1584 = arith.constant 10 : i32
        %add3A_1585 = arith.addi %mul3A_1583, %add3A_1584 : i32
        %get3A_1586 = arith.constant 1 : i32
        %get3A_1587 = arith.index_cast %get3A_1586 : i32 to index
        %get3A_1588 = arith.index_cast %add3A_1585 : i32 to index
        %get3A_1589 = arith.constant 48 : index
        %get3A_1590 = tpu.vector_load %arg8[%get3A_1587, %get3A_1588, %get3A_1589] {strides = array<i32>} : memref<2x160x128xf32, #tpu.memory_space<vmem>>, vector<16xf32>,
        %mul3A_1591 = arith.mulf %get3A_629, %get3A_1590 : vector<16xf32>
        %mul3A_1592 = arith.constant 16 : i32
        %mul3A_1593 = arith.muli %scan3A_661, %mul3A_1592 : i32
        %add3A_1594 = arith.constant 10 : i32
        %add3A_1595 = arith.addi %mul3A_1593, %add3A_1594 : i32
        %get3A_1596 = arith.constant 1 : i32
        %get3A_1597 = arith.index_cast %get3A_1596 : i32 to index
        %get3A_1598 = arith.index_cast %add3A_1595 : i32 to index
        %get3A_1599 = arith.constant 64 : index
        %get3A_1600 = tpu.vector_load %arg8[%get3A_1597, %get3A_1598, %get3A_1599] {strides = array<i32>} : memref<2x160x128xf32, #tpu.memory_space<vmem>>, vector<16xf32>,
        %mul3A_1601 = arith.mulf %get3A_633, %get3A_1600 : vector<16xf32>
        %mul3A_1602 = arith.constant 16 : i32
        %mul3A_1603 = arith.muli %scan3A_661, %mul3A_1602 : i32
        %add3A_1604 = arith.constant 10 : i32
        %add3A_1605 = arith.addi %mul3A_1603, %add3A_1604 : i32
        %get3A_1606 = arith.constant 1 : i32
        %get3A_1607 = arith.index_cast %get3A_1606 : i32 to index
        %get3A_1608 = arith.index_cast %add3A_1605 : i32 to index
        %get3A_1609 = arith.constant 80 : index
        %get3A_1610 = tpu.vector_load %arg8[%get3A_1607, %get3A_1608, %get3A_1609] {strides = array<i32>} : memref<2x160x128xf32, #tpu.memory_space<vmem>>, vector<16xf32>,
        %mul3A_1611 = arith.mulf %get3A_637, %get3A_1610 : vector<16xf32>
        %mul3A_1612 = arith.constant 16 : i32
        %mul3A_1613 = arith.muli %scan3A_661, %mul3A_1612 : i32
        %add3A_1614 = arith.constant 10 : i32
        %add3A_1615 = arith.addi %mul3A_1613, %add3A_1614 : i32
        %get3A_1616 = arith.constant 1 : i32
        %get3A_1617 = arith.index_cast %get3A_1616 : i32 to index
        %get3A_1618 = arith.index_cast %add3A_1615 : i32 to index
        %get3A_1619 = arith.constant 96 : index
        %get3A_1620 = tpu.vector_load %arg8[%get3A_1617, %get3A_1618, %get3A_1619] {strides = array<i32>} : memref<2x160x128xf32, #tpu.memory_space<vmem>>, vector<16xf32>,
        %mul3A_1621 = arith.mulf %get3A_641, %get3A_1620 : vector<16xf32>
        %mul3A_1622 = arith.constant 16 : i32
        %mul3A_1623 = arith.muli %scan3A_661, %mul3A_1622 : i32
        %add3A_1624 = arith.constant 10 : i32
        %add3A_1625 = arith.addi %mul3A_1623, %add3A_1624 : i32
        %get3A_1626 = arith.constant 1 : i32
        %get3A_1627 = arith.index_cast %get3A_1626 : i32 to index
        %get3A_1628 = arith.index_cast %add3A_1625 : i32 to index
        %get3A_1629 = arith.constant 112 : index
        %get3A_1630 = tpu.vector_load %arg8[%get3A_1627, %get3A_1628, %get3A_1629] {strides = array<i32>} : memref<2x160x128xf32, #tpu.memory_space<vmem>>, vector<16xf32>,
        %mul3A_1631 = arith.mulf %get3A_645, %get3A_1630 : vector<16xf32>
        %add3A_1632 = arith.addf %mul3A_1561, %mul3A_1571 : vector<16xf32>
        %add3A_1633 = arith.addf %mul3A_1581, %mul3A_1591 : vector<16xf32>
        %add3A_1634 = arith.addf %mul3A_1601, %mul3A_1611 : vector<16xf32>
        %add3A_1635 = arith.addf %mul3A_1621, %mul3A_1631 : vector<16xf32>
        %add3A_1636 = arith.addf %add3A_1632, %add3A_1633 : vector<16xf32>
        %add3A_1637 = arith.addf %add3A_1634, %add3A_1635 : vector<16xf32>
        %add3A_1638 = arith.addf %add3A_1636, %add3A_1637 : vector<16xf32>
        %swap3A_1639 = arith.constant 160 : index
        %swap3A_1640 = tpu.vector_load %arg10[%swap3A_1639] {strides = array<i32>} : memref<256xf32, #tpu.memory_space<vmem>>, vector<16xf32>,
        tpu.vector_store %arg10[%swap3A_1639], %add3A_1638 {strides = array<i32>} : memref<256xf32, #tpu.memory_space<vmem>>, vector<16xf32>,
        %mul3A_1641 = arith.constant 16 : i32
        %mul3A_1642 = arith.muli %scan3A_661, %mul3A_1641 : i32
        %add3A_1643 = arith.constant 11 : i32
        %add3A_1644 = arith.addi %mul3A_1642, %add3A_1643 : i32
        %get3A_1645 = arith.constant 1 : i32
        %get3A_1646 = arith.index_cast %get3A_1645 : i32 to index
        %get3A_1647 = arith.index_cast %add3A_1644 : i32 to index
        %get3A_1648 = arith.constant 0 : index
        %get3A_1649 = tpu.vector_load %arg8[%get3A_1646, %get3A_1647, %get3A_1648] {strides = array<i32>} : memref<2x160x128xf32, #tpu.memory_space<vmem>>, vector<16xf32>,
        %mul3A_1650 = arith.mulf %get3A_617, %get3A_1649 : vector<16xf32>
        %mul3A_1651 = arith.constant 16 : i32
        %mul3A_1652 = arith.muli %scan3A_661, %mul3A_1651 : i32
        %add3A_1653 = arith.constant 11 : i32
        %add3A_1654 = arith.addi %mul3A_1652, %add3A_1653 : i32
        %get3A_1655 = arith.constant 1 : i32
        %get3A_1656 = arith.index_cast %get3A_1655 : i32 to index
        %get3A_1657 = arith.index_cast %add3A_1654 : i32 to index
        %get3A_1658 = arith.constant 16 : index
        %get3A_1659 = tpu.vector_load %arg8[%get3A_1656, %get3A_1657, %get3A_1658] {strides = array<i32>} : memref<2x160x128xf32, #tpu.memory_space<vmem>>, vector<16xf32>,
        %mul3A_1660 = arith.mulf %get3A_621, %get3A_1659 : vector<16xf32>
        %mul3A_1661 = arith.constant 16 : i32
        %mul3A_1662 = arith.muli %scan3A_661, %mul3A_1661 : i32
        %add3A_1663 = arith.constant 11 : i32
        %add3A_1664 = arith.addi %mul3A_1662, %add3A_1663 : i32
        %get3A_1665 = arith.constant 1 : i32
        %get3A_1666 = arith.index_cast %get3A_1665 : i32 to index
        %get3A_1667 = arith.index_cast %add3A_1664 : i32 to index
        %get3A_1668 = arith.constant 32 : index
        %get3A_1669 = tpu.vector_load %arg8[%get3A_1666, %get3A_1667, %get3A_1668] {strides = array<i32>} : memref<2x160x128xf32, #tpu.memory_space<vmem>>, vector<16xf32>,
        %mul3A_1670 = arith.mulf %get3A_625, %get3A_1669 : vector<16xf32>
        %mul3A_1671 = arith.constant 16 : i32
        %mul3A_1672 = arith.muli %scan3A_661, %mul3A_1671 : i32
        %add3A_1673 = arith.constant 11 : i32
        %add3A_1674 = arith.addi %mul3A_1672, %add3A_1673 : i32
        %get3A_1675 = arith.constant 1 : i32
        %get3A_1676 = arith.index_cast %get3A_1675 : i32 to index
        %get3A_1677 = arith.index_cast %add3A_1674 : i32 to index
        %get3A_1678 = arith.constant 48 : index
        %get3A_1679 = tpu.vector_load %arg8[%get3A_1676, %get3A_1677, %get3A_1678] {strides = array<i32>} : memref<2x160x128xf32, #tpu.memory_space<vmem>>, vector<16xf32>,
        %mul3A_1680 = arith.mulf %get3A_629, %get3A_1679 : vector<16xf32>
        %mul3A_1681 = arith.constant 16 : i32
        %mul3A_1682 = arith.muli %scan3A_661, %mul3A_1681 : i32
        %add3A_1683 = arith.constant 11 : i32
        %add3A_1684 = arith.addi %mul3A_1682, %add3A_1683 : i32
        %get3A_1685 = arith.constant 1 : i32
        %get3A_1686 = arith.index_cast %get3A_1685 : i32 to index
        %get3A_1687 = arith.index_cast %add3A_1684 : i32 to index
        %get3A_1688 = arith.constant 64 : index
        %get3A_1689 = tpu.vector_load %arg8[%get3A_1686, %get3A_1687, %get3A_1688] {strides = array<i32>} : memref<2x160x128xf32, #tpu.memory_space<vmem>>, vector<16xf32>,
        %mul3A_1690 = arith.mulf %get3A_633, %get3A_1689 : vector<16xf32>
        %mul3A_1691 = arith.constant 16 : i32
        %mul3A_1692 = arith.muli %scan3A_661, %mul3A_1691 : i32
        %add3A_1693 = arith.constant 11 : i32
        %add3A_1694 = arith.addi %mul3A_1692, %add3A_1693 : i32
        %get3A_1695 = arith.constant 1 : i32
        %get3A_1696 = arith.index_cast %get3A_1695 : i32 to index
        %get3A_1697 = arith.index_cast %add3A_1694 : i32 to index
        %get3A_1698 = arith.constant 80 : index
        %get3A_1699 = tpu.vector_load %arg8[%get3A_1696, %get3A_1697, %get3A_1698] {strides = array<i32>} : memref<2x160x128xf32, #tpu.memory_space<vmem>>, vector<16xf32>,
        %mul3A_1700 = arith.mulf %get3A_637, %get3A_1699 : vector<16xf32>
        %mul3A_1701 = arith.constant 16 : i32
        %mul3A_1702 = arith.muli %scan3A_661, %mul3A_1701 : i32
        %add3A_1703 = arith.constant 11 : i32
        %add3A_1704 = arith.addi %mul3A_1702, %add3A_1703 : i32
        %get3A_1705 = arith.constant 1 : i32
        %get3A_1706 = arith.index_cast %get3A_1705 : i32 to index
        %get3A_1707 = arith.index_cast %add3A_1704 : i32 to index
        %get3A_1708 = arith.constant 96 : index
        %get3A_1709 = tpu.vector_load %arg8[%get3A_1706, %get3A_1707, %get3A_1708] {strides = array<i32>} : memref<2x160x128xf32, #tpu.memory_space<vmem>>, vector<16xf32>,
        %mul3A_1710 = arith.mulf %get3A_641, %get3A_1709 : vector<16xf32>
        %mul3A_1711 = arith.constant 16 : i32
        %mul3A_1712 = arith.muli %scan3A_661, %mul3A_1711 : i32
        %add3A_1713 = arith.constant 11 : i32
        %add3A_1714 = arith.addi %mul3A_1712, %add3A_1713 : i32
        %get3A_1715 = arith.constant 1 : i32
        %get3A_1716 = arith.index_cast %get3A_1715 : i32 to index
        %get3A_1717 = arith.index_cast %add3A_1714 : i32 to index
        %get3A_1718 = arith.constant 112 : index
        %get3A_1719 = tpu.vector_load %arg8[%get3A_1716, %get3A_1717, %get3A_1718] {strides = array<i32>} : memref<2x160x128xf32, #tpu.memory_space<vmem>>, vector<16xf32>,
        %mul3A_1720 = arith.mulf %get3A_645, %get3A_1719 : vector<16xf32>
        %add3A_1721 = arith.addf %mul3A_1650, %mul3A_1660 : vector<16xf32>
        %add3A_1722 = arith.addf %mul3A_1670, %mul3A_1680 : vector<16xf32>
        %add3A_1723 = arith.addf %mul3A_1690, %mul3A_1700 : vector<16xf32>
        %add3A_1724 = arith.addf %mul3A_1710, %mul3A_1720 : vector<16xf32>
        %add3A_1725 = arith.addf %add3A_1721, %add3A_1722 : vector<16xf32>
        %add3A_1726 = arith.addf %add3A_1723, %add3A_1724 : vector<16xf32>
        %add3A_1727 = arith.addf %add3A_1725, %add3A_1726 : vector<16xf32>
        %swap3A_1728 = arith.constant 176 : index
        %swap3A_1729 = tpu.vector_load %arg10[%swap3A_1728] {strides = array<i32>} : memref<256xf32, #tpu.memory_space<vmem>>, vector<16xf32>,
        tpu.vector_store %arg10[%swap3A_1728], %add3A_1727 {strides = array<i32>} : memref<256xf32, #tpu.memory_space<vmem>>, vector<16xf32>,
        %mul3A_1730 = arith.constant 16 : i32
        %mul3A_1731 = arith.muli %scan3A_661, %mul3A_1730 : i32
        %add3A_1732 = arith.constant 12 : i32
        %add3A_1733 = arith.addi %mul3A_1731, %add3A_1732 : i32
        %get3A_1734 = arith.constant 1 : i32
        %get3A_1735 = arith.index_cast %get3A_1734 : i32 to index
        %get3A_1736 = arith.index_cast %add3A_1733 : i32 to index
        %get3A_1737 = arith.constant 0 : index
        %get3A_1738 = tpu.vector_load %arg8[%get3A_1735, %get3A_1736, %get3A_1737] {strides = array<i32>} : memref<2x160x128xf32, #tpu.memory_space<vmem>>, vector<16xf32>,
        %mul3A_1739 = arith.mulf %get3A_617, %get3A_1738 : vector<16xf32>
        %mul3A_1740 = arith.constant 16 : i32
        %mul3A_1741 = arith.muli %scan3A_661, %mul3A_1740 : i32
        %add3A_1742 = arith.constant 12 : i32
        %add3A_1743 = arith.addi %mul3A_1741, %add3A_1742 : i32
        %get3A_1744 = arith.constant 1 : i32
        %get3A_1745 = arith.index_cast %get3A_1744 : i32 to index
        %get3A_1746 = arith.index_cast %add3A_1743 : i32 to index
        %get3A_1747 = arith.constant 16 : index
        %get3A_1748 = tpu.vector_load %arg8[%get3A_1745, %get3A_1746, %get3A_1747] {strides = array<i32>} : memref<2x160x128xf32, #tpu.memory_space<vmem>>, vector<16xf32>,
        %mul3A_1749 = arith.mulf %get3A_621, %get3A_1748 : vector<16xf32>
        %mul3A_1750 = arith.constant 16 : i32
        %mul3A_1751 = arith.muli %scan3A_661, %mul3A_1750 : i32
        %add3A_1752 = arith.constant 12 : i32
        %add3A_1753 = arith.addi %mul3A_1751, %add3A_1752 : i32
        %get3A_1754 = arith.constant 1 : i32
        %get3A_1755 = arith.index_cast %get3A_1754 : i32 to index
        %get3A_1756 = arith.index_cast %add3A_1753 : i32 to index
        %get3A_1757 = arith.constant 32 : index
        %get3A_1758 = tpu.vector_load %arg8[%get3A_1755, %get3A_1756, %get3A_1757] {strides = array<i32>} : memref<2x160x128xf32, #tpu.memory_space<vmem>>, vector<16xf32>,
        %mul3A_1759 = arith.mulf %get3A_625, %get3A_1758 : vector<16xf32>
        %mul3A_1760 = arith.constant 16 : i32
        %mul3A_1761 = arith.muli %scan3A_661, %mul3A_1760 : i32
        %add3A_1762 = arith.constant 12 : i32
        %add3A_1763 = arith.addi %mul3A_1761, %add3A_1762 : i32
        %get3A_1764 = arith.constant 1 : i32
        %get3A_1765 = arith.index_cast %get3A_1764 : i32 to index
        %get3A_1766 = arith.index_cast %add3A_1763 : i32 to index
        %get3A_1767 = arith.constant 48 : index
        %get3A_1768 = tpu.vector_load %arg8[%get3A_1765, %get3A_1766, %get3A_1767] {strides = array<i32>} : memref<2x160x128xf32, #tpu.memory_space<vmem>>, vector<16xf32>,
        %mul3A_1769 = arith.mulf %get3A_629, %get3A_1768 : vector<16xf32>
        %mul3A_1770 = arith.constant 16 : i32
        %mul3A_1771 = arith.muli %scan3A_661, %mul3A_1770 : i32
        %add3A_1772 = arith.constant 12 : i32
        %add3A_1773 = arith.addi %mul3A_1771, %add3A_1772 : i32
        %get3A_1774 = arith.constant 1 : i32
        %get3A_1775 = arith.index_cast %get3A_1774 : i32 to index
        %get3A_1776 = arith.index_cast %add3A_1773 : i32 to index
        %get3A_1777 = arith.constant 64 : index
        %get3A_1778 = tpu.vector_load %arg8[%get3A_1775, %get3A_1776, %get3A_1777] {strides = array<i32>} : memref<2x160x128xf32, #tpu.memory_space<vmem>>, vector<16xf32>,
        %mul3A_1779 = arith.mulf %get3A_633, %get3A_1778 : vector<16xf32>
        %mul3A_1780 = arith.constant 16 : i32
        %mul3A_1781 = arith.muli %scan3A_661, %mul3A_1780 : i32
        %add3A_1782 = arith.constant 12 : i32
        %add3A_1783 = arith.addi %mul3A_1781, %add3A_1782 : i32
        %get3A_1784 = arith.constant 1 : i32
        %get3A_1785 = arith.index_cast %get3A_1784 : i32 to index
        %get3A_1786 = arith.index_cast %add3A_1783 : i32 to index
        %get3A_1787 = arith.constant 80 : index
        %get3A_1788 = tpu.vector_load %arg8[%get3A_1785, %get3A_1786, %get3A_1787] {strides = array<i32>} : memref<2x160x128xf32, #tpu.memory_space<vmem>>, vector<16xf32>,
        %mul3A_1789 = arith.mulf %get3A_637, %get3A_1788 : vector<16xf32>
        %mul3A_1790 = arith.constant 16 : i32
        %mul3A_1791 = arith.muli %scan3A_661, %mul3A_1790 : i32
        %add3A_1792 = arith.constant 12 : i32
        %add3A_1793 = arith.addi %mul3A_1791, %add3A_1792 : i32
        %get3A_1794 = arith.constant 1 : i32
        %get3A_1795 = arith.index_cast %get3A_1794 : i32 to index
        %get3A_1796 = arith.index_cast %add3A_1793 : i32 to index
        %get3A_1797 = arith.constant 96 : index
        %get3A_1798 = tpu.vector_load %arg8[%get3A_1795, %get3A_1796, %get3A_1797] {strides = array<i32>} : memref<2x160x128xf32, #tpu.memory_space<vmem>>, vector<16xf32>,
        %mul3A_1799 = arith.mulf %get3A_641, %get3A_1798 : vector<16xf32>
        %mul3A_1800 = arith.constant 16 : i32
        %mul3A_1801 = arith.muli %scan3A_661, %mul3A_1800 : i32
        %add3A_1802 = arith.constant 12 : i32
        %add3A_1803 = arith.addi %mul3A_1801, %add3A_1802 : i32
        %get3A_1804 = arith.constant 1 : i32
        %get3A_1805 = arith.index_cast %get3A_1804 : i32 to index
        %get3A_1806 = arith.index_cast %add3A_1803 : i32 to index
        %get3A_1807 = arith.constant 112 : index
        %get3A_1808 = tpu.vector_load %arg8[%get3A_1805, %get3A_1806, %get3A_1807] {strides = array<i32>} : memref<2x160x128xf32, #tpu.memory_space<vmem>>, vector<16xf32>,
        %mul3A_1809 = arith.mulf %get3A_645, %get3A_1808 : vector<16xf32>
        %add3A_1810 = arith.addf %mul3A_1739, %mul3A_1749 : vector<16xf32>
        %add3A_1811 = arith.addf %mul3A_1759, %mul3A_1769 : vector<16xf32>
        %add3A_1812 = arith.addf %mul3A_1779, %mul3A_1789 : vector<16xf32>
        %add3A_1813 = arith.addf %mul3A_1799, %mul3A_1809 : vector<16xf32>
        %add3A_1814 = arith.addf %add3A_1810, %add3A_1811 : vector<16xf32>
        %add3A_1815 = arith.addf %add3A_1812, %add3A_1813 : vector<16xf32>
        %add3A_1816 = arith.addf %add3A_1814, %add3A_1815 : vector<16xf32>
        %swap3A_1817 = arith.constant 192 : index
        %swap3A_1818 = tpu.vector_load %arg10[%swap3A_1817] {strides = array<i32>} : memref<256xf32, #tpu.memory_space<vmem>>, vector<16xf32>,
        tpu.vector_store %arg10[%swap3A_1817], %add3A_1816 {strides = array<i32>} : memref<256xf32, #tpu.memory_space<vmem>>, vector<16xf32>,
        %mul3A_1819 = arith.constant 16 : i32
        %mul3A_1820 = arith.muli %scan3A_661, %mul3A_1819 : i32
        %add3A_1821 = arith.constant 13 : i32
        %add3A_1822 = arith.addi %mul3A_1820, %add3A_1821 : i32
        %get3A_1823 = arith.constant 1 : i32
        %get3A_1824 = arith.index_cast %get3A_1823 : i32 to index
        %get3A_1825 = arith.index_cast %add3A_1822 : i32 to index
        %get3A_1826 = arith.constant 0 : index
        %get3A_1827 = tpu.vector_load %arg8[%get3A_1824, %get3A_1825, %get3A_1826] {strides = array<i32>} : memref<2x160x128xf32, #tpu.memory_space<vmem>>, vector<16xf32>,
        %mul3A_1828 = arith.mulf %get3A_617, %get3A_1827 : vector<16xf32>
        %mul3A_1829 = arith.constant 16 : i32
        %mul3A_1830 = arith.muli %scan3A_661, %mul3A_1829 : i32
        %add3A_1831 = arith.constant 13 : i32
        %add3A_1832 = arith.addi %mul3A_1830, %add3A_1831 : i32
        %get3A_1833 = arith.constant 1 : i32
        %get3A_1834 = arith.index_cast %get3A_1833 : i32 to index
        %get3A_1835 = arith.index_cast %add3A_1832 : i32 to index
        %get3A_1836 = arith.constant 16 : index
        %get3A_1837 = tpu.vector_load %arg8[%get3A_1834, %get3A_1835, %get3A_1836] {strides = array<i32>} : memref<2x160x128xf32, #tpu.memory_space<vmem>>, vector<16xf32>,
        %mul3A_1838 = arith.mulf %get3A_621, %get3A_1837 : vector<16xf32>
        %mul3A_1839 = arith.constant 16 : i32
        %mul3A_1840 = arith.muli %scan3A_661, %mul3A_1839 : i32
        %add3A_1841 = arith.constant 13 : i32
        %add3A_1842 = arith.addi %mul3A_1840, %add3A_1841 : i32
        %get3A_1843 = arith.constant 1 : i32
        %get3A_1844 = arith.index_cast %get3A_1843 : i32 to index
        %get3A_1845 = arith.index_cast %add3A_1842 : i32 to index
        %get3A_1846 = arith.constant 32 : index
        %get3A_1847 = tpu.vector_load %arg8[%get3A_1844, %get3A_1845, %get3A_1846] {strides = array<i32>} : memref<2x160x128xf32, #tpu.memory_space<vmem>>, vector<16xf32>,
        %mul3A_1848 = arith.mulf %get3A_625, %get3A_1847 : vector<16xf32>
        %mul3A_1849 = arith.constant 16 : i32
        %mul3A_1850 = arith.muli %scan3A_661, %mul3A_1849 : i32
        %add3A_1851 = arith.constant 13 : i32
        %add3A_1852 = arith.addi %mul3A_1850, %add3A_1851 : i32
        %get3A_1853 = arith.constant 1 : i32
        %get3A_1854 = arith.index_cast %get3A_1853 : i32 to index
        %get3A_1855 = arith.index_cast %add3A_1852 : i32 to index
        %get3A_1856 = arith.constant 48 : index
        %get3A_1857 = tpu.vector_load %arg8[%get3A_1854, %get3A_1855, %get3A_1856] {strides = array<i32>} : memref<2x160x128xf32, #tpu.memory_space<vmem>>, vector<16xf32>,
        %mul3A_1858 = arith.mulf %get3A_629, %get3A_1857 : vector<16xf32>
        %mul3A_1859 = arith.constant 16 : i32
        %mul3A_1860 = arith.muli %scan3A_661, %mul3A_1859 : i32
        %add3A_1861 = arith.constant 13 : i32
        %add3A_1862 = arith.addi %mul3A_1860, %add3A_1861 : i32
        %get3A_1863 = arith.constant 1 : i32
        %get3A_1864 = arith.index_cast %get3A_1863 : i32 to index
        %get3A_1865 = arith.index_cast %add3A_1862 : i32 to index
        %get3A_1866 = arith.constant 64 : index
        %get3A_1867 = tpu.vector_load %arg8[%get3A_1864, %get3A_1865, %get3A_1866] {strides = array<i32>} : memref<2x160x128xf32, #tpu.memory_space<vmem>>, vector<16xf32>,
        %mul3A_1868 = arith.mulf %get3A_633, %get3A_1867 : vector<16xf32>
        %mul3A_1869 = arith.constant 16 : i32
        %mul3A_1870 = arith.muli %scan3A_661, %mul3A_1869 : i32
        %add3A_1871 = arith.constant 13 : i32
        %add3A_1872 = arith.addi %mul3A_1870, %add3A_1871 : i32
        %get3A_1873 = arith.constant 1 : i32
        %get3A_1874 = arith.index_cast %get3A_1873 : i32 to index
        %get3A_1875 = arith.index_cast %add3A_1872 : i32 to index
        %get3A_1876 = arith.constant 80 : index
        %get3A_1877 = tpu.vector_load %arg8[%get3A_1874, %get3A_1875, %get3A_1876] {strides = array<i32>} : memref<2x160x128xf32, #tpu.memory_space<vmem>>, vector<16xf32>,
        %mul3A_1878 = arith.mulf %get3A_637, %get3A_1877 : vector<16xf32>
        %mul3A_1879 = arith.constant 16 : i32
        %mul3A_1880 = arith.muli %scan3A_661, %mul3A_1879 : i32
        %add3A_1881 = arith.constant 13 : i32
        %add3A_1882 = arith.addi %mul3A_1880, %add3A_1881 : i32
        %get3A_1883 = arith.constant 1 : i32
        %get3A_1884 = arith.index_cast %get3A_1883 : i32 to index
        %get3A_1885 = arith.index_cast %add3A_1882 : i32 to index
        %get3A_1886 = arith.constant 96 : index
        %get3A_1887 = tpu.vector_load %arg8[%get3A_1884, %get3A_1885, %get3A_1886] {strides = array<i32>} : memref<2x160x128xf32, #tpu.memory_space<vmem>>, vector<16xf32>,
        %mul3A_1888 = arith.mulf %get3A_641, %get3A_1887 : vector<16xf32>
        %mul3A_1889 = arith.constant 16 : i32
        %mul3A_1890 = arith.muli %scan3A_661, %mul3A_1889 : i32
        %add3A_1891 = arith.constant 13 : i32
        %add3A_1892 = arith.addi %mul3A_1890, %add3A_1891 : i32
        %get3A_1893 = arith.constant 1 : i32
        %get3A_1894 = arith.index_cast %get3A_1893 : i32 to index
        %get3A_1895 = arith.index_cast %add3A_1892 : i32 to index
        %get3A_1896 = arith.constant 112 : index
        %get3A_1897 = tpu.vector_load %arg8[%get3A_1894, %get3A_1895, %get3A_1896] {strides = array<i32>} : memref<2x160x128xf32, #tpu.memory_space<vmem>>, vector<16xf32>,
        %mul3A_1898 = arith.mulf %get3A_645, %get3A_1897 : vector<16xf32>
        %add3A_1899 = arith.addf %mul3A_1828, %mul3A_1838 : vector<16xf32>
        %add3A_1900 = arith.addf %mul3A_1848, %mul3A_1858 : vector<16xf32>
        %add3A_1901 = arith.addf %mul3A_1868, %mul3A_1878 : vector<16xf32>
        %add3A_1902 = arith.addf %mul3A_1888, %mul3A_1898 : vector<16xf32>
        %add3A_1903 = arith.addf %add3A_1899, %add3A_1900 : vector<16xf32>
        %add3A_1904 = arith.addf %add3A_1901, %add3A_1902 : vector<16xf32>
        %add3A_1905 = arith.addf %add3A_1903, %add3A_1904 : vector<16xf32>
        %swap3A_1906 = arith.constant 208 : index
        %swap3A_1907 = tpu.vector_load %arg10[%swap3A_1906] {strides = array<i32>} : memref<256xf32, #tpu.memory_space<vmem>>, vector<16xf32>,
        tpu.vector_store %arg10[%swap3A_1906], %add3A_1905 {strides = array<i32>} : memref<256xf32, #tpu.memory_space<vmem>>, vector<16xf32>,
        %mul3A_1908 = arith.constant 16 : i32
        %mul3A_1909 = arith.muli %scan3A_661, %mul3A_1908 : i32
        %add3A_1910 = arith.constant 14 : i32
        %add3A_1911 = arith.addi %mul3A_1909, %add3A_1910 : i32
        %get3A_1912 = arith.constant 1 : i32
        %get3A_1913 = arith.index_cast %get3A_1912 : i32 to index
        %get3A_1914 = arith.index_cast %add3A_1911 : i32 to index
        %get3A_1915 = arith.constant 0 : index
        %get3A_1916 = tpu.vector_load %arg8[%get3A_1913, %get3A_1914, %get3A_1915] {strides = array<i32>} : memref<2x160x128xf32, #tpu.memory_space<vmem>>, vector<16xf32>,
        %mul3A_1917 = arith.mulf %get3A_617, %get3A_1916 : vector<16xf32>
        %mul3A_1918 = arith.constant 16 : i32
        %mul3A_1919 = arith.muli %scan3A_661, %mul3A_1918 : i32
        %add3A_1920 = arith.constant 14 : i32
        %add3A_1921 = arith.addi %mul3A_1919, %add3A_1920 : i32
        %get3A_1922 = arith.constant 1 : i32
        %get3A_1923 = arith.index_cast %get3A_1922 : i32 to index
        %get3A_1924 = arith.index_cast %add3A_1921 : i32 to index
        %get3A_1925 = arith.constant 16 : index
        %get3A_1926 = tpu.vector_load %arg8[%get3A_1923, %get3A_1924, %get3A_1925] {strides = array<i32>} : memref<2x160x128xf32, #tpu.memory_space<vmem>>, vector<16xf32>,
        %mul3A_1927 = arith.mulf %get3A_621, %get3A_1926 : vector<16xf32>
        %mul3A_1928 = arith.constant 16 : i32
        %mul3A_1929 = arith.muli %scan3A_661, %mul3A_1928 : i32
        %add3A_1930 = arith.constant 14 : i32
        %add3A_1931 = arith.addi %mul3A_1929, %add3A_1930 : i32
        %get3A_1932 = arith.constant 1 : i32
        %get3A_1933 = arith.index_cast %get3A_1932 : i32 to index
        %get3A_1934 = arith.index_cast %add3A_1931 : i32 to index
        %get3A_1935 = arith.constant 32 : index
        %get3A_1936 = tpu.vector_load %arg8[%get3A_1933, %get3A_1934, %get3A_1935] {strides = array<i32>} : memref<2x160x128xf32, #tpu.memory_space<vmem>>, vector<16xf32>,
        %mul3A_1937 = arith.mulf %get3A_625, %get3A_1936 : vector<16xf32>
        %mul3A_1938 = arith.constant 16 : i32
        %mul3A_1939 = arith.muli %scan3A_661, %mul3A_1938 : i32
        %add3A_1940 = arith.constant 14 : i32
        %add3A_1941 = arith.addi %mul3A_1939, %add3A_1940 : i32
        %get3A_1942 = arith.constant 1 : i32
        %get3A_1943 = arith.index_cast %get3A_1942 : i32 to index
        %get3A_1944 = arith.index_cast %add3A_1941 : i32 to index
        %get3A_1945 = arith.constant 48 : index
        %get3A_1946 = tpu.vector_load %arg8[%get3A_1943, %get3A_1944, %get3A_1945] {strides = array<i32>} : memref<2x160x128xf32, #tpu.memory_space<vmem>>, vector<16xf32>,
        %mul3A_1947 = arith.mulf %get3A_629, %get3A_1946 : vector<16xf32>
        %mul3A_1948 = arith.constant 16 : i32
        %mul3A_1949 = arith.muli %scan3A_661, %mul3A_1948 : i32
        %add3A_1950 = arith.constant 14 : i32
        %add3A_1951 = arith.addi %mul3A_1949, %add3A_1950 : i32
        %get3A_1952 = arith.constant 1 : i32
        %get3A_1953 = arith.index_cast %get3A_1952 : i32 to index
        %get3A_1954 = arith.index_cast %add3A_1951 : i32 to index
        %get3A_1955 = arith.constant 64 : index
        %get3A_1956 = tpu.vector_load %arg8[%get3A_1953, %get3A_1954, %get3A_1955] {strides = array<i32>} : memref<2x160x128xf32, #tpu.memory_space<vmem>>, vector<16xf32>,
        %mul3A_1957 = arith.mulf %get3A_633, %get3A_1956 : vector<16xf32>
        %mul3A_1958 = arith.constant 16 : i32
        %mul3A_1959 = arith.muli %scan3A_661, %mul3A_1958 : i32
        %add3A_1960 = arith.constant 14 : i32
        %add3A_1961 = arith.addi %mul3A_1959, %add3A_1960 : i32
        %get3A_1962 = arith.constant 1 : i32
        %get3A_1963 = arith.index_cast %get3A_1962 : i32 to index
        %get3A_1964 = arith.index_cast %add3A_1961 : i32 to index
        %get3A_1965 = arith.constant 80 : index
        %get3A_1966 = tpu.vector_load %arg8[%get3A_1963, %get3A_1964, %get3A_1965] {strides = array<i32>} : memref<2x160x128xf32, #tpu.memory_space<vmem>>, vector<16xf32>,
        %mul3A_1967 = arith.mulf %get3A_637, %get3A_1966 : vector<16xf32>
        %mul3A_1968 = arith.constant 16 : i32
        %mul3A_1969 = arith.muli %scan3A_661, %mul3A_1968 : i32
        %add3A_1970 = arith.constant 14 : i32
        %add3A_1971 = arith.addi %mul3A_1969, %add3A_1970 : i32
        %get3A_1972 = arith.constant 1 : i32
        %get3A_1973 = arith.index_cast %get3A_1972 : i32 to index
        %get3A_1974 = arith.index_cast %add3A_1971 : i32 to index
        %get3A_1975 = arith.constant 96 : index
        %get3A_1976 = tpu.vector_load %arg8[%get3A_1973, %get3A_1974, %get3A_1975] {strides = array<i32>} : memref<2x160x128xf32, #tpu.memory_space<vmem>>, vector<16xf32>,
        %mul3A_1977 = arith.mulf %get3A_641, %get3A_1976 : vector<16xf32>
        %mul3A_1978 = arith.constant 16 : i32
        %mul3A_1979 = arith.muli %scan3A_661, %mul3A_1978 : i32
        %add3A_1980 = arith.constant 14 : i32
        %add3A_1981 = arith.addi %mul3A_1979, %add3A_1980 : i32
        %get3A_1982 = arith.constant 1 : i32
        %get3A_1983 = arith.index_cast %get3A_1982 : i32 to index
        %get3A_1984 = arith.index_cast %add3A_1981 : i32 to index
        %get3A_1985 = arith.constant 112 : index
        %get3A_1986 = tpu.vector_load %arg8[%get3A_1983, %get3A_1984, %get3A_1985] {strides = array<i32>} : memref<2x160x128xf32, #tpu.memory_space<vmem>>, vector<16xf32>,
        %mul3A_1987 = arith.mulf %get3A_645, %get3A_1986 : vector<16xf32>
        %add3A_1988 = arith.addf %mul3A_1917, %mul3A_1927 : vector<16xf32>
        %add3A_1989 = arith.addf %mul3A_1937, %mul3A_1947 : vector<16xf32>
        %add3A_1990 = arith.addf %mul3A_1957, %mul3A_1967 : vector<16xf32>
        %add3A_1991 = arith.addf %mul3A_1977, %mul3A_1987 : vector<16xf32>
        %add3A_1992 = arith.addf %add3A_1988, %add3A_1989 : vector<16xf32>
        %add3A_1993 = arith.addf %add3A_1990, %add3A_1991 : vector<16xf32>
        %add3A_1994 = arith.addf %add3A_1992, %add3A_1993 : vector<16xf32>
        %swap3A_1995 = arith.constant 224 : index
        %swap3A_1996 = tpu.vector_load %arg10[%swap3A_1995] {strides = array<i32>} : memref<256xf32, #tpu.memory_space<vmem>>, vector<16xf32>,
        tpu.vector_store %arg10[%swap3A_1995], %add3A_1994 {strides = array<i32>} : memref<256xf32, #tpu.memory_space<vmem>>, vector<16xf32>,
        %mul3A_1997 = arith.constant 16 : i32
        %mul3A_1998 = arith.muli %scan3A_661, %mul3A_1997 : i32
        %add3A_1999 = arith.constant 15 : i32
        %add3A_2000 = arith.addi %mul3A_1998, %add3A_1999 : i32
        %get3A_2001 = arith.constant 1 : i32
        %get3A_2002 = arith.index_cast %get3A_2001 : i32 to index
        %get3A_2003 = arith.index_cast %add3A_2000 : i32 to index
        %get3A_2004 = arith.constant 0 : index
        %get3A_2005 = tpu.vector_load %arg8[%get3A_2002, %get3A_2003, %get3A_2004] {strides = array<i32>} : memref<2x160x128xf32, #tpu.memory_space<vmem>>, vector<16xf32>,
        %mul3A_2006 = arith.mulf %get3A_617, %get3A_2005 : vector<16xf32>
        %mul3A_2007 = arith.constant 16 : i32
        %mul3A_2008 = arith.muli %scan3A_661, %mul3A_2007 : i32
        %add3A_2009 = arith.constant 15 : i32
        %add3A_2010 = arith.addi %mul3A_2008, %add3A_2009 : i32
        %get3A_2011 = arith.constant 1 : i32
        %get3A_2012 = arith.index_cast %get3A_2011 : i32 to index
        %get3A_2013 = arith.index_cast %add3A_2010 : i32 to index
        %get3A_2014 = arith.constant 16 : index
        %get3A_2015 = tpu.vector_load %arg8[%get3A_2012, %get3A_2013, %get3A_2014] {strides = array<i32>} : memref<2x160x128xf32, #tpu.memory_space<vmem>>, vector<16xf32>,
        %mul3A_2016 = arith.mulf %get3A_621, %get3A_2015 : vector<16xf32>
        %mul3A_2017 = arith.constant 16 : i32
        %mul3A_2018 = arith.muli %scan3A_661, %mul3A_2017 : i32
        %add3A_2019 = arith.constant 15 : i32
        %add3A_2020 = arith.addi %mul3A_2018, %add3A_2019 : i32
        %get3A_2021 = arith.constant 1 : i32
        %get3A_2022 = arith.index_cast %get3A_2021 : i32 to index
        %get3A_2023 = arith.index_cast %add3A_2020 : i32 to index
        %get3A_2024 = arith.constant 32 : index
        %get3A_2025 = tpu.vector_load %arg8[%get3A_2022, %get3A_2023, %get3A_2024] {strides = array<i32>} : memref<2x160x128xf32, #tpu.memory_space<vmem>>, vector<16xf32>,
        %mul3A_2026 = arith.mulf %get3A_625, %get3A_2025 : vector<16xf32>
        %mul3A_2027 = arith.constant 16 : i32
        %mul3A_2028 = arith.muli %scan3A_661, %mul3A_2027 : i32
        %add3A_2029 = arith.constant 15 : i32
        %add3A_2030 = arith.addi %mul3A_2028, %add3A_2029 : i32
        %get3A_2031 = arith.constant 1 : i32
        %get3A_2032 = arith.index_cast %get3A_2031 : i32 to index
        %get3A_2033 = arith.index_cast %add3A_2030 : i32 to index
        %get3A_2034 = arith.constant 48 : index
        %get3A_2035 = tpu.vector_load %arg8[%get3A_2032, %get3A_2033, %get3A_2034] {strides = array<i32>} : memref<2x160x128xf32, #tpu.memory_space<vmem>>, vector<16xf32>,
        %mul3A_2036 = arith.mulf %get3A_629, %get3A_2035 : vector<16xf32>
        %mul3A_2037 = arith.constant 16 : i32
        %mul3A_2038 = arith.muli %scan3A_661, %mul3A_2037 : i32
        %add3A_2039 = arith.constant 15 : i32
        %add3A_2040 = arith.addi %mul3A_2038, %add3A_2039 : i32
        %get3A_2041 = arith.constant 1 : i32
        %get3A_2042 = arith.index_cast %get3A_2041 : i32 to index
        %get3A_2043 = arith.index_cast %add3A_2040 : i32 to index
        %get3A_2044 = arith.constant 64 : index
        %get3A_2045 = tpu.vector_load %arg8[%get3A_2042, %get3A_2043, %get3A_2044] {strides = array<i32>} : memref<2x160x128xf32, #tpu.memory_space<vmem>>, vector<16xf32>,
        %mul3A_2046 = arith.mulf %get3A_633, %get3A_2045 : vector<16xf32>
        %mul3A_2047 = arith.constant 16 : i32
        %mul3A_2048 = arith.muli %scan3A_661, %mul3A_2047 : i32
        %add3A_2049 = arith.constant 15 : i32
        %add3A_2050 = arith.addi %mul3A_2048, %add3A_2049 : i32
        %get3A_2051 = arith.constant 1 : i32
        %get3A_2052 = arith.index_cast %get3A_2051 : i32 to index
        %get3A_2053 = arith.index_cast %add3A_2050 : i32 to index
        %get3A_2054 = arith.constant 80 : index
        %get3A_2055 = tpu.vector_load %arg8[%get3A_2052, %get3A_2053, %get3A_2054] {strides = array<i32>} : memref<2x160x128xf32, #tpu.memory_space<vmem>>, vector<16xf32>,
        %mul3A_2056 = arith.mulf %get3A_637, %get3A_2055 : vector<16xf32>
        %mul3A_2057 = arith.constant 16 : i32
        %mul3A_2058 = arith.muli %scan3A_661, %mul3A_2057 : i32
        %add3A_2059 = arith.constant 15 : i32
        %add3A_2060 = arith.addi %mul3A_2058, %add3A_2059 : i32
        %get3A_2061 = arith.constant 1 : i32
        %get3A_2062 = arith.index_cast %get3A_2061 : i32 to index
        %get3A_2063 = arith.index_cast %add3A_2060 : i32 to index
        %get3A_2064 = arith.constant 96 : index
        %get3A_2065 = tpu.vector_load %arg8[%get3A_2062, %get3A_2063, %get3A_2064] {strides = array<i32>} : memref<2x160x128xf32, #tpu.memory_space<vmem>>, vector<16xf32>,
        %mul3A_2066 = arith.mulf %get3A_641, %get3A_2065 : vector<16xf32>
        %mul3A_2067 = arith.constant 16 : i32
        %mul3A_2068 = arith.muli %scan3A_661, %mul3A_2067 : i32
        %add3A_2069 = arith.constant 15 : i32
        %add3A_2070 = arith.addi %mul3A_2068, %add3A_2069 : i32
        %get3A_2071 = arith.constant 1 : i32
        %get3A_2072 = arith.index_cast %get3A_2071 : i32 to index
        %get3A_2073 = arith.index_cast %add3A_2070 : i32 to index
        %get3A_2074 = arith.constant 112 : index
        %get3A_2075 = tpu.vector_load %arg8[%get3A_2072, %get3A_2073, %get3A_2074] {strides = array<i32>} : memref<2x160x128xf32, #tpu.memory_space<vmem>>, vector<16xf32>,
        %mul3A_2076 = arith.mulf %get3A_645, %get3A_2075 : vector<16xf32>
        %add3A_2077 = arith.addf %mul3A_2006, %mul3A_2016 : vector<16xf32>
        %add3A_2078 = arith.addf %mul3A_2026, %mul3A_2036 : vector<16xf32>
        %add3A_2079 = arith.addf %mul3A_2046, %mul3A_2056 : vector<16xf32>
        %add3A_2080 = arith.addf %mul3A_2066, %mul3A_2076 : vector<16xf32>
        %add3A_2081 = arith.addf %add3A_2077, %add3A_2078 : vector<16xf32>
        %add3A_2082 = arith.addf %add3A_2079, %add3A_2080 : vector<16xf32>
        %add3A_2083 = arith.addf %add3A_2081, %add3A_2082 : vector<16xf32>
        %swap3A_2084 = arith.constant 240 : index
        %swap3A_2085 = tpu.vector_load %arg10[%swap3A_2084] {strides = array<i32>} : memref<256xf32, #tpu.memory_space<vmem>>, vector<16xf32>,
        tpu.vector_store %arg10[%swap3A_2084], %add3A_2083 {strides = array<i32>} : memref<256xf32, #tpu.memory_space<vmem>>, vector<16xf32>,
        %mul3A_2086 = arith.constant 16 : i32
        %mul3A_2087 = vector.broadcast %mul3A_2086 : i32 to vector<16xi32>
        %mul3A_2088 = arith.muli %iota3A, %mul3A_2087 : vector<16xi32>
        %add3A_2089 = arith.constant 0 : i32
        %add3A_2090 = vector.broadcast %add3A_2089 : i32 to vector<16xi32>
        %add3A_2091 = arith.addi %mul3A_2088, %add3A_2090 : vector<16xi32>
        %gather3A = tpu.vector_load_idx %arg10[%add3A_2091] : memref<256xf32, #tpu.memory_space<vmem>>[vector<16xi32>], vector<16xf32>,
        %add3A_2092 = arith.constant 1 : i32
        %add3A_2093 = vector.broadcast %add3A_2092 : i32 to vector<16xi32>
        %add3A_2094 = arith.addi %mul3A_2088, %add3A_2093 : vector<16xi32>
        %gather3A_2095 = tpu.vector_load_idx %arg10[%add3A_2094] : memref<256xf32, #tpu.memory_space<vmem>>[vector<16xi32>], vector<16xf32>,
        %add3A_2096 = arith.constant 2 : i32
        %add3A_2097 = vector.broadcast %add3A_2096 : i32 to vector<16xi32>
        %add3A_2098 = arith.addi %mul3A_2088, %add3A_2097 : vector<16xi32>
        %gather3A_2099 = tpu.vector_load_idx %arg10[%add3A_2098] : memref<256xf32, #tpu.memory_space<vmem>>[vector<16xi32>], vector<16xf32>,
        %add3A_2100 = arith.constant 3 : i32
        %add3A_2101 = vector.broadcast %add3A_2100 : i32 to vector<16xi32>
        %add3A_2102 = arith.addi %mul3A_2088, %add3A_2101 : vector<16xi32>
        %gather3A_2103 = tpu.vector_load_idx %arg10[%add3A_2102] : memref<256xf32, #tpu.memory_space<vmem>>[vector<16xi32>], vector<16xf32>,
        %add3A_2104 = arith.constant 4 : i32
        %add3A_2105 = vector.broadcast %add3A_2104 : i32 to vector<16xi32>
        %add3A_2106 = arith.addi %mul3A_2088, %add3A_2105 : vector<16xi32>
        %gather3A_2107 = tpu.vector_load_idx %arg10[%add3A_2106] : memref<256xf32, #tpu.memory_space<vmem>>[vector<16xi32>], vector<16xf32>,
        %add3A_2108 = arith.constant 5 : i32
        %add3A_2109 = vector.broadcast %add3A_2108 : i32 to vector<16xi32>
        %add3A_2110 = arith.addi %mul3A_2088, %add3A_2109 : vector<16xi32>
        %gather3A_2111 = tpu.vector_load_idx %arg10[%add3A_2110] : memref<256xf32, #tpu.memory_space<vmem>>[vector<16xi32>], vector<16xf32>,
        %add3A_2112 = arith.constant 6 : i32
        %add3A_2113 = vector.broadcast %add3A_2112 : i32 to vector<16xi32>
        %add3A_2114 = arith.addi %mul3A_2088, %add3A_2113 : vector<16xi32>
        %gather3A_2115 = tpu.vector_load_idx %arg10[%add3A_2114] : memref<256xf32, #tpu.memory_space<vmem>>[vector<16xi32>], vector<16xf32>,
        %add3A_2116 = arith.constant 7 : i32
        %add3A_2117 = vector.broadcast %add3A_2116 : i32 to vector<16xi32>
        %add3A_2118 = arith.addi %mul3A_2088, %add3A_2117 : vector<16xi32>
        %gather3A_2119 = tpu.vector_load_idx %arg10[%add3A_2118] : memref<256xf32, #tpu.memory_space<vmem>>[vector<16xi32>], vector<16xf32>,
        %add3A_2120 = arith.constant 8 : i32
        %add3A_2121 = vector.broadcast %add3A_2120 : i32 to vector<16xi32>
        %add3A_2122 = arith.addi %mul3A_2088, %add3A_2121 : vector<16xi32>
        %gather3A_2123 = tpu.vector_load_idx %arg10[%add3A_2122] : memref<256xf32, #tpu.memory_space<vmem>>[vector<16xi32>], vector<16xf32>,
        %add3A_2124 = arith.constant 9 : i32
        %add3A_2125 = vector.broadcast %add3A_2124 : i32 to vector<16xi32>
        %add3A_2126 = arith.addi %mul3A_2088, %add3A_2125 : vector<16xi32>
        %gather3A_2127 = tpu.vector_load_idx %arg10[%add3A_2126] : memref<256xf32, #tpu.memory_space<vmem>>[vector<16xi32>], vector<16xf32>,
        %add3A_2128 = arith.constant 10 : i32
        %add3A_2129 = vector.broadcast %add3A_2128 : i32 to vector<16xi32>
        %add3A_2130 = arith.addi %mul3A_2088, %add3A_2129 : vector<16xi32>
        %gather3A_2131 = tpu.vector_load_idx %arg10[%add3A_2130] : memref<256xf32, #tpu.memory_space<vmem>>[vector<16xi32>], vector<16xf32>,
        %add3A_2132 = arith.constant 11 : i32
        %add3A_2133 = vector.broadcast %add3A_2132 : i32 to vector<16xi32>
        %add3A_2134 = arith.addi %mul3A_2088, %add3A_2133 : vector<16xi32>
        %gather3A_2135 = tpu.vector_load_idx %arg10[%add3A_2134] : memref<256xf32, #tpu.memory_space<vmem>>[vector<16xi32>], vector<16xf32>,
        %add3A_2136 = arith.constant 12 : i32
        %add3A_2137 = vector.broadcast %add3A_2136 : i32 to vector<16xi32>
        %add3A_2138 = arith.addi %mul3A_2088, %add3A_2137 : vector<16xi32>
        %gather3A_2139 = tpu.vector_load_idx %arg10[%add3A_2138] : memref<256xf32, #tpu.memory_space<vmem>>[vector<16xi32>], vector<16xf32>,
        %add3A_2140 = arith.constant 13 : i32
        %add3A_2141 = vector.broadcast %add3A_2140 : i32 to vector<16xi32>
        %add3A_2142 = arith.addi %mul3A_2088, %add3A_2141 : vector<16xi32>
        %gather3A_2143 = tpu.vector_load_idx %arg10[%add3A_2142] : memref<256xf32, #tpu.memory_space<vmem>>[vector<16xi32>], vector<16xf32>,
        %add3A_2144 = arith.constant 14 : i32
        %add3A_2145 = vector.broadcast %add3A_2144 : i32 to vector<16xi32>
        %add3A_2146 = arith.addi %mul3A_2088, %add3A_2145 : vector<16xi32>
        %gather3A_2147 = tpu.vector_load_idx %arg10[%add3A_2146] : memref<256xf32, #tpu.memory_space<vmem>>[vector<16xi32>], vector<16xf32>,
        %add3A_2148 = arith.constant 15 : i32
        %add3A_2149 = vector.broadcast %add3A_2148 : i32 to vector<16xi32>
        %add3A_2150 = arith.addi %mul3A_2088, %add3A_2149 : vector<16xi32>
        %gather3A_2151 = tpu.vector_load_idx %arg10[%add3A_2150] : memref<256xf32, #tpu.memory_space<vmem>>[vector<16xi32>], vector<16xf32>,
        %add3A_2152 = arith.addf %gather3A, %gather3A_2095 : vector<16xf32>
        %add3A_2153 = arith.addf %gather3A_2099, %gather3A_2103 : vector<16xf32>
        %add3A_2154 = arith.addf %gather3A_2107, %gather3A_2111 : vector<16xf32>
        %add3A_2155 = arith.addf %gather3A_2115, %gather3A_2119 : vector<16xf32>
        %add3A_2156 = arith.addf %gather3A_2123, %gather3A_2127 : vector<16xf32>
        %add3A_2157 = arith.addf %gather3A_2131, %gather3A_2135 : vector<16xf32>
        %add3A_2158 = arith.addf %gather3A_2139, %gather3A_2143 : vector<16xf32>
        %add3A_2159 = arith.addf %gather3A_2147, %gather3A_2151 : vector<16xf32>
        %add3A_2160 = arith.addf %add3A_2152, %add3A_2153 : vector<16xf32>
        %add3A_2161 = arith.addf %add3A_2154, %add3A_2155 : vector<16xf32>
        %add3A_2162 = arith.addf %add3A_2156, %add3A_2157 : vector<16xf32>
        %add3A_2163 = arith.addf %add3A_2158, %add3A_2159 : vector<16xf32>
        %add3A_2164 = arith.addf %add3A_2160, %add3A_2161 : vector<16xf32>
        %add3A_2165 = arith.addf %add3A_2162, %add3A_2163 : vector<16xf32>
        %add3A_2166 = arith.addf %add3A_2164, %add3A_2165 : vector<16xf32>
        %mul3A_2167 = arith.constant 160 : i32
        %mul3A_2168 = arith.muli %add3A_460, %mul3A_2167 : i32
        %mul3A_2169 = arith.constant 16 : i32
        %mul3A_2170 = arith.muli %scan3A_661, %mul3A_2169 : i32
        %add3A_2171 = arith.addi %mul3A_2168, %mul3A_2170 : i32
        %multiple_of3A_2172 = tpu.assume_multiple %add3A_2171, 16 : i32
        %swap3A_2173 = arith.index_cast %multiple_of3A_2172 : i32 to index
        %swap3A_2174 = tpu.vector_load %arg9[%swap3A_2173] {strides = array<i32>} : memref<5120xf32, #tpu.memory_space<vmem>>, vector<16xf32>,
        tpu.vector_store %arg9[%swap3A_2173], %add3A_2166 {strides = array<i32>} : memref<5120xf32, #tpu.memory_space<vmem>>, vector<16xf32>,
        %scan3A_2175 = arith.constant 0 : i32
        scf.yield %scan3A_2175 : i32
      }
      %scan3A_652 = arith.constant 10 : i32
      %add3A_653 = arith.constant 2 : i32
      %add3A_654 = arith.addi %add3A_460, %add3A_653 : i32
      %lt3A_655 = arith.constant 32 : i32
      %lt3A_656 = arith.cmpi slt, %add3A_654, %lt3A_655 : i32
      %convert_element_type3A_657 = arith.extui %lt3A_656 : i1 to i32
      %cond3A_658 = arith.constant 0 : i32
      %cond3A_659 = arith.cmpi ne, %convert_element_type3A_657, %cond3A_658 : i32
      scf.if %cond3A_659 {
        %add3A_661 = arith.constant 2 : i32
        %add3A_662 = arith.addi %add3A_460, %add3A_661 : i32
        %mul3A_663 = arith.constant 160 : i32
        %mul3A_664 = arith.muli %add3A_662, %mul3A_663 : i32
        %add3A_665 = arith.constant 0 : i32
        %add3A_666 = arith.addi %mul3A_664, %add3A_665 : i32
        %multiple_of3A_667 = tpu.assume_multiple %add3A_666, 16 : i32
        %get3A_668 = arith.index_cast %multiple_of3A_667 : i32 to index
        %get3A_669 = tpu.vector_load %arg6[%get3A_668] {strides = array<i32>} : memref<5120xi32, #tpu.memory_space<vmem>>, vector<16xi32>,
        %mul3A_670 = arith.constant 160 : i32
        %mul3A_671 = arith.muli %add3A_662, %mul3A_670 : i32
        %add3A_672 = arith.constant 16 : i32
        %add3A_673 = arith.addi %mul3A_671, %add3A_672 : i32
        %multiple_of3A_674 = tpu.assume_multiple %add3A_673, 16 : i32
        %get3A_675 = arith.index_cast %multiple_of3A_674 : i32 to index
        %get3A_676 = tpu.vector_load %arg6[%get3A_675] {strides = array<i32>} : memref<5120xi32, #tpu.memory_space<vmem>>, vector<16xi32>,
        %mul3A_677 = arith.constant 160 : i32
        %mul3A_678 = arith.muli %add3A_662, %mul3A_677 : i32
        %add3A_679 = arith.constant 32 : i32
        %add3A_680 = arith.addi %mul3A_678, %add3A_679 : i32
        %multiple_of3A_681 = tpu.assume_multiple %add3A_680, 16 : i32
        %get3A_682 = arith.index_cast %multiple_of3A_681 : i32 to index
        %get3A_683 = tpu.vector_load %arg6[%get3A_682] {strides = array<i32>} : memref<5120xi32, #tpu.memory_space<vmem>>, vector<16xi32>,
        %mul3A_684 = arith.constant 160 : i32
        %mul3A_685 = arith.muli %add3A_662, %mul3A_684 : i32
        %add3A_686 = arith.constant 48 : i32
        %add3A_687 = arith.addi %mul3A_685, %add3A_686 : i32
        %multiple_of3A_688 = tpu.assume_multiple %add3A_687, 16 : i32
        %get3A_689 = arith.index_cast %multiple_of3A_688 : i32 to index
        %get3A_690 = tpu.vector_load %arg6[%get3A_689] {strides = array<i32>} : memref<5120xi32, #tpu.memory_space<vmem>>, vector<16xi32>,
        %mul3A_691 = arith.constant 160 : i32
        %mul3A_692 = arith.muli %add3A_662, %mul3A_691 : i32
        %add3A_693 = arith.constant 64 : i32
        %add3A_694 = arith.addi %mul3A_692, %add3A_693 : i32
        %multiple_of3A_695 = tpu.assume_multiple %add3A_694, 16 : i32
        %get3A_696 = arith.index_cast %multiple_of3A_695 : i32 to index
        %get3A_697 = tpu.vector_load %arg6[%get3A_696] {strides = array<i32>} : memref<5120xi32, #tpu.memory_space<vmem>>, vector<16xi32>,
        %mul3A_698 = arith.constant 160 : i32
        %mul3A_699 = arith.muli %add3A_662, %mul3A_698 : i32
        %add3A_700 = arith.constant 80 : i32
        %add3A_701 = arith.addi %mul3A_699, %add3A_700 : i32
        %multiple_of3A_702 = tpu.assume_multiple %add3A_701, 16 : i32
        %get3A_703 = arith.index_cast %multiple_of3A_702 : i32 to index
        %get3A_704 = tpu.vector_load %arg6[%get3A_703] {strides = array<i32>} : memref<5120xi32, #tpu.memory_space<vmem>>, vector<16xi32>,
        %mul3A_705 = arith.constant 160 : i32
        %mul3A_706 = arith.muli %add3A_662, %mul3A_705 : i32
        %add3A_707 = arith.constant 96 : i32
        %add3A_708 = arith.addi %mul3A_706, %add3A_707 : i32
        %multiple_of3A_709 = tpu.assume_multiple %add3A_708, 16 : i32
        %get3A_710 = arith.index_cast %multiple_of3A_709 : i32 to index
        %get3A_711 = tpu.vector_load %arg6[%get3A_710] {strides = array<i32>} : memref<5120xi32, #tpu.memory_space<vmem>>, vector<16xi32>,
        %mul3A_712 = arith.constant 160 : i32
        %mul3A_713 = arith.muli %add3A_662, %mul3A_712 : i32
        %add3A_714 = arith.constant 112 : i32
        %add3A_715 = arith.addi %mul3A_713, %add3A_714 : i32
        %multiple_of3A_716 = tpu.assume_multiple %add3A_715, 16 : i32
        %get3A_717 = arith.index_cast %multiple_of3A_716 : i32 to index
        %get3A_718 = tpu.vector_load %arg6[%get3A_717] {strides = array<i32>} : memref<5120xi32, #tpu.memory_space<vmem>>, vector<16xi32>,
        %mul3A_719 = arith.constant 160 : i32
        %mul3A_720 = arith.muli %add3A_662, %mul3A_719 : i32
        %add3A_721 = arith.constant 128 : i32
        %add3A_722 = arith.addi %mul3A_720, %add3A_721 : i32
        %multiple_of3A_723 = tpu.assume_multiple %add3A_722, 16 : i32
        %get3A_724 = arith.index_cast %multiple_of3A_723 : i32 to index
        %get3A_725 = tpu.vector_load %arg6[%get3A_724] {strides = array<i32>} : memref<5120xi32, #tpu.memory_space<vmem>>, vector<16xi32>,
        %mul3A_726 = arith.constant 160 : i32
        %mul3A_727 = arith.muli %add3A_662, %mul3A_726 : i32
        %add3A_728 = arith.constant 144 : i32
        %add3A_729 = arith.addi %mul3A_727, %add3A_728 : i32
        %multiple_of3A_730 = tpu.assume_multiple %add3A_729, 16 : i32
        %get3A_731 = arith.index_cast %multiple_of3A_730 : i32 to index
        %get3A_732 = tpu.vector_load %arg6[%get3A_731] {strides = array<i32>} : memref<5120xi32, #tpu.memory_space<vmem>>, vector<16xi32>,
        %dma_start3A_733 = arith.constant 1 : i32
        %dma_start3A_734 = arith.constant 0 : i32
        %dma_start3A_735 = arith.constant 0 : i32
        %dma_start3A_736 = tpu.memref_slice %arg8[%dma_start3A_733, %dma_start3A_734, %dma_start3A_735] : memref<2x160x128xf32, #tpu.memory_space<vmem>> -> memref<1x16x128xf32, #tpu.memory_space<vmem>>
        %dma_start3A_737 = tpu.memref_squeeze %dma_start3A_736 : memref<1x16x128xf32, #tpu.memory_space<vmem>> -> memref<16x128xf32, #tpu.memory_space<vmem>>
        %dma_start3A_738 = arith.constant 0 : i32
        %dma_start3A_739 = arith.constant 0 : i32
        %dma_start3A_740 = tpu.memref_slice %arg4[%dma_start3A_738, %dma_start3A_739] : memref<100000x128xf32, #tpu.memory_space<hbm>> -> memref<100000x128xf32, #tpu.memory_space<hbm>>
        tpu.enqueue_indirect_dma source(%dma_start3A_740 : memref<100000x128xf32, #tpu.memory_space<hbm>>) target(%dma_start3A_737 : memref<16x128xf32, #tpu.memory_space<vmem>>) offsets(%get3A_669 : vector<16xi32>) semaphore(%arg12 : memref<!tpu.dma_semaphore, #tpu.memory_space<semaphore_mem>>)
        %dma_start3A_741 = arith.constant 1 : i32
        %dma_start3A_742 = arith.constant 16 : i32
        %dma_start3A_743 = arith.constant 0 : i32
        %dma_start3A_744 = tpu.memref_slice %arg8[%dma_start3A_741, %dma_start3A_742, %dma_start3A_743] : memref<2x160x128xf32, #tpu.memory_space<vmem>> -> memref<1x16x128xf32, #tpu.memory_space<vmem>>
        %dma_start3A_745 = tpu.memref_squeeze %dma_start3A_744 : memref<1x16x128xf32, #tpu.memory_space<vmem>> -> memref<16x128xf32, #tpu.memory_space<vmem>>
        %dma_start3A_746 = arith.constant 0 : i32
        %dma_start3A_747 = arith.constant 0 : i32
        %dma_start3A_748 = tpu.memref_slice %arg4[%dma_start3A_746, %dma_start3A_747] : memref<100000x128xf32, #tpu.memory_space<hbm>> -> memref<100000x128xf32, #tpu.memory_space<hbm>>
        tpu.enqueue_indirect_dma source(%dma_start3A_748 : memref<100000x128xf32, #tpu.memory_space<hbm>>) target(%dma_start3A_745 : memref<16x128xf32, #tpu.memory_space<vmem>>) offsets(%get3A_676 : vector<16xi32>) semaphore(%arg12 : memref<!tpu.dma_semaphore, #tpu.memory_space<semaphore_mem>>)
        %dma_start3A_749 = arith.constant 1 : i32
        %dma_start3A_750 = arith.constant 32 : i32
        %dma_start3A_751 = arith.constant 0 : i32
        %dma_start3A_752 = tpu.memref_slice %arg8[%dma_start3A_749, %dma_start3A_750, %dma_start3A_751] : memref<2x160x128xf32, #tpu.memory_space<vmem>> -> memref<1x16x128xf32, #tpu.memory_space<vmem>>
        %dma_start3A_753 = tpu.memref_squeeze %dma_start3A_752 : memref<1x16x128xf32, #tpu.memory_space<vmem>> -> memref<16x128xf32, #tpu.memory_space<vmem>>
        %dma_start3A_754 = arith.constant 0 : i32
        %dma_start3A_755 = arith.constant 0 : i32
        %dma_start3A_756 = tpu.memref_slice %arg4[%dma_start3A_754, %dma_start3A_755] : memref<100000x128xf32, #tpu.memory_space<hbm>> -> memref<100000x128xf32, #tpu.memory_space<hbm>>
        tpu.enqueue_indirect_dma source(%dma_start3A_756 : memref<100000x128xf32, #tpu.memory_space<hbm>>) target(%dma_start3A_753 : memref<16x128xf32, #tpu.memory_space<vmem>>) offsets(%get3A_683 : vector<16xi32>) semaphore(%arg12 : memref<!tpu.dma_semaphore, #tpu.memory_space<semaphore_mem>>)
        %dma_start3A_757 = arith.constant 1 : i32
        %dma_start3A_758 = arith.constant 48 : i32
        %dma_start3A_759 = arith.constant 0 : i32
        %dma_start3A_760 = tpu.memref_slice %arg8[%dma_start3A_757, %dma_start3A_758, %dma_start3A_759] : memref<2x160x128xf32, #tpu.memory_space<vmem>> -> memref<1x16x128xf32, #tpu.memory_space<vmem>>
        %dma_start3A_761 = tpu.memref_squeeze %dma_start3A_760 : memref<1x16x128xf32, #tpu.memory_space<vmem>> -> memref<16x128xf32, #tpu.memory_space<vmem>>
        %dma_start3A_762 = arith.constant 0 : i32
        %dma_start3A_763 = arith.constant 0 : i32
        %dma_start3A_764 = tpu.memref_slice %arg4[%dma_start3A_762, %dma_start3A_763] : memref<100000x128xf32, #tpu.memory_space<hbm>> -> memref<100000x128xf32, #tpu.memory_space<hbm>>
        tpu.enqueue_indirect_dma source(%dma_start3A_764 : memref<100000x128xf32, #tpu.memory_space<hbm>>) target(%dma_start3A_761 : memref<16x128xf32, #tpu.memory_space<vmem>>) offsets(%get3A_690 : vector<16xi32>) semaphore(%arg12 : memref<!tpu.dma_semaphore, #tpu.memory_space<semaphore_mem>>)
        %dma_start3A_765 = arith.constant 1 : i32
        %dma_start3A_766 = arith.constant 64 : i32
        %dma_start3A_767 = arith.constant 0 : i32
        %dma_start3A_768 = tpu.memref_slice %arg8[%dma_start3A_765, %dma_start3A_766, %dma_start3A_767] : memref<2x160x128xf32, #tpu.memory_space<vmem>> -> memref<1x16x128xf32, #tpu.memory_space<vmem>>
        %dma_start3A_769 = tpu.memref_squeeze %dma_start3A_768 : memref<1x16x128xf32, #tpu.memory_space<vmem>> -> memref<16x128xf32, #tpu.memory_space<vmem>>
        %dma_start3A_770 = arith.constant 0 : i32
        %dma_start3A_771 = arith.constant 0 : i32
        %dma_start3A_772 = tpu.memref_slice %arg4[%dma_start3A_770, %dma_start3A_771] : memref<100000x128xf32, #tpu.memory_space<hbm>> -> memref<100000x128xf32, #tpu.memory_space<hbm>>
        tpu.enqueue_indirect_dma source(%dma_start3A_772 : memref<100000x128xf32, #tpu.memory_space<hbm>>) target(%dma_start3A_769 : memref<16x128xf32, #tpu.memory_space<vmem>>) offsets(%get3A_697 : vector<16xi32>) semaphore(%arg12 : memref<!tpu.dma_semaphore, #tpu.memory_space<semaphore_mem>>)
        %dma_start3A_773 = arith.constant 1 : i32
        %dma_start3A_774 = arith.constant 80 : i32
        %dma_start3A_775 = arith.constant 0 : i32
        %dma_start3A_776 = tpu.memref_slice %arg8[%dma_start3A_773, %dma_start3A_774, %dma_start3A_775] : memref<2x160x128xf32, #tpu.memory_space<vmem>> -> memref<1x16x128xf32, #tpu.memory_space<vmem>>
        %dma_start3A_777 = tpu.memref_squeeze %dma_start3A_776 : memref<1x16x128xf32, #tpu.memory_space<vmem>> -> memref<16x128xf32, #tpu.memory_space<vmem>>
        %dma_start3A_778 = arith.constant 0 : i32
        %dma_start3A_779 = arith.constant 0 : i32
        %dma_start3A_780 = tpu.memref_slice %arg4[%dma_start3A_778, %dma_start3A_779] : memref<100000x128xf32, #tpu.memory_space<hbm>> -> memref<100000x128xf32, #tpu.memory_space<hbm>>
        tpu.enqueue_indirect_dma source(%dma_start3A_780 : memref<100000x128xf32, #tpu.memory_space<hbm>>) target(%dma_start3A_777 : memref<16x128xf32, #tpu.memory_space<vmem>>) offsets(%get3A_704 : vector<16xi32>) semaphore(%arg12 : memref<!tpu.dma_semaphore, #tpu.memory_space<semaphore_mem>>)
        %dma_start3A_781 = arith.constant 1 : i32
        %dma_start3A_782 = arith.constant 96 : i32
        %dma_start3A_783 = arith.constant 0 : i32
        %dma_start3A_784 = tpu.memref_slice %arg8[%dma_start3A_781, %dma_start3A_782, %dma_start3A_783] : memref<2x160x128xf32, #tpu.memory_space<vmem>> -> memref<1x16x128xf32, #tpu.memory_space<vmem>>
        %dma_start3A_785 = tpu.memref_squeeze %dma_start3A_784 : memref<1x16x128xf32, #tpu.memory_space<vmem>> -> memref<16x128xf32, #tpu.memory_space<vmem>>
        %dma_start3A_786 = arith.constant 0 : i32
        %dma_start3A_787 = arith.constant 0 : i32
        %dma_start3A_788 = tpu.memref_slice %arg4[%dma_start3A_786, %dma_start3A_787] : memref<100000x128xf32, #tpu.memory_space<hbm>> -> memref<100000x128xf32, #tpu.memory_space<hbm>>
        tpu.enqueue_indirect_dma source(%dma_start3A_788 : memref<100000x128xf32, #tpu.memory_space<hbm>>) target(%dma_start3A_785 : memref<16x128xf32, #tpu.memory_space<vmem>>) offsets(%get3A_711 : vector<16xi32>) semaphore(%arg12 : memref<!tpu.dma_semaphore, #tpu.memory_space<semaphore_mem>>)
        %dma_start3A_789 = arith.constant 1 : i32
        %dma_start3A_790 = arith.constant 112 : i32
        %dma_start3A_791 = arith.constant 0 : i32
        %dma_start3A_792 = tpu.memref_slice %arg8[%dma_start3A_789, %dma_start3A_790, %dma_start3A_791] : memref<2x160x128xf32, #tpu.memory_space<vmem>> -> memref<1x16x128xf32, #tpu.memory_space<vmem>>
        %dma_start3A_793 = tpu.memref_squeeze %dma_start3A_792 : memref<1x16x128xf32, #tpu.memory_space<vmem>> -> memref<16x128xf32, #tpu.memory_space<vmem>>
        %dma_start3A_794 = arith.constant 0 : i32
        %dma_start3A_795 = arith.constant 0 : i32
        %dma_start3A_796 = tpu.memref_slice %arg4[%dma_start3A_794, %dma_start3A_795] : memref<100000x128xf32, #tpu.memory_space<hbm>> -> memref<100000x128xf32, #tpu.memory_space<hbm>>
        tpu.enqueue_indirect_dma source(%dma_start3A_796 : memref<100000x128xf32, #tpu.memory_space<hbm>>) target(%dma_start3A_793 : memref<16x128xf32, #tpu.memory_space<vmem>>) offsets(%get3A_718 : vector<16xi32>) semaphore(%arg12 : memref<!tpu.dma_semaphore, #tpu.memory_space<semaphore_mem>>)
        %dma_start3A_797 = arith.constant 1 : i32
        %dma_start3A_798 = arith.constant 128 : i32
        %dma_start3A_799 = arith.constant 0 : i32
        %dma_start3A_800 = tpu.memref_slice %arg8[%dma_start3A_797, %dma_start3A_798, %dma_start3A_799] : memref<2x160x128xf32, #tpu.memory_space<vmem>> -> memref<1x16x128xf32, #tpu.memory_space<vmem>>
        %dma_start3A_801 = tpu.memref_squeeze %dma_start3A_800 : memref<1x16x128xf32, #tpu.memory_space<vmem>> -> memref<16x128xf32, #tpu.memory_space<vmem>>
        %dma_start3A_802 = arith.constant 0 : i32
        %dma_start3A_803 = arith.constant 0 : i32
        %dma_start3A_804 = tpu.memref_slice %arg4[%dma_start3A_802, %dma_start3A_803] : memref<100000x128xf32, #tpu.memory_space<hbm>> -> memref<100000x128xf32, #tpu.memory_space<hbm>>
        tpu.enqueue_indirect_dma source(%dma_start3A_804 : memref<100000x128xf32, #tpu.memory_space<hbm>>) target(%dma_start3A_801 : memref<16x128xf32, #tpu.memory_space<vmem>>) offsets(%get3A_725 : vector<16xi32>) semaphore(%arg12 : memref<!tpu.dma_semaphore, #tpu.memory_space<semaphore_mem>>)
        %dma_start3A_805 = arith.constant 1 : i32
        %dma_start3A_806 = arith.constant 144 : i32
        %dma_start3A_807 = arith.constant 0 : i32
        %dma_start3A_808 = tpu.memref_slice %arg8[%dma_start3A_805, %dma_start3A_806, %dma_start3A_807] : memref<2x160x128xf32, #tpu.memory_space<vmem>> -> memref<1x16x128xf32, #tpu.memory_space<vmem>>
        %dma_start3A_809 = tpu.memref_squeeze %dma_start3A_808 : memref<1x16x128xf32, #tpu.memory_space<vmem>> -> memref<16x128xf32, #tpu.memory_space<vmem>>
        %dma_start3A_810 = arith.constant 0 : i32
        %dma_start3A_811 = arith.constant 0 : i32
        %dma_start3A_812 = tpu.memref_slice %arg4[%dma_start3A_810, %dma_start3A_811] : memref<100000x128xf32, #tpu.memory_space<hbm>> -> memref<100000x128xf32, #tpu.memory_space<hbm>>
        tpu.enqueue_indirect_dma source(%dma_start3A_812 : memref<100000x128xf32, #tpu.memory_space<hbm>>) target(%dma_start3A_809 : memref<16x128xf32, #tpu.memory_space<vmem>>) offsets(%get3A_732 : vector<16xi32>) semaphore(%arg12 : memref<!tpu.dma_semaphore, #tpu.memory_space<semaphore_mem>>)
      } else {
      }
      %scan3A_660 = arith.constant 0 : i32
      scf.yield %scan3A_660 : i32
    }
    %scan3A_251 = arith.constant 16 : i32
    %mul3A_252 = arith.constant 32 : i32
    %mul3A_253 = arith.muli %add3A, %mul3A_252 : i32
    %mul3A_254 = arith.constant 160 : i32
    %mul3A_255 = arith.muli %mul3A_253, %mul3A_254 : i32
    "tpu.region"() ({
      %run_scoped3A = tpu.sem_alloc : memref<!tpu.dma_semaphore, #tpu.memory_space<semaphore_mem>>
      %dma_start3A_256 = tpu.memref_slice %arg5[%mul3A_255] : memref<163840xf32, #tpu.memory_space<hbm>> -> memref<5120xf32, #tpu.memory_space<hbm>>
      %dma_start3A_257 = tpu.memref_slice %arg5[%mul3A_255] : memref<163840xf32, #tpu.memory_space<hbm>> -> memref<5120xf32, #tpu.memory_space<hbm>>
      tpu.enqueue_dma source(%arg9 : memref<5120xf32, #tpu.memory_space<vmem>>) target(%dma_start3A_257 : memref<5120xf32, #tpu.memory_space<hbm>>) target_semaphore(%run_scoped3A : memref<!tpu.dma_semaphore, #tpu.memory_space<semaphore_mem>>)
      %dma_wait3A = tpu.memref_slice %arg5[%mul3A_255] : memref<163840xf32, #tpu.memory_space<hbm>> -> memref<5120xf32, #tpu.memory_space<hbm>>
      %dma_wait3A_258 = tpu.memref_slice %arg5[%mul3A_255] : memref<163840xf32, #tpu.memory_space<hbm>> -> memref<5120xf32, #tpu.memory_space<hbm>>
      tpu.wait_dma2 semaphore(%run_scoped3A : memref<!tpu.dma_semaphore, #tpu.memory_space<semaphore_mem>>) src(%arg9 : memref<5120xf32, #tpu.memory_space<vmem>>) dst(%dma_wait3A_258 : memref<5120xf32, #tpu.memory_space<hbm>>)
      tpu.yield
    }) : () -> ()
    return
  }
}

module attributes {stable_mosaic.version = 14 : i64} {
  func.func @_tc_body(%arg0: memref<1024x128xf32, #tpu.memory_space<vmem>>, %arg1: memref<1024x10x128xf32, #tpu.memory_space<vmem>>, %arg2: memref<1024x160xf32, #tpu.memory_space<vmem>>, %arg3: memref<1x1xf32, #tpu.memory_space<vmem>>) attributes {dimension_semantics = [], scalar_prefetch = 0 : i64, scratch_operands = 0 : i64, tpu.core_type = #tpu.core_type<tc>} {
    %get3A = arith.constant 0 : index
    %get3A_0 = arith.constant 0 : index
    %get3A_1 = vector.load %arg0[%get3A, %get3A_0] : memref<1024x128xf32, #tpu.memory_space<vmem>>, vector<1024x128xf32>
    %get3A_2 = arith.constant 0 : index
    %get3A_3 = arith.constant 0 : index
    %get3A_4 = arith.constant 0 : index
    %get3A_5 = vector.load %arg1[%get3A_2, %get3A_3, %get3A_4] : memref<1024x10x128xf32, #tpu.memory_space<vmem>>, vector<1024x10x128xf32>
    %broadcast_in_dim3A = vector.shape_cast %get3A_1 : vector<1024x128xf32> to vector<1024x1x128xf32>
    %mul3A = vector.broadcast %broadcast_in_dim3A : vector<1024x1x128xf32> to vector<1024x10x128xf32>
    %mul3A_6 = arith.mulf %get3A_5, %mul3A : vector<1024x10x128xf32>
    %reduce_sum3A = arith.constant dense<0.000000e+00> : vector<1024x10xf32>
    %reduce_sum3A_7 = vector.multi_reduction <add>, %mul3A_6, %reduce_sum3A [2] : vector<1024x10x128xf32> to vector<1024x10xf32>
    %neg3A = arith.constant 0.000000e+00 : f32
    %neg3A_8 = vector.broadcast %neg3A : f32 to vector<1024x10xf32>
    %neg3A_9 = arith.subf %neg3A_8, %reduce_sum3A_7 : vector<1024x10xf32>
    %custom_jvp_call3A = arith.constant 0.000000e+00 : f32
    %max3A = vector.broadcast %custom_jvp_call3A : f32 to vector<1024x10xf32>
    %max3A_10 = arith.maximumf %neg3A_9, %max3A : vector<1024x10xf32>
    %sub3A = vector.broadcast %custom_jvp_call3A : f32 to vector<1024x10xf32>
    %sub3A_11 = arith.subf %neg3A_9, %sub3A : vector<1024x10xf32>
    %ne3A = arith.cmpf one, %sub3A_11, %sub3A_11 : vector<1024x10xf32>
    %add3A = vector.broadcast %custom_jvp_call3A : f32 to vector<1024x10xf32>
    %add3A_12 = arith.addf %neg3A_9, %add3A : vector<1024x10xf32>
    %abs3A = math.absf %sub3A_11 : vector<1024x10xf32>
    %neg3A_13 = arith.constant 0.000000e+00 : f32
    %neg3A_14 = vector.broadcast %neg3A_13 : f32 to vector<1024x10xf32>
    %neg3A_15 = arith.subf %neg3A_14, %abs3A : vector<1024x10xf32>
    %exp3A = math.exp %neg3A_15 : vector<1024x10xf32>
    %log1p3A = math.log1p %exp3A : vector<1024x10xf32>
    %add3A_16 = arith.addf %max3A_10, %log1p3A : vector<1024x10xf32>
    %select_n3A = arith.select %ne3A, %add3A_12, %add3A_16 : vector<1024x10xi1>, vector<1024x10xf32>
    %neg3A_17 = arith.constant 0.000000e+00 : f32
    %neg3A_18 = vector.broadcast %neg3A_17 : f32 to vector<1024x10xf32>
    %neg3A_19 = arith.subf %neg3A_18, %select_n3A : vector<1024x10xf32>
    %reduce_sum3A_20 = arith.constant dense<0.000000e+00> : vector<1024xf32>
    %reduce_sum3A_21 = vector.multi_reduction <add>, %neg3A_19, %reduce_sum3A_20 [1] : vector<1024x10xf32> to vector<1024xf32>
    %get3A_22 = arith.constant 0 : index
    %get3A_23 = arith.constant 0 : index
    %get3A_24 = vector.load %arg2[%get3A_22, %get3A_23] : memref<1024x160xf32, #tpu.memory_space<vmem>>, vector<1024x160xf32>
    %iota3A = tpu.iota {dimensions = array<i32: 1>} : vector<1024x160xi32>
    %lt3A = arith.constant 150 : i32
    %lt3A_25 = vector.broadcast %lt3A : i32 to vector<1024x160xi32>
    %lt3A_26 = arith.cmpi slt, %iota3A, %lt3A_25 : vector<1024x160xi32>
    %neg3A_27 = arith.constant 0.000000e+00 : f32
    %neg3A_28 = vector.broadcast %neg3A_27 : f32 to vector<1024x160xf32>
    %neg3A_29 = arith.subf %neg3A_28, %get3A_24 : vector<1024x160xf32>
    %neg3A_30 = arith.constant 0.000000e+00 : f32
    %neg3A_31 = vector.broadcast %neg3A_30 : f32 to vector<1024x160xf32>
    %neg3A_32 = arith.subf %neg3A_31, %neg3A_29 : vector<1024x160xf32>
    %custom_jvp_call3A_33 = arith.constant 0.000000e+00 : f32
    %max3A_34 = vector.broadcast %custom_jvp_call3A_33 : f32 to vector<1024x160xf32>
    %max3A_35 = arith.maximumf %neg3A_32, %max3A_34 : vector<1024x160xf32>
    %sub3A_36 = vector.broadcast %custom_jvp_call3A_33 : f32 to vector<1024x160xf32>
    %sub3A_37 = arith.subf %neg3A_32, %sub3A_36 : vector<1024x160xf32>
    %ne3A_38 = arith.cmpf one, %sub3A_37, %sub3A_37 : vector<1024x160xf32>
    %add3A_39 = vector.broadcast %custom_jvp_call3A_33 : f32 to vector<1024x160xf32>
    %add3A_40 = arith.addf %neg3A_32, %add3A_39 : vector<1024x160xf32>
    %abs3A_41 = math.absf %sub3A_37 : vector<1024x160xf32>
    %neg3A_42 = arith.constant 0.000000e+00 : f32
    %neg3A_43 = vector.broadcast %neg3A_42 : f32 to vector<1024x160xf32>
    %neg3A_44 = arith.subf %neg3A_43, %abs3A_41 : vector<1024x160xf32>
    %exp3A_45 = math.exp %neg3A_44 : vector<1024x160xf32>
    %log1p3A_46 = math.log1p %exp3A_45 : vector<1024x160xf32>
    %add3A_47 = arith.addf %max3A_35, %log1p3A_46 : vector<1024x160xf32>
    %select_n3A_48 = arith.select %ne3A_38, %add3A_40, %add3A_47 : vector<1024x160xi1>, vector<1024x160xf32>
    %neg3A_49 = arith.constant 0.000000e+00 : f32
    %neg3A_50 = vector.broadcast %neg3A_49 : f32 to vector<1024x160xf32>
    %neg3A_51 = arith.subf %neg3A_50, %select_n3A_48 : vector<1024x160xf32>
    %jit3A = arith.constant 0.000000e+00 : f32
    %broadcast_in_dim3A_52 = vector.broadcast %jit3A : f32 to vector<1024x160xf32>
    %select_n3A_53 = arith.select %lt3A_26, %neg3A_51, %broadcast_in_dim3A_52 : vector<1024x160xi1>, vector<1024x160xf32>
    %reduce_sum3A_54 = arith.constant dense<0.000000e+00> : vector<1024xf32>
    %reduce_sum3A_55 = vector.multi_reduction <add>, %select_n3A_53, %reduce_sum3A_54 [1] : vector<1024x160xf32> to vector<1024xf32>
    %add3A_56 = arith.addf %reduce_sum3A_21, %reduce_sum3A_55 : vector<1024xf32>
    %reduce_sum3A_57 = vector.shape_cast %add3A_56 : vector<1024xf32> to vector<1x1024xf32>
    %reduce_sum3A_58 = arith.constant dense<0.000000e+00> : vector<1xf32>
    %reduce_sum3A_59 = vector.multi_reduction <add>, %reduce_sum3A_57, %reduce_sum3A_58 [1] : vector<1x1024xf32> to vector<1xf32>
    %reduce_sum3A_60 = vector.shape_cast %reduce_sum3A_59 : vector<1xf32> to vector<1x1xf32>
    %reduce_sum3A_61 = vector.extract %reduce_sum3A_60[0, 0] : f32 from vector<1x1xf32>
    %div3A = arith.constant 1.024000e+03 : f32
    %div3A_62 = arith.divf %reduce_sum3A_61, %div3A : f32
    %neg3A_63 = arith.constant 0.000000e+00 : f32
    %neg3A_64 = arith.subf %neg3A_63, %div3A_62 : f32
    %reshape3A = vector.broadcast %neg3A_64 : f32 to vector<1x1xf32>
    %swap3A = arith.constant 0 : index
    %swap3A_65 = arith.constant 0 : index
    %swap3A_66 = vector.load %arg3[%swap3A, %swap3A_65] : memref<1x1xf32, #tpu.memory_space<vmem>>, vector<1x1xf32>
    tpu.vector_store %arg3[%swap3A, %swap3A_65], %reshape3A {strides = array<i32>} : memref<1x1xf32, #tpu.memory_space<vmem>>, vector<1x1xf32>,
    return
  }
}

</mosaic_0001>

<sc_bundles>
// kernel: kernel.4.cloned.1.call-start
scs
__scs_entry_jumppad:
0x0: {  	(pc) =	sbr.rel $0x88, $3  }
0x1: {  	(tag) =	ssettag $0x0;
	lr =	simm.s32 $0x1  }
0x2: {  	[smem:$0x3F9D] =	sst lr;
	_ =	strace $0xD0000000  }
0x3: {  	_ = 	snop  }
0x4: {  	_ = 	snop  }
0x5: {  	_ = 	snop  }
0x6: {  	_ = 	snop  }
0x7: {  	_ = 	snop  }
__scs_overlays_trampoline_lowered:
0x8: {  	[smem:$0x3FAC] =	sst s0  }
0x9: {  	[smem:$0x3FAD] =	sst s1  }
0xa: {  	[smem:$0x3FAE] =	sst s2  }
0xb: {  	[smem:$0x3FAF] =	sst s3  }
0xc: {  	[smem:$0x3FB0] =	sst s4  }
0xd: {  	[smem:$0x3FB1] =	sst s5  }
0xe: {  	[smem:$0x3FB2] =	sst s6  }
0xf: {  	[smem:$0x3FB3] =	sst s7  }
0x10: {  	[smem:$0x3FB4] =	sst s8  }
0x11: {  	[smem:$0x3FB5] =	sst s9;
	s0 =	simm.s32 @!p0 $0x0  }
0x12: {  	s1 =	sld [smem:$0x3F9B];
	s0 =	simm.s32 @p0 $0x1  }
0x13: {  	[smem:$0x3FB6] =	sst s0;
	s0 =	simm.s32 @!p1 $0x0  }
0x14: {  	s2 =	sld [smem:$0x3F9A];
	s0 =	simm.s32 @p1 $0x1  }
0x15: {  	[smem:$0x3FB7] =	sst s0;
	s0 =	simm.s32 @!p2 $0x0  }
0x16: {  	s3 =	sld [smem:$0x3FDB];
	s0 =	simm.s32 @p2 $0x1  }
0x17: {  	s4 =	simm.s32 $0x1BF5;
	[smem:$0x3FB9] =	sst s0  }
0x18: {  	s0 =	sld [smem:$0x3F9C];
	_ =	swait.ge [sflag:s4], $0x0  }
0x19: {  	s7 =	sld [smem:$0x3F9D]  }
0x1a: {  	s8 =	sadd.s32 $0xFFFFE003, lr  }
0x1b: {  	s9 =	sadd.s32 $0xFFFFFEF7, lr;
	s5 =	simm.s32 $0xFFFFFFFF;
	p2 =	slt.u32 s8, $0xFFFFF086  }
0x1c: {  	p1 =	slt.u32 s9, $0xF7A;
	s5 =	simm.s32 @!p2 $0x0  }
0x1d: {  	s5 =	simm.s32 @p1 $0x1;
	p0 =	seq.s32 s7, s2  }
0x1e: {  	s7 =	smul.u32 @!p0 $0xF7A, s2;
	p2 =	seq.s32 @!p0 s5, $0x0  }
0x1f: {  	s9 =	smul.u32 $0xF7A, s1;
	s8 =	simm.s32 @!p0 $0x1BF5;
	p2 =	por !p2, p0  }
0x20: {  	[sflag:s8] =	ssyncset.s32 @!p0 $0xFFFFF086;
	s6 =	sadd.s32 @!p0 s3, s7;
	s7 =	simm.s32 @!p0 $0x108  }
0x21: {  	s3 =	sadd.s32 s3, s9;
	s6 =	sadd.s32 @!p0 $0x88, s6;
	s7 =	simm.s32 @p2 $0x1082  }
0x22: {  	[simem:s7], [sflag:s8] =	dma.local @!p0 [hbm:s6], $0xF7A  }
0x23: {  	s9 =	sor.u32 $0xD0000000, s2;
	s6 =	simm.s32 $0x108;
	_ =	swait.ge @!p0 [sflag:s8], $0x0  }
0x24: {  	s3 =	sadd.s32 $0x88, s3;
	s6 =	simm.s32 @!p1 $0x1082;
	[sflag:s4] =	ssyncset.s32 $0xFFFFF086  }
0x25: {  	[simem:s6], [sflag:s4] =	dma.local [hbm:s3], $0xF7A  }
0x26: {  	[smem:$0x3F9D] =	sst s1;
	(tag) =	ssettag s2;
	_ =	strace s9  }
0x27: {  	s1 =	sld [smem:$0x3FAD]  }
0x28: {  	s2 =	sld [smem:$0x3FAE]  }
0x29: {  	s4 =	sld [smem:$0x3FB0]  }
0x2a: {  	p0 =	seq.s32 s5, $0x0;
	s5 =	sld [smem:$0x3FB1]  }
0x2b: {  	s6 =	sld [smem:$0x3FB2]  }
0x2c: {  	s7 =	sld [smem:$0x3FB3]  }
0x2d: {  	s3 =	simm.s32 $0x108;
	s8 =	sld [smem:$0x3FB4]  }
0x2e: {  	s3 =	simm.s32 @!p0 $0x1082;
	s9 =	sld [smem:$0x3FB5]  }
0x2f: {  	lr =	sadd.s32 s0, s3;
	s0 =	sld [smem:$0x3FAC]  }
0x30: {  	s3 =	sld [smem:$0x3FAF]  }
0x31: {  	[smem:$0x3FB8] =	sst s10  }
0x32: {  	s10 =	sld [smem:$0x3FB6];
	_ =	sdelay $0x3  }
0x33: {  	p0 =	seq.s32 s10, $0x1;
	s10 =	sld [smem:$0x3FB8];
	_ =	sdelay $0x3  }
0x34: {  	[smem:$0x3FB8] =	sst s10  }
0x35: {  	s10 =	sld [smem:$0x3FB7];
	_ =	sdelay $0x3  }
0x36: {  	p1 =	seq.s32 s10, $0x1;
	s10 =	sld [smem:$0x3FB8];
	_ =	sdelay $0x3  }
0x37: {  	[smem:$0x3FB8] =	sst s10  }
0x38: {  	s10 =	sld [smem:$0x3FB9]  }
0x39: {  	_ = 	snop;
	(pc) =	sbr.ind lr, $3  }
0x3a: {  	_ = 	snop  }
0x3b: {  	_ = 	snop  }
0x3c: {  	p2 =	seq.s32 s10, $0x1;
	s10 =	sld [smem:$0x3FB8]  }
0x3d: {  	_ =	shalt  }
0x3e: {  	_ =	shalt  }
0x3f: {  	_ =	shalt  }
0x40: {  	_ =	shalt  }
0x41: {  	_ =	shalt  }
0x42: {  	_ =	shalt  }
0x43: {  	_ =	shalt  }
0x44: {  	_ =	shalt  }
0x45: {  	_ =	shalt  }
0x46: {  	_ =	shalt  }
0x47: {  	_ =	shalt  }
0x48: {  	_ =	shalt  }
0x49: {  	_ =	shalt  }
0x4a: {  	_ =	shalt  }
0x4b: {  	_ =	shalt  }
0x4c: {  	_ =	shalt  }
0x4d: {  	_ =	shalt  }
0x4e: {  	_ =	shalt  }
0x4f: {  	_ =	shalt  }
0x50: {  	_ =	shalt  }
0x51: {  	_ =	shalt  }
0x52: {  	_ =	shalt  }
0x53: {  	_ =	shalt  }
0x54: {  	_ =	shalt  }
0x55: {  	_ =	shalt  }
0x56: {  	_ =	shalt  }
0x57: {  	_ =	shalt  }
0x58: {  	_ =	shalt  }
0x59: {  	_ =	shalt  }
0x5a: {  	_ =	shalt  }
0x5b: {  	_ =	shalt  }
0x5c: {  	_ =	shalt  }
0x5d: {  	_ =	shalt  }
0x5e: {  	_ =	shalt  }
0x5f: {  	_ =	shalt  }
0x60: {  	_ =	shalt  }
0x61: {  	_ =	shalt  }
0x62: {  	_ =	shalt  }
0x63: {  	_ =	shalt  }
0x64: {  	_ =	shalt  }
0x65: {  	_ =	shalt  }
0x66: {  	_ =	shalt  }
0x67: {  	_ =	shalt  }
0x68: {  	_ =	shalt  }
0x69: {  	_ =	shalt  }
0x6a: {  	_ =	shalt  }
0x6b: {  	_ =	shalt  }
0x6c: {  	_ =	shalt  }
0x6d: {  	_ =	shalt  }
0x6e: {  	_ =	shalt  }
0x6f: {  	_ =	shalt  }
0x70: {  	_ =	shalt  }
0x71: {  	_ =	shalt  }
0x72: {  	_ =	shalt  }
0x73: {  	_ =	shalt  }
0x74: {  	_ =	shalt  }
0x75: {  	_ =	shalt  }
0x76: {  	_ =	shalt  }
0x77: {  	_ =	shalt  }
0x78: {  	_ =	shalt  }
0x79: {  	_ =	shalt  }
0x7a: {  	_ =	shalt  }
0x7b: {  	_ =	shalt  }
0x7c: {  	_ =	shalt  }
0x7d: {  	_ =	shalt  }
0x7e: {  	_ =	shalt  }
0x7f: {  	_ =	shalt  }
0x80: {  	_ =	shalt  }
0x81: {  	_ =	shalt  }
0x82: {  	_ =	shalt  }
0x83: {  	_ =	shalt  }
0x84: {  	_ =	shalt  }
0x85: {  	_ =	shalt  }
0x86: {  	_ =	shalt  }
0x87: {  	_ =	shalt  }
.Lfunc_end0:
.L_simem_size_0:
called_computation_lowered:
.L_overlay_start_0:
0x88: {  	s2 =	sld [smem:$0x3FD9]  }
0x89: {  	s3 =	sld [smem:$0x3FFE];
	_ =	sdelay $0x1  }
0x8a: {  	s1 =	srdreg.scid  }
0x8b: {  	s0 =	sand.u32 $0x1, s1  }
0x8c: {  	s17 =	sshll.u32 s0, $0xA;
	s2 =	sadd.s32 s3, s2  }
0x8d: {  	s2 =	sadd.s32 s2, s17  }
0x8e: {  	[smem:$0x3FC4] =	sst s2  }
0x8f: {  	_ = 	snop  }
0x90: {  	s2 =	sld [smem:$0x3FC9]  }
0x91: {  	s18 =	sld [smem:$0x3FC6];
	(tm) =	ssettm $0x1  }
0x92: {  	s4 =	sld [smem:$0x3FFB];
	_ =	sdelay $0x3  }
0x93: {  	_ =	strace s4  }
0x94: {  	s4 =	sld [smem:$0x3FFC];
	_ =	sdelay $0x3  }
0x95: {  	_ =	strace s4  }
0x96: {  	s4 =	sld [smem:$0x3FFD];
	_ =	sdelay $0x3  }
0x97: {  	_ =	strace s4  }
0x98: {  	_ =	strace $0x8FFFFFFF  }
0x99: {  	s19 =	sld [smem:$0x3FDB];
	_ =	sdelay $0x1  }
0x9a: {  	s5 =	simm.s32 $_scs_section_size  }
0x9b: {  	s6 =	simm.s32 $_size__tile_overlayer_lowered;
	s7 =	simm.s32 $_tile_overlayer_lowered  }
0x9c: {  	s22 =	simm.s32 $0x1BFF;
	s21 =	sshll.u32 s7, $0x1;
	s4 =	sadd.s32 s5, s19  }
0x9d: {  	s8 =	simm.s32 $0x0;
	s20 =	sshll.u32 s6, $0x1;
	s6 =	sadd.s32 s21, s4  }
0x9e: {  	[timem:s8], [sflag:s22] =	dma.local [hbm:s6], s20  }
0x9f: {  	_ =	swait.ge [sflag:s22], s20  }
0xa0: {  	s5 =	ssub.s32 $0x0, s20;
	[sflag:s22] =	ssyncset.done $0x0  }
0xa1: {  	[sflag:s22] =	ssyncadd.s32 s5;
	_ =	sdelay $0x1  }
0xa2: {  	s23 =	simm.s32 $0x1B8B  }
0xa3: {  	_ =	swait.ge [sflag:s23], $0x1  }
0xa4: {  	[sflag:s23] =	ssyncset.done $0x0  }
0xa5: {  	s25 =	simm.s32 $0x1B8E;
	s24 =	sld [smem:$0x3FFE];
	[sflag:s23] =	ssyncadd.s32 $0xFFFFFFFF  }
0xa6: {  	s26 =	simm.s32 $execute0_lowered;
	[smem:$0x3FD2] =	sst s25  }
0xa7: {  	s6 =	sshll.u32 s26, $0x1;
	_ =	strace $0x80000046;
	[dreg:$0x1] =	wrdreg $0xFFFFFFFF  }
0xa8: {  	s28 =	simm.s32 $_size_execute0_lowered;
	s4 =	sadd.s32 s4, s6;
	[dreg:$0x0] =	wrdreg $0x0  }
0xa9: {  	s6 =	sshll.u32 s28, $0x1;
	[dreg:$0x2] =	wrdreg s4  }
0xaa: {  	[dreg:$0x3] =	wrdreg s6  }
0xab: {  	[dreg:$0x4] =	wrdreg $0xC0  }
0xac: {  	_ =	task [dreg:s8], $0x5FFFF  }
0xad: {  	[dreg:$0x1] =	wrdreg $0xFFFFFFFF  }
0xae: {  	[dreg:$0x0] =	wrdreg $0x60  }
0xaf: {  	[dreg:$0x2] =	wrdreg s2  }
0xb0: {  	[dreg:$0x3] =	wrdreg s24  }
0xb1: {  	[dreg:$0x4] =	wrdreg s18  }
0xb2: {  	[dreg:$0x5] =	wrdreg $0x9  }
0xb3: {  	_ =	task.clear_ibuf [dreg:s8], $0x6FFFF;
	_ =	strace $0x90000046  }
0xb4: {  	s29 =	simm.s32 $0x9;
	_ =	strace $0x80000048  }
0xb5: {  	_ =	swait.ge [sflag:s29], $0x1  }
0xb6: {  	[sflag:s29] =	ssyncadd.s32 $0xFFFFFFFF  }
0xb7: {  	_ =	strace $0x90000048  }
0xb8: {  	_ =	sfence  }
0xb9: {  	s30 =	sld [smem:$0x0];
	_ =	sdelay $0x2  }
0xba: {  	s31 =	sshll.u32 s1, $0xD;
	s1 =	sshrl.u32 s1, $0x2  }
0xbb: {  	s3 =	sand.u32 $0x4000, s31;
	s1 =	sadd.s32 s1, s30  }
0xbc: {  	s0 =	sor.u32 s3, s0;
	s1 =	sshll.u32 s1, $0x11  }
0xbd: {  	s0 =	sor.u32 s1, s0  }
0xbe: {  	s0 =	sadd.s32 $0x8F2B, s0  }
0xbf: {  	[sflag:s0] =	ssyncadd.remote.s32 $0x1  }
0xc0: {  	_ =	sfence.sel $0xFFFF  }
0xc1: {  	[dreg:$0x0] =	wrdreg $0xFFFFFFFF;
	(pc) =	sbr.abs _section_cstart, $3  }
0xc2: {  	[dreg:$0x1] =	wrdreg $0xFFFFFFFF  }
0xc3: {  	_ =	task.clear_ibuf [dreg:s8], $0x2FFFF;
	_ =	strace $0x9FFFFFFF  }
0xc4: {  	(tm) =	ssettm $0x7FFFFFFF  }
0xc5: {  	_ =	shalt  }
tec
execute0_lowered:
.L_overlay_start_1:
0x0: {  	(tag) =	ssettag $0x1  }
0x1: {  	s0 =	rddreg [dreg:$0x0];
	s1 =	srdreg.scid  }
0x2: {  	s2 =	stileid.u32;
	s4 =	rddreg [dreg:$0x1];
	s8 =	simm.s32 $0x3  }
0x3: {  	s17 =	simm.s32 $0x5C00;
	s18 =	simm.s32 $0x6400;
	s19 =	simm.s32 $0x6C00  }
0x4: {  	s20 =	simm.s32 $0x7400;
	s21 =	simm.s32 $0x7C00;
	s22 =	simm.s32 $0x8400  }
0x5: {  	s23 =	simm.s32 $0x8C00;
	s24 =	simm.s32 $0x9400;
	s25 =	simm.s32 $0x9C00  }
0x6: {  	s28 =	simm.s32 $0xAC00;
	s29 =	simm.s32 $0xB400;
	s30 =	simm.s32 $0xBC00  }
0x7: {  	v0 =	vlaneseq.u32;
	s31 =	simm.s32 $0x1;
	s1 =	sand.u32 $0x1, s1;
	s3 =	sshll.u32 s2, $0x1  }
0x8: {  	s9 =	simm.s32 $0xC400;
	s10 =	simm.s32 $0x0;
	v0 =	vmul.u32 $0x10, v0;
	s5 =	sor.u32 s1, s3  }
0x9: {  	vm0 =	vmmov $0xffff;
	s2 =	rddreg [dreg:$0x2];
	s3 =	simm.s32 $0x0;
	s6 =	smul.u32 $0x280, s5  }
.Ltmp0:
0xa: {  	s1 =	ssub.s32 $0x2, s1;
	[smem:$0x7FF] =	sst s3;
	v1 =	vor.u32 $0x1, v0;
	v2 =	vor.u32 $0x2, v0;
	v3 =	vor.u32 $0x3, v0;
	(pc) =	sbr.rel .LBB2_1-.Ltmp0, $4  }
0xb: {  	s26 =	sshrl.u32 s1, $0x1;
	s5 =	sshll.u32 s5, $0x9;
	v4 =	vor.u32 $0x4, v0;
	v5 =	vor.u32 $0x5, v0;
	v6 =	vor.u32 $0x6, v0;
	_ =	strace $0x80000047  }
0xc: {  	v7 =	vor.u32 $0x7, v0;
	v8 =	vor.u32 $0x8, v0;
	v9 =	vor.u32 $0x9, v0;
	s1 =	ssub.s32 s1, s26;
	s5 =	sadd.s32 s0, s5;
	s26 =	simm.s32 $0xA400  }
0xd: {  	v10 =	vor.u32 $0xA, v0;
	v11 =	vor.u32 $0xB, v0;
	v12 =	vor.u32 $0xC, v0;
	s0 =	simm.s32 $0x2;
	s6 =	sadd.s32 s6, s4;
	s7 =	smax.u32 s1, $0x1  }
0xe: {  	v13 =	vor.u32 $0xD, v0;
	v14 =	vor.u32 $0xE, v0;
	v15 =	vor.u32 $0xF, v0;
	s1 =	simm.s32 $0xD800;
	s4 =	sadd.s32 $0xE00, s6;
	s6 =	sadd.s32 $0x5E00, s6  }
.LBB2_8:
0xf: {  	s10 =	sadd.s32 $0x1, s10  }
0x10: {  	p0 =	sne.s32 s10, s7  }
.Ltmp1:
0x11: {  	_ = 	snop;
	(pc) =	sbr.rel @!p0 .LBB2_9-.Ltmp1, $4  }
0x12: {  	[hbm4b:s6+s3] =	stream.linear.scatter [tilespmem:s9], [sflag:$0x3], $0x1400, $0x38;
	[tilespmem:$0xD900] =	vst v63  }
0x13: {  	_ =	swait.ge [sflag:s8], $0x1400  }
0x14: {  	[sflag:s8] =	ssyncset.done $0x0  }
0x15: {  	[sflag:s8] =	ssyncadd.s32 $0xFFFFEC00  }
.LBB2_1:
0x16: {  	[tilespmem:s3], [sflag:$0x3] =	stream.linear.gather [hbm4b:s4+s3], $0x1400, $0x38;
	[tilespmem:$0xD900] =	vst v63  }
0x17: {  	_ =	swait.ge [sflag:s8], $0x1400  }
0x18: {  	[sflag:s8] =	ssyncset.done $0x0  }
0x19: {  	s11 =	simm.s32 $0x1400;
	[sflag:s8] =	ssyncadd.s32 $0xFFFFEC00  }
0x1a: {  	[tilespmem:s11], [sflag:$0x3] =	stream.linear.gather [hbm4b:s5+s3], $0x1000, $0x38;
	[tilespmem:$0xD900] =	vst v63  }
0x1b: {  	_ =	swait.ge [sflag:s8], $0x1000  }
0x1c: {  	[sflag:s8] =	ssyncset.done $0x0  }
0x1d: {  	[sflag:s8] =	ssyncadd.s32 $0xFFFFF000  }
0x1e: {  	v16 =	vld [tilespmem:$0x0]  }
0x1f: {  	v17 =	vld [tilespmem:$0x10]  }
0x20: {  	v18 =	vld [tilespmem:$0x20]  }
0x21: {  	v19 =	vld [tilespmem:$0x30]  }
0x22: {  	v20 =	vld [tilespmem:$0x40]  }
0x23: {  	v21 =	vld [tilespmem:$0x50]  }
0x24: {  	v22 =	vld [tilespmem:$0x60]  }
0x25: {  	v23 =	vld [tilespmem:$0x70]  }
0x26: {  	s15 =	simm.s32 $0x2400;
	v24 =	vld [tilespmem:$0x80]  }
0x27: {  	v25 =	vld [tilespmem:$0x90];
	[tilespmem:s15], [sflag:$0x1] =	stream.indirect_vreg.gather [hbm4b:s2+s3], $0x80, v16, vm0, $0xb8  }
0x28: {  	s16 =	simm.s32 $0x2C00  }
0x29: {  	[tilespmem:s16], [sflag:$0x1] =	stream.indirect_vreg.gather [hbm4b:s2+s3], $0x80, v17, vm0, $0xb8;
	[tilespmem:$0xD900] =	vst v63  }
0x2a: {  	s12 =	simm.s32 $0x3400  }
0x2b: {  	[tilespmem:s12], [sflag:$0x1] =	stream.indirect_vreg.gather [hbm4b:s2+s3], $0x80, v18, vm0, $0xb8;
	[tilespmem:$0xD900] =	vst v63  }
0x2c: {  	s13 =	simm.s32 $0x3C00  }
0x2d: {  	[tilespmem:s13], [sflag:$0x1] =	stream.indirect_vreg.gather [hbm4b:s2+s3], $0x80, v19, vm0, $0xb8;
	[tilespmem:$0xD900] =	vst v63  }
0x2e: {  	s14 =	simm.s32 $0x4400  }
0x2f: {  	[tilespmem:s14], [sflag:$0x1] =	stream.indirect_vreg.gather [hbm4b:s2+s3], $0x80, v20, vm0, $0xb8;
	[tilespmem:$0xD900] =	vst v63  }
0x30: {  	s15 =	simm.s32 $0x4C00  }
0x31: {  	[tilespmem:s15], [sflag:$0x1] =	stream.indirect_vreg.gather [hbm4b:s2+s3], $0x80, v21, vm0, $0xb8;
	[tilespmem:$0xD900] =	vst v63  }
0x32: {  	s16 =	simm.s32 $0x5400  }
0x33: {  	[tilespmem:s16], [sflag:$0x1] =	stream.indirect_vreg.gather [hbm4b:s2+s3], $0x80, v22, vm0, $0xb8;
	[tilespmem:$0xD900] =	vst v63  }
0x34: {  	_ = 	snop  }
0x35: {  	[tilespmem:s17], [sflag:$0x1] =	stream.indirect_vreg.gather [hbm4b:s2+s3], $0x80, v23, vm0, $0xb8;
	[tilespmem:$0xD900] =	vst v63  }
0x36: {  	_ = 	snop  }
0x37: {  	[tilespmem:s18], [sflag:$0x1] =	stream.indirect_vreg.gather [hbm4b:s2+s3], $0x80, v24, vm0, $0xb8;
	[tilespmem:$0xD900] =	vst v63  }
0x38: {  	_ = 	snop  }
0x39: {  	[tilespmem:s19], [sflag:$0x1] =	stream.indirect_vreg.gather [hbm4b:s2+s3], $0x80, v25, vm0, $0xb8;
	[tilespmem:$0xD900] =	vst v63  }
0x3a: {  	v16 =	vld [tilespmem:$0xA0]  }
0x3b: {  	v17 =	vld [tilespmem:$0xB0]  }
0x3c: {  	v18 =	vld [tilespmem:$0xC0]  }
0x3d: {  	v19 =	vld [tilespmem:$0xD0]  }
0x3e: {  	v20 =	vld [tilespmem:$0xE0]  }
0x3f: {  	v21 =	vld [tilespmem:$0xF0]  }
0x40: {  	v22 =	vld [tilespmem:$0x100]  }
0x41: {  	v23 =	vld [tilespmem:$0x110]  }
0x42: {  	v24 =	vld [tilespmem:$0x120]  }
0x43: {  	v25 =	vld [tilespmem:$0x130];
	[tilespmem:s20], [sflag:$0x2] =	stream.indirect_vreg.gather [hbm4b:s2+s3], $0x80, v16, vm0, $0xb8  }
0x44: {  	_ = 	snop  }
0x45: {  	[tilespmem:s21], [sflag:$0x2] =	stream.indirect_vreg.gather [hbm4b:s2+s3], $0x80, v17, vm0, $0xb8;
	[tilespmem:$0xD900] =	vst v63  }
0x46: {  	_ = 	snop  }
0x47: {  	[tilespmem:s22], [sflag:$0x2] =	stream.indirect_vreg.gather [hbm4b:s2+s3], $0x80, v18, vm0, $0xb8;
	[tilespmem:$0xD900] =	vst v63  }
0x48: {  	_ = 	snop  }
0x49: {  	[tilespmem:s23], [sflag:$0x2] =	stream.indirect_vreg.gather [hbm4b:s2+s3], $0x80, v19, vm0, $0xb8;
	[tilespmem:$0xD900] =	vst v63  }
0x4a: {  	_ = 	snop  }
0x4b: {  	[tilespmem:s24], [sflag:$0x2] =	stream.indirect_vreg.gather [hbm4b:s2+s3], $0x80, v20, vm0, $0xb8;
	[tilespmem:$0xD900] =	vst v63  }
0x4c: {  	_ = 	snop  }
0x4d: {  	[tilespmem:s25], [sflag:$0x2] =	stream.indirect_vreg.gather [hbm4b:s2+s3], $0x80, v21, vm0, $0xb8;
	[tilespmem:$0xD900] =	vst v63  }
0x4e: {  	_ = 	snop  }
0x4f: {  	[tilespmem:s26], [sflag:$0x2] =	stream.indirect_vreg.gather [hbm4b:s2+s3], $0x80, v22, vm0, $0xb8;
	[tilespmem:$0xD900] =	vst v63  }
0x50: {  	_ = 	snop  }
0x51: {  	[tilespmem:s28], [sflag:$0x2] =	stream.indirect_vreg.gather [hbm4b:s2+s3], $0x80, v23, vm0, $0xb8;
	[tilespmem:$0xD900] =	vst v63  }
0x52: {  	_ = 	snop  }
0x53: {  	[tilespmem:s29], [sflag:$0x2] =	stream.indirect_vreg.gather [hbm4b:s2+s3], $0x80, v24, vm0, $0xb8;
	[tilespmem:$0xD900] =	vst v63  }
0x54: {  	s11 =	simm.s32 $0xC4A0;
	s12 =	simm.s32 $0xC400;
	s13 =	simm.s32 $0x0  }
0x55: {  	[tilespmem:s30], [sflag:$0x2] =	stream.indirect_vreg.gather [hbm4b:s2+s3], $0x80, v25, vm0, $0xb8;
	[tilespmem:$0xD900] =	vst v63  }
.LBB2_2:
0x56: {  	_ =	swait.ge [sflag:s31], $0x800  }
0x57: {  	[sflag:s31] =	ssyncset.done $0x0  }
0x58: {  	[sflag:s31] =	ssyncadd.s32 $0xFFFFF800  }
0x59: {  	_ =	swait.ge [sflag:s31], $0x800  }
0x5a: {  	[sflag:s31] =	ssyncset.done $0x0  }
0x5b: {  	[sflag:s31] =	ssyncadd.s32 $0xFFFFF800  }
0x5c: {  	_ =	swait.ge [sflag:s31], $0x800  }
0x5d: {  	[sflag:s31] =	ssyncset.done $0x0  }
0x5e: {  	[sflag:s31] =	ssyncadd.s32 $0xFFFFF800  }
0x5f: {  	_ =	swait.ge [sflag:s31], $0x800  }
0x60: {  	[sflag:s31] =	ssyncset.done $0x0  }
0x61: {  	[sflag:s31] =	ssyncadd.s32 $0xFFFFF800  }
0x62: {  	_ =	swait.ge [sflag:s31], $0x800  }
0x63: {  	[sflag:s31] =	ssyncset.done $0x0  }
0x64: {  	[sflag:s31] =	ssyncadd.s32 $0xFFFFF800  }
0x65: {  	_ =	swait.ge [sflag:s31], $0x800  }
0x66: {  	[sflag:s31] =	ssyncset.done $0x0  }
0x67: {  	[sflag:s31] =	ssyncadd.s32 $0xFFFFF800  }
0x68: {  	_ =	swait.ge [sflag:s31], $0x800  }
0x69: {  	[sflag:s31] =	ssyncset.done $0x0  }
0x6a: {  	[sflag:s31] =	ssyncadd.s32 $0xFFFFF800  }
0x6b: {  	_ =	swait.ge [sflag:s31], $0x800  }
0x6c: {  	[sflag:s31] =	ssyncset.done $0x0  }
0x6d: {  	[sflag:s31] =	ssyncadd.s32 $0xFFFFF800  }
0x6e: {  	_ =	swait.ge [sflag:s31], $0x800  }
0x6f: {  	[sflag:s31] =	ssyncset.done $0x0  }
0x70: {  	[sflag:s31] =	ssyncadd.s32 $0xFFFFF800  }
0x71: {  	_ =	swait.ge [sflag:s31], $0x800  }
0x72: {  	s14 =	sshll.u32 s13, $0x8;
	[sflag:s31] =	ssyncset.done $0x0  }
0x73: {  	s14 =	sand.u32 $0x3FFFFF00, s14;
	[sflag:s31] =	ssyncadd.s32 $0xFFFFF800  }
0x74: {  	v16 =	vld [tilespmem:s14+$0x1400]  }
0x75: {  	v17 =	vld [tilespmem:s14+$0x1410]  }
0x76: {  	v18 =	vld [tilespmem:s14+$0x1420]  }
0x77: {  	v19 =	vld [tilespmem:s14+$0x1430]  }
0x78: {  	v20 =	vld [tilespmem:s14+$0x1440]  }
0x79: {  	v21 =	vld [tilespmem:s14+$0x1450]  }
0x7a: {  	v22 =	vld [tilespmem:s14+$0x1460]  }
0x7b: {  	s15 =	simm.s32 $0x2800;
	v24 =	vmov s12;
	v23 =	vld [tilespmem:s14+$0x1470];
	s14 =	simm.s32 $0x0  }
.LBB2_3:
0x7c: {  	v25 =	vld [tilespmem:s15+$0xFFFFFC00]  }
0x7d: {  	v26 =	vld [tilespmem:s15+$0xFFFFFC10]  }
0x7e: {  	v27 =	vld [tilespmem:s15+$0xFFFFFC20]  }
0x7f: {  	v28 =	vld [tilespmem:s15+$0xFFFFFC30]  }
0x80: {  	v29 =	vld [tilespmem:s15+$0xFFFFFC40]  }
0x81: {  	v30 =	vld [tilespmem:s15+$0xFFFFFC50]  }
0x82: {  	v31 =	vld [tilespmem:s15+$0xFFFFFC60]  }
0x83: {  	v32 =	vld [tilespmem:s15+$0xFFFFFC70];
	_ =	sdelay $0x1  }
0x84: {  	v25 =	vmul.f32 v25, v16;
	v26 =	vmul.f32 v26, v17  }
0x85: {  	v27 =	vmul.f32 v27, v18;
	v28 =	vmul.f32 v28, v19  }
0x86: {  	v29 =	vmul.f32 v29, v20;
	v30 =	vmul.f32 v30, v21  }
0x87: {  	v31 =	vmul.f32 v31, v22;
	v32 =	vmul.f32 v32, v23  }
0x88: {  	v25 =	vadd.f32 v26, v25;
	v26 =	vadd.f32 v28, v27  }
0x89: {  	v27 =	vadd.f32 v30, v29;
	v46 =	vadd.f32 v32, v31;
	_ =	sdelay $0x1  }
0x8a: {  	v25 =	vadd.f32 v26, v25;
	v26 =	vadd.f32 v46, v27;
	_ =	sdelay $0x1  }
0x8b: {  	v25 =	vadd.f32 v26, v25;
	_ =	sdelay $0x1  }
0x8c: {  	[tilespmem:$0xD800] =	vst v25  }
0x8d: {  	v25 =	vld [tilespmem:s15+$0xFFFFFC80]  }
0x8e: {  	v26 =	vld [tilespmem:s15+$0xFFFFFC90]  }
0x8f: {  	v27 =	vld [tilespmem:s15+$0xFFFFFCA0]  }
0x90: {  	v47 =	vld [tilespmem:s15+$0xFFFFFCB0]  }
0x91: {  	v48 =	vld [tilespmem:s15+$0xFFFFFCC0]  }
0x92: {  	v49 =	vld [tilespmem:s15+$0xFFFFFCD0]  }
0x93: {  	v50 =	vld [tilespmem:s15+$0xFFFFFCE0]  }
0x94: {  	v51 =	vld [tilespmem:s15+$0xFFFFFCF0];
	_ =	sdelay $0x1  }
0x95: {  	v25 =	vmul.f32 v25, v16;
	v26 =	vmul.f32 v26, v17  }
0x96: {  	v27 =	vmul.f32 v27, v18;
	v28 =	vmul.f32 v47, v19  }
0x97: {  	v29 =	vmul.f32 v48, v20;
	v30 =	vmul.f32 v49, v21  }
0x98: {  	v31 =	vmul.f32 v50, v22;
	v32 =	vmul.f32 v51, v23  }
0x99: {  	v25 =	vadd.f32 v26, v25;
	v26 =	vadd.f32 v28, v27  }
0x9a: {  	v27 =	vadd.f32 v30, v29;
	v52 =	vadd.f32 v32, v31;
	_ =	sdelay $0x1  }
0x9b: {  	v25 =	vadd.f32 v26, v25;
	v26 =	vadd.f32 v52, v27;
	_ =	sdelay $0x1  }
0x9c: {  	v25 =	vadd.f32 v26, v25;
	_ =	sdelay $0x1  }
0x9d: {  	[tilespmem:$0xD810] =	vst v25  }
0x9e: {  	v25 =	vld [tilespmem:s15+$0xFFFFFD00]  }
0x9f: {  	v26 =	vld [tilespmem:s15+$0xFFFFFD10]  }
0xa0: {  	v27 =	vld [tilespmem:s15+$0xFFFFFD20]  }
0xa1: {  	v53 =	vld [tilespmem:s15+$0xFFFFFD30]  }
0xa2: {  	v54 =	vld [tilespmem:s15+$0xFFFFFD40]  }
0xa3: {  	v55 =	vld [tilespmem:s15+$0xFFFFFD50]  }
0xa4: {  	v56 =	vld [tilespmem:s15+$0xFFFFFD60]  }
0xa5: {  	v57 =	vld [tilespmem:s15+$0xFFFFFD70];
	_ =	sdelay $0x1  }
0xa6: {  	v25 =	vmul.f32 v25, v16;
	v26 =	vmul.f32 v26, v17  }
0xa7: {  	v27 =	vmul.f32 v27, v18;
	v28 =	vmul.f32 v53, v19  }
0xa8: {  	v29 =	vmul.f32 v54, v20;
	v30 =	vmul.f32 v55, v21  }
0xa9: {  	v31 =	vmul.f32 v56, v22;
	v32 =	vmul.f32 v57, v23  }
0xaa: {  	v25 =	vadd.f32 v26, v25;
	v26 =	vadd.f32 v28, v27  }
0xab: {  	v27 =	vadd.f32 v30, v29;
	v58 =	vadd.f32 v32, v31;
	_ =	sdelay $0x1  }
0xac: {  	v25 =	vadd.f32 v26, v25;
	v26 =	vadd.f32 v58, v27;
	_ =	sdelay $0x1  }
0xad: {  	v25 =	vadd.f32 v26, v25;
	_ =	sdelay $0x1  }
0xae: {  	[tilespmem:$0xD820] =	vst v25  }
0xaf: {  	v25 =	vld [tilespmem:s15+$0xFFFFFD80]  }
0xb0: {  	v26 =	vld [tilespmem:s15+$0xFFFFFD90]  }
0xb1: {  	v27 =	vld [tilespmem:s15+$0xFFFFFDA0]  }
0xb2: {  	v59 =	vld [tilespmem:s15+$0xFFFFFDB0]  }
0xb3: {  	v60 =	vld [tilespmem:s15+$0xFFFFFDC0]  }
0xb4: {  	v61 =	vld [tilespmem:s15+$0xFFFFFDD0]  }
0xb5: {  	v62 =	vld [tilespmem:s15+$0xFFFFFDE0]  }
0xb6: {  	v63 =	vld [tilespmem:s15+$0xFFFFFDF0];
	_ =	sdelay $0x1  }
0xb7: {  	v25 =	vmul.f32 v25, v16;
	v26 =	vmul.f32 v26, v17  }
0xb8: {  	v27 =	vmul.f32 v27, v18;
	v28 =	vmul.f32 v59, v19  }
0xb9: {  	v29 =	vmul.f32 v60, v20;
	v30 =	vmul.f32 v61, v21  }
0xba: {  	v31 =	vmul.f32 v62, v22;
	v32 =	vmul.f32 v63, v23  }
0xbb: {  	v25 =	vadd.f32 v26, v25;
	v26 =	vadd.f32 v28, v27  }
0xbc: {  	v27 =	vadd.f32 v30, v29;
	v36 =	vadd.f32 v32, v31;
	_ =	sdelay $0x1  }
0xbd: {  	v25 =	vadd.f32 v26, v25;
	v26 =	vadd.f32 v36, v27;
	_ =	sdelay $0x1  }
0xbe: {  	v25 =	vadd.f32 v26, v25;
	_ =	sdelay $0x1  }
0xbf: {  	[tilespmem:$0xD830] =	vst v25  }
0xc0: {  	v25 =	vld [tilespmem:s15+$0xFFFFFE00]  }
0xc1: {  	v26 =	vld [tilespmem:s15+$0xFFFFFE10]  }
0xc2: {  	v27 =	vld [tilespmem:s15+$0xFFFFFE20]  }
0xc3: {  	v37 =	vld [tilespmem:s15+$0xFFFFFE30]  }
0xc4: {  	v38 =	vld [tilespmem:s15+$0xFFFFFE40]  }
0xc5: {  	v39 =	vld [tilespmem:s15+$0xFFFFFE50]  }
0xc6: {  	v40 =	vld [tilespmem:s15+$0xFFFFFE60]  }
0xc7: {  	v41 =	vld [tilespmem:s15+$0xFFFFFE70];
	_ =	sdelay $0x1  }
0xc8: {  	v25 =	vmul.f32 v25, v16;
	v26 =	vmul.f32 v26, v17  }
0xc9: {  	v27 =	vmul.f32 v27, v18;
	v28 =	vmul.f32 v37, v19  }
0xca: {  	v29 =	vmul.f32 v38, v20;
	v30 =	vmul.f32 v39, v21  }
0xcb: {  	v31 =	vmul.f32 v40, v22;
	v32 =	vmul.f32 v41, v23  }
0xcc: {  	v25 =	vadd.f32 v26, v25;
	v26 =	vadd.f32 v28, v27  }
0xcd: {  	v27 =	vadd.f32 v30, v29;
	v42 =	vadd.f32 v32, v31;
	_ =	sdelay $0x1  }
0xce: {  	v25 =	vadd.f32 v26, v25;
	v26 =	vadd.f32 v42, v27;
	_ =	sdelay $0x1  }
0xcf: {  	v25 =	vadd.f32 v26, v25;
	_ =	sdelay $0x1  }
0xd0: {  	[tilespmem:$0xD840] =	vst v25  }
0xd1: {  	v25 =	vld [tilespmem:s15+$0xFFFFFE80]  }
0xd2: {  	v26 =	vld [tilespmem:s15+$0xFFFFFE90]  }
0xd3: {  	v27 =	vld [tilespmem:s15+$0xFFFFFEA0]  }
0xd4: {  	v43 =	vld [tilespmem:s15+$0xFFFFFEB0]  }
0xd5: {  	v44 =	vld [tilespmem:s15+$0xFFFFFEC0]  }
0xd6: {  	v45 =	vld [tilespmem:s15+$0xFFFFFED0]  }
0xd7: {  	v46 =	vld [tilespmem:s15+$0xFFFFFEE0]  }
0xd8: {  	v47 =	vld [tilespmem:s15+$0xFFFFFEF0];
	_ =	sdelay $0x1  }
0xd9: {  	v25 =	vmul.f32 v25, v16;
	v26 =	vmul.f32 v26, v17  }
0xda: {  	v27 =	vmul.f32 v27, v18;
	v28 =	vmul.f32 v43, v19  }
0xdb: {  	v29 =	vmul.f32 v44, v20;
	v30 =	vmul.f32 v45, v21  }
0xdc: {  	v31 =	vmul.f32 v46, v22;
	v32 =	vmul.f32 v47, v23  }
0xdd: {  	v25 =	vadd.f32 v26, v25;
	v26 =	vadd.f32 v28, v27  }
0xde: {  	v27 =	vadd.f32 v30, v29;
	v48 =	vadd.f32 v32, v31;
	_ =	sdelay $0x1  }
0xdf: {  	v25 =	vadd.f32 v26, v25;
	v26 =	vadd.f32 v48, v27;
	_ =	sdelay $0x1  }
0xe0: {  	v25 =	vadd.f32 v26, v25;
	_ =	sdelay $0x1  }
0xe1: {  	[tilespmem:$0xD850] =	vst v25  }
0xe2: {  	v25 =	vld [tilespmem:s15+$0xFFFFFF00]  }
0xe3: {  	v26 =	vld [tilespmem:s15+$0xFFFFFF10]  }
0xe4: {  	v27 =	vld [tilespmem:s15+$0xFFFFFF20]  }
0xe5: {  	v49 =	vld [tilespmem:s15+$0xFFFFFF30]  }
0xe6: {  	v50 =	vld [tilespmem:s15+$0xFFFFFF40]  }
0xe7: {  	v51 =	vld [tilespmem:s15+$0xFFFFFF50]  }
0xe8: {  	v52 =	vld [tilespmem:s15+$0xFFFFFF60]  }
0xe9: {  	v53 =	vld [tilespmem:s15+$0xFFFFFF70];
	_ =	sdelay $0x1  }
0xea: {  	v25 =	vmul.f32 v25, v16;
	v26 =	vmul.f32 v26, v17  }
0xeb: {  	v27 =	vmul.f32 v27, v18;
	v28 =	vmul.f32 v49, v19  }
0xec: {  	v29 =	vmul.f32 v50, v20;
	v30 =	vmul.f32 v51, v21  }
0xed: {  	v31 =	vmul.f32 v52, v22;
	v32 =	vmul.f32 v53, v23  }
0xee: {  	v25 =	vadd.f32 v26, v25;
	v26 =	vadd.f32 v28, v27  }
0xef: {  	v27 =	vadd.f32 v30, v29;
	v54 =	vadd.f32 v32, v31;
	_ =	sdelay $0x1  }
0xf0: {  	v25 =	vadd.f32 v26, v25;
	v26 =	vadd.f32 v54, v27;
	_ =	sdelay $0x1  }
0xf1: {  	v25 =	vadd.f32 v26, v25;
	_ =	sdelay $0x1  }
0xf2: {  	[tilespmem:$0xD860] =	vst v25  }
0xf3: {  	v25 =	vld [tilespmem:s15+$0xFFFFFF80]  }
0xf4: {  	v26 =	vld [tilespmem:s15+$0xFFFFFF90]  }
0xf5: {  	v27 =	vld [tilespmem:s15+$0xFFFFFFA0]  }
0xf6: {  	v55 =	vld [tilespmem:s15+$0xFFFFFFB0]  }
0xf7: {  	v56 =	vld [tilespmem:s15+$0xFFFFFFC0]  }
0xf8: {  	v57 =	vld [tilespmem:s15+$0xFFFFFFD0]  }
0xf9: {  	v58 =	vld [tilespmem:s15+$0xFFFFFFE0]  }
0xfa: {  	v59 =	vld [tilespmem:s15+$0xFFFFFFF0];
	_ =	sdelay $0x1  }
0xfb: {  	v25 =	vmul.f32 v25, v16;
	v26 =	vmul.f32 v26, v17  }
0xfc: {  	v27 =	vmul.f32 v27, v18;
	v28 =	vmul.f32 v55, v19  }
0xfd: {  	v29 =	vmul.f32 v56, v20;
	v30 =	vmul.f32 v57, v21  }
0xfe: {  	v31 =	vmul.f32 v58, v22;
	v32 =	vmul.f32 v59, v23  }
0xff: {  	v25 =	vadd.f32 v26, v25;
	v26 =	vadd.f32 v28, v27  }
0x100: {  	v27 =	vadd.f32 v30, v29;
	v60 =	vadd.f32 v32, v31;
	_ =	sdelay $0x1  }
0x101: {  	v25 =	vadd.f32 v26, v25;
	v26 =	vadd.f32 v60, v27;
	_ =	sdelay $0x1  }
0x102: {  	v25 =	vadd.f32 v26, v25;
	_ =	sdelay $0x1  }
0x103: {  	[tilespmem:$0xD870] =	vst v25  }
0x104: {  	v25 =	vld [tilespmem:s15+$0x0]  }
0x105: {  	v26 =	vld [tilespmem:s15+$0x10]  }
0x106: {  	v27 =	vld [tilespmem:s15+$0x20]  }
0x107: {  	v61 =	vld [tilespmem:s15+$0x30]  }
0x108: {  	v62 =	vld [tilespmem:s15+$0x40]  }
0x109: {  	v63 =	vld [tilespmem:s15+$0x50]  }
0x10a: {  	v36 =	vld [tilespmem:s15+$0x60]  }
0x10b: {  	v37 =	vld [tilespmem:s15+$0x70];
	_ =	sdelay $0x1  }
0x10c: {  	v25 =	vmul.f32 v25, v16;
	v26 =	vmul.f32 v26, v17  }
0x10d: {  	v27 =	vmul.f32 v27, v18;
	v28 =	vmul.f32 v61, v19  }
0x10e: {  	v29 =	vmul.f32 v62, v20;
	v30 =	vmul.f32 v63, v21  }
0x10f: {  	v31 =	vmul.f32 v36, v22;
	v32 =	vmul.f32 v37, v23  }
0x110: {  	v25 =	vadd.f32 v26, v25;
	v26 =	vadd.f32 v28, v27  }
0x111: {  	v27 =	vadd.f32 v30, v29;
	v38 =	vadd.f32 v32, v31;
	_ =	sdelay $0x1  }
0x112: {  	v25 =	vadd.f32 v26, v25;
	v26 =	vadd.f32 v38, v27;
	_ =	sdelay $0x1  }
0x113: {  	v25 =	vadd.f32 v26, v25;
	_ =	sdelay $0x1  }
0x114: {  	[tilespmem:$0xD880] =	vst v25  }
0x115: {  	v25 =	vld [tilespmem:s15+$0x80]  }
0x116: {  	v26 =	vld [tilespmem:s15+$0x90]  }
0x117: {  	v27 =	vld [tilespmem:s15+$0xA0]  }
0x118: {  	v39 =	vld [tilespmem:s15+$0xB0]  }
0x119: {  	v40 =	vld [tilespmem:s15+$0xC0]  }
0x11a: {  	v41 =	vld [tilespmem:s15+$0xD0]  }
0x11b: {  	v42 =	vld [tilespmem:s15+$0xE0]  }
0x11c: {  	v43 =	vld [tilespmem:s15+$0xF0];
	_ =	sdelay $0x1  }
0x11d: {  	v25 =	vmul.f32 v25, v16;
	v26 =	vmul.f32 v26, v17  }
0x11e: {  	v27 =	vmul.f32 v27, v18;
	v28 =	vmul.f32 v39, v19  }
0x11f: {  	v29 =	vmul.f32 v40, v20;
	v30 =	vmul.f32 v41, v21  }
0x120: {  	v31 =	vmul.f32 v42, v22;
	v32 =	vmul.f32 v43, v23  }
0x121: {  	v25 =	vadd.f32 v26, v25;
	v26 =	vadd.f32 v28, v27  }
0x122: {  	v27 =	vadd.f32 v30, v29;
	v44 =	vadd.f32 v32, v31;
	_ =	sdelay $0x1  }
0x123: {  	v25 =	vadd.f32 v26, v25;
	v26 =	vadd.f32 v44, v27;
	_ =	sdelay $0x1  }
0x124: {  	v25 =	vadd.f32 v26, v25;
	_ =	sdelay $0x1  }
0x125: {  	[tilespmem:$0xD890] =	vst v25  }
0x126: {  	v25 =	vld [tilespmem:s15+$0x100]  }
0x127: {  	v26 =	vld [tilespmem:s15+$0x110]  }
0x128: {  	v27 =	vld [tilespmem:s15+$0x120]  }
0x129: {  	v45 =	vld [tilespmem:s15+$0x130]  }
0x12a: {  	v46 =	vld [tilespmem:s15+$0x140]  }
0x12b: {  	v47 =	vld [tilespmem:s15+$0x150]  }
0x12c: {  	v48 =	vld [tilespmem:s15+$0x160]  }
0x12d: {  	v49 =	vld [tilespmem:s15+$0x170];
	_ =	sdelay $0x1  }
0x12e: {  	v25 =	vmul.f32 v25, v16;
	v26 =	vmul.f32 v26, v17  }
0x12f: {  	v27 =	vmul.f32 v27, v18;
	v28 =	vmul.f32 v45, v19  }
0x130: {  	v29 =	vmul.f32 v46, v20;
	v30 =	vmul.f32 v47, v21  }
0x131: {  	v31 =	vmul.f32 v48, v22;
	v32 =	vmul.f32 v49, v23  }
0x132: {  	v25 =	vadd.f32 v26, v25;
	v26 =	vadd.f32 v28, v27  }
0x133: {  	v27 =	vadd.f32 v30, v29;
	v50 =	vadd.f32 v32, v31;
	_ =	sdelay $0x1  }
0x134: {  	v25 =	vadd.f32 v26, v25;
	v26 =	vadd.f32 v50, v27;
	_ =	sdelay $0x1  }
0x135: {  	v25 =	vadd.f32 v26, v25;
	_ =	sdelay $0x1  }
0x136: {  	[tilespmem:$0xD8A0] =	vst v25  }
0x137: {  	v25 =	vld [tilespmem:s15+$0x180]  }
0x138: {  	v26 =	vld [tilespmem:s15+$0x190]  }
0x139: {  	v27 =	vld [tilespmem:s15+$0x1A0]  }
0x13a: {  	v51 =	vld [tilespmem:s15+$0x1B0]  }
0x13b: {  	v52 =	vld [tilespmem:s15+$0x1C0]  }
0x13c: {  	v53 =	vld [tilespmem:s15+$0x1D0]  }
0x13d: {  	v54 =	vld [tilespmem:s15+$0x1E0]  }
0x13e: {  	v55 =	vld [tilespmem:s15+$0x1F0];
	_ =	sdelay $0x1  }
0x13f: {  	v25 =	vmul.f32 v25, v16;
	v26 =	vmul.f32 v26, v17  }
0x140: {  	v27 =	vmul.f32 v27, v18;
	v28 =	vmul.f32 v51, v19  }
0x141: {  	v29 =	vmul.f32 v52, v20;
	v30 =	vmul.f32 v53, v21  }
0x142: {  	v31 =	vmul.f32 v54, v22;
	v32 =	vmul.f32 v55, v23  }
0x143: {  	v25 =	vadd.f32 v26, v25;
	v26 =	vadd.f32 v28, v27  }
0x144: {  	v27 =	vadd.f32 v30, v29;
	v56 =	vadd.f32 v32, v31;
	_ =	sdelay $0x1  }
0x145: {  	v25 =	vadd.f32 v26, v25;
	v26 =	vadd.f32 v56, v27;
	_ =	sdelay $0x1  }
0x146: {  	v25 =	vadd.f32 v26, v25;
	_ =	sdelay $0x1  }
0x147: {  	[tilespmem:$0xD8B0] =	vst v25  }
0x148: {  	v25 =	vld [tilespmem:s15+$0x200]  }
0x149: {  	v26 =	vld [tilespmem:s15+$0x210]  }
0x14a: {  	v27 =	vld [tilespmem:s15+$0x220]  }
0x14b: {  	v57 =	vld [tilespmem:s15+$0x230]  }
0x14c: {  	v58 =	vld [tilespmem:s15+$0x240]  }
0x14d: {  	v59 =	vld [tilespmem:s15+$0x250]  }
0x14e: {  	v60 =	vld [tilespmem:s15+$0x260]  }
0x14f: {  	v61 =	vld [tilespmem:s15+$0x270];
	_ =	sdelay $0x1  }
0x150: {  	v25 =	vmul.f32 v25, v16;
	v26 =	vmul.f32 v26, v17  }
0x151: {  	v27 =	vmul.f32 v27, v18;
	v28 =	vmul.f32 v57, v19  }
0x152: {  	v29 =	vmul.f32 v58, v20;
	v30 =	vmul.f32 v59, v21  }
0x153: {  	v31 =	vmul.f32 v60, v22;
	v32 =	vmul.f32 v61, v23  }
0x154: {  	v25 =	vadd.f32 v26, v25;
	v26 =	vadd.f32 v28, v27  }
0x155: {  	v27 =	vadd.f32 v30, v29;
	v62 =	vadd.f32 v32, v31;
	_ =	sdelay $0x1  }
0x156: {  	v25 =	vadd.f32 v26, v25;
	v26 =	vadd.f32 v62, v27;
	_ =	sdelay $0x1  }
0x157: {  	v25 =	vadd.f32 v26, v25;
	_ =	sdelay $0x1  }
0x158: {  	[tilespmem:$0xD8C0] =	vst v25  }
0x159: {  	v25 =	vld [tilespmem:s15+$0x280]  }
0x15a: {  	v26 =	vld [tilespmem:s15+$0x290]  }
0x15b: {  	v27 =	vld [tilespmem:s15+$0x2A0]  }
0x15c: {  	v63 =	vld [tilespmem:s15+$0x2B0]  }
0x15d: {  	v36 =	vld [tilespmem:s15+$0x2C0]  }
0x15e: {  	v37 =	vld [tilespmem:s15+$0x2D0]  }
0x15f: {  	v38 =	vld [tilespmem:s15+$0x2E0]  }
0x160: {  	v39 =	vld [tilespmem:s15+$0x2F0];
	_ =	sdelay $0x1  }
0x161: {  	v25 =	vmul.f32 v25, v16;
	v26 =	vmul.f32 v26, v17  }
0x162: {  	v27 =	vmul.f32 v27, v18;
	v28 =	vmul.f32 v63, v19  }
0x163: {  	v29 =	vmul.f32 v36, v20;
	v30 =	vmul.f32 v37, v21  }
0x164: {  	v31 =	vmul.f32 v38, v22;
	v32 =	vmul.f32 v39, v23  }
0x165: {  	v25 =	vadd.f32 v26, v25;
	v26 =	vadd.f32 v28, v27  }
0x166: {  	v27 =	vadd.f32 v30, v29;
	v40 =	vadd.f32 v32, v31;
	_ =	sdelay $0x1  }
0x167: {  	v25 =	vadd.f32 v26, v25;
	v26 =	vadd.f32 v40, v27;
	_ =	sdelay $0x1  }
0x168: {  	v25 =	vadd.f32 v26, v25;
	_ =	sdelay $0x1  }
0x169: {  	[tilespmem:$0xD8D0] =	vst v25  }
0x16a: {  	v25 =	vld [tilespmem:s15+$0x300]  }
0x16b: {  	v26 =	vld [tilespmem:s15+$0x310]  }
0x16c: {  	v27 =	vld [tilespmem:s15+$0x320]  }
0x16d: {  	v41 =	vld [tilespmem:s15+$0x330]  }
0x16e: {  	v42 =	vld [tilespmem:s15+$0x340]  }
0x16f: {  	v43 =	vld [tilespmem:s15+$0x350]  }
0x170: {  	v44 =	vld [tilespmem:s15+$0x360]  }
0x171: {  	v45 =	vld [tilespmem:s15+$0x370];
	_ =	sdelay $0x1  }
0x172: {  	v25 =	vmul.f32 v25, v16;
	v26 =	vmul.f32 v26, v17  }
0x173: {  	v27 =	vmul.f32 v27, v18;
	v28 =	vmul.f32 v41, v19  }
0x174: {  	v29 =	vmul.f32 v42, v20;
	v30 =	vmul.f32 v43, v21  }
0x175: {  	v31 =	vmul.f32 v44, v22;
	v32 =	vmul.f32 v45, v23  }
0x176: {  	v25 =	vadd.f32 v26, v25;
	v26 =	vadd.f32 v28, v27  }
0x177: {  	v27 =	vadd.f32 v30, v29;
	v46 =	vadd.f32 v32, v31;
	_ =	sdelay $0x1  }
0x178: {  	v25 =	vadd.f32 v26, v25;
	v26 =	vadd.f32 v46, v27;
	_ =	sdelay $0x1  }
0x179: {  	v25 =	vadd.f32 v26, v25;
	_ =	sdelay $0x1  }
0x17a: {  	[tilespmem:$0xD8E0] =	vst v25  }
0x17b: {  	v25 =	vld [tilespmem:s15+$0x380]  }
0x17c: {  	v26 =	vld [tilespmem:s15+$0x390]  }
0x17d: {  	v27 =	vld [tilespmem:s15+$0x3A0]  }
0x17e: {  	v47 =	vld [tilespmem:s15+$0x3B0]  }
0x17f: {  	v48 =	vld [tilespmem:s15+$0x3C0]  }
0x180: {  	v49 =	vld [tilespmem:s15+$0x3D0]  }
0x181: {  	v50 =	vld [tilespmem:s15+$0x3E0]  }
0x182: {  	v51 =	vld [tilespmem:s15+$0x3F0];
	_ =	sdelay $0x1  }
0x183: {  	v25 =	vmul.f32 v25, v16;
	v26 =	vmul.f32 v26, v17  }
0x184: {  	v27 =	vmul.f32 v27, v18;
	v28 =	vmul.f32 v47, v19  }
0x185: {  	v29 =	vmul.f32 v48, v20;
	v30 =	vmul.f32 v49, v21  }
0x186: {  	v31 =	vmul.f32 v50, v22;
	v32 =	vmul.f32 v51, v23  }
0x187: {  	v25 =	vadd.f32 v26, v25;
	v26 =	vadd.f32 v28, v27  }
0x188: {  	v27 =	vadd.f32 v30, v29;
	v52 =	vadd.f32 v32, v31;
	_ =	sdelay $0x1  }
0x189: {  	v25 =	vadd.f32 v26, v25;
	v26 =	vadd.f32 v52, v27;
	_ =	sdelay $0x1  }
0x18a: {  	v25 =	vadd.f32 v26, v25;
	_ =	sdelay $0x1  }
0x18b: {  	[tilespmem:$0xD8F0] =	vst v25  }
0x18c: {  	v25 =	vld.idx.msk [tilespmem:v0+s1+$0x0], $0xffff  }
0x18d: {  	v26 =	vld.idx.msk [tilespmem:v1+s1+$0x0], $0xffff  }
0x18e: {  	v27 =	vld.idx.msk [tilespmem:v2+s1+$0x0], $0xffff  }
0x18f: {  	v53 =	vld.idx.msk [tilespmem:v3+s1+$0x0], $0xffff  }
0x190: {  	v54 =	vld.idx.msk [tilespmem:v4+s1+$0x0], $0xffff  }
0x191: {  	v55 =	vld.idx.msk [tilespmem:v5+s1+$0x0], $0xffff  }
0x192: {  	v56 =	vld.idx.msk [tilespmem:v6+s1+$0x0], $0xffff  }
0x193: {  	v57 =	vld.idx.msk [tilespmem:v7+s1+$0x0], $0xffff  }
0x194: {  	v33 =	vld.idx.msk [tilespmem:v8+s1+$0x0], $0xffff  }
0x195: {  	v34 =	vld.idx.msk [tilespmem:v9+s1+$0x0], $0xffff  }
0x196: {  	v35 =	vld.idx.msk [tilespmem:v10+s1+$0x0], $0xffff  }
0x197: {  	v36 =	vld.idx.msk [tilespmem:v11+s1+$0x0], $0xffff  }
0x198: {  	v37 =	vld.idx.msk [tilespmem:v12+s1+$0x0], $0xffff  }
0x199: {  	v38 =	vld.idx.msk [tilespmem:v13+s1+$0x0], $0xffff  }
0x19a: {  	v39 =	vld.idx.msk [tilespmem:v14+s1+$0x0], $0xffff  }
0x19b: {  	v40 =	vld.idx.msk [tilespmem:v15+s1+$0x0], $0xffff;
	_ =	sdelay $0x1  }
0x19c: {  	v25 =	vadd.f32 v26, v25;
	v26 =	vadd.f32 v53, v27  }
0x19d: {  	v27 =	vadd.f32 v55, v54;
	v58 =	vadd.f32 v57, v56  }
0x19e: {  	v59 =	vadd.f32 v34, v33;
	v60 =	vadd.f32 v36, v35  }
0x19f: {  	v61 =	vadd.f32 v38, v37;
	v62 =	vadd.f32 v40, v39  }
0x1a0: {  	v25 =	vadd.f32 v26, v25;
	v26 =	vadd.f32 v58, v27  }
0x1a1: {  	v27 =	vadd.f32 v60, v59;
	v63 =	vadd.f32 v62, v61  }
0x1a2: {  	p0 =	sne.s32 s14, $0x240  }
.Ltmp2:
0x1a3: {  	v25 =	vadd.f32 v26, v25;
	v26 =	vadd.f32 v63, v27;
	(pc) =	sbr.rel @p0 .LBB2_3-.Ltmp2, $4  }
0x1a4: {  	_ = 	snop  }
0x1a5: {  	v25 =	vadd.f32 v26, v25  }
0x1a6: {  	s16 =	sshra.s32 s14, $0x2  }
0x1a7: {  	s14 =	sadd.s32 $0x40, s14;
	s15 =	sadd.s32 $0x800, s15;
	[tilespmem:v24+s16+$0x0 ss:$0x1] =	vst.idx.msk $0xffff, v25  }
0x1a8: {  	p0 =	seq.s32 s13, $0xF  }
0x1a9: {  	s14 =	smul.u32 @!p0 $0x140, s13;
	_ =	sdelay $0x1  }
0x1aa: {  	v16 =	vld @!p0 [tilespmem:s14+$0x140]  }
0x1ab: {  	v17 =	vld @!p0 [tilespmem:s14+$0x150]  }
0x1ac: {  	v18 =	vld @!p0 [tilespmem:s14+$0x160]  }
0x1ad: {  	v19 =	vld @!p0 [tilespmem:s14+$0x170]  }
0x1ae: {  	v20 =	vld @!p0 [tilespmem:s14+$0x180]  }
0x1af: {  	v21 =	vld @!p0 [tilespmem:s14+$0x190]  }
0x1b0: {  	v22 =	vld @!p0 [tilespmem:s14+$0x1A0]  }
0x1b1: {  	s15 =	sadd.s32 @!p0 $0x140, s14;
	v23 =	vld @!p0 [tilespmem:s14+$0x1B0]  }
0x1b2: {  	v25 =	vld @!p0 [tilespmem:s14+$0x1D0];
	s15 =	sand.u32 @!p0 $0x3FC0, s15  }
0x1b3: {  	vm1 =	vmmov @!p0 $0xffff;
	s14 =	simm.s32 @!p0 $0x0;
	v24 =	vld @!p0 [tilespmem:s15+$0x80];
	s15 =	simm.s32 @!p0 $0x2400  }
0x1b4: {  	[tilespmem:s15], [sflag:$0x1] =	stream.indirect_vreg.gather @!p0 [hbm4b:s2+s14], $0x80, v16, vm1, $0xb8;
	[tilespmem:$0xD900] =	vst v63  }
0x1b5: {  	s15 =	simm.s32 @!p0 $0x2C00  }
0x1b6: {  	[tilespmem:s15], [sflag:$0x1] =	stream.indirect_vreg.gather @!p0 [hbm4b:s2+s14], $0x80, v17, vm1, $0xb8;
	[tilespmem:$0xD900] =	vst v63  }
0x1b7: {  	s15 =	simm.s32 @!p0 $0x3400  }
0x1b8: {  	[tilespmem:s15], [sflag:$0x1] =	stream.indirect_vreg.gather @!p0 [hbm4b:s2+s14], $0x80, v18, vm1, $0xb8;
	[tilespmem:$0xD900] =	vst v63  }
0x1b9: {  	s15 =	simm.s32 @!p0 $0x3C00  }
0x1ba: {  	[tilespmem:s15], [sflag:$0x1] =	stream.indirect_vreg.gather @!p0 [hbm4b:s2+s14], $0x80, v19, vm1, $0xb8;
	[tilespmem:$0xD900] =	vst v63  }
0x1bb: {  	s15 =	simm.s32 @!p0 $0x4400  }
0x1bc: {  	[tilespmem:s15], [sflag:$0x1] =	stream.indirect_vreg.gather @!p0 [hbm4b:s2+s14], $0x80, v20, vm1, $0xb8;
	[tilespmem:$0xD900] =	vst v63  }
0x1bd: {  	s15 =	simm.s32 @!p0 $0x4C00  }
0x1be: {  	[tilespmem:s15], [sflag:$0x1] =	stream.indirect_vreg.gather @!p0 [hbm4b:s2+s14], $0x80, v21, vm1, $0xb8;
	[tilespmem:$0xD900] =	vst v63  }
0x1bf: {  	s15 =	simm.s32 @!p0 $0x5400  }
0x1c0: {  	[tilespmem:s15], [sflag:$0x1] =	stream.indirect_vreg.gather @!p0 [hbm4b:s2+s14], $0x80, v22, vm1, $0xb8;
	[tilespmem:$0xD900] =	vst v63  }
0x1c1: {  	s15 =	simm.s32 @!p0 $0x5C00  }
0x1c2: {  	[tilespmem:s15], [sflag:$0x1] =	stream.indirect_vreg.gather @!p0 [hbm4b:s2+s14], $0x80, v23, vm1, $0xb8;
	[tilespmem:$0xD900] =	vst v63  }
0x1c3: {  	s15 =	simm.s32 @!p0 $0x6400  }
0x1c4: {  	[tilespmem:s15], [sflag:$0x1] =	stream.indirect_vreg.gather @!p0 [hbm4b:s2+s14], $0x80, v24, vm1, $0xb8;
	[tilespmem:$0xD900] =	vst v63  }
0x1c5: {  	s15 =	simm.s32 @!p0 $0x6C00  }
0x1c6: {  	[tilespmem:s15], [sflag:$0x1] =	stream.indirect_vreg.gather @!p0 [hbm4b:s2+s14], $0x80, v25, vm1, $0xb8;
	[tilespmem:$0xD900] =	vst v63  }
0x1c7: {  	_ =	swait.ge [sflag:s0], $0x800  }
0x1c8: {  	[sflag:s0] =	ssyncset.done $0x0  }
0x1c9: {  	[sflag:s0] =	ssyncadd.s32 $0xFFFFF800  }
0x1ca: {  	_ =	swait.ge [sflag:s0], $0x800  }
0x1cb: {  	[sflag:s0] =	ssyncset.done $0x0  }
0x1cc: {  	[sflag:s0] =	ssyncadd.s32 $0xFFFFF800  }
0x1cd: {  	_ =	swait.ge [sflag:s0], $0x800  }
0x1ce: {  	[sflag:s0] =	ssyncset.done $0x0  }
0x1cf: {  	[sflag:s0] =	ssyncadd.s32 $0xFFFFF800  }
0x1d0: {  	_ =	swait.ge [sflag:s0], $0x800  }
0x1d1: {  	[sflag:s0] =	ssyncset.done $0x0  }
0x1d2: {  	[sflag:s0] =	ssyncadd.s32 $0xFFFFF800  }
0x1d3: {  	_ =	swait.ge [sflag:s0], $0x800  }
0x1d4: {  	[sflag:s0] =	ssyncset.done $0x0  }
0x1d5: {  	[sflag:s0] =	ssyncadd.s32 $0xFFFFF800  }
0x1d6: {  	_ =	swait.ge [sflag:s0], $0x800  }
0x1d7: {  	[sflag:s0] =	ssyncset.done $0x0  }
0x1d8: {  	[sflag:s0] =	ssyncadd.s32 $0xFFFFF800  }
0x1d9: {  	_ =	swait.ge [sflag:s0], $0x800  }
0x1da: {  	[sflag:s0] =	ssyncset.done $0x0  }
0x1db: {  	[sflag:s0] =	ssyncadd.s32 $0xFFFFF800  }
0x1dc: {  	_ =	swait.ge [sflag:s0], $0x800  }
0x1dd: {  	[sflag:s0] =	ssyncset.done $0x0  }
0x1de: {  	[sflag:s0] =	ssyncadd.s32 $0xFFFFF800  }
0x1df: {  	_ =	swait.ge [sflag:s0], $0x800  }
0x1e0: {  	[sflag:s0] =	ssyncset.done $0x0  }
0x1e1: {  	s16 =	sshll.u32 s13, $0x1;
	[sflag:s0] =	ssyncadd.s32 $0xFFFFF800  }
0x1e2: {  	s14 =	sshll.u32 s16, $0x7;
	_ =	swait.ge [sflag:s0], $0x800  }
0x1e3: {  	s14 =	sor.u32 $0x80, s14;
	[sflag:s0] =	ssyncset.done $0x0  }
0x1e4: {  	s14 =	sand.u32 $0x3FFFFF80, s14;
	[sflag:s0] =	ssyncadd.s32 $0xFFFFF800  }
0x1e5: {  	v16 =	vld [tilespmem:s14+$0x1400]  }
0x1e6: {  	v17 =	vld [tilespmem:s14+$0x1410]  }
0x1e7: {  	v18 =	vld [tilespmem:s14+$0x1420]  }
0x1e8: {  	v19 =	vld [tilespmem:s14+$0x1430]  }
0x1e9: {  	v20 =	vld [tilespmem:s14+$0x1440]  }
0x1ea: {  	v21 =	vld [tilespmem:s14+$0x1450]  }
0x1eb: {  	v22 =	vld [tilespmem:s14+$0x1460]  }
0x1ec: {  	s15 =	smov.u32 s11;
	v23 =	vld [tilespmem:s14+$0x1470];
	s14 =	simm.s32 $0x0  }
.LBB2_5:
0x1ed: {  	s16 =	sshra.s32 s14, $0x2  }
0x1ee: {  	v24 =	vld [tilespmem:s16+$0x7400]  }
0x1ef: {  	v25 =	vld [tilespmem:s16+$0x7410]  }
0x1f0: {  	v26 =	vld [tilespmem:s16+$0x7420]  }
0x1f1: {  	v27 =	vld [tilespmem:s16+$0x7430]  }
0x1f2: {  	v28 =	vld [tilespmem:s16+$0x7440]  }
0x1f3: {  	v29 =	vld [tilespmem:s16+$0x7450]  }
0x1f4: {  	v30 =	vld [tilespmem:s16+$0x7460]  }
0x1f5: {  	v31 =	vld [tilespmem:s16+$0x7470];
	_ =	sdelay $0x1  }
0x1f6: {  	v24 =	vmul.f32 v24, v16;
	v25 =	vmul.f32 v25, v17  }
0x1f7: {  	v26 =	vmul.f32 v26, v18;
	v27 =	vmul.f32 v27, v19  }
0x1f8: {  	v28 =	vmul.f32 v28, v20;
	v29 =	vmul.f32 v29, v21  }
0x1f9: {  	v30 =	vmul.f32 v30, v22;
	v31 =	vmul.f32 v31, v23  }
0x1fa: {  	v24 =	vadd.f32 v25, v24;
	v40 =	vadd.f32 v27, v26  }
0x1fb: {  	v41 =	vadd.f32 v29, v28;
	v42 =	vadd.f32 v31, v30;
	_ =	sdelay $0x1  }
0x1fc: {  	v24 =	vadd.f32 v40, v24;
	v43 =	vadd.f32 v42, v41;
	_ =	sdelay $0x1  }
0x1fd: {  	v24 =	vadd.f32 v43, v24;
	_ =	sdelay $0x1  }
0x1fe: {  	[tilespmem:$0xD800] =	vst v24  }
0x1ff: {  	v24 =	vld [tilespmem:s16+$0x7480]  }
0x200: {  	v44 =	vld [tilespmem:s16+$0x7490]  }
0x201: {  	v45 =	vld [tilespmem:s16+$0x74A0]  }
0x202: {  	v46 =	vld [tilespmem:s16+$0x74B0]  }
0x203: {  	v47 =	vld [tilespmem:s16+$0x74C0]  }
0x204: {  	v48 =	vld [tilespmem:s16+$0x74D0]  }
0x205: {  	v49 =	vld [tilespmem:s16+$0x74E0]  }
0x206: {  	v50 =	vld [tilespmem:s16+$0x74F0];
	_ =	sdelay $0x1  }
0x207: {  	v24 =	vmul.f32 v24, v16;
	v25 =	vmul.f32 v44, v17  }
0x208: {  	v26 =	vmul.f32 v45, v18;
	v27 =	vmul.f32 v46, v19  }
0x209: {  	v28 =	vmul.f32 v47, v20;
	v29 =	vmul.f32 v48, v21  }
0x20a: {  	v30 =	vmul.f32 v49, v22;
	v31 =	vmul.f32 v50, v23  }
0x20b: {  	v24 =	vadd.f32 v25, v24;
	v51 =	vadd.f32 v27, v26  }
0x20c: {  	v52 =	vadd.f32 v29, v28;
	v53 =	vadd.f32 v31, v30;
	_ =	sdelay $0x1  }
0x20d: {  	v24 =	vadd.f32 v51, v24;
	v54 =	vadd.f32 v53, v52;
	_ =	sdelay $0x1  }
0x20e: {  	v24 =	vadd.f32 v54, v24;
	_ =	sdelay $0x1  }
0x20f: {  	[tilespmem:$0xD810] =	vst v24  }
0x210: {  	v24 =	vld [tilespmem:s16+$0x7500]  }
0x211: {  	v55 =	vld [tilespmem:s16+$0x7510]  }
0x212: {  	v56 =	vld [tilespmem:s16+$0x7520]  }
0x213: {  	v57 =	vld [tilespmem:s16+$0x7530]  }
0x214: {  	v58 =	vld [tilespmem:s16+$0x7540]  }
0x215: {  	v59 =	vld [tilespmem:s16+$0x7550]  }
0x216: {  	v60 =	vld [tilespmem:s16+$0x7560]  }
0x217: {  	v61 =	vld [tilespmem:s16+$0x7570];
	_ =	sdelay $0x1  }
0x218: {  	v24 =	vmul.f32 v24, v16;
	v25 =	vmul.f32 v55, v17  }
0x219: {  	v26 =	vmul.f32 v56, v18;
	v27 =	vmul.f32 v57, v19  }
0x21a: {  	v28 =	vmul.f32 v58, v20;
	v29 =	vmul.f32 v59, v21  }
0x21b: {  	v30 =	vmul.f32 v60, v22;
	v31 =	vmul.f32 v61, v23  }
0x21c: {  	v24 =	vadd.f32 v25, v24;
	v62 =	vadd.f32 v27, v26  }
0x21d: {  	v63 =	vadd.f32 v29, v28;
	v31 =	vadd.f32 v31, v30;
	_ =	sdelay $0x1  }
0x21e: {  	v24 =	vadd.f32 v62, v24;
	v32 =	vadd.f32 v31, v63;
	_ =	sdelay $0x1  }
0x21f: {  	v24 =	vadd.f32 v32, v24;
	_ =	sdelay $0x1  }
0x220: {  	[tilespmem:$0xD820] =	vst v24  }
0x221: {  	v24 =	vld [tilespmem:s16+$0x7580]  }
0x222: {  	v33 =	vld [tilespmem:s16+$0x7590]  }
0x223: {  	v34 =	vld [tilespmem:s16+$0x75A0]  }
0x224: {  	v35 =	vld [tilespmem:s16+$0x75B0]  }
0x225: {  	v36 =	vld [tilespmem:s16+$0x75C0]  }
0x226: {  	v37 =	vld [tilespmem:s16+$0x75D0]  }
0x227: {  	v38 =	vld [tilespmem:s16+$0x75E0]  }
0x228: {  	v39 =	vld [tilespmem:s16+$0x75F0];
	_ =	sdelay $0x1  }
0x229: {  	v24 =	vmul.f32 v24, v16;
	v25 =	vmul.f32 v33, v17  }
0x22a: {  	v26 =	vmul.f32 v34, v18;
	v27 =	vmul.f32 v35, v19  }
0x22b: {  	v28 =	vmul.f32 v36, v20;
	v29 =	vmul.f32 v37, v21  }
0x22c: {  	v30 =	vmul.f32 v38, v22;
	v31 =	vmul.f32 v39, v23  }
0x22d: {  	v24 =	vadd.f32 v25, v24;
	v40 =	vadd.f32 v27, v26  }
0x22e: {  	v41 =	vadd.f32 v29, v28;
	v42 =	vadd.f32 v31, v30;
	_ =	sdelay $0x1  }
0x22f: {  	v24 =	vadd.f32 v40, v24;
	v43 =	vadd.f32 v42, v41;
	_ =	sdelay $0x1  }
0x230: {  	v24 =	vadd.f32 v43, v24;
	_ =	sdelay $0x1  }
0x231: {  	[tilespmem:$0xD830] =	vst v24  }
0x232: {  	v24 =	vld [tilespmem:s16+$0x7600]  }
0x233: {  	v44 =	vld [tilespmem:s16+$0x7610]  }
0x234: {  	v45 =	vld [tilespmem:s16+$0x7620]  }
0x235: {  	v46 =	vld [tilespmem:s16+$0x7630]  }
0x236: {  	v47 =	vld [tilespmem:s16+$0x7640]  }
0x237: {  	v48 =	vld [tilespmem:s16+$0x7650]  }
0x238: {  	v49 =	vld [tilespmem:s16+$0x7660]  }
0x239: {  	v50 =	vld [tilespmem:s16+$0x7670];
	_ =	sdelay $0x1  }
0x23a: {  	v24 =	vmul.f32 v24, v16;
	v25 =	vmul.f32 v44, v17  }
0x23b: {  	v26 =	vmul.f32 v45, v18;
	v27 =	vmul.f32 v46, v19  }
0x23c: {  	v28 =	vmul.f32 v47, v20;
	v29 =	vmul.f32 v48, v21  }
0x23d: {  	v30 =	vmul.f32 v49, v22;
	v31 =	vmul.f32 v50, v23  }
0x23e: {  	v24 =	vadd.f32 v25, v24;
	v51 =	vadd.f32 v27, v26  }
0x23f: {  	v52 =	vadd.f32 v29, v28;
	v53 =	vadd.f32 v31, v30;
	_ =	sdelay $0x1  }
0x240: {  	v24 =	vadd.f32 v51, v24;
	v54 =	vadd.f32 v53, v52;
	_ =	sdelay $0x1  }
0x241: {  	v24 =	vadd.f32 v54, v24;
	_ =	sdelay $0x1  }
0x242: {  	[tilespmem:$0xD840] =	vst v24  }
0x243: {  	v24 =	vld [tilespmem:s16+$0x7680]  }
0x244: {  	v55 =	vld [tilespmem:s16+$0x7690]  }
0x245: {  	v56 =	vld [tilespmem:s16+$0x76A0]  }
0x246: {  	v57 =	vld [tilespmem:s16+$0x76B0]  }
0x247: {  	v58 =	vld [tilespmem:s16+$0x76C0]  }
0x248: {  	v59 =	vld [tilespmem:s16+$0x76D0]  }
0x249: {  	v60 =	vld [tilespmem:s16+$0x76E0]  }
0x24a: {  	v61 =	vld [tilespmem:s16+$0x76F0];
	_ =	sdelay $0x1  }
0x24b: {  	v24 =	vmul.f32 v24, v16;
	v25 =	vmul.f32 v55, v17  }
0x24c: {  	v26 =	vmul.f32 v56, v18;
	v27 =	vmul.f32 v57, v19  }
0x24d: {  	v28 =	vmul.f32 v58, v20;
	v29 =	vmul.f32 v59, v21  }
0x24e: {  	v30 =	vmul.f32 v60, v22;
	v31 =	vmul.f32 v61, v23  }
0x24f: {  	v24 =	vadd.f32 v25, v24;
	v62 =	vadd.f32 v27, v26  }
0x250: {  	v63 =	vadd.f32 v29, v28;
	v31 =	vadd.f32 v31, v30;
	_ =	sdelay $0x1  }
0x251: {  	v24 =	vadd.f32 v62, v24;
	v32 =	vadd.f32 v31, v63;
	_ =	sdelay $0x1  }
0x252: {  	v24 =	vadd.f32 v32, v24;
	_ =	sdelay $0x1  }
0x253: {  	[tilespmem:$0xD850] =	vst v24  }
0x254: {  	v24 =	vld [tilespmem:s16+$0x7700]  }
0x255: {  	v33 =	vld [tilespmem:s16+$0x7710]  }
0x256: {  	v34 =	vld [tilespmem:s16+$0x7720]  }
0x257: {  	v35 =	vld [tilespmem:s16+$0x7730]  }
0x258: {  	v36 =	vld [tilespmem:s16+$0x7740]  }
0x259: {  	v37 =	vld [tilespmem:s16+$0x7750]  }
0x25a: {  	v38 =	vld [tilespmem:s16+$0x7760]  }
0x25b: {  	v39 =	vld [tilespmem:s16+$0x7770];
	_ =	sdelay $0x1  }
0x25c: {  	v24 =	vmul.f32 v24, v16;
	v25 =	vmul.f32 v33, v17  }
0x25d: {  	v26 =	vmul.f32 v34, v18;
	v27 =	vmul.f32 v35, v19  }
0x25e: {  	v28 =	vmul.f32 v36, v20;
	v29 =	vmul.f32 v37, v21  }
0x25f: {  	v30 =	vmul.f32 v38, v22;
	v31 =	vmul.f32 v39, v23  }
0x260: {  	v24 =	vadd.f32 v25, v24;
	v40 =	vadd.f32 v27, v26  }
0x261: {  	v41 =	vadd.f32 v29, v28;
	v42 =	vadd.f32 v31, v30;
	_ =	sdelay $0x1  }
0x262: {  	v24 =	vadd.f32 v40, v24;
	v43 =	vadd.f32 v42, v41;
	_ =	sdelay $0x1  }
0x263: {  	v24 =	vadd.f32 v43, v24;
	_ =	sdelay $0x1  }
0x264: {  	[tilespmem:$0xD860] =	vst v24  }
0x265: {  	v24 =	vld [tilespmem:s16+$0x7780]  }
0x266: {  	v44 =	vld [tilespmem:s16+$0x7790]  }
0x267: {  	v45 =	vld [tilespmem:s16+$0x77A0]  }
0x268: {  	v46 =	vld [tilespmem:s16+$0x77B0]  }
0x269: {  	v47 =	vld [tilespmem:s16+$0x77C0]  }
0x26a: {  	v48 =	vld [tilespmem:s16+$0x77D0]  }
0x26b: {  	v49 =	vld [tilespmem:s16+$0x77E0]  }
0x26c: {  	v50 =	vld [tilespmem:s16+$0x77F0];
	_ =	sdelay $0x1  }
0x26d: {  	v24 =	vmul.f32 v24, v16;
	v25 =	vmul.f32 v44, v17  }
0x26e: {  	v26 =	vmul.f32 v45, v18;
	v27 =	vmul.f32 v46, v19  }
0x26f: {  	v28 =	vmul.f32 v47, v20;
	v29 =	vmul.f32 v48, v21  }
0x270: {  	v30 =	vmul.f32 v49, v22;
	v31 =	vmul.f32 v50, v23  }
0x271: {  	v24 =	vadd.f32 v25, v24;
	v51 =	vadd.f32 v27, v26  }
0x272: {  	v52 =	vadd.f32 v29, v28;
	v53 =	vadd.f32 v31, v30;
	_ =	sdelay $0x1  }
0x273: {  	v24 =	vadd.f32 v51, v24;
	v54 =	vadd.f32 v53, v52;
	_ =	sdelay $0x1  }
0x274: {  	v24 =	vadd.f32 v54, v24;
	_ =	sdelay $0x1  }
0x275: {  	[tilespmem:$0xD870] =	vst v24  }
0x276: {  	v24 =	vld [tilespmem:s16+$0x7800]  }
0x277: {  	v55 =	vld [tilespmem:s16+$0x7810]  }
0x278: {  	v56 =	vld [tilespmem:s16+$0x7820]  }
0x279: {  	v57 =	vld [tilespmem:s16+$0x7830]  }
0x27a: {  	v58 =	vld [tilespmem:s16+$0x7840]  }
0x27b: {  	v59 =	vld [tilespmem:s16+$0x7850]  }
0x27c: {  	v60 =	vld [tilespmem:s16+$0x7860]  }
0x27d: {  	v61 =	vld [tilespmem:s16+$0x7870];
	_ =	sdelay $0x1  }
0x27e: {  	v24 =	vmul.f32 v24, v16;
	v25 =	vmul.f32 v55, v17  }
0x27f: {  	v26 =	vmul.f32 v56, v18;
	v27 =	vmul.f32 v57, v19  }
0x280: {  	v28 =	vmul.f32 v58, v20;
	v29 =	vmul.f32 v59, v21  }
0x281: {  	v30 =	vmul.f32 v60, v22;
	v31 =	vmul.f32 v61, v23  }
0x282: {  	v24 =	vadd.f32 v25, v24;
	v62 =	vadd.f32 v27, v26  }
0x283: {  	v63 =	vadd.f32 v29, v28;
	v31 =	vadd.f32 v31, v30;
	_ =	sdelay $0x1  }
0x284: {  	v24 =	vadd.f32 v62, v24;
	v32 =	vadd.f32 v31, v63;
	_ =	sdelay $0x1  }
0x285: {  	v24 =	vadd.f32 v32, v24;
	_ =	sdelay $0x1  }
0x286: {  	[tilespmem:$0xD880] =	vst v24  }
0x287: {  	v24 =	vld [tilespmem:s16+$0x7880]  }
0x288: {  	v33 =	vld [tilespmem:s16+$0x7890]  }
0x289: {  	v34 =	vld [tilespmem:s16+$0x78A0]  }
0x28a: {  	v35 =	vld [tilespmem:s16+$0x78B0]  }
0x28b: {  	v36 =	vld [tilespmem:s16+$0x78C0]  }
0x28c: {  	v37 =	vld [tilespmem:s16+$0x78D0]  }
0x28d: {  	v38 =	vld [tilespmem:s16+$0x78E0]  }
0x28e: {  	v39 =	vld [tilespmem:s16+$0x78F0];
	_ =	sdelay $0x1  }
0x28f: {  	v24 =	vmul.f32 v24, v16;
	v25 =	vmul.f32 v33, v17  }
0x290: {  	v26 =	vmul.f32 v34, v18;
	v27 =	vmul.f32 v35, v19  }
0x291: {  	v28 =	vmul.f32 v36, v20;
	v29 =	vmul.f32 v37, v21  }
0x292: {  	v30 =	vmul.f32 v38, v22;
	v31 =	vmul.f32 v39, v23  }
0x293: {  	v24 =	vadd.f32 v25, v24;
	v40 =	vadd.f32 v27, v26  }
0x294: {  	v41 =	vadd.f32 v29, v28;
	v42 =	vadd.f32 v31, v30;
	_ =	sdelay $0x1  }
0x295: {  	v24 =	vadd.f32 v40, v24;
	v43 =	vadd.f32 v42, v41;
	_ =	sdelay $0x1  }
0x296: {  	v24 =	vadd.f32 v43, v24;
	_ =	sdelay $0x1  }
0x297: {  	[tilespmem:$0xD890] =	vst v24  }
0x298: {  	v24 =	vld [tilespmem:s16+$0x7900]  }
0x299: {  	v44 =	vld [tilespmem:s16+$0x7910]  }
0x29a: {  	v45 =	vld [tilespmem:s16+$0x7920]  }
0x29b: {  	v46 =	vld [tilespmem:s16+$0x7930]  }
0x29c: {  	v47 =	vld [tilespmem:s16+$0x7940]  }
0x29d: {  	v48 =	vld [tilespmem:s16+$0x7950]  }
0x29e: {  	v49 =	vld [tilespmem:s16+$0x7960]  }
0x29f: {  	v50 =	vld [tilespmem:s16+$0x7970];
	_ =	sdelay $0x1  }
0x2a0: {  	v24 =	vmul.f32 v24, v16;
	v25 =	vmul.f32 v44, v17  }
0x2a1: {  	v26 =	vmul.f32 v45, v18;
	v27 =	vmul.f32 v46, v19  }
0x2a2: {  	v28 =	vmul.f32 v47, v20;
	v29 =	vmul.f32 v48, v21  }
0x2a3: {  	v30 =	vmul.f32 v49, v22;
	v31 =	vmul.f32 v50, v23  }
0x2a4: {  	v24 =	vadd.f32 v25, v24;
	v51 =	vadd.f32 v27, v26  }
0x2a5: {  	v52 =	vadd.f32 v29, v28;
	v53 =	vadd.f32 v31, v30;
	_ =	sdelay $0x1  }
0x2a6: {  	v24 =	vadd.f32 v51, v24;
	v54 =	vadd.f32 v53, v52;
	_ =	sdelay $0x1  }
0x2a7: {  	v24 =	vadd.f32 v54, v24;
	_ =	sdelay $0x1  }
0x2a8: {  	[tilespmem:$0xD8A0] =	vst v24  }
0x2a9: {  	v24 =	vld [tilespmem:s16+$0x7980]  }
0x2aa: {  	v55 =	vld [tilespmem:s16+$0x7990]  }
0x2ab: {  	v56 =	vld [tilespmem:s16+$0x79A0]  }
0x2ac: {  	v57 =	vld [tilespmem:s16+$0x79B0]  }
0x2ad: {  	v58 =	vld [tilespmem:s16+$0x79C0]  }
0x2ae: {  	v59 =	vld [tilespmem:s16+$0x79D0]  }
0x2af: {  	v60 =	vld [tilespmem:s16+$0x79E0]  }
0x2b0: {  	v61 =	vld [tilespmem:s16+$0x79F0];
	_ =	sdelay $0x1  }
0x2b1: {  	v24 =	vmul.f32 v24, v16;
	v25 =	vmul.f32 v55, v17  }
0x2b2: {  	v26 =	vmul.f32 v56, v18;
	v27 =	vmul.f32 v57, v19  }
0x2b3: {  	v28 =	vmul.f32 v58, v20;
	v29 =	vmul.f32 v59, v21  }
0x2b4: {  	v30 =	vmul.f32 v60, v22;
	v31 =	vmul.f32 v61, v23  }
0x2b5: {  	v24 =	vadd.f32 v25, v24;
	v62 =	vadd.f32 v27, v26  }
0x2b6: {  	v63 =	vadd.f32 v29, v28;
	v32 =	vadd.f32 v31, v30;
	_ =	sdelay $0x1  }
0x2b7: {  	v24 =	vadd.f32 v62, v24;
	v33 =	vadd.f32 v32, v63;
	_ =	sdelay $0x1  }
0x2b8: {  	v24 =	vadd.f32 v33, v24;
	_ =	sdelay $0x1  }
0x2b9: {  	[tilespmem:$0xD8B0] =	vst v24  }
0x2ba: {  	v24 =	vld [tilespmem:s16+$0x7A00]  }
0x2bb: {  	v34 =	vld [tilespmem:s16+$0x7A10]  }
0x2bc: {  	v35 =	vld [tilespmem:s16+$0x7A20]  }
0x2bd: {  	v36 =	vld [tilespmem:s16+$0x7A30]  }
0x2be: {  	v37 =	vld [tilespmem:s16+$0x7A40]  }
0x2bf: {  	v38 =	vld [tilespmem:s16+$0x7A50]  }
0x2c0: {  	v39 =	vld [tilespmem:s16+$0x7A60]  }
0x2c1: {  	v40 =	vld [tilespmem:s16+$0x7A70];
	_ =	sdelay $0x1  }
0x2c2: {  	v24 =	vmul.f32 v24, v16;
	v25 =	vmul.f32 v34, v17  }
0x2c3: {  	v26 =	vmul.f32 v35, v18;
	v27 =	vmul.f32 v36, v19  }
0x2c4: {  	v28 =	vmul.f32 v37, v20;
	v29 =	vmul.f32 v38, v21  }
0x2c5: {  	v30 =	vmul.f32 v39, v22;
	v31 =	vmul.f32 v40, v23  }
0x2c6: {  	v24 =	vadd.f32 v25, v24;
	v41 =	vadd.f32 v27, v26  }
0x2c7: {  	v42 =	vadd.f32 v29, v28;
	v43 =	vadd.f32 v31, v30;
	_ =	sdelay $0x1  }
0x2c8: {  	v24 =	vadd.f32 v41, v24;
	v44 =	vadd.f32 v43, v42;
	_ =	sdelay $0x1  }
0x2c9: {  	v24 =	vadd.f32 v44, v24;
	_ =	sdelay $0x1  }
0x2ca: {  	[tilespmem:$0xD8C0] =	vst v24  }
0x2cb: {  	v24 =	vld [tilespmem:s16+$0x7A80]  }
0x2cc: {  	v45 =	vld [tilespmem:s16+$0x7A90]  }
0x2cd: {  	v46 =	vld [tilespmem:s16+$0x7AA0]  }
0x2ce: {  	v47 =	vld [tilespmem:s16+$0x7AB0]  }
0x2cf: {  	v48 =	vld [tilespmem:s16+$0x7AC0]  }
0x2d0: {  	v49 =	vld [tilespmem:s16+$0x7AD0]  }
0x2d1: {  	v50 =	vld [tilespmem:s16+$0x7AE0]  }
0x2d2: {  	v51 =	vld [tilespmem:s16+$0x7AF0];
	_ =	sdelay $0x1  }
0x2d3: {  	v24 =	vmul.f32 v24, v16;
	v25 =	vmul.f32 v45, v17  }
0x2d4: {  	v26 =	vmul.f32 v46, v18;
	v27 =	vmul.f32 v47, v19  }
0x2d5: {  	v28 =	vmul.f32 v48, v20;
	v29 =	vmul.f32 v49, v21  }
0x2d6: {  	v30 =	vmul.f32 v50, v22;
	v31 =	vmul.f32 v51, v23  }
0x2d7: {  	v24 =	vadd.f32 v25, v24;
	v52 =	vadd.f32 v27, v26  }
0x2d8: {  	v53 =	vadd.f32 v29, v28;
	v54 =	vadd.f32 v31, v30;
	_ =	sdelay $0x1  }
0x2d9: {  	v24 =	vadd.f32 v52, v24;
	v55 =	vadd.f32 v54, v53;
	_ =	sdelay $0x1  }
0x2da: {  	v24 =	vadd.f32 v55, v24;
	_ =	sdelay $0x1  }
0x2db: {  	[tilespmem:$0xD8D0] =	vst v24  }
0x2dc: {  	v24 =	vld [tilespmem:s16+$0x7B00]  }
0x2dd: {  	v56 =	vld [tilespmem:s16+$0x7B10]  }
0x2de: {  	v57 =	vld [tilespmem:s16+$0x7B20]  }
0x2df: {  	v58 =	vld [tilespmem:s16+$0x7B30]  }
0x2e0: {  	v59 =	vld [tilespmem:s16+$0x7B40]  }
0x2e1: {  	v60 =	vld [tilespmem:s16+$0x7B50]  }
0x2e2: {  	v61 =	vld [tilespmem:s16+$0x7B60]  }
0x2e3: {  	v62 =	vld [tilespmem:s16+$0x7B70];
	_ =	sdelay $0x1  }
0x2e4: {  	v24 =	vmul.f32 v24, v16;
	v25 =	vmul.f32 v56, v17  }
0x2e5: {  	v26 =	vmul.f32 v57, v18;
	v27 =	vmul.f32 v58, v19  }
0x2e6: {  	v28 =	vmul.f32 v59, v20;
	v29 =	vmul.f32 v60, v21  }
0x2e7: {  	v30 =	vmul.f32 v61, v22;
	v31 =	vmul.f32 v62, v23  }
0x2e8: {  	v24 =	vadd.f32 v25, v24;
	v63 =	vadd.f32 v27, v26  }
0x2e9: {  	v32 =	vadd.f32 v29, v28;
	v33 =	vadd.f32 v31, v30;
	_ =	sdelay $0x1  }
0x2ea: {  	v24 =	vadd.f32 v63, v24;
	v34 =	vadd.f32 v33, v32;
	_ =	sdelay $0x1  }
0x2eb: {  	v24 =	vadd.f32 v34, v24;
	_ =	sdelay $0x1  }
0x2ec: {  	[tilespmem:$0xD8E0] =	vst v24  }
0x2ed: {  	v24 =	vld [tilespmem:s16+$0x7B80]  }
0x2ee: {  	v35 =	vld [tilespmem:s16+$0x7B90]  }
0x2ef: {  	v36 =	vld [tilespmem:s16+$0x7BA0]  }
0x2f0: {  	v37 =	vld [tilespmem:s16+$0x7BB0]  }
0x2f1: {  	v38 =	vld [tilespmem:s16+$0x7BC0]  }
0x2f2: {  	v39 =	vld [tilespmem:s16+$0x7BD0]  }
0x2f3: {  	v40 =	vld [tilespmem:s16+$0x7BE0]  }
0x2f4: {  	v41 =	vld [tilespmem:s16+$0x7BF0];
	_ =	sdelay $0x1  }
0x2f5: {  	v24 =	vmul.f32 v24, v16;
	v25 =	vmul.f32 v35, v17  }
0x2f6: {  	v26 =	vmul.f32 v36, v18;
	v27 =	vmul.f32 v37, v19  }
0x2f7: {  	v28 =	vmul.f32 v38, v20;
	v29 =	vmul.f32 v39, v21  }
0x2f8: {  	v30 =	vmul.f32 v40, v22;
	v31 =	vmul.f32 v41, v23  }
0x2f9: {  	v24 =	vadd.f32 v25, v24;
	v42 =	vadd.f32 v27, v26  }
0x2fa: {  	v43 =	vadd.f32 v29, v28;
	v44 =	vadd.f32 v31, v30;
	_ =	sdelay $0x1  }
0x2fb: {  	v24 =	vadd.f32 v42, v24;
	v45 =	vadd.f32 v44, v43;
	_ =	sdelay $0x1  }
0x2fc: {  	v24 =	vadd.f32 v45, v24;
	_ =	sdelay $0x1  }
0x2fd: {  	[tilespmem:$0xD8F0] =	vst v24  }
0x2fe: {  	v24 =	vld.idx.msk [tilespmem:v0+s1+$0x0], $0xffff  }
0x2ff: {  	v46 =	vld.idx.msk [tilespmem:v1+s1+$0x0], $0xffff  }
0x300: {  	v47 =	vld.idx.msk [tilespmem:v2+s1+$0x0], $0xffff  }
0x301: {  	v48 =	vld.idx.msk [tilespmem:v3+s1+$0x0], $0xffff  }
0x302: {  	v49 =	vld.idx.msk [tilespmem:v4+s1+$0x0], $0xffff  }
0x303: {  	v50 =	vld.idx.msk [tilespmem:v5+s1+$0x0], $0xffff  }
0x304: {  	v51 =	vld.idx.msk [tilespmem:v6+s1+$0x0], $0xffff  }
0x305: {  	v52 =	vld.idx.msk [tilespmem:v7+s1+$0x0], $0xffff  }
0x306: {  	v32 =	vld.idx.msk [tilespmem:v8+s1+$0x0], $0xffff  }
0x307: {  	v33 =	vld.idx.msk [tilespmem:v9+s1+$0x0], $0xffff  }
0x308: {  	v34 =	vld.idx.msk [tilespmem:v10+s1+$0x0], $0xffff  }
0x309: {  	v35 =	vld.idx.msk [tilespmem:v11+s1+$0x0], $0xffff  }
0x30a: {  	v36 =	vld.idx.msk [tilespmem:v12+s1+$0x0], $0xffff  }
0x30b: {  	v37 =	vld.idx.msk [tilespmem:v13+s1+$0x0], $0xffff  }
0x30c: {  	v38 =	vld.idx.msk [tilespmem:v14+s1+$0x0], $0xffff  }
0x30d: {  	v39 =	vld.idx.msk [tilespmem:v15+s1+$0x0], $0xffff;
	_ =	sdelay $0x1  }
0x30e: {  	v24 =	vadd.f32 v46, v24;
	v53 =	vadd.f32 v48, v47  }
0x30f: {  	v54 =	vadd.f32 v50, v49;
	v55 =	vadd.f32 v52, v51  }
0x310: {  	v56 =	vadd.f32 v33, v32;
	v57 =	vadd.f32 v35, v34  }
0x311: {  	v58 =	vadd.f32 v37, v36;
	v59 =	vadd.f32 v39, v38  }
0x312: {  	v24 =	vadd.f32 v53, v24;
	v60 =	vadd.f32 v55, v54  }
0x313: {  	v61 =	vadd.f32 v57, v56;
	v62 =	vadd.f32 v59, v58  }
0x314: {  	p1 =	sne.s32 s14, $0x12000  }
.Ltmp3:
0x315: {  	v24 =	vadd.f32 v60, v24;
	v63 =	vadd.f32 v62, v61;
	(pc) =	sbr.rel @p1 .LBB2_5-.Ltmp3, $3  }
0x316: {  	_ = 	snop  }
0x317: {  	v24 =	vadd.f32 v63, v24;
	_ =	sdelay $0x1  }
0x318: {  	s14 =	sadd.s32 $0x2000, s14;
	[tilespmem:s15+$0x0] =	vst v24;
	s15 =	sadd.s32 $0x10, s15  }
.Ltmp4:
0x319: {  	(pc) =	sbr.rel @p0 .LBB2_8-.Ltmp4, $1  }
0x31a: {  	_ =	sdelay $0x3  }
0x31b: {  	s14 =	smul.u32 $0x140, s13;
	_ =	sdelay $0x1  }
0x31c: {  	v16 =	vld [tilespmem:s14+$0x1E0]  }
0x31d: {  	v17 =	vld [tilespmem:s14+$0x1F0]  }
0x31e: {  	v18 =	vld [tilespmem:s14+$0x200]  }
0x31f: {  	v19 =	vld [tilespmem:s14+$0x210]  }
0x320: {  	v20 =	vld [tilespmem:s14+$0x220]  }
0x321: {  	v21 =	vld [tilespmem:s14+$0x230]  }
0x322: {  	v22 =	vld [tilespmem:s14+$0x240]  }
0x323: {  	s15 =	sadd.s32 $0x1E0, s14;
	v23 =	vld [tilespmem:s14+$0x250]  }
0x324: {  	v25 =	vld [tilespmem:s14+$0x270];
	s15 =	sand.u32 $0x3FE0, s15  }
0x325: {  	v24 =	vld [tilespmem:s15+$0x80];
	[tilespmem:s20], [sflag:$0x2] =	stream.indirect_vreg.gather [hbm4b:s2+s3], $0x80, v16, vm0, $0xb8  }
0x326: {  	_ = 	snop  }
0x327: {  	[tilespmem:s21], [sflag:$0x2] =	stream.indirect_vreg.gather [hbm4b:s2+s3], $0x80, v17, vm0, $0xb8;
	[tilespmem:$0xD900] =	vst v63  }
0x328: {  	_ = 	snop  }
0x329: {  	[tilespmem:s22], [sflag:$0x2] =	stream.indirect_vreg.gather [hbm4b:s2+s3], $0x80, v18, vm0, $0xb8;
	[tilespmem:$0xD900] =	vst v63  }
0x32a: {  	_ = 	snop  }
0x32b: {  	[tilespmem:s23], [sflag:$0x2] =	stream.indirect_vreg.gather [hbm4b:s2+s3], $0x80, v19, vm0, $0xb8;
	[tilespmem:$0xD900] =	vst v63  }
0x32c: {  	_ = 	snop  }
0x32d: {  	[tilespmem:s24], [sflag:$0x2] =	stream.indirect_vreg.gather [hbm4b:s2+s3], $0x80, v20, vm0, $0xb8;
	[tilespmem:$0xD900] =	vst v63  }
0x32e: {  	_ = 	snop  }
0x32f: {  	[tilespmem:s25], [sflag:$0x2] =	stream.indirect_vreg.gather [hbm4b:s2+s3], $0x80, v21, vm0, $0xb8;
	[tilespmem:$0xD900] =	vst v63  }
0x330: {  	_ = 	snop  }
0x331: {  	[tilespmem:s26], [sflag:$0x2] =	stream.indirect_vreg.gather [hbm4b:s2+s3], $0x80, v22, vm0, $0xb8;
	[tilespmem:$0xD900] =	vst v63  }
0x332: {  	_ = 	snop  }
0x333: {  	[tilespmem:s28], [sflag:$0x2] =	stream.indirect_vreg.gather [hbm4b:s2+s3], $0x80, v23, vm0, $0xb8;
	[tilespmem:$0xD900] =	vst v63  }
.Ltmp5:
0x334: {  	_ = 	snop;
	(pc) =	sbr.rel .LBB2_2-.Ltmp5, $4  }
0x335: {  	_ = 	snop  }
0x336: {  	[tilespmem:s29], [sflag:$0x2] =	stream.indirect_vreg.gather [hbm4b:s2+s3], $0x80, v24, vm0, $0xb8;
	[tilespmem:$0xD900] =	vst v63  }
0x337: {  	s13 =	sadd.s32 $0x1, s13;
	s12 =	sadd.s32 $0x140, s12;
	s11 =	sadd.s32 $0x140, s11  }
0x338: {  	[tilespmem:s30], [sflag:$0x2] =	stream.indirect_vreg.gather [hbm4b:s2+s3], $0x80, v25, vm0, $0xb8;
	[tilespmem:$0xD900] =	vst v63  }
.LBB2_9:
0x339: {  	_ =	sfence.sel $0x180000  }
0x33a: {  	[bflag:$0x0] =	sbarrier.arrive $0xFFFF  }
0x33b: {  	_ =	strace $0x90000047  }
0x33c: {  	s0 =	stileid.u32;
	[bflag:$0x2] =	sbarrier.arrive $0xFFFF  }
0x33d: {  	p0 =	sne.s32 s0, $0x0;
	s0 =	rddreg [dreg:$0x3]  }
0x33e: {  	s0 =	sadd.s32 @!p0 $0x100000, s0  }
0x33f: {  	[sflag:s0] =	ssyncadd.tile.s32 @!p0 $0x1;
	_ =	shalt  }
.Lfunc_end2:
_tile_overlayer_lowered:
.L_overlay_start_2:
0x340: {  	(tag) =	ssettag $0x2  }
0x341: {  	s0 =	rddreg [dreg:$0x0];
	s2 =	stileid.u32  }
0x342: {  	s1 =	rddreg [dreg:$0x1];
	p0 =	sne.s32 s2, $0x0  }
0x343: {  	s3 =	rddreg [dreg:$0x2];
	[bflag:$0x3] =	sbarrier.arrive $0xFFFF;
	s2 =	simm.s32 @!p0 $0x1C03  }
0x344: {  	[timem:s3], [sflag:s2] =	dma.local @!p0 [hbm:s0], s1  }
0x345: {  	s0 =	simm.s32 @!p0 $0x3  }
0x346: {  	_ =	swait.ge @!p0 [sflag:s0], s1  }
0x347: {  	s1 =	ssub.s32 @!p0 $0x0, s1;
	[sflag:s0] =	ssyncset.done @!p0 $0x0  }
0x348: {  	[sflag:s0] =	ssyncadd.s32 @!p0 s1  }
0x349: {  	[bflag:$0x3] =	sbarrier.arrive $0xFFFF  }
0x34a: {  	_ =	shalt  }

</sc_bundles>
